<compile_context>
chip_gen: v7x
topology: tpu7x:2x2x1
jax: 0.10.2.dev20260603
libtpu: 0.0.44.dev20260713+nightly
codegen_flags: <defaults>
</compile_context>

<pallas_src>
import functools

import jax
import jax.numpy as jnp
from jax import lax
from jax.experimental import pallas as pl
from jax.experimental.pallas import tpu as pltpu
from jax.experimental.pallas import tpu_sc as plsc

_B = 32
_C = 3
_H = 224
_W = 224
_PC = 14
_PP = 16
_D = 192
_P = _PC * _PC
_K = _C * _PP * _PP
_PPAD = 208
_HW = _H * _W
_GB = 16
_GN = _B // _GB


def _erf(z):
    s = jnp.sign(z)
    a = jnp.abs(z)
    t = 1.0 / (1.0 + 0.3275911 * a)
    poly = t * (0.254829592 + t * (-0.284496736 + t * (1.421413741
                + t * (-1.453152027 + t * 1.061405429))))
    return s * (1.0 - poly * jnp.exp(-a * a))


def _layernorm(x, w, b, eps=1e-5):
    m = jnp.mean(x, axis=-1, keepdims=True)
    xc = x - m
    v = jnp.mean(xc * xc, axis=-1, keepdims=True)
    return xc * jax.lax.rsqrt(v + eps) * w + b


def _head_body(patches_ref, cw_ref, cb_ref, pw_ref, pb_ref, offw_ref,
               idx_ref, wgt_ref):
    p = patches_ref[...].reshape(_GB * _P, _K)
    feat = jnp.dot(p, cw_ref[...], preferred_element_type=jnp.float32)
    feat = feat + cb_ref[...]
    feat = _layernorm(feat, pw_ref[...], pb_ref[...])
    g = 0.5 * feat * (1.0 + _erf(feat * 0.7071067811865476))
    off = lax.dot_general(g, offw_ref[...], (((1,), (1,)), ((), ())),
                          preferred_element_type=jnp.float32)

    rid = lax.broadcasted_iota(jnp.int32, (_GB * _P, 1), 0)
    pid = rid % _P
    gx = ((pid % _PC).astype(jnp.float32) + 0.5) / _PC
    gy = ((pid // _PC).astype(jnp.float32) + 0.5) / _PC
    w0 = _PP / float(_W)
    h0 = _PP / float(_H)
    cx = gx + off[:, 0:1] * w0
    cy = gy + off[:, 1:2] * h0
    px = cx * _W - 0.5
    py = cy * _H - 0.5
    x0f = jnp.floor(px)
    y0f = jnp.floor(py)
    wx1 = px - x0f
    wy1 = py - y0f
    x0 = x0f.astype(jnp.int32)
    y0 = y0f.astype(jnp.int32)

    idx_cols = []
    wgt_cols = []
    for dy, dx, wfac in ((0, 0, (1.0 - wx1) * (1.0 - wy1)),
                         (0, 1, wx1 * (1.0 - wy1)),
                         (1, 0, (1.0 - wx1) * wy1),
                         (1, 1, wx1 * wy1)):
        ix = x0 + dx
        iy = y0 + dy
        valid = ((ix >= 0) & (ix < _W) & (iy >= 0) & (iy < _H))
        flat = (jnp.clip(iy, 0, _H - 1) * _W + jnp.clip(ix, 0, _W - 1))
        idx_cols.append(flat)
        wgt_cols.append(wfac * valid.astype(jnp.float32))
    idx_ref[...] = jnp.concatenate(idx_cols, axis=1).reshape(_GB, _P, 4)
    wgt_ref[...] = jnp.concatenate(wgt_cols, axis=1).reshape(_GB, _P, 4)


def _run_head(patches, cwf, cb, pw, pb, offw):
    return pl.pallas_call(
        _head_body,
        grid=(_GN,),
        in_specs=[
            pl.BlockSpec((_GB, _P, _K), lambda b: (b, 0, 0)),
            pl.BlockSpec((_K, _D), lambda b: (0, 0)),
            pl.BlockSpec((1, _D), lambda b: (0, 0)),
            pl.BlockSpec((1, _D), lambda b: (0, 0)),
            pl.BlockSpec((1, _D), lambda b: (0, 0)),
            pl.BlockSpec((4, _D), lambda b: (0, 0)),
        ],
        out_specs=[
            pl.BlockSpec((_GB, _P, 4), lambda b: (b, 0, 0)),
            pl.BlockSpec((_GB, _P, 4), lambda b: (b, 0, 0)),
        ],
        out_shape=[
            jax.ShapeDtypeStruct((_B, _P, 4), jnp.int32),
            jax.ShapeDtypeStruct((_B, _P, 4), jnp.float32),
        ],
    )(patches, cwf, cb, pw, pb, offw)


def _sc_bilinear(xplanes, idx, wgt):
    mesh = plsc.VectorSubcoreMesh(core_axis_name="c", subcore_axis_name="s")

    @functools.partial(
        pl.kernel,
        mesh=mesh,
        compiler_params=pltpu.CompilerParams(needs_layout_passes=False),
        out_type=jax.ShapeDtypeStruct((_B, _C, _PPAD), jnp.float32),
        scratch_types=[
            pltpu.VMEM((_HW,), jnp.float32),
            pltpu.VMEM((4, _PPAD), jnp.int32),
            pltpu.VMEM((4, _PPAD), jnp.float32),
            pltpu.VMEM((_C, _PPAD), jnp.float32),
        ],
    )
    def k(x_hbm, idx_hbm, wgt_hbm, out_hbm, plane_v, idx_v, wgt_v, samp_v):
        b = lax.axis_index("s") * 2 + lax.axis_index("c")
        pltpu.sync_copy(idx_hbm.at[b], idx_v)
        pltpu.sync_copy(wgt_hbm.at[b], wgt_v)
        for c in range(_C):
            pltpu.sync_copy(x_hbm.at[b * _C + c], plane_v)
            for j in range(_PPAD // 16):
                sl = pl.ds(j * 16, 16)
                acc = plsc.load_gather(plane_v, [idx_v[0, sl]]) * wgt_v[0, sl]
                for t in range(1, 4):
                    acc = acc + (plsc.load_gather(plane_v, [idx_v[t, sl]])
                                 * wgt_v[t, sl])
                samp_v[c, sl] = acc
        pltpu.sync_copy(samp_v, out_hbm.at[b])

    return k(xplanes, idx, wgt)


def _w3_body(ow_ref, w3_ref):
    ow = ow_ref[...]
    kk = lax.broadcasted_iota(jnp.int32, (_K, _C), 0) % _C
    cc = lax.broadcasted_iota(jnp.int32, (_K, _C), 1)
    m = (kk == cc).astype(jnp.float32)
    w3_ref[...] = jnp.dot(ow, m, preferred_element_type=jnp.float32)


def _run_w3(ow):
    return pl.pallas_call(
        _w3_body,
        out_shape=jax.ShapeDtypeStruct((_D, _C), jnp.float32),
    )(ow)


def _tail_body(samp_ref, w3_ref, ob_ref, nw_ref, nb_ref, out_ref):
    w3 = w3_ref[...]
    obt = ob_ref[...]
    nwt = nw_ref[...]
    nbt = nb_ref[...]
    eps = 1e-5
    for i in range(_GB):
        s = samp_ref[i, :, :_P]
        pre = jnp.dot(w3, s, preferred_element_type=jnp.float32) + obt
        m = jnp.mean(pre, axis=0, keepdims=True)
        xc = pre - m
        v = jnp.mean(xc * xc, axis=0, keepdims=True)
        out_ref[i] = xc * jax.lax.rsqrt(v + eps) * nwt + nbt


def _run_tail(samp, w3, obt, nwt, nbt):
    return pl.pallas_call(
        _tail_body,
        grid=(_GN,),
        in_specs=[
            pl.BlockSpec((_GB, _C, _PPAD), lambda b: (b, 0, 0)),
            pl.BlockSpec((_D, _C), lambda b: (0, 0)),
            pl.BlockSpec((_D, 1), lambda b: (0, 0)),
            pl.BlockSpec((_D, 1), lambda b: (0, 0)),
            pl.BlockSpec((_D, 1), lambda b: (0, 0)),
        ],
        out_specs=pl.BlockSpec((_GB, _D, _P), lambda b: (b, 0, 0)),
        out_shape=jax.ShapeDtypeStruct((_B, _D, _P), jnp.float32),
    )(samp, w3, obt, nwt, nbt)


def kernel(x, conv_w, conv_b, pe_norm_w, pe_norm_b, off_w, out_w, out_b,
           norm_w, norm_b):
    patches = (x.astype(jnp.bfloat16)
               .reshape(_B, _C, _PC, _PP, _PC, _PP)
               .transpose(0, 2, 4, 1, 3, 5)
               .reshape(_B, _P, _K))
    cwf = conv_w.reshape(_D, _K).T.astype(jnp.bfloat16)
    idx, wgt = _run_head(patches, cwf,
                         conv_b.reshape(1, _D),
                         pe_norm_w.reshape(1, _D),
                         pe_norm_b.reshape(1, _D),
                         off_w)
    pad = _PPAD - _P
    idx_t = jnp.pad(idx.transpose(0, 2, 1), ((0, 0), (0, 0), (0, pad)))
    wgt_t = jnp.pad(wgt.transpose(0, 2, 1), ((0, 0), (0, 0), (0, pad)))
    samp = _sc_bilinear(x.reshape(_B * _C, _HW), idx_t, wgt_t)
    w3 = _run_w3(out_w)
    out_t = _run_tail(samp, w3,
                      out_b.reshape(_D, 1),
                      norm_w.reshape(_D, 1),
                      norm_b.reshape(_D, 1))
    return out_t.transpose(0, 2, 1)

# --- scband reference (transcript-rebuilt; emitter-appended) ---
"""Pipeline reference for scband-simple-de-patch-28664611734071 (READ-ONLY COPY).

The authoritative reference and input builder live on the scoring server;
editing this copy changes nothing except your own understanding.
"""

import jax, jax.numpy as jnp
import numpy as np

B = 32; C = 3; H = 224; W = 224; PC = 14; PP = 16; D = 192

def layernorm(x, w, b, eps=1e-5):
    m = jnp.mean(x, axis=-1, keepdims=True)
    v = jnp.var(x, axis=-1, keepdims=True)
    return (x - m) / jnp.sqrt(v + eps) * w + b

def setup_inputs(seed: int = 0) -> dict:
    key = jax.random.key(seed)
    ks = jax.random.split(key, 6)
    return {
        "x": jax.random.normal(ks[0], (B, C, H, W), jnp.float32),
        "conv_w": jax.random.normal(ks[1], (D, C, PP, PP), jnp.float32) * 0.02,
        "conv_b": jnp.zeros((D,), jnp.float32),
        "pe_norm_w": jnp.ones((D,), jnp.float32),
        "pe_norm_b": jnp.zeros((D,), jnp.float32),
        "off_w": jax.random.normal(ks[2], (4, D), jnp.float32) * 0.01,
        "out_w": jax.random.normal(ks[3], (D, C * PP * PP), jnp.float32) * 0.02,
        "out_b": jnp.zeros((D,), jnp.float32),
        "norm_w": jnp.ones((D,), jnp.float32),
        "norm_b": jnp.zeros((D,), jnp.float32),
    }

def _bilinear(value, loc):
    # value: [B, H*W, C], loc: [B, P, 2] normalized to [0,1]
    # torch grid_sample align_corners=False convention: pixel = loc*size - 0.5, zero padding
    px = loc[..., 0] * W - 0.5
    py = loc[..., 1] * H - 0.5
    x0 = jnp.floor(px)
    y0 = jnp.floor(py)
    wx1 = px - x0
    wy1 = py - y0
    x0i = x0.astype(jnp.int32)
    y0i = y0.astype(jnp.int32)
    def g(ix, iy, wt):
        valid = (ix >= 0) & (ix < W) & (iy >= 0) & (iy < H)
        idx = jnp.clip(iy, 0, H - 1) * W + jnp.clip(ix, 0, W - 1)
        v = jnp.take_along_axis(value, idx[..., None], axis=1)
        return v * (wt * valid.astype(wt.dtype))[..., None]
    out = (g(x0i, y0i, (1.0 - wx1) * (1.0 - wy1))
           + g(x0i + 1, y0i, wx1 * (1.0 - wy1))
           + g(x0i, y0i + 1, (1.0 - wx1) * wy1)
           + g(x0i + 1, y0i + 1, wx1 * wy1))
    return out

def reference(x, conv_w, conv_b, pe_norm_w, pe_norm_b, off_w, out_w, out_b, norm_w, norm_b):
    # PatchEmbed: conv k=16 s=16, flatten, layernorm
    feat = jax.lax.conv_general_dilated(x, conv_w, (PP, PP), 'VALID',
                                        dimension_numbers=('NCHW', 'OIHW', 'NCHW'))
    feat = feat + conv_b[None, :, None, None]
    feat = feat.reshape(B, D, PC * PC).transpose(0, 2, 1)
    feat = layernorm(feat, pe_norm_w, pe_norm_b)
    # GELU + offset predictor (another_linear=True, use_GE=True)
    off = jax.nn.gelu(feat, approximate=False) @ off_w.T  # [B, 196, 4]
    # box_coder: anchor grid centers, offsets scale by base patch size, output xyxy boxes
    gy, gx = jnp.meshgrid(jnp.arange(PC, dtype=jnp.float32), jnp.arange(PC, dtype=jnp.float32), indexing='ij')
    gx = (gx.reshape(-1) + 0.5) / PC
    gy = (gy.reshape(-1) + 0.5) / PC
    w0 = PP / float(W)
    h0 = PP / float(H)
    cx = gx[None, :] + off[..., 0] * w0
    cy = gy[None, :] + off[..., 1] * h0
    boxes = jnp.stack([cx - w0 / 2, cy - h0 / 2, cx + w0 / 2, cy + h0 / 2], axis=-1)
    # Simple_DePatch.get_output: dim==4 branch -> centers repeated per sample pixel
    centers = (boxes[..., :2] + boxes[..., 2:]) / 2.0  # [B, 196, 2]
    loc = jnp.repeat(centers, PP * PP, axis=1)  # [B, 196*256, 2]
    # MSDeformAttn with n_heads=1, n_levels=1, n_points=1, attn weights = 1 -> bilinear sample
    value = x.reshape(B, C, H * W).transpose(0, 2, 1)  # [B, HW, C]
    samp = _bilinear(value, loc)  # [B, 50176, 3]
    out = samp.reshape(B, PC * PC, C * PP * PP)
    out = out @ out_w.T + out_b
    out = layernorm(out, norm_w, norm_b)
    return out

if __name__ == "__main__":
    import jax
    _d = setup_inputs()
    print(jax.jit(kernel)(*tuple(_d.values())))

</pallas_src>

<mosaic_0001>
#map = affine_map<(d0, d1) -> (0, 0)>
#map1 = affine_map<(d0, d1) -> (0, 0, 0)>
module attributes {stable_mosaic.version = 14 : i64} {
  func.func @k(%arg0: i32, %arg1: i32, %arg2: memref<96x50176xf32, #tpu.memory_space<hbm>>, %arg3: memref<32x4x208xi32, #tpu.memory_space<hbm>>, %arg4: memref<32x4x208xf32, #tpu.memory_space<hbm>>, %arg5: memref<32x3x208xf32, #tpu.memory_space<hbm>>, %arg6: memref<50176xf32, #tpu.memory_space<vmem>>, %arg7: memref<4x208xi32, #tpu.memory_space<vmem>>, %arg8: memref<4x208xf32, #tpu.memory_space<vmem>>, %arg9: memref<3x208xf32, #tpu.memory_space<vmem>>) attributes {dimension_semantics = [#tpu.dimension_semantics<core_parallel>, #tpu.dimension_semantics<subcore_parallel>], iteration_bounds = array<i64: 2, 16>, scalar_prefetch = 0 : i64, scratch_operands = 4 : i64, tpu.core_type = #tpu.core_type<sc_vector_subcore>, window_params = [{transform_indices = #map}, {transform_indices = #map1}, {transform_indices = #map1}, {transform_indices = #map1}]} {
    %mul3A = arith.constant 2 : i32
    %mul3A_0 = arith.muli %arg1, %mul3A : i32
    %add3A = arith.addi %mul3A_0, %arg0 : i32
    "tpu.region"() ({
      %run_scoped3A = tpu.sem_alloc : memref<!tpu.dma_semaphore, #tpu.memory_space<semaphore_mem>>
      %dma_start3A = arith.constant 0 : i32
      %dma_start3A_1843 = arith.constant 0 : i32
      %dma_start3A_1844 = tpu.memref_slice %arg3[%add3A, %dma_start3A, %dma_start3A_1843] : memref<32x4x208xi32, #tpu.memory_space<hbm>> -> memref<1x4x208xi32, #tpu.memory_space<hbm>>
      %dma_start3A_1845 = tpu.memref_squeeze %dma_start3A_1844 : memref<1x4x208xi32, #tpu.memory_space<hbm>> -> memref<4x208xi32, #tpu.memory_space<hbm>>
      %dma_start3A_1846 = arith.constant 0 : i32
      %dma_start3A_1847 = arith.constant 0 : i32
      %dma_start3A_1848 = tpu.memref_slice %arg3[%add3A, %dma_start3A_1846, %dma_start3A_1847] : memref<32x4x208xi32, #tpu.memory_space<hbm>> -> memref<1x4x208xi32, #tpu.memory_space<hbm>>
      %dma_start3A_1849 = tpu.memref_squeeze %dma_start3A_1848 : memref<1x4x208xi32, #tpu.memory_space<hbm>> -> memref<4x208xi32, #tpu.memory_space<hbm>>
      tpu.enqueue_dma source(%dma_start3A_1849 : memref<4x208xi32, #tpu.memory_space<hbm>>) target(%arg7 : memref<4x208xi32, #tpu.memory_space<vmem>>) target_semaphore(%run_scoped3A : memref<!tpu.dma_semaphore, #tpu.memory_space<semaphore_mem>>)
      %dma_wait3A = arith.constant 0 : i32
      %dma_wait3A_1850 = arith.constant 0 : i32
      %dma_wait3A_1851 = tpu.memref_slice %arg3[%add3A, %dma_wait3A, %dma_wait3A_1850] : memref<32x4x208xi32, #tpu.memory_space<hbm>> -> memref<1x4x208xi32, #tpu.memory_space<hbm>>
      %dma_wait3A_1852 = tpu.memref_squeeze %dma_wait3A_1851 : memref<1x4x208xi32, #tpu.memory_space<hbm>> -> memref<4x208xi32, #tpu.memory_space<hbm>>
      %dma_wait3A_1853 = arith.constant 0 : i32
      %dma_wait3A_1854 = arith.constant 0 : i32
      %dma_wait3A_1855 = tpu.memref_slice %arg3[%add3A, %dma_wait3A_1853, %dma_wait3A_1854] : memref<32x4x208xi32, #tpu.memory_space<hbm>> -> memref<1x4x208xi32, #tpu.memory_space<hbm>>
      %dma_wait3A_1856 = tpu.memref_squeeze %dma_wait3A_1855 : memref<1x4x208xi32, #tpu.memory_space<hbm>> -> memref<4x208xi32, #tpu.memory_space<hbm>>
      tpu.wait_dma2 semaphore(%run_scoped3A : memref<!tpu.dma_semaphore, #tpu.memory_space<semaphore_mem>>) src(%dma_wait3A_1856 : memref<4x208xi32, #tpu.memory_space<hbm>>) dst(%arg7 : memref<4x208xi32, #tpu.memory_space<vmem>>)
      tpu.yield
    }) : () -> ()
    "tpu.region"() ({
      %run_scoped3A = tpu.sem_alloc : memref<!tpu.dma_semaphore, #tpu.memory_space<semaphore_mem>>
      %dma_start3A = arith.constant 0 : i32
      %dma_start3A_1843 = arith.constant 0 : i32
      %dma_start3A_1844 = tpu.memref_slice %arg4[%add3A, %dma_start3A, %dma_start3A_1843] : memref<32x4x208xf32, #tpu.memory_space<hbm>> -> memref<1x4x208xf32, #tpu.memory_space<hbm>>
      %dma_start3A_1845 = tpu.memref_squeeze %dma_start3A_1844 : memref<1x4x208xf32, #tpu.memory_space<hbm>> -> memref<4x208xf32, #tpu.memory_space<hbm>>
      %dma_start3A_1846 = arith.constant 0 : i32
      %dma_start3A_1847 = arith.constant 0 : i32
      %dma_start3A_1848 = tpu.memref_slice %arg4[%add3A, %dma_start3A_1846, %dma_start3A_1847] : memref<32x4x208xf32, #tpu.memory_space<hbm>> -> memref<1x4x208xf32, #tpu.memory_space<hbm>>
      %dma_start3A_1849 = tpu.memref_squeeze %dma_start3A_1848 : memref<1x4x208xf32, #tpu.memory_space<hbm>> -> memref<4x208xf32, #tpu.memory_space<hbm>>
      tpu.enqueue_dma source(%dma_start3A_1849 : memref<4x208xf32, #tpu.memory_space<hbm>>) target(%arg8 : memref<4x208xf32, #tpu.memory_space<vmem>>) target_semaphore(%run_scoped3A : memref<!tpu.dma_semaphore, #tpu.memory_space<semaphore_mem>>)
      %dma_wait3A = arith.constant 0 : i32
      %dma_wait3A_1850 = arith.constant 0 : i32
      %dma_wait3A_1851 = tpu.memref_slice %arg4[%add3A, %dma_wait3A, %dma_wait3A_1850] : memref<32x4x208xf32, #tpu.memory_space<hbm>> -> memref<1x4x208xf32, #tpu.memory_space<hbm>>
      %dma_wait3A_1852 = tpu.memref_squeeze %dma_wait3A_1851 : memref<1x4x208xf32, #tpu.memory_space<hbm>> -> memref<4x208xf32, #tpu.memory_space<hbm>>
      %dma_wait3A_1853 = arith.constant 0 : i32
      %dma_wait3A_1854 = arith.constant 0 : i32
      %dma_wait3A_1855 = tpu.memref_slice %arg4[%add3A, %dma_wait3A_1853, %dma_wait3A_1854] : memref<32x4x208xf32, #tpu.memory_space<hbm>> -> memref<1x4x208xf32, #tpu.memory_space<hbm>>
      %dma_wait3A_1856 = tpu.memref_squeeze %dma_wait3A_1855 : memref<1x4x208xf32, #tpu.memory_space<hbm>> -> memref<4x208xf32, #tpu.memory_space<hbm>>
      tpu.wait_dma2 semaphore(%run_scoped3A : memref<!tpu.dma_semaphore, #tpu.memory_space<semaphore_mem>>) src(%dma_wait3A_1856 : memref<4x208xf32, #tpu.memory_space<hbm>>) dst(%arg8 : memref<4x208xf32, #tpu.memory_space<vmem>>)
      tpu.yield
    }) : () -> ()
    %mul3A_1 = arith.constant 3 : i32
    %mul3A_2 = arith.muli %add3A, %mul3A_1 : i32
    %add3A_3 = arith.constant 0 : i32
    %add3A_4 = arith.addi %mul3A_2, %add3A_3 : i32
    "tpu.region"() ({
      %run_scoped3A = tpu.sem_alloc : memref<!tpu.dma_semaphore, #tpu.memory_space<semaphore_mem>>
      %dma_start3A = arith.constant 0 : i32
      %dma_start3A_1843 = tpu.memref_slice %arg2[%add3A_4, %dma_start3A] : memref<96x50176xf32, #tpu.memory_space<hbm>> -> memref<1x50176xf32, #tpu.memory_space<hbm>>
      %dma_start3A_1844 = tpu.memref_squeeze %dma_start3A_1843 : memref<1x50176xf32, #tpu.memory_space<hbm>> -> memref<50176xf32, #tpu.memory_space<hbm>>
      %dma_start3A_1845 = arith.constant 0 : i32
      %dma_start3A_1846 = tpu.memref_slice %arg2[%add3A_4, %dma_start3A_1845] : memref<96x50176xf32, #tpu.memory_space<hbm>> -> memref<1x50176xf32, #tpu.memory_space<hbm>>
      %dma_start3A_1847 = tpu.memref_squeeze %dma_start3A_1846 : memref<1x50176xf32, #tpu.memory_space<hbm>> -> memref<50176xf32, #tpu.memory_space<hbm>>
      tpu.enqueue_dma source(%dma_start3A_1847 : memref<50176xf32, #tpu.memory_space<hbm>>) target(%arg6 : memref<50176xf32, #tpu.memory_space<vmem>>) target_semaphore(%run_scoped3A : memref<!tpu.dma_semaphore, #tpu.memory_space<semaphore_mem>>)
      %dma_wait3A = arith.constant 0 : i32
      %dma_wait3A_1848 = tpu.memref_slice %arg2[%add3A_4, %dma_wait3A] : memref<96x50176xf32, #tpu.memory_space<hbm>> -> memref<1x50176xf32, #tpu.memory_space<hbm>>
      %dma_wait3A_1849 = tpu.memref_squeeze %dma_wait3A_1848 : memref<1x50176xf32, #tpu.memory_space<hbm>> -> memref<50176xf32, #tpu.memory_space<hbm>>
      %dma_wait3A_1850 = arith.constant 0 : i32
      %dma_wait3A_1851 = tpu.memref_slice %arg2[%add3A_4, %dma_wait3A_1850] : memref<96x50176xf32, #tpu.memory_space<hbm>> -> memref<1x50176xf32, #tpu.memory_space<hbm>>
      %dma_wait3A_1852 = tpu.memref_squeeze %dma_wait3A_1851 : memref<1x50176xf32, #tpu.memory_space<hbm>> -> memref<50176xf32, #tpu.memory_space<hbm>>
      tpu.wait_dma2 semaphore(%run_scoped3A : memref<!tpu.dma_semaphore, #tpu.memory_space<semaphore_mem>>) src(%dma_wait3A_1852 : memref<50176xf32, #tpu.memory_space<hbm>>) dst(%arg6 : memref<50176xf32, #tpu.memory_space<vmem>>)
      tpu.yield
    }) : () -> ()
    %get3A = arith.constant 0 : i32
    %get3A_5 = arith.index_cast %get3A : i32 to index
    %get3A_6 = arith.constant 0 : index
    %get3A_7 = tpu.vector_load %arg7[%get3A_5, %get3A_6] {strides = array<i32>} : memref<4x208xi32, #tpu.memory_space<vmem>>, vector<16xi32>,
    %gather3A = tpu.vector_load_idx %arg6[%get3A_7] : memref<50176xf32, #tpu.memory_space<vmem>>[vector<16xi32>], vector<16xf32>,
    %get3A_8 = arith.constant 0 : i32
    %get3A_9 = arith.index_cast %get3A_8 : i32 to index
    %get3A_10 = arith.constant 0 : index
    %get3A_11 = tpu.vector_load %arg8[%get3A_9, %get3A_10] {strides = array<i32>} : memref<4x208xf32, #tpu.memory_space<vmem>>, vector<16xf32>,
    %mul3A_12 = arith.mulf %gather3A, %get3A_11 : vector<16xf32>
    %get3A_13 = arith.constant 1 : i32
    %get3A_14 = arith.index_cast %get3A_13 : i32 to index
    %get3A_15 = arith.constant 0 : index
    %get3A_16 = tpu.vector_load %arg7[%get3A_14, %get3A_15] {strides = array<i32>} : memref<4x208xi32, #tpu.memory_space<vmem>>, vector<16xi32>,
    %gather3A_17 = tpu.vector_load_idx %arg6[%get3A_16] : memref<50176xf32, #tpu.memory_space<vmem>>[vector<16xi32>], vector<16xf32>,
    %get3A_18 = arith.constant 1 : i32
    %get3A_19 = arith.index_cast %get3A_18 : i32 to index
    %get3A_20 = arith.constant 0 : index
    %get3A_21 = tpu.vector_load %arg8[%get3A_19, %get3A_20] {strides = array<i32>} : memref<4x208xf32, #tpu.memory_space<vmem>>, vector<16xf32>,
    %mul3A_22 = arith.mulf %gather3A_17, %get3A_21 : vector<16xf32>
    %add3A_23 = arith.addf %mul3A_12, %mul3A_22 : vector<16xf32>
    %get3A_24 = arith.constant 2 : i32
    %get3A_25 = arith.index_cast %get3A_24 : i32 to index
    %get3A_26 = arith.constant 0 : index
    %get3A_27 = tpu.vector_load %arg7[%get3A_25, %get3A_26] {strides = array<i32>} : memref<4x208xi32, #tpu.memory_space<vmem>>, vector<16xi32>,
    %gather3A_28 = tpu.vector_load_idx %arg6[%get3A_27] : memref<50176xf32, #tpu.memory_space<vmem>>[vector<16xi32>], vector<16xf32>,
    %get3A_29 = arith.constant 2 : i32
    %get3A_30 = arith.index_cast %get3A_29 : i32 to index
    %get3A_31 = arith.constant 0 : index
    %get3A_32 = tpu.vector_load %arg8[%get3A_30, %get3A_31] {strides = array<i32>} : memref<4x208xf32, #tpu.memory_space<vmem>>, vector<16xf32>,
    %mul3A_33 = arith.mulf %gather3A_28, %get3A_32 : vector<16xf32>
    %add3A_34 = arith.addf %add3A_23, %mul3A_33 : vector<16xf32>
    %get3A_35 = arith.constant 3 : i32
    %get3A_36 = arith.index_cast %get3A_35 : i32 to index
    %get3A_37 = arith.constant 0 : index
    %get3A_38 = tpu.vector_load %arg7[%get3A_36, %get3A_37] {strides = array<i32>} : memref<4x208xi32, #tpu.memory_space<vmem>>, vector<16xi32>,
    %gather3A_39 = tpu.vector_load_idx %arg6[%get3A_38] : memref<50176xf32, #tpu.memory_space<vmem>>[vector<16xi32>], vector<16xf32>,
    %get3A_40 = arith.constant 3 : i32
    %get3A_41 = arith.index_cast %get3A_40 : i32 to index
    %get3A_42 = arith.constant 0 : index
    %get3A_43 = tpu.vector_load %arg8[%get3A_41, %get3A_42] {strides = array<i32>} : memref<4x208xf32, #tpu.memory_space<vmem>>, vector<16xf32>,
    %mul3A_44 = arith.mulf %gather3A_39, %get3A_43 : vector<16xf32>
    %add3A_45 = arith.addf %add3A_34, %mul3A_44 : vector<16xf32>
    %swap3A = arith.constant 0 : i32
    %swap3A_46 = arith.index_cast %swap3A : i32 to index
    %swap3A_47 = arith.constant 0 : index
    %swap3A_48 = tpu.vector_load %arg9[%swap3A_46, %swap3A_47] {strides = array<i32>} : memref<3x208xf32, #tpu.memory_space<vmem>>, vector<16xf32>,
    tpu.vector_store %arg9[%swap3A_46, %swap3A_47], %add3A_45 {strides = array<i32>} : memref<3x208xf32, #tpu.memory_space<vmem>>, vector<16xf32>,
    %get3A_49 = arith.constant 0 : i32
    %get3A_50 = arith.index_cast %get3A_49 : i32 to index
    %get3A_51 = arith.constant 16 : index
    %get3A_52 = tpu.vector_load %arg7[%get3A_50, %get3A_51] {strides = array<i32>} : memref<4x208xi32, #tpu.memory_space<vmem>>, vector<16xi32>,
    %gather3A_53 = tpu.vector_load_idx %arg6[%get3A_52] : memref<50176xf32, #tpu.memory_space<vmem>>[vector<16xi32>], vector<16xf32>,
    %get3A_54 = arith.constant 0 : i32
    %get3A_55 = arith.index_cast %get3A_54 : i32 to index
    %get3A_56 = arith.constant 16 : index
    %get3A_57 = tpu.vector_load %arg8[%get3A_55, %get3A_56] {strides = array<i32>} : memref<4x208xf32, #tpu.memory_space<vmem>>, vector<16xf32>,
    %mul3A_58 = arith.mulf %gather3A_53, %get3A_57 : vector<16xf32>
    %get3A_59 = arith.constant 1 : i32
    %get3A_60 = arith.index_cast %get3A_59 : i32 to index
    %get3A_61 = arith.constant 16 : index
    %get3A_62 = tpu.vector_load %arg7[%get3A_60, %get3A_61] {strides = array<i32>} : memref<4x208xi32, #tpu.memory_space<vmem>>, vector<16xi32>,
    %gather3A_63 = tpu.vector_load_idx %arg6[%get3A_62] : memref<50176xf32, #tpu.memory_space<vmem>>[vector<16xi32>], vector<16xf32>,
    %get3A_64 = arith.constant 1 : i32
    %get3A_65 = arith.index_cast %get3A_64 : i32 to index
    %get3A_66 = arith.constant 16 : index
    %get3A_67 = tpu.vector_load %arg8[%get3A_65, %get3A_66] {strides = array<i32>} : memref<4x208xf32, #tpu.memory_space<vmem>>, vector<16xf32>,
    %mul3A_68 = arith.mulf %gather3A_63, %get3A_67 : vector<16xf32>
    %add3A_69 = arith.addf %mul3A_58, %mul3A_68 : vector<16xf32>
    %get3A_70 = arith.constant 2 : i32
    %get3A_71 = arith.index_cast %get3A_70 : i32 to index
    %get3A_72 = arith.constant 16 : index
    %get3A_73 = tpu.vector_load %arg7[%get3A_71, %get3A_72] {strides = array<i32>} : memref<4x208xi32, #tpu.memory_space<vmem>>, vector<16xi32>,
    %gather3A_74 = tpu.vector_load_idx %arg6[%get3A_73] : memref<50176xf32, #tpu.memory_space<vmem>>[vector<16xi32>], vector<16xf32>,
    %get3A_75 = arith.constant 2 : i32
    %get3A_76 = arith.index_cast %get3A_75 : i32 to index
    %get3A_77 = arith.constant 16 : index
    %get3A_78 = tpu.vector_load %arg8[%get3A_76, %get3A_77] {strides = array<i32>} : memref<4x208xf32, #tpu.memory_space<vmem>>, vector<16xf32>,
    %mul3A_79 = arith.mulf %gather3A_74, %get3A_78 : vector<16xf32>
    %add3A_80 = arith.addf %add3A_69, %mul3A_79 : vector<16xf32>
    %get3A_81 = arith.constant 3 : i32
    %get3A_82 = arith.index_cast %get3A_81 : i32 to index
    %get3A_83 = arith.constant 16 : index
    %get3A_84 = tpu.vector_load %arg7[%get3A_82, %get3A_83] {strides = array<i32>} : memref<4x208xi32, #tpu.memory_space<vmem>>, vector<16xi32>,
    %gather3A_85 = tpu.vector_load_idx %arg6[%get3A_84] : memref<50176xf32, #tpu.memory_space<vmem>>[vector<16xi32>], vector<16xf32>,
    %get3A_86 = arith.constant 3 : i32
    %get3A_87 = arith.index_cast %get3A_86 : i32 to index
    %get3A_88 = arith.constant 16 : index
    %get3A_89 = tpu.vector_load %arg8[%get3A_87, %get3A_88] {strides = array<i32>} : memref<4x208xf32, #tpu.memory_space<vmem>>, vector<16xf32>,
    %mul3A_90 = arith.mulf %gather3A_85, %get3A_89 : vector<16xf32>
    %add3A_91 = arith.addf %add3A_80, %mul3A_90 : vector<16xf32>
    %swap3A_92 = arith.constant 0 : i32
    %swap3A_93 = arith.index_cast %swap3A_92 : i32 to index
    %swap3A_94 = arith.constant 16 : index
    %swap3A_95 = tpu.vector_load %arg9[%swap3A_93, %swap3A_94] {strides = array<i32>} : memref<3x208xf32, #tpu.memory_space<vmem>>, vector<16xf32>,
    tpu.vector_store %arg9[%swap3A_93, %swap3A_94], %add3A_91 {strides = array<i32>} : memref<3x208xf32, #tpu.memory_space<vmem>>, vector<16xf32>,
    %get3A_96 = arith.constant 0 : i32
    %get3A_97 = arith.index_cast %get3A_96 : i32 to index
    %get3A_98 = arith.constant 32 : index
    %get3A_99 = tpu.vector_load %arg7[%get3A_97, %get3A_98] {strides = array<i32>} : memref<4x208xi32, #tpu.memory_space<vmem>>, vector<16xi32>,
    %gather3A_100 = tpu.vector_load_idx %arg6[%get3A_99] : memref<50176xf32, #tpu.memory_space<vmem>>[vector<16xi32>], vector<16xf32>,
    %get3A_101 = arith.constant 0 : i32
    %get3A_102 = arith.index_cast %get3A_101 : i32 to index
    %get3A_103 = arith.constant 32 : index
    %get3A_104 = tpu.vector_load %arg8[%get3A_102, %get3A_103] {strides = array<i32>} : memref<4x208xf32, #tpu.memory_space<vmem>>, vector<16xf32>,
    %mul3A_105 = arith.mulf %gather3A_100, %get3A_104 : vector<16xf32>
    %get3A_106 = arith.constant 1 : i32
    %get3A_107 = arith.index_cast %get3A_106 : i32 to index
    %get3A_108 = arith.constant 32 : index
    %get3A_109 = tpu.vector_load %arg7[%get3A_107, %get3A_108] {strides = array<i32>} : memref<4x208xi32, #tpu.memory_space<vmem>>, vector<16xi32>,
    %gather3A_110 = tpu.vector_load_idx %arg6[%get3A_109] : memref<50176xf32, #tpu.memory_space<vmem>>[vector<16xi32>], vector<16xf32>,
    %get3A_111 = arith.constant 1 : i32
    %get3A_112 = arith.index_cast %get3A_111 : i32 to index
    %get3A_113 = arith.constant 32 : index
    %get3A_114 = tpu.vector_load %arg8[%get3A_112, %get3A_113] {strides = array<i32>} : memref<4x208xf32, #tpu.memory_space<vmem>>, vector<16xf32>,
    %mul3A_115 = arith.mulf %gather3A_110, %get3A_114 : vector<16xf32>
    %add3A_116 = arith.addf %mul3A_105, %mul3A_115 : vector<16xf32>
    %get3A_117 = arith.constant 2 : i32
    %get3A_118 = arith.index_cast %get3A_117 : i32 to index
    %get3A_119 = arith.constant 32 : index
    %get3A_120 = tpu.vector_load %arg7[%get3A_118, %get3A_119] {strides = array<i32>} : memref<4x208xi32, #tpu.memory_space<vmem>>, vector<16xi32>,
    %gather3A_121 = tpu.vector_load_idx %arg6[%get3A_120] : memref<50176xf32, #tpu.memory_space<vmem>>[vector<16xi32>], vector<16xf32>,
    %get3A_122 = arith.constant 2 : i32
    %get3A_123 = arith.index_cast %get3A_122 : i32 to index
    %get3A_124 = arith.constant 32 : index
    %get3A_125 = tpu.vector_load %arg8[%get3A_123, %get3A_124] {strides = array<i32>} : memref<4x208xf32, #tpu.memory_space<vmem>>, vector<16xf32>,
    %mul3A_126 = arith.mulf %gather3A_121, %get3A_125 : vector<16xf32>
    %add3A_127 = arith.addf %add3A_116, %mul3A_126 : vector<16xf32>
    %get3A_128 = arith.constant 3 : i32
    %get3A_129 = arith.index_cast %get3A_128 : i32 to index
    %get3A_130 = arith.constant 32 : index
    %get3A_131 = tpu.vector_load %arg7[%get3A_129, %get3A_130] {strides = array<i32>} : memref<4x208xi32, #tpu.memory_space<vmem>>, vector<16xi32>,
    %gather3A_132 = tpu.vector_load_idx %arg6[%get3A_131] : memref<50176xf32, #tpu.memory_space<vmem>>[vector<16xi32>], vector<16xf32>,
    %get3A_133 = arith.constant 3 : i32
    %get3A_134 = arith.index_cast %get3A_133 : i32 to index
    %get3A_135 = arith.constant 32 : index
    %get3A_136 = tpu.vector_load %arg8[%get3A_134, %get3A_135] {strides = array<i32>} : memref<4x208xf32, #tpu.memory_space<vmem>>, vector<16xf32>,
    %mul3A_137 = arith.mulf %gather3A_132, %get3A_136 : vector<16xf32>
    %add3A_138 = arith.addf %add3A_127, %mul3A_137 : vector<16xf32>
    %swap3A_139 = arith.constant 0 : i32
    %swap3A_140 = arith.index_cast %swap3A_139 : i32 to index
    %swap3A_141 = arith.constant 32 : index
    %swap3A_142 = tpu.vector_load %arg9[%swap3A_140, %swap3A_141] {strides = array<i32>} : memref<3x208xf32, #tpu.memory_space<vmem>>, vector<16xf32>,
    tpu.vector_store %arg9[%swap3A_140, %swap3A_141], %add3A_138 {strides = array<i32>} : memref<3x208xf32, #tpu.memory_space<vmem>>, vector<16xf32>,
    %get3A_143 = arith.constant 0 : i32
    %get3A_144 = arith.index_cast %get3A_143 : i32 to index
    %get3A_145 = arith.constant 48 : index
    %get3A_146 = tpu.vector_load %arg7[%get3A_144, %get3A_145] {strides = array<i32>} : memref<4x208xi32, #tpu.memory_space<vmem>>, vector<16xi32>,
    %gather3A_147 = tpu.vector_load_idx %arg6[%get3A_146] : memref<50176xf32, #tpu.memory_space<vmem>>[vector<16xi32>], vector<16xf32>,
    %get3A_148 = arith.constant 0 : i32
    %get3A_149 = arith.index_cast %get3A_148 : i32 to index
    %get3A_150 = arith.constant 48 : index
    %get3A_151 = tpu.vector_load %arg8[%get3A_149, %get3A_150] {strides = array<i32>} : memref<4x208xf32, #tpu.memory_space<vmem>>, vector<16xf32>,
    %mul3A_152 = arith.mulf %gather3A_147, %get3A_151 : vector<16xf32>
    %get3A_153 = arith.constant 1 : i32
    %get3A_154 = arith.index_cast %get3A_153 : i32 to index
    %get3A_155 = arith.constant 48 : index
    %get3A_156 = tpu.vector_load %arg7[%get3A_154, %get3A_155] {strides = array<i32>} : memref<4x208xi32, #tpu.memory_space<vmem>>, vector<16xi32>,
    %gather3A_157 = tpu.vector_load_idx %arg6[%get3A_156] : memref<50176xf32, #tpu.memory_space<vmem>>[vector<16xi32>], vector<16xf32>,
    %get3A_158 = arith.constant 1 : i32
    %get3A_159 = arith.index_cast %get3A_158 : i32 to index
    %get3A_160 = arith.constant 48 : index
    %get3A_161 = tpu.vector_load %arg8[%get3A_159, %get3A_160] {strides = array<i32>} : memref<4x208xf32, #tpu.memory_space<vmem>>, vector<16xf32>,
    %mul3A_162 = arith.mulf %gather3A_157, %get3A_161 : vector<16xf32>
    %add3A_163 = arith.addf %mul3A_152, %mul3A_162 : vector<16xf32>
    %get3A_164 = arith.constant 2 : i32
    %get3A_165 = arith.index_cast %get3A_164 : i32 to index
    %get3A_166 = arith.constant 48 : index
    %get3A_167 = tpu.vector_load %arg7[%get3A_165, %get3A_166] {strides = array<i32>} : memref<4x208xi32, #tpu.memory_space<vmem>>, vector<16xi32>,
    %gather3A_168 = tpu.vector_load_idx %arg6[%get3A_167] : memref<50176xf32, #tpu.memory_space<vmem>>[vector<16xi32>], vector<16xf32>,
    %get3A_169 = arith.constant 2 : i32
    %get3A_170 = arith.index_cast %get3A_169 : i32 to index
    %get3A_171 = arith.constant 48 : index
    %get3A_172 = tpu.vector_load %arg8[%get3A_170, %get3A_171] {strides = array<i32>} : memref<4x208xf32, #tpu.memory_space<vmem>>, vector<16xf32>,
    %mul3A_173 = arith.mulf %gather3A_168, %get3A_172 : vector<16xf32>
    %add3A_174 = arith.addf %add3A_163, %mul3A_173 : vector<16xf32>
    %get3A_175 = arith.constant 3 : i32
    %get3A_176 = arith.index_cast %get3A_175 : i32 to index
    %get3A_177 = arith.constant 48 : index
    %get3A_178 = tpu.vector_load %arg7[%get3A_176, %get3A_177] {strides = array<i32>} : memref<4x208xi32, #tpu.memory_space<vmem>>, vector<16xi32>,
    %gather3A_179 = tpu.vector_load_idx %arg6[%get3A_178] : memref<50176xf32, #tpu.memory_space<vmem>>[vector<16xi32>], vector<16xf32>,
    %get3A_180 = arith.constant 3 : i32
    %get3A_181 = arith.index_cast %get3A_180 : i32 to index
    %get3A_182 = arith.constant 48 : index
    %get3A_183 = tpu.vector_load %arg8[%get3A_181, %get3A_182] {strides = array<i32>} : memref<4x208xf32, #tpu.memory_space<vmem>>, vector<16xf32>,
    %mul3A_184 = arith.mulf %gather3A_179, %get3A_183 : vector<16xf32>
    %add3A_185 = arith.addf %add3A_174, %mul3A_184 : vector<16xf32>
    %swap3A_186 = arith.constant 0 : i32
    %swap3A_187 = arith.index_cast %swap3A_186 : i32 to index
    %swap3A_188 = arith.constant 48 : index
    %swap3A_189 = tpu.vector_load %arg9[%swap3A_187, %swap3A_188] {strides = array<i32>} : memref<3x208xf32, #tpu.memory_space<vmem>>, vector<16xf32>,
    tpu.vector_store %arg9[%swap3A_187, %swap3A_188], %add3A_185 {strides = array<i32>} : memref<3x208xf32, #tpu.memory_space<vmem>>, vector<16xf32>,
    %get3A_190 = arith.constant 0 : i32
    %get3A_191 = arith.index_cast %get3A_190 : i32 to index
    %get3A_192 = arith.constant 64 : index
    %get3A_193 = tpu.vector_load %arg7[%get3A_191, %get3A_192] {strides = array<i32>} : memref<4x208xi32, #tpu.memory_space<vmem>>, vector<16xi32>,
    %gather3A_194 = tpu.vector_load_idx %arg6[%get3A_193] : memref<50176xf32, #tpu.memory_space<vmem>>[vector<16xi32>], vector<16xf32>,
    %get3A_195 = arith.constant 0 : i32
    %get3A_196 = arith.index_cast %get3A_195 : i32 to index
    %get3A_197 = arith.constant 64 : index
    %get3A_198 = tpu.vector_load %arg8[%get3A_196, %get3A_197] {strides = array<i32>} : memref<4x208xf32, #tpu.memory_space<vmem>>, vector<16xf32>,
    %mul3A_199 = arith.mulf %gather3A_194, %get3A_198 : vector<16xf32>
    %get3A_200 = arith.constant 1 : i32
    %get3A_201 = arith.index_cast %get3A_200 : i32 to index
    %get3A_202 = arith.constant 64 : index
    %get3A_203 = tpu.vector_load %arg7[%get3A_201, %get3A_202] {strides = array<i32>} : memref<4x208xi32, #tpu.memory_space<vmem>>, vector<16xi32>,
    %gather3A_204 = tpu.vector_load_idx %arg6[%get3A_203] : memref<50176xf32, #tpu.memory_space<vmem>>[vector<16xi32>], vector<16xf32>,
    %get3A_205 = arith.constant 1 : i32
    %get3A_206 = arith.index_cast %get3A_205 : i32 to index
    %get3A_207 = arith.constant 64 : index
    %get3A_208 = tpu.vector_load %arg8[%get3A_206, %get3A_207] {strides = array<i32>} : memref<4x208xf32, #tpu.memory_space<vmem>>, vector<16xf32>,
    %mul3A_209 = arith.mulf %gather3A_204, %get3A_208 : vector<16xf32>
    %add3A_210 = arith.addf %mul3A_199, %mul3A_209 : vector<16xf32>
    %get3A_211 = arith.constant 2 : i32
    %get3A_212 = arith.index_cast %get3A_211 : i32 to index
    %get3A_213 = arith.constant 64 : index
    %get3A_214 = tpu.vector_load %arg7[%get3A_212, %get3A_213] {strides = array<i32>} : memref<4x208xi32, #tpu.memory_space<vmem>>, vector<16xi32>,
    %gather3A_215 = tpu.vector_load_idx %arg6[%get3A_214] : memref<50176xf32, #tpu.memory_space<vmem>>[vector<16xi32>], vector<16xf32>,
    %get3A_216 = arith.constant 2 : i32
    %get3A_217 = arith.index_cast %get3A_216 : i32 to index
    %get3A_218 = arith.constant 64 : index
    %get3A_219 = tpu.vector_load %arg8[%get3A_217, %get3A_218] {strides = array<i32>} : memref<4x208xf32, #tpu.memory_space<vmem>>, vector<16xf32>,
    %mul3A_220 = arith.mulf %gather3A_215, %get3A_219 : vector<16xf32>
    %add3A_221 = arith.addf %add3A_210, %mul3A_220 : vector<16xf32>
    %get3A_222 = arith.constant 3 : i32
    %get3A_223 = arith.index_cast %get3A_222 : i32 to index
    %get3A_224 = arith.constant 64 : index
    %get3A_225 = tpu.vector_load %arg7[%get3A_223, %get3A_224] {strides = array<i32>} : memref<4x208xi32, #tpu.memory_space<vmem>>, vector<16xi32>,
    %gather3A_226 = tpu.vector_load_idx %arg6[%get3A_225] : memref<50176xf32, #tpu.memory_space<vmem>>[vector<16xi32>], vector<16xf32>,
    %get3A_227 = arith.constant 3 : i32
    %get3A_228 = arith.index_cast %get3A_227 : i32 to index
    %get3A_229 = arith.constant 64 : index
    %get3A_230 = tpu.vector_load %arg8[%get3A_228, %get3A_229] {strides = array<i32>} : memref<4x208xf32, #tpu.memory_space<vmem>>, vector<16xf32>,
    %mul3A_231 = arith.mulf %gather3A_226, %get3A_230 : vector<16xf32>
    %add3A_232 = arith.addf %add3A_221, %mul3A_231 : vector<16xf32>
    %swap3A_233 = arith.constant 0 : i32
    %swap3A_234 = arith.index_cast %swap3A_233 : i32 to index
    %swap3A_235 = arith.constant 64 : index
    %swap3A_236 = tpu.vector_load %arg9[%swap3A_234, %swap3A_235] {strides = array<i32>} : memref<3x208xf32, #tpu.memory_space<vmem>>, vector<16xf32>,
    tpu.vector_store %arg9[%swap3A_234, %swap3A_235], %add3A_232 {strides = array<i32>} : memref<3x208xf32, #tpu.memory_space<vmem>>, vector<16xf32>,
    %get3A_237 = arith.constant 0 : i32
    %get3A_238 = arith.index_cast %get3A_237 : i32 to index
    %get3A_239 = arith.constant 80 : index
    %get3A_240 = tpu.vector_load %arg7[%get3A_238, %get3A_239] {strides = array<i32>} : memref<4x208xi32, #tpu.memory_space<vmem>>, vector<16xi32>,
    %gather3A_241 = tpu.vector_load_idx %arg6[%get3A_240] : memref<50176xf32, #tpu.memory_space<vmem>>[vector<16xi32>], vector<16xf32>,
    %get3A_242 = arith.constant 0 : i32
    %get3A_243 = arith.index_cast %get3A_242 : i32 to index
    %get3A_244 = arith.constant 80 : index
    %get3A_245 = tpu.vector_load %arg8[%get3A_243, %get3A_244] {strides = array<i32>} : memref<4x208xf32, #tpu.memory_space<vmem>>, vector<16xf32>,
    %mul3A_246 = arith.mulf %gather3A_241, %get3A_245 : vector<16xf32>
    %get3A_247 = arith.constant 1 : i32
    %get3A_248 = arith.index_cast %get3A_247 : i32 to index
    %get3A_249 = arith.constant 80 : index
    %get3A_250 = tpu.vector_load %arg7[%get3A_248, %get3A_249] {strides = array<i32>} : memref<4x208xi32, #tpu.memory_space<vmem>>, vector<16xi32>,
    %gather3A_251 = tpu.vector_load_idx %arg6[%get3A_250] : memref<50176xf32, #tpu.memory_space<vmem>>[vector<16xi32>], vector<16xf32>,
    %get3A_252 = arith.constant 1 : i32
    %get3A_253 = arith.index_cast %get3A_252 : i32 to index
    %get3A_254 = arith.constant 80 : index
    %get3A_255 = tpu.vector_load %arg8[%get3A_253, %get3A_254] {strides = array<i32>} : memref<4x208xf32, #tpu.memory_space<vmem>>, vector<16xf32>,
    %mul3A_256 = arith.mulf %gather3A_251, %get3A_255 : vector<16xf32>
    %add3A_257 = arith.addf %mul3A_246, %mul3A_256 : vector<16xf32>
    %get3A_258 = arith.constant 2 : i32
    %get3A_259 = arith.index_cast %get3A_258 : i32 to index
    %get3A_260 = arith.constant 80 : index
    %get3A_261 = tpu.vector_load %arg7[%get3A_259, %get3A_260] {strides = array<i32>} : memref<4x208xi32, #tpu.memory_space<vmem>>, vector<16xi32>,
    %gather3A_262 = tpu.vector_load_idx %arg6[%get3A_261] : memref<50176xf32, #tpu.memory_space<vmem>>[vector<16xi32>], vector<16xf32>,
    %get3A_263 = arith.constant 2 : i32
    %get3A_264 = arith.index_cast %get3A_263 : i32 to index
    %get3A_265 = arith.constant 80 : index
    %get3A_266 = tpu.vector_load %arg8[%get3A_264, %get3A_265] {strides = array<i32>} : memref<4x208xf32, #tpu.memory_space<vmem>>, vector<16xf32>,
    %mul3A_267 = arith.mulf %gather3A_262, %get3A_266 : vector<16xf32>
    %add3A_268 = arith.addf %add3A_257, %mul3A_267 : vector<16xf32>
    %get3A_269 = arith.constant 3 : i32
    %get3A_270 = arith.index_cast %get3A_269 : i32 to index
    %get3A_271 = arith.constant 80 : index
    %get3A_272 = tpu.vector_load %arg7[%get3A_270, %get3A_271] {strides = array<i32>} : memref<4x208xi32, #tpu.memory_space<vmem>>, vector<16xi32>,
    %gather3A_273 = tpu.vector_load_idx %arg6[%get3A_272] : memref<50176xf32, #tpu.memory_space<vmem>>[vector<16xi32>], vector<16xf32>,
    %get3A_274 = arith.constant 3 : i32
    %get3A_275 = arith.index_cast %get3A_274 : i32 to index
    %get3A_276 = arith.constant 80 : index
    %get3A_277 = tpu.vector_load %arg8[%get3A_275, %get3A_276] {strides = array<i32>} : memref<4x208xf32, #tpu.memory_space<vmem>>, vector<16xf32>,
    %mul3A_278 = arith.mulf %gather3A_273, %get3A_277 : vector<16xf32>
    %add3A_279 = arith.addf %add3A_268, %mul3A_278 : vector<16xf32>
    %swap3A_280 = arith.constant 0 : i32
    %swap3A_281 = arith.index_cast %swap3A_280 : i32 to index
    %swap3A_282 = arith.constant 80 : index
    %swap3A_283 = tpu.vector_load %arg9[%swap3A_281, %swap3A_282] {strides = array<i32>} : memref<3x208xf32, #tpu.memory_space<vmem>>, vector<16xf32>,
    tpu.vector_store %arg9[%swap3A_281, %swap3A_282], %add3A_279 {strides = array<i32>} : memref<3x208xf32, #tpu.memory_space<vmem>>, vector<16xf32>,
    %get3A_284 = arith.constant 0 : i32
    %get3A_285 = arith.index_cast %get3A_284 : i32 to index
    %get3A_286 = arith.constant 96 : index
    %get3A_287 = tpu.vector_load %arg7[%get3A_285, %get3A_286] {strides = array<i32>} : memref<4x208xi32, #tpu.memory_space<vmem>>, vector<16xi32>,
    %gather3A_288 = tpu.vector_load_idx %arg6[%get3A_287] : memref<50176xf32, #tpu.memory_space<vmem>>[vector<16xi32>], vector<16xf32>,
    %get3A_289 = arith.constant 0 : i32
    %get3A_290 = arith.index_cast %get3A_289 : i32 to index
    %get3A_291 = arith.constant 96 : index
    %get3A_292 = tpu.vector_load %arg8[%get3A_290, %get3A_291] {strides = array<i32>} : memref<4x208xf32, #tpu.memory_space<vmem>>, vector<16xf32>,
    %mul3A_293 = arith.mulf %gather3A_288, %get3A_292 : vector<16xf32>
    %get3A_294 = arith.constant 1 : i32
    %get3A_295 = arith.index_cast %get3A_294 : i32 to index
    %get3A_296 = arith.constant 96 : index
    %get3A_297 = tpu.vector_load %arg7[%get3A_295, %get3A_296] {strides = array<i32>} : memref<4x208xi32, #tpu.memory_space<vmem>>, vector<16xi32>,
    %gather3A_298 = tpu.vector_load_idx %arg6[%get3A_297] : memref<50176xf32, #tpu.memory_space<vmem>>[vector<16xi32>], vector<16xf32>,
    %get3A_299 = arith.constant 1 : i32
    %get3A_300 = arith.index_cast %get3A_299 : i32 to index
    %get3A_301 = arith.constant 96 : index
    %get3A_302 = tpu.vector_load %arg8[%get3A_300, %get3A_301] {strides = array<i32>} : memref<4x208xf32, #tpu.memory_space<vmem>>, vector<16xf32>,
    %mul3A_303 = arith.mulf %gather3A_298, %get3A_302 : vector<16xf32>
    %add3A_304 = arith.addf %mul3A_293, %mul3A_303 : vector<16xf32>
    %get3A_305 = arith.constant 2 : i32
    %get3A_306 = arith.index_cast %get3A_305 : i32 to index
    %get3A_307 = arith.constant 96 : index
    %get3A_308 = tpu.vector_load %arg7[%get3A_306, %get3A_307] {strides = array<i32>} : memref<4x208xi32, #tpu.memory_space<vmem>>, vector<16xi32>,
    %gather3A_309 = tpu.vector_load_idx %arg6[%get3A_308] : memref<50176xf32, #tpu.memory_space<vmem>>[vector<16xi32>], vector<16xf32>,
    %get3A_310 = arith.constant 2 : i32
    %get3A_311 = arith.index_cast %get3A_310 : i32 to index
    %get3A_312 = arith.constant 96 : index
    %get3A_313 = tpu.vector_load %arg8[%get3A_311, %get3A_312] {strides = array<i32>} : memref<4x208xf32, #tpu.memory_space<vmem>>, vector<16xf32>,
    %mul3A_314 = arith.mulf %gather3A_309, %get3A_313 : vector<16xf32>
    %add3A_315 = arith.addf %add3A_304, %mul3A_314 : vector<16xf32>
    %get3A_316 = arith.constant 3 : i32
    %get3A_317 = arith.index_cast %get3A_316 : i32 to index
    %get3A_318 = arith.constant 96 : index
    %get3A_319 = tpu.vector_load %arg7[%get3A_317, %get3A_318] {strides = array<i32>} : memref<4x208xi32, #tpu.memory_space<vmem>>, vector<16xi32>,
    %gather3A_320 = tpu.vector_load_idx %arg6[%get3A_319] : memref<50176xf32, #tpu.memory_space<vmem>>[vector<16xi32>], vector<16xf32>,
    %get3A_321 = arith.constant 3 : i32
    %get3A_322 = arith.index_cast %get3A_321 : i32 to index
    %get3A_323 = arith.constant 96 : index
    %get3A_324 = tpu.vector_load %arg8[%get3A_322, %get3A_323] {strides = array<i32>} : memref<4x208xf32, #tpu.memory_space<vmem>>, vector<16xf32>,
    %mul3A_325 = arith.mulf %gather3A_320, %get3A_324 : vector<16xf32>
    %add3A_326 = arith.addf %add3A_315, %mul3A_325 : vector<16xf32>
    %swap3A_327 = arith.constant 0 : i32
    %swap3A_328 = arith.index_cast %swap3A_327 : i32 to index
    %swap3A_329 = arith.constant 96 : index
    %swap3A_330 = tpu.vector_load %arg9[%swap3A_328, %swap3A_329] {strides = array<i32>} : memref<3x208xf32, #tpu.memory_space<vmem>>, vector<16xf32>,
    tpu.vector_store %arg9[%swap3A_328, %swap3A_329], %add3A_326 {strides = array<i32>} : memref<3x208xf32, #tpu.memory_space<vmem>>, vector<16xf32>,
    %get3A_331 = arith.constant 0 : i32
    %get3A_332 = arith.index_cast %get3A_331 : i32 to index
    %get3A_333 = arith.constant 112 : index
    %get3A_334 = tpu.vector_load %arg7[%get3A_332, %get3A_333] {strides = array<i32>} : memref<4x208xi32, #tpu.memory_space<vmem>>, vector<16xi32>,
    %gather3A_335 = tpu.vector_load_idx %arg6[%get3A_334] : memref<50176xf32, #tpu.memory_space<vmem>>[vector<16xi32>], vector<16xf32>,
    %get3A_336 = arith.constant 0 : i32
    %get3A_337 = arith.index_cast %get3A_336 : i32 to index
    %get3A_338 = arith.constant 112 : index
    %get3A_339 = tpu.vector_load %arg8[%get3A_337, %get3A_338] {strides = array<i32>} : memref<4x208xf32, #tpu.memory_space<vmem>>, vector<16xf32>,
    %mul3A_340 = arith.mulf %gather3A_335, %get3A_339 : vector<16xf32>
    %get3A_341 = arith.constant 1 : i32
    %get3A_342 = arith.index_cast %get3A_341 : i32 to index
    %get3A_343 = arith.constant 112 : index
    %get3A_344 = tpu.vector_load %arg7[%get3A_342, %get3A_343] {strides = array<i32>} : memref<4x208xi32, #tpu.memory_space<vmem>>, vector<16xi32>,
    %gather3A_345 = tpu.vector_load_idx %arg6[%get3A_344] : memref<50176xf32, #tpu.memory_space<vmem>>[vector<16xi32>], vector<16xf32>,
    %get3A_346 = arith.constant 1 : i32
    %get3A_347 = arith.index_cast %get3A_346 : i32 to index
    %get3A_348 = arith.constant 112 : index
    %get3A_349 = tpu.vector_load %arg8[%get3A_347, %get3A_348] {strides = array<i32>} : memref<4x208xf32, #tpu.memory_space<vmem>>, vector<16xf32>,
    %mul3A_350 = arith.mulf %gather3A_345, %get3A_349 : vector<16xf32>
    %add3A_351 = arith.addf %mul3A_340, %mul3A_350 : vector<16xf32>
    %get3A_352 = arith.constant 2 : i32
    %get3A_353 = arith.index_cast %get3A_352 : i32 to index
    %get3A_354 = arith.constant 112 : index
    %get3A_355 = tpu.vector_load %arg7[%get3A_353, %get3A_354] {strides = array<i32>} : memref<4x208xi32, #tpu.memory_space<vmem>>, vector<16xi32>,
    %gather3A_356 = tpu.vector_load_idx %arg6[%get3A_355] : memref<50176xf32, #tpu.memory_space<vmem>>[vector<16xi32>], vector<16xf32>,
    %get3A_357 = arith.constant 2 : i32
    %get3A_358 = arith.index_cast %get3A_357 : i32 to index
    %get3A_359 = arith.constant 112 : index
    %get3A_360 = tpu.vector_load %arg8[%get3A_358, %get3A_359] {strides = array<i32>} : memref<4x208xf32, #tpu.memory_space<vmem>>, vector<16xf32>,
    %mul3A_361 = arith.mulf %gather3A_356, %get3A_360 : vector<16xf32>
    %add3A_362 = arith.addf %add3A_351, %mul3A_361 : vector<16xf32>
    %get3A_363 = arith.constant 3 : i32
    %get3A_364 = arith.index_cast %get3A_363 : i32 to index
    %get3A_365 = arith.constant 112 : index
    %get3A_366 = tpu.vector_load %arg7[%get3A_364, %get3A_365] {strides = array<i32>} : memref<4x208xi32, #tpu.memory_space<vmem>>, vector<16xi32>,
    %gather3A_367 = tpu.vector_load_idx %arg6[%get3A_366] : memref<50176xf32, #tpu.memory_space<vmem>>[vector<16xi32>], vector<16xf32>,
    %get3A_368 = arith.constant 3 : i32
    %get3A_369 = arith.index_cast %get3A_368 : i32 to index
    %get3A_370 = arith.constant 112 : index
    %get3A_371 = tpu.vector_load %arg8[%get3A_369, %get3A_370] {strides = array<i32>} : memref<4x208xf32, #tpu.memory_space<vmem>>, vector<16xf32>,
    %mul3A_372 = arith.mulf %gather3A_367, %get3A_371 : vector<16xf32>
    %add3A_373 = arith.addf %add3A_362, %mul3A_372 : vector<16xf32>
    %swap3A_374 = arith.constant 0 : i32
    %swap3A_375 = arith.index_cast %swap3A_374 : i32 to index
    %swap3A_376 = arith.constant 112 : index
    %swap3A_377 = tpu.vector_load %arg9[%swap3A_375, %swap3A_376] {strides = array<i32>} : memref<3x208xf32, #tpu.memory_space<vmem>>, vector<16xf32>,
    tpu.vector_store %arg9[%swap3A_375, %swap3A_376], %add3A_373 {strides = array<i32>} : memref<3x208xf32, #tpu.memory_space<vmem>>, vector<16xf32>,
    %get3A_378 = arith.constant 0 : i32
    %get3A_379 = arith.index_cast %get3A_378 : i32 to index
    %get3A_380 = arith.constant 128 : index
    %get3A_381 = tpu.vector_load %arg7[%get3A_379, %get3A_380] {strides = array<i32>} : memref<4x208xi32, #tpu.memory_space<vmem>>, vector<16xi32>,
    %gather3A_382 = tpu.vector_load_idx %arg6[%get3A_381] : memref<50176xf32, #tpu.memory_space<vmem>>[vector<16xi32>], vector<16xf32>,
    %get3A_383 = arith.constant 0 : i32
    %get3A_384 = arith.index_cast %get3A_383 : i32 to index
    %get3A_385 = arith.constant 128 : index
    %get3A_386 = tpu.vector_load %arg8[%get3A_384, %get3A_385] {strides = array<i32>} : memref<4x208xf32, #tpu.memory_space<vmem>>, vector<16xf32>,
    %mul3A_387 = arith.mulf %gather3A_382, %get3A_386 : vector<16xf32>
    %get3A_388 = arith.constant 1 : i32
    %get3A_389 = arith.index_cast %get3A_388 : i32 to index
    %get3A_390 = arith.constant 128 : index
    %get3A_391 = tpu.vector_load %arg7[%get3A_389, %get3A_390] {strides = array<i32>} : memref<4x208xi32, #tpu.memory_space<vmem>>, vector<16xi32>,
    %gather3A_392 = tpu.vector_load_idx %arg6[%get3A_391] : memref<50176xf32, #tpu.memory_space<vmem>>[vector<16xi32>], vector<16xf32>,
    %get3A_393 = arith.constant 1 : i32
    %get3A_394 = arith.index_cast %get3A_393 : i32 to index
    %get3A_395 = arith.constant 128 : index
    %get3A_396 = tpu.vector_load %arg8[%get3A_394, %get3A_395] {strides = array<i32>} : memref<4x208xf32, #tpu.memory_space<vmem>>, vector<16xf32>,
    %mul3A_397 = arith.mulf %gather3A_392, %get3A_396 : vector<16xf32>
    %add3A_398 = arith.addf %mul3A_387, %mul3A_397 : vector<16xf32>
    %get3A_399 = arith.constant 2 : i32
    %get3A_400 = arith.index_cast %get3A_399 : i32 to index
    %get3A_401 = arith.constant 128 : index
    %get3A_402 = tpu.vector_load %arg7[%get3A_400, %get3A_401] {strides = array<i32>} : memref<4x208xi32, #tpu.memory_space<vmem>>, vector<16xi32>,
    %gather3A_403 = tpu.vector_load_idx %arg6[%get3A_402] : memref<50176xf32, #tpu.memory_space<vmem>>[vector<16xi32>], vector<16xf32>,
    %get3A_404 = arith.constant 2 : i32
    %get3A_405 = arith.index_cast %get3A_404 : i32 to index
    %get3A_406 = arith.constant 128 : index
    %get3A_407 = tpu.vector_load %arg8[%get3A_405, %get3A_406] {strides = array<i32>} : memref<4x208xf32, #tpu.memory_space<vmem>>, vector<16xf32>,
    %mul3A_408 = arith.mulf %gather3A_403, %get3A_407 : vector<16xf32>
    %add3A_409 = arith.addf %add3A_398, %mul3A_408 : vector<16xf32>
    %get3A_410 = arith.constant 3 : i32
    %get3A_411 = arith.index_cast %get3A_410 : i32 to index
    %get3A_412 = arith.constant 128 : index
    %get3A_413 = tpu.vector_load %arg7[%get3A_411, %get3A_412] {strides = array<i32>} : memref<4x208xi32, #tpu.memory_space<vmem>>, vector<16xi32>,
    %gather3A_414 = tpu.vector_load_idx %arg6[%get3A_413] : memref<50176xf32, #tpu.memory_space<vmem>>[vector<16xi32>], vector<16xf32>,
    %get3A_415 = arith.constant 3 : i32
    %get3A_416 = arith.index_cast %get3A_415 : i32 to index
    %get3A_417 = arith.constant 128 : index
    %get3A_418 = tpu.vector_load %arg8[%get3A_416, %get3A_417] {strides = array<i32>} : memref<4x208xf32, #tpu.memory_space<vmem>>, vector<16xf32>,
    %mul3A_419 = arith.mulf %gather3A_414, %get3A_418 : vector<16xf32>
    %add3A_420 = arith.addf %add3A_409, %mul3A_419 : vector<16xf32>
    %swap3A_421 = arith.constant 0 : i32
    %swap3A_422 = arith.index_cast %swap3A_421 : i32 to index
    %swap3A_423 = arith.constant 128 : index
    %swap3A_424 = tpu.vector_load %arg9[%swap3A_422, %swap3A_423] {strides = array<i32>} : memref<3x208xf32, #tpu.memory_space<vmem>>, vector<16xf32>,
    tpu.vector_store %arg9[%swap3A_422, %swap3A_423], %add3A_420 {strides = array<i32>} : memref<3x208xf32, #tpu.memory_space<vmem>>, vector<16xf32>,
    %get3A_425 = arith.constant 0 : i32
    %get3A_426 = arith.index_cast %get3A_425 : i32 to index
    %get3A_427 = arith.constant 144 : index
    %get3A_428 = tpu.vector_load %arg7[%get3A_426, %get3A_427] {strides = array<i32>} : memref<4x208xi32, #tpu.memory_space<vmem>>, vector<16xi32>,
    %gather3A_429 = tpu.vector_load_idx %arg6[%get3A_428] : memref<50176xf32, #tpu.memory_space<vmem>>[vector<16xi32>], vector<16xf32>,
    %get3A_430 = arith.constant 0 : i32
    %get3A_431 = arith.index_cast %get3A_430 : i32 to index
    %get3A_432 = arith.constant 144 : index
    %get3A_433 = tpu.vector_load %arg8[%get3A_431, %get3A_432] {strides = array<i32>} : memref<4x208xf32, #tpu.memory_space<vmem>>, vector<16xf32>,
    %mul3A_434 = arith.mulf %gather3A_429, %get3A_433 : vector<16xf32>
    %get3A_435 = arith.constant 1 : i32
    %get3A_436 = arith.index_cast %get3A_435 : i32 to index
    %get3A_437 = arith.constant 144 : index
    %get3A_438 = tpu.vector_load %arg7[%get3A_436, %get3A_437] {strides = array<i32>} : memref<4x208xi32, #tpu.memory_space<vmem>>, vector<16xi32>,
    %gather3A_439 = tpu.vector_load_idx %arg6[%get3A_438] : memref<50176xf32, #tpu.memory_space<vmem>>[vector<16xi32>], vector<16xf32>,
    %get3A_440 = arith.constant 1 : i32
    %get3A_441 = arith.index_cast %get3A_440 : i32 to index
    %get3A_442 = arith.constant 144 : index
    %get3A_443 = tpu.vector_load %arg8[%get3A_441, %get3A_442] {strides = array<i32>} : memref<4x208xf32, #tpu.memory_space<vmem>>, vector<16xf32>,
    %mul3A_444 = arith.mulf %gather3A_439, %get3A_443 : vector<16xf32>
    %add3A_445 = arith.addf %mul3A_434, %mul3A_444 : vector<16xf32>
    %get3A_446 = arith.constant 2 : i32
    %get3A_447 = arith.index_cast %get3A_446 : i32 to index
    %get3A_448 = arith.constant 144 : index
    %get3A_449 = tpu.vector_load %arg7[%get3A_447, %get3A_448] {strides = array<i32>} : memref<4x208xi32, #tpu.memory_space<vmem>>, vector<16xi32>,
    %gather3A_450 = tpu.vector_load_idx %arg6[%get3A_449] : memref<50176xf32, #tpu.memory_space<vmem>>[vector<16xi32>], vector<16xf32>,
    %get3A_451 = arith.constant 2 : i32
    %get3A_452 = arith.index_cast %get3A_451 : i32 to index
    %get3A_453 = arith.constant 144 : index
    %get3A_454 = tpu.vector_load %arg8[%get3A_452, %get3A_453] {strides = array<i32>} : memref<4x208xf32, #tpu.memory_space<vmem>>, vector<16xf32>,
    %mul3A_455 = arith.mulf %gather3A_450, %get3A_454 : vector<16xf32>
    %add3A_456 = arith.addf %add3A_445, %mul3A_455 : vector<16xf32>
    %get3A_457 = arith.constant 3 : i32
    %get3A_458 = arith.index_cast %get3A_457 : i32 to index
    %get3A_459 = arith.constant 144 : index
    %get3A_460 = tpu.vector_load %arg7[%get3A_458, %get3A_459] {strides = array<i32>} : memref<4x208xi32, #tpu.memory_space<vmem>>, vector<16xi32>,
    %gather3A_461 = tpu.vector_load_idx %arg6[%get3A_460] : memref<50176xf32, #tpu.memory_space<vmem>>[vector<16xi32>], vector<16xf32>,
    %get3A_462 = arith.constant 3 : i32
    %get3A_463 = arith.index_cast %get3A_462 : i32 to index
    %get3A_464 = arith.constant 144 : index
    %get3A_465 = tpu.vector_load %arg8[%get3A_463, %get3A_464] {strides = array<i32>} : memref<4x208xf32, #tpu.memory_space<vmem>>, vector<16xf32>,
    %mul3A_466 = arith.mulf %gather3A_461, %get3A_465 : vector<16xf32>
    %add3A_467 = arith.addf %add3A_456, %mul3A_466 : vector<16xf32>
    %swap3A_468 = arith.constant 0 : i32
    %swap3A_469 = arith.index_cast %swap3A_468 : i32 to index
    %swap3A_470 = arith.constant 144 : index
    %swap3A_471 = tpu.vector_load %arg9[%swap3A_469, %swap3A_470] {strides = array<i32>} : memref<3x208xf32, #tpu.memory_space<vmem>>, vector<16xf32>,
    tpu.vector_store %arg9[%swap3A_469, %swap3A_470], %add3A_467 {strides = array<i32>} : memref<3x208xf32, #tpu.memory_space<vmem>>, vector<16xf32>,
    %get3A_472 = arith.constant 0 : i32
    %get3A_473 = arith.index_cast %get3A_472 : i32 to index
    %get3A_474 = arith.constant 160 : index
    %get3A_475 = tpu.vector_load %arg7[%get3A_473, %get3A_474] {strides = array<i32>} : memref<4x208xi32, #tpu.memory_space<vmem>>, vector<16xi32>,
    %gather3A_476 = tpu.vector_load_idx %arg6[%get3A_475] : memref<50176xf32, #tpu.memory_space<vmem>>[vector<16xi32>], vector<16xf32>,
    %get3A_477 = arith.constant 0 : i32
    %get3A_478 = arith.index_cast %get3A_477 : i32 to index
    %get3A_479 = arith.constant 160 : index
    %get3A_480 = tpu.vector_load %arg8[%get3A_478, %get3A_479] {strides = array<i32>} : memref<4x208xf32, #tpu.memory_space<vmem>>, vector<16xf32>,
    %mul3A_481 = arith.mulf %gather3A_476, %get3A_480 : vector<16xf32>
    %get3A_482 = arith.constant 1 : i32
    %get3A_483 = arith.index_cast %get3A_482 : i32 to index
    %get3A_484 = arith.constant 160 : index
    %get3A_485 = tpu.vector_load %arg7[%get3A_483, %get3A_484] {strides = array<i32>} : memref<4x208xi32, #tpu.memory_space<vmem>>, vector<16xi32>,
    %gather3A_486 = tpu.vector_load_idx %arg6[%get3A_485] : memref<50176xf32, #tpu.memory_space<vmem>>[vector<16xi32>], vector<16xf32>,
    %get3A_487 = arith.constant 1 : i32
    %get3A_488 = arith.index_cast %get3A_487 : i32 to index
    %get3A_489 = arith.constant 160 : index
    %get3A_490 = tpu.vector_load %arg8[%get3A_488, %get3A_489] {strides = array<i32>} : memref<4x208xf32, #tpu.memory_space<vmem>>, vector<16xf32>,
    %mul3A_491 = arith.mulf %gather3A_486, %get3A_490 : vector<16xf32>
    %add3A_492 = arith.addf %mul3A_481, %mul3A_491 : vector<16xf32>
    %get3A_493 = arith.constant 2 : i32
    %get3A_494 = arith.index_cast %get3A_493 : i32 to index
    %get3A_495 = arith.constant 160 : index
    %get3A_496 = tpu.vector_load %arg7[%get3A_494, %get3A_495] {strides = array<i32>} : memref<4x208xi32, #tpu.memory_space<vmem>>, vector<16xi32>,
    %gather3A_497 = tpu.vector_load_idx %arg6[%get3A_496] : memref<50176xf32, #tpu.memory_space<vmem>>[vector<16xi32>], vector<16xf32>,
    %get3A_498 = arith.constant 2 : i32
    %get3A_499 = arith.index_cast %get3A_498 : i32 to index
    %get3A_500 = arith.constant 160 : index
    %get3A_501 = tpu.vector_load %arg8[%get3A_499, %get3A_500] {strides = array<i32>} : memref<4x208xf32, #tpu.memory_space<vmem>>, vector<16xf32>,
    %mul3A_502 = arith.mulf %gather3A_497, %get3A_501 : vector<16xf32>
    %add3A_503 = arith.addf %add3A_492, %mul3A_502 : vector<16xf32>
    %get3A_504 = arith.constant 3 : i32
    %get3A_505 = arith.index_cast %get3A_504 : i32 to index
    %get3A_506 = arith.constant 160 : index
    %get3A_507 = tpu.vector_load %arg7[%get3A_505, %get3A_506] {strides = array<i32>} : memref<4x208xi32, #tpu.memory_space<vmem>>, vector<16xi32>,
    %gather3A_508 = tpu.vector_load_idx %arg6[%get3A_507] : memref<50176xf32, #tpu.memory_space<vmem>>[vector<16xi32>], vector<16xf32>,
    %get3A_509 = arith.constant 3 : i32
    %get3A_510 = arith.index_cast %get3A_509 : i32 to index
    %get3A_511 = arith.constant 160 : index
    %get3A_512 = tpu.vector_load %arg8[%get3A_510, %get3A_511] {strides = array<i32>} : memref<4x208xf32, #tpu.memory_space<vmem>>, vector<16xf32>,
    %mul3A_513 = arith.mulf %gather3A_508, %get3A_512 : vector<16xf32>
    %add3A_514 = arith.addf %add3A_503, %mul3A_513 : vector<16xf32>
    %swap3A_515 = arith.constant 0 : i32
    %swap3A_516 = arith.index_cast %swap3A_515 : i32 to index
    %swap3A_517 = arith.constant 160 : index
    %swap3A_518 = tpu.vector_load %arg9[%swap3A_516, %swap3A_517] {strides = array<i32>} : memref<3x208xf32, #tpu.memory_space<vmem>>, vector<16xf32>,
    tpu.vector_store %arg9[%swap3A_516, %swap3A_517], %add3A_514 {strides = array<i32>} : memref<3x208xf32, #tpu.memory_space<vmem>>, vector<16xf32>,
    %get3A_519 = arith.constant 0 : i32
    %get3A_520 = arith.index_cast %get3A_519 : i32 to index
    %get3A_521 = arith.constant 176 : index
    %get3A_522 = tpu.vector_load %arg7[%get3A_520, %get3A_521] {strides = array<i32>} : memref<4x208xi32, #tpu.memory_space<vmem>>, vector<16xi32>,
    %gather3A_523 = tpu.vector_load_idx %arg6[%get3A_522] : memref<50176xf32, #tpu.memory_space<vmem>>[vector<16xi32>], vector<16xf32>,
    %get3A_524 = arith.constant 0 : i32
    %get3A_525 = arith.index_cast %get3A_524 : i32 to index
    %get3A_526 = arith.constant 176 : index
    %get3A_527 = tpu.vector_load %arg8[%get3A_525, %get3A_526] {strides = array<i32>} : memref<4x208xf32, #tpu.memory_space<vmem>>, vector<16xf32>,
    %mul3A_528 = arith.mulf %gather3A_523, %get3A_527 : vector<16xf32>
    %get3A_529 = arith.constant 1 : i32
    %get3A_530 = arith.index_cast %get3A_529 : i32 to index
    %get3A_531 = arith.constant 176 : index
    %get3A_532 = tpu.vector_load %arg7[%get3A_530, %get3A_531] {strides = array<i32>} : memref<4x208xi32, #tpu.memory_space<vmem>>, vector<16xi32>,
    %gather3A_533 = tpu.vector_load_idx %arg6[%get3A_532] : memref<50176xf32, #tpu.memory_space<vmem>>[vector<16xi32>], vector<16xf32>,
    %get3A_534 = arith.constant 1 : i32
    %get3A_535 = arith.index_cast %get3A_534 : i32 to index
    %get3A_536 = arith.constant 176 : index
    %get3A_537 = tpu.vector_load %arg8[%get3A_535, %get3A_536] {strides = array<i32>} : memref<4x208xf32, #tpu.memory_space<vmem>>, vector<16xf32>,
    %mul3A_538 = arith.mulf %gather3A_533, %get3A_537 : vector<16xf32>
    %add3A_539 = arith.addf %mul3A_528, %mul3A_538 : vector<16xf32>
    %get3A_540 = arith.constant 2 : i32
    %get3A_541 = arith.index_cast %get3A_540 : i32 to index
    %get3A_542 = arith.constant 176 : index
    %get3A_543 = tpu.vector_load %arg7[%get3A_541, %get3A_542] {strides = array<i32>} : memref<4x208xi32, #tpu.memory_space<vmem>>, vector<16xi32>,
    %gather3A_544 = tpu.vector_load_idx %arg6[%get3A_543] : memref<50176xf32, #tpu.memory_space<vmem>>[vector<16xi32>], vector<16xf32>,
    %get3A_545 = arith.constant 2 : i32
    %get3A_546 = arith.index_cast %get3A_545 : i32 to index
    %get3A_547 = arith.constant 176 : index
    %get3A_548 = tpu.vector_load %arg8[%get3A_546, %get3A_547] {strides = array<i32>} : memref<4x208xf32, #tpu.memory_space<vmem>>, vector<16xf32>,
    %mul3A_549 = arith.mulf %gather3A_544, %get3A_548 : vector<16xf32>
    %add3A_550 = arith.addf %add3A_539, %mul3A_549 : vector<16xf32>
    %get3A_551 = arith.constant 3 : i32
    %get3A_552 = arith.index_cast %get3A_551 : i32 to index
    %get3A_553 = arith.constant 176 : index
    %get3A_554 = tpu.vector_load %arg7[%get3A_552, %get3A_553] {strides = array<i32>} : memref<4x208xi32, #tpu.memory_space<vmem>>, vector<16xi32>,
    %gather3A_555 = tpu.vector_load_idx %arg6[%get3A_554] : memref<50176xf32, #tpu.memory_space<vmem>>[vector<16xi32>], vector<16xf32>,
    %get3A_556 = arith.constant 3 : i32
    %get3A_557 = arith.index_cast %get3A_556 : i32 to index
    %get3A_558 = arith.constant 176 : index
    %get3A_559 = tpu.vector_load %arg8[%get3A_557, %get3A_558] {strides = array<i32>} : memref<4x208xf32, #tpu.memory_space<vmem>>, vector<16xf32>,
    %mul3A_560 = arith.mulf %gather3A_555, %get3A_559 : vector<16xf32>
    %add3A_561 = arith.addf %add3A_550, %mul3A_560 : vector<16xf32>
    %swap3A_562 = arith.constant 0 : i32
    %swap3A_563 = arith.index_cast %swap3A_562 : i32 to index
    %swap3A_564 = arith.constant 176 : index
    %swap3A_565 = tpu.vector_load %arg9[%swap3A_563, %swap3A_564] {strides = array<i32>} : memref<3x208xf32, #tpu.memory_space<vmem>>, vector<16xf32>,
    tpu.vector_store %arg9[%swap3A_563, %swap3A_564], %add3A_561 {strides = array<i32>} : memref<3x208xf32, #tpu.memory_space<vmem>>, vector<16xf32>,
    %get3A_566 = arith.constant 0 : i32
    %get3A_567 = arith.index_cast %get3A_566 : i32 to index
    %get3A_568 = arith.constant 192 : index
    %get3A_569 = tpu.vector_load %arg7[%get3A_567, %get3A_568] {strides = array<i32>} : memref<4x208xi32, #tpu.memory_space<vmem>>, vector<16xi32>,
    %gather3A_570 = tpu.vector_load_idx %arg6[%get3A_569] : memref<50176xf32, #tpu.memory_space<vmem>>[vector<16xi32>], vector<16xf32>,
    %get3A_571 = arith.constant 0 : i32
    %get3A_572 = arith.index_cast %get3A_571 : i32 to index
    %get3A_573 = arith.constant 192 : index
    %get3A_574 = tpu.vector_load %arg8[%get3A_572, %get3A_573] {strides = array<i32>} : memref<4x208xf32, #tpu.memory_space<vmem>>, vector<16xf32>,
    %mul3A_575 = arith.mulf %gather3A_570, %get3A_574 : vector<16xf32>
    %get3A_576 = arith.constant 1 : i32
    %get3A_577 = arith.index_cast %get3A_576 : i32 to index
    %get3A_578 = arith.constant 192 : index
    %get3A_579 = tpu.vector_load %arg7[%get3A_577, %get3A_578] {strides = array<i32>} : memref<4x208xi32, #tpu.memory_space<vmem>>, vector<16xi32>,
    %gather3A_580 = tpu.vector_load_idx %arg6[%get3A_579] : memref<50176xf32, #tpu.memory_space<vmem>>[vector<16xi32>], vector<16xf32>,
    %get3A_581 = arith.constant 1 : i32
    %get3A_582 = arith.index_cast %get3A_581 : i32 to index
    %get3A_583 = arith.constant 192 : index
    %get3A_584 = tpu.vector_load %arg8[%get3A_582, %get3A_583] {strides = array<i32>} : memref<4x208xf32, #tpu.memory_space<vmem>>, vector<16xf32>,
    %mul3A_585 = arith.mulf %gather3A_580, %get3A_584 : vector<16xf32>
    %add3A_586 = arith.addf %mul3A_575, %mul3A_585 : vector<16xf32>
    %get3A_587 = arith.constant 2 : i32
    %get3A_588 = arith.index_cast %get3A_587 : i32 to index
    %get3A_589 = arith.constant 192 : index
    %get3A_590 = tpu.vector_load %arg7[%get3A_588, %get3A_589] {strides = array<i32>} : memref<4x208xi32, #tpu.memory_space<vmem>>, vector<16xi32>,
    %gather3A_591 = tpu.vector_load_idx %arg6[%get3A_590] : memref<50176xf32, #tpu.memory_space<vmem>>[vector<16xi32>], vector<16xf32>,
    %get3A_592 = arith.constant 2 : i32
    %get3A_593 = arith.index_cast %get3A_592 : i32 to index
    %get3A_594 = arith.constant 192 : index
    %get3A_595 = tpu.vector_load %arg8[%get3A_593, %get3A_594] {strides = array<i32>} : memref<4x208xf32, #tpu.memory_space<vmem>>, vector<16xf32>,
    %mul3A_596 = arith.mulf %gather3A_591, %get3A_595 : vector<16xf32>
    %add3A_597 = arith.addf %add3A_586, %mul3A_596 : vector<16xf32>
    %get3A_598 = arith.constant 3 : i32
    %get3A_599 = arith.index_cast %get3A_598 : i32 to index
    %get3A_600 = arith.constant 192 : index
    %get3A_601 = tpu.vector_load %arg7[%get3A_599, %get3A_600] {strides = array<i32>} : memref<4x208xi32, #tpu.memory_space<vmem>>, vector<16xi32>,
    %gather3A_602 = tpu.vector_load_idx %arg6[%get3A_601] : memref<50176xf32, #tpu.memory_space<vmem>>[vector<16xi32>], vector<16xf32>,
    %get3A_603 = arith.constant 3 : i32
    %get3A_604 = arith.index_cast %get3A_603 : i32 to index
    %get3A_605 = arith.constant 192 : index
    %get3A_606 = tpu.vector_load %arg8[%get3A_604, %get3A_605] {strides = array<i32>} : memref<4x208xf32, #tpu.memory_space<vmem>>, vector<16xf32>,
    %mul3A_607 = arith.mulf %gather3A_602, %get3A_606 : vector<16xf32>
    %add3A_608 = arith.addf %add3A_597, %mul3A_607 : vector<16xf32>
    %swap3A_609 = arith.constant 0 : i32
    %swap3A_610 = arith.index_cast %swap3A_609 : i32 to index
    %swap3A_611 = arith.constant 192 : index
    %swap3A_612 = tpu.vector_load %arg9[%swap3A_610, %swap3A_611] {strides = array<i32>} : memref<3x208xf32, #tpu.memory_space<vmem>>, vector<16xf32>,
    tpu.vector_store %arg9[%swap3A_610, %swap3A_611], %add3A_608 {strides = array<i32>} : memref<3x208xf32, #tpu.memory_space<vmem>>, vector<16xf32>,
    %mul3A_613 = arith.constant 3 : i32
    %mul3A_614 = arith.muli %add3A, %mul3A_613 : i32
    %add3A_615 = arith.constant 1 : i32
    %add3A_616 = arith.addi %mul3A_614, %add3A_615 : i32
    "tpu.region"() ({
      %run_scoped3A = tpu.sem_alloc : memref<!tpu.dma_semaphore, #tpu.memory_space<semaphore_mem>>
      %dma_start3A = arith.constant 0 : i32
      %dma_start3A_1843 = tpu.memref_slice %arg2[%add3A_616, %dma_start3A] : memref<96x50176xf32, #tpu.memory_space<hbm>> -> memref<1x50176xf32, #tpu.memory_space<hbm>>
      %dma_start3A_1844 = tpu.memref_squeeze %dma_start3A_1843 : memref<1x50176xf32, #tpu.memory_space<hbm>> -> memref<50176xf32, #tpu.memory_space<hbm>>
      %dma_start3A_1845 = arith.constant 0 : i32
      %dma_start3A_1846 = tpu.memref_slice %arg2[%add3A_616, %dma_start3A_1845] : memref<96x50176xf32, #tpu.memory_space<hbm>> -> memref<1x50176xf32, #tpu.memory_space<hbm>>
      %dma_start3A_1847 = tpu.memref_squeeze %dma_start3A_1846 : memref<1x50176xf32, #tpu.memory_space<hbm>> -> memref<50176xf32, #tpu.memory_space<hbm>>
      tpu.enqueue_dma source(%dma_start3A_1847 : memref<50176xf32, #tpu.memory_space<hbm>>) target(%arg6 : memref<50176xf32, #tpu.memory_space<vmem>>) target_semaphore(%run_scoped3A : memref<!tpu.dma_semaphore, #tpu.memory_space<semaphore_mem>>)
      %dma_wait3A = arith.constant 0 : i32
      %dma_wait3A_1848 = tpu.memref_slice %arg2[%add3A_616, %dma_wait3A] : memref<96x50176xf32, #tpu.memory_space<hbm>> -> memref<1x50176xf32, #tpu.memory_space<hbm>>
      %dma_wait3A_1849 = tpu.memref_squeeze %dma_wait3A_1848 : memref<1x50176xf32, #tpu.memory_space<hbm>> -> memref<50176xf32, #tpu.memory_space<hbm>>
      %dma_wait3A_1850 = arith.constant 0 : i32
      %dma_wait3A_1851 = tpu.memref_slice %arg2[%add3A_616, %dma_wait3A_1850] : memref<96x50176xf32, #tpu.memory_space<hbm>> -> memref<1x50176xf32, #tpu.memory_space<hbm>>
      %dma_wait3A_1852 = tpu.memref_squeeze %dma_wait3A_1851 : memref<1x50176xf32, #tpu.memory_space<hbm>> -> memref<50176xf32, #tpu.memory_space<hbm>>
      tpu.wait_dma2 semaphore(%run_scoped3A : memref<!tpu.dma_semaphore, #tpu.memory_space<semaphore_mem>>) src(%dma_wait3A_1852 : memref<50176xf32, #tpu.memory_space<hbm>>) dst(%arg6 : memref<50176xf32, #tpu.memory_space<vmem>>)
      tpu.yield
    }) : () -> ()
    %get3A_617 = arith.constant 0 : i32
    %get3A_618 = arith.index_cast %get3A_617 : i32 to index
    %get3A_619 = arith.constant 0 : index
    %get3A_620 = tpu.vector_load %arg7[%get3A_618, %get3A_619] {strides = array<i32>} : memref<4x208xi32, #tpu.memory_space<vmem>>, vector<16xi32>,
    %gather3A_621 = tpu.vector_load_idx %arg6[%get3A_620] : memref<50176xf32, #tpu.memory_space<vmem>>[vector<16xi32>], vector<16xf32>,
    %get3A_622 = arith.constant 0 : i32
    %get3A_623 = arith.index_cast %get3A_622 : i32 to index
    %get3A_624 = arith.constant 0 : index
    %get3A_625 = tpu.vector_load %arg8[%get3A_623, %get3A_624] {strides = array<i32>} : memref<4x208xf32, #tpu.memory_space<vmem>>, vector<16xf32>,
    %mul3A_626 = arith.mulf %gather3A_621, %get3A_625 : vector<16xf32>
    %get3A_627 = arith.constant 1 : i32
    %get3A_628 = arith.index_cast %get3A_627 : i32 to index
    %get3A_629 = arith.constant 0 : index
    %get3A_630 = tpu.vector_load %arg7[%get3A_628, %get3A_629] {strides = array<i32>} : memref<4x208xi32, #tpu.memory_space<vmem>>, vector<16xi32>,
    %gather3A_631 = tpu.vector_load_idx %arg6[%get3A_630] : memref<50176xf32, #tpu.memory_space<vmem>>[vector<16xi32>], vector<16xf32>,
    %get3A_632 = arith.constant 1 : i32
    %get3A_633 = arith.index_cast %get3A_632 : i32 to index
    %get3A_634 = arith.constant 0 : index
    %get3A_635 = tpu.vector_load %arg8[%get3A_633, %get3A_634] {strides = array<i32>} : memref<4x208xf32, #tpu.memory_space<vmem>>, vector<16xf32>,
    %mul3A_636 = arith.mulf %gather3A_631, %get3A_635 : vector<16xf32>
    %add3A_637 = arith.addf %mul3A_626, %mul3A_636 : vector<16xf32>
    %get3A_638 = arith.constant 2 : i32
    %get3A_639 = arith.index_cast %get3A_638 : i32 to index
    %get3A_640 = arith.constant 0 : index
    %get3A_641 = tpu.vector_load %arg7[%get3A_639, %get3A_640] {strides = array<i32>} : memref<4x208xi32, #tpu.memory_space<vmem>>, vector<16xi32>,
    %gather3A_642 = tpu.vector_load_idx %arg6[%get3A_641] : memref<50176xf32, #tpu.memory_space<vmem>>[vector<16xi32>], vector<16xf32>,
    %get3A_643 = arith.constant 2 : i32
    %get3A_644 = arith.index_cast %get3A_643 : i32 to index
    %get3A_645 = arith.constant 0 : index
    %get3A_646 = tpu.vector_load %arg8[%get3A_644, %get3A_645] {strides = array<i32>} : memref<4x208xf32, #tpu.memory_space<vmem>>, vector<16xf32>,
    %mul3A_647 = arith.mulf %gather3A_642, %get3A_646 : vector<16xf32>
    %add3A_648 = arith.addf %add3A_637, %mul3A_647 : vector<16xf32>
    %get3A_649 = arith.constant 3 : i32
    %get3A_650 = arith.index_cast %get3A_649 : i32 to index
    %get3A_651 = arith.constant 0 : index
    %get3A_652 = tpu.vector_load %arg7[%get3A_650, %get3A_651] {strides = array<i32>} : memref<4x208xi32, #tpu.memory_space<vmem>>, vector<16xi32>,
    %gather3A_653 = tpu.vector_load_idx %arg6[%get3A_652] : memref<50176xf32, #tpu.memory_space<vmem>>[vector<16xi32>], vector<16xf32>,
    %get3A_654 = arith.constant 3 : i32
    %get3A_655 = arith.index_cast %get3A_654 : i32 to index
    %get3A_656 = arith.constant 0 : index
    %get3A_657 = tpu.vector_load %arg8[%get3A_655, %get3A_656] {strides = array<i32>} : memref<4x208xf32, #tpu.memory_space<vmem>>, vector<16xf32>,
    %mul3A_658 = arith.mulf %gather3A_653, %get3A_657 : vector<16xf32>
    %add3A_659 = arith.addf %add3A_648, %mul3A_658 : vector<16xf32>
    %swap3A_660 = arith.constant 1 : i32
    %swap3A_661 = arith.index_cast %swap3A_660 : i32 to index
    %swap3A_662 = arith.constant 0 : index
    %swap3A_663 = tpu.vector_load %arg9[%swap3A_661, %swap3A_662] {strides = array<i32>} : memref<3x208xf32, #tpu.memory_space<vmem>>, vector<16xf32>,
    tpu.vector_store %arg9[%swap3A_661, %swap3A_662], %add3A_659 {strides = array<i32>} : memref<3x208xf32, #tpu.memory_space<vmem>>, vector<16xf32>,
    %get3A_664 = arith.constant 0 : i32
    %get3A_665 = arith.index_cast %get3A_664 : i32 to index
    %get3A_666 = arith.constant 16 : index
    %get3A_667 = tpu.vector_load %arg7[%get3A_665, %get3A_666] {strides = array<i32>} : memref<4x208xi32, #tpu.memory_space<vmem>>, vector<16xi32>,
    %gather3A_668 = tpu.vector_load_idx %arg6[%get3A_667] : memref<50176xf32, #tpu.memory_space<vmem>>[vector<16xi32>], vector<16xf32>,
    %get3A_669 = arith.constant 0 : i32
    %get3A_670 = arith.index_cast %get3A_669 : i32 to index
    %get3A_671 = arith.constant 16 : index
    %get3A_672 = tpu.vector_load %arg8[%get3A_670, %get3A_671] {strides = array<i32>} : memref<4x208xf32, #tpu.memory_space<vmem>>, vector<16xf32>,
    %mul3A_673 = arith.mulf %gather3A_668, %get3A_672 : vector<16xf32>
    %get3A_674 = arith.constant 1 : i32
    %get3A_675 = arith.index_cast %get3A_674 : i32 to index
    %get3A_676 = arith.constant 16 : index
    %get3A_677 = tpu.vector_load %arg7[%get3A_675, %get3A_676] {strides = array<i32>} : memref<4x208xi32, #tpu.memory_space<vmem>>, vector<16xi32>,
    %gather3A_678 = tpu.vector_load_idx %arg6[%get3A_677] : memref<50176xf32, #tpu.memory_space<vmem>>[vector<16xi32>], vector<16xf32>,
    %get3A_679 = arith.constant 1 : i32
    %get3A_680 = arith.index_cast %get3A_679 : i32 to index
    %get3A_681 = arith.constant 16 : index
    %get3A_682 = tpu.vector_load %arg8[%get3A_680, %get3A_681] {strides = array<i32>} : memref<4x208xf32, #tpu.memory_space<vmem>>, vector<16xf32>,
    %mul3A_683 = arith.mulf %gather3A_678, %get3A_682 : vector<16xf32>
    %add3A_684 = arith.addf %mul3A_673, %mul3A_683 : vector<16xf32>
    %get3A_685 = arith.constant 2 : i32
    %get3A_686 = arith.index_cast %get3A_685 : i32 to index
    %get3A_687 = arith.constant 16 : index
    %get3A_688 = tpu.vector_load %arg7[%get3A_686, %get3A_687] {strides = array<i32>} : memref<4x208xi32, #tpu.memory_space<vmem>>, vector<16xi32>,
    %gather3A_689 = tpu.vector_load_idx %arg6[%get3A_688] : memref<50176xf32, #tpu.memory_space<vmem>>[vector<16xi32>], vector<16xf32>,
    %get3A_690 = arith.constant 2 : i32
    %get3A_691 = arith.index_cast %get3A_690 : i32 to index
    %get3A_692 = arith.constant 16 : index
    %get3A_693 = tpu.vector_load %arg8[%get3A_691, %get3A_692] {strides = array<i32>} : memref<4x208xf32, #tpu.memory_space<vmem>>, vector<16xf32>,
    %mul3A_694 = arith.mulf %gather3A_689, %get3A_693 : vector<16xf32>
    %add3A_695 = arith.addf %add3A_684, %mul3A_694 : vector<16xf32>
    %get3A_696 = arith.constant 3 : i32
    %get3A_697 = arith.index_cast %get3A_696 : i32 to index
    %get3A_698 = arith.constant 16 : index
    %get3A_699 = tpu.vector_load %arg7[%get3A_697, %get3A_698] {strides = array<i32>} : memref<4x208xi32, #tpu.memory_space<vmem>>, vector<16xi32>,
    %gather3A_700 = tpu.vector_load_idx %arg6[%get3A_699] : memref<50176xf32, #tpu.memory_space<vmem>>[vector<16xi32>], vector<16xf32>,
    %get3A_701 = arith.constant 3 : i32
    %get3A_702 = arith.index_cast %get3A_701 : i32 to index
    %get3A_703 = arith.constant 16 : index
    %get3A_704 = tpu.vector_load %arg8[%get3A_702, %get3A_703] {strides = array<i32>} : memref<4x208xf32, #tpu.memory_space<vmem>>, vector<16xf32>,
    %mul3A_705 = arith.mulf %gather3A_700, %get3A_704 : vector<16xf32>
    %add3A_706 = arith.addf %add3A_695, %mul3A_705 : vector<16xf32>
    %swap3A_707 = arith.constant 1 : i32
    %swap3A_708 = arith.index_cast %swap3A_707 : i32 to index
    %swap3A_709 = arith.constant 16 : index
    %swap3A_710 = tpu.vector_load %arg9[%swap3A_708, %swap3A_709] {strides = array<i32>} : memref<3x208xf32, #tpu.memory_space<vmem>>, vector<16xf32>,
    tpu.vector_store %arg9[%swap3A_708, %swap3A_709], %add3A_706 {strides = array<i32>} : memref<3x208xf32, #tpu.memory_space<vmem>>, vector<16xf32>,
    %get3A_711 = arith.constant 0 : i32
    %get3A_712 = arith.index_cast %get3A_711 : i32 to index
    %get3A_713 = arith.constant 32 : index
    %get3A_714 = tpu.vector_load %arg7[%get3A_712, %get3A_713] {strides = array<i32>} : memref<4x208xi32, #tpu.memory_space<vmem>>, vector<16xi32>,
    %gather3A_715 = tpu.vector_load_idx %arg6[%get3A_714] : memref<50176xf32, #tpu.memory_space<vmem>>[vector<16xi32>], vector<16xf32>,
    %get3A_716 = arith.constant 0 : i32
    %get3A_717 = arith.index_cast %get3A_716 : i32 to index
    %get3A_718 = arith.constant 32 : index
    %get3A_719 = tpu.vector_load %arg8[%get3A_717, %get3A_718] {strides = array<i32>} : memref<4x208xf32, #tpu.memory_space<vmem>>, vector<16xf32>,
    %mul3A_720 = arith.mulf %gather3A_715, %get3A_719 : vector<16xf32>
    %get3A_721 = arith.constant 1 : i32
    %get3A_722 = arith.index_cast %get3A_721 : i32 to index
    %get3A_723 = arith.constant 32 : index
    %get3A_724 = tpu.vector_load %arg7[%get3A_722, %get3A_723] {strides = array<i32>} : memref<4x208xi32, #tpu.memory_space<vmem>>, vector<16xi32>,
    %gather3A_725 = tpu.vector_load_idx %arg6[%get3A_724] : memref<50176xf32, #tpu.memory_space<vmem>>[vector<16xi32>], vector<16xf32>,
    %get3A_726 = arith.constant 1 : i32
    %get3A_727 = arith.index_cast %get3A_726 : i32 to index
    %get3A_728 = arith.constant 32 : index
    %get3A_729 = tpu.vector_load %arg8[%get3A_727, %get3A_728] {strides = array<i32>} : memref<4x208xf32, #tpu.memory_space<vmem>>, vector<16xf32>,
    %mul3A_730 = arith.mulf %gather3A_725, %get3A_729 : vector<16xf32>
    %add3A_731 = arith.addf %mul3A_720, %mul3A_730 : vector<16xf32>
    %get3A_732 = arith.constant 2 : i32
    %get3A_733 = arith.index_cast %get3A_732 : i32 to index
    %get3A_734 = arith.constant 32 : index
    %get3A_735 = tpu.vector_load %arg7[%get3A_733, %get3A_734] {strides = array<i32>} : memref<4x208xi32, #tpu.memory_space<vmem>>, vector<16xi32>,
    %gather3A_736 = tpu.vector_load_idx %arg6[%get3A_735] : memref<50176xf32, #tpu.memory_space<vmem>>[vector<16xi32>], vector<16xf32>,
    %get3A_737 = arith.constant 2 : i32
    %get3A_738 = arith.index_cast %get3A_737 : i32 to index
    %get3A_739 = arith.constant 32 : index
    %get3A_740 = tpu.vector_load %arg8[%get3A_738, %get3A_739] {strides = array<i32>} : memref<4x208xf32, #tpu.memory_space<vmem>>, vector<16xf32>,
    %mul3A_741 = arith.mulf %gather3A_736, %get3A_740 : vector<16xf32>
    %add3A_742 = arith.addf %add3A_731, %mul3A_741 : vector<16xf32>
    %get3A_743 = arith.constant 3 : i32
    %get3A_744 = arith.index_cast %get3A_743 : i32 to index
    %get3A_745 = arith.constant 32 : index
    %get3A_746 = tpu.vector_load %arg7[%get3A_744, %get3A_745] {strides = array<i32>} : memref<4x208xi32, #tpu.memory_space<vmem>>, vector<16xi32>,
    %gather3A_747 = tpu.vector_load_idx %arg6[%get3A_746] : memref<50176xf32, #tpu.memory_space<vmem>>[vector<16xi32>], vector<16xf32>,
    %get3A_748 = arith.constant 3 : i32
    %get3A_749 = arith.index_cast %get3A_748 : i32 to index
    %get3A_750 = arith.constant 32 : index
    %get3A_751 = tpu.vector_load %arg8[%get3A_749, %get3A_750] {strides = array<i32>} : memref<4x208xf32, #tpu.memory_space<vmem>>, vector<16xf32>,
    %mul3A_752 = arith.mulf %gather3A_747, %get3A_751 : vector<16xf32>
    %add3A_753 = arith.addf %add3A_742, %mul3A_752 : vector<16xf32>
    %swap3A_754 = arith.constant 1 : i32
    %swap3A_755 = arith.index_cast %swap3A_754 : i32 to index
    %swap3A_756 = arith.constant 32 : index
    %swap3A_757 = tpu.vector_load %arg9[%swap3A_755, %swap3A_756] {strides = array<i32>} : memref<3x208xf32, #tpu.memory_space<vmem>>, vector<16xf32>,
    tpu.vector_store %arg9[%swap3A_755, %swap3A_756], %add3A_753 {strides = array<i32>} : memref<3x208xf32, #tpu.memory_space<vmem>>, vector<16xf32>,
    %get3A_758 = arith.constant 0 : i32
    %get3A_759 = arith.index_cast %get3A_758 : i32 to index
    %get3A_760 = arith.constant 48 : index
    %get3A_761 = tpu.vector_load %arg7[%get3A_759, %get3A_760] {strides = array<i32>} : memref<4x208xi32, #tpu.memory_space<vmem>>, vector<16xi32>,
    %gather3A_762 = tpu.vector_load_idx %arg6[%get3A_761] : memref<50176xf32, #tpu.memory_space<vmem>>[vector<16xi32>], vector<16xf32>,
    %get3A_763 = arith.constant 0 : i32
    %get3A_764 = arith.index_cast %get3A_763 : i32 to index
    %get3A_765 = arith.constant 48 : index
    %get3A_766 = tpu.vector_load %arg8[%get3A_764, %get3A_765] {strides = array<i32>} : memref<4x208xf32, #tpu.memory_space<vmem>>, vector<16xf32>,
    %mul3A_767 = arith.mulf %gather3A_762, %get3A_766 : vector<16xf32>
    %get3A_768 = arith.constant 1 : i32
    %get3A_769 = arith.index_cast %get3A_768 : i32 to index
    %get3A_770 = arith.constant 48 : index
    %get3A_771 = tpu.vector_load %arg7[%get3A_769, %get3A_770] {strides = array<i32>} : memref<4x208xi32, #tpu.memory_space<vmem>>, vector<16xi32>,
    %gather3A_772 = tpu.vector_load_idx %arg6[%get3A_771] : memref<50176xf32, #tpu.memory_space<vmem>>[vector<16xi32>], vector<16xf32>,
    %get3A_773 = arith.constant 1 : i32
    %get3A_774 = arith.index_cast %get3A_773 : i32 to index
    %get3A_775 = arith.constant 48 : index
    %get3A_776 = tpu.vector_load %arg8[%get3A_774, %get3A_775] {strides = array<i32>} : memref<4x208xf32, #tpu.memory_space<vmem>>, vector<16xf32>,
    %mul3A_777 = arith.mulf %gather3A_772, %get3A_776 : vector<16xf32>
    %add3A_778 = arith.addf %mul3A_767, %mul3A_777 : vector<16xf32>
    %get3A_779 = arith.constant 2 : i32
    %get3A_780 = arith.index_cast %get3A_779 : i32 to index
    %get3A_781 = arith.constant 48 : index
    %get3A_782 = tpu.vector_load %arg7[%get3A_780, %get3A_781] {strides = array<i32>} : memref<4x208xi32, #tpu.memory_space<vmem>>, vector<16xi32>,
    %gather3A_783 = tpu.vector_load_idx %arg6[%get3A_782] : memref<50176xf32, #tpu.memory_space<vmem>>[vector<16xi32>], vector<16xf32>,
    %get3A_784 = arith.constant 2 : i32
    %get3A_785 = arith.index_cast %get3A_784 : i32 to index
    %get3A_786 = arith.constant 48 : index
    %get3A_787 = tpu.vector_load %arg8[%get3A_785, %get3A_786] {strides = array<i32>} : memref<4x208xf32, #tpu.memory_space<vmem>>, vector<16xf32>,
    %mul3A_788 = arith.mulf %gather3A_783, %get3A_787 : vector<16xf32>
    %add3A_789 = arith.addf %add3A_778, %mul3A_788 : vector<16xf32>
    %get3A_790 = arith.constant 3 : i32
    %get3A_791 = arith.index_cast %get3A_790 : i32 to index
    %get3A_792 = arith.constant 48 : index
    %get3A_793 = tpu.vector_load %arg7[%get3A_791, %get3A_792] {strides = array<i32>} : memref<4x208xi32, #tpu.memory_space<vmem>>, vector<16xi32>,
    %gather3A_794 = tpu.vector_load_idx %arg6[%get3A_793] : memref<50176xf32, #tpu.memory_space<vmem>>[vector<16xi32>], vector<16xf32>,
    %get3A_795 = arith.constant 3 : i32
    %get3A_796 = arith.index_cast %get3A_795 : i32 to index
    %get3A_797 = arith.constant 48 : index
    %get3A_798 = tpu.vector_load %arg8[%get3A_796, %get3A_797] {strides = array<i32>} : memref<4x208xf32, #tpu.memory_space<vmem>>, vector<16xf32>,
    %mul3A_799 = arith.mulf %gather3A_794, %get3A_798 : vector<16xf32>
    %add3A_800 = arith.addf %add3A_789, %mul3A_799 : vector<16xf32>
    %swap3A_801 = arith.constant 1 : i32
    %swap3A_802 = arith.index_cast %swap3A_801 : i32 to index
    %swap3A_803 = arith.constant 48 : index
    %swap3A_804 = tpu.vector_load %arg9[%swap3A_802, %swap3A_803] {strides = array<i32>} : memref<3x208xf32, #tpu.memory_space<vmem>>, vector<16xf32>,
    tpu.vector_store %arg9[%swap3A_802, %swap3A_803], %add3A_800 {strides = array<i32>} : memref<3x208xf32, #tpu.memory_space<vmem>>, vector<16xf32>,
    %get3A_805 = arith.constant 0 : i32
    %get3A_806 = arith.index_cast %get3A_805 : i32 to index
    %get3A_807 = arith.constant 64 : index
    %get3A_808 = tpu.vector_load %arg7[%get3A_806, %get3A_807] {strides = array<i32>} : memref<4x208xi32, #tpu.memory_space<vmem>>, vector<16xi32>,
    %gather3A_809 = tpu.vector_load_idx %arg6[%get3A_808] : memref<50176xf32, #tpu.memory_space<vmem>>[vector<16xi32>], vector<16xf32>,
    %get3A_810 = arith.constant 0 : i32
    %get3A_811 = arith.index_cast %get3A_810 : i32 to index
    %get3A_812 = arith.constant 64 : index
    %get3A_813 = tpu.vector_load %arg8[%get3A_811, %get3A_812] {strides = array<i32>} : memref<4x208xf32, #tpu.memory_space<vmem>>, vector<16xf32>,
    %mul3A_814 = arith.mulf %gather3A_809, %get3A_813 : vector<16xf32>
    %get3A_815 = arith.constant 1 : i32
    %get3A_816 = arith.index_cast %get3A_815 : i32 to index
    %get3A_817 = arith.constant 64 : index
    %get3A_818 = tpu.vector_load %arg7[%get3A_816, %get3A_817] {strides = array<i32>} : memref<4x208xi32, #tpu.memory_space<vmem>>, vector<16xi32>,
    %gather3A_819 = tpu.vector_load_idx %arg6[%get3A_818] : memref<50176xf32, #tpu.memory_space<vmem>>[vector<16xi32>], vector<16xf32>,
    %get3A_820 = arith.constant 1 : i32
    %get3A_821 = arith.index_cast %get3A_820 : i32 to index
    %get3A_822 = arith.constant 64 : index
    %get3A_823 = tpu.vector_load %arg8[%get3A_821, %get3A_822] {strides = array<i32>} : memref<4x208xf32, #tpu.memory_space<vmem>>, vector<16xf32>,
    %mul3A_824 = arith.mulf %gather3A_819, %get3A_823 : vector<16xf32>
    %add3A_825 = arith.addf %mul3A_814, %mul3A_824 : vector<16xf32>
    %get3A_826 = arith.constant 2 : i32
    %get3A_827 = arith.index_cast %get3A_826 : i32 to index
    %get3A_828 = arith.constant 64 : index
    %get3A_829 = tpu.vector_load %arg7[%get3A_827, %get3A_828] {strides = array<i32>} : memref<4x208xi32, #tpu.memory_space<vmem>>, vector<16xi32>,
    %gather3A_830 = tpu.vector_load_idx %arg6[%get3A_829] : memref<50176xf32, #tpu.memory_space<vmem>>[vector<16xi32>], vector<16xf32>,
    %get3A_831 = arith.constant 2 : i32
    %get3A_832 = arith.index_cast %get3A_831 : i32 to index
    %get3A_833 = arith.constant 64 : index
    %get3A_834 = tpu.vector_load %arg8[%get3A_832, %get3A_833] {strides = array<i32>} : memref<4x208xf32, #tpu.memory_space<vmem>>, vector<16xf32>,
    %mul3A_835 = arith.mulf %gather3A_830, %get3A_834 : vector<16xf32>
    %add3A_836 = arith.addf %add3A_825, %mul3A_835 : vector<16xf32>
    %get3A_837 = arith.constant 3 : i32
    %get3A_838 = arith.index_cast %get3A_837 : i32 to index
    %get3A_839 = arith.constant 64 : index
    %get3A_840 = tpu.vector_load %arg7[%get3A_838, %get3A_839] {strides = array<i32>} : memref<4x208xi32, #tpu.memory_space<vmem>>, vector<16xi32>,
    %gather3A_841 = tpu.vector_load_idx %arg6[%get3A_840] : memref<50176xf32, #tpu.memory_space<vmem>>[vector<16xi32>], vector<16xf32>,
    %get3A_842 = arith.constant 3 : i32
    %get3A_843 = arith.index_cast %get3A_842 : i32 to index
    %get3A_844 = arith.constant 64 : index
    %get3A_845 = tpu.vector_load %arg8[%get3A_843, %get3A_844] {strides = array<i32>} : memref<4x208xf32, #tpu.memory_space<vmem>>, vector<16xf32>,
    %mul3A_846 = arith.mulf %gather3A_841, %get3A_845 : vector<16xf32>
    %add3A_847 = arith.addf %add3A_836, %mul3A_846 : vector<16xf32>
    %swap3A_848 = arith.constant 1 : i32
    %swap3A_849 = arith.index_cast %swap3A_848 : i32 to index
    %swap3A_850 = arith.constant 64 : index
    %swap3A_851 = tpu.vector_load %arg9[%swap3A_849, %swap3A_850] {strides = array<i32>} : memref<3x208xf32, #tpu.memory_space<vmem>>, vector<16xf32>,
    tpu.vector_store %arg9[%swap3A_849, %swap3A_850], %add3A_847 {strides = array<i32>} : memref<3x208xf32, #tpu.memory_space<vmem>>, vector<16xf32>,
    %get3A_852 = arith.constant 0 : i32
    %get3A_853 = arith.index_cast %get3A_852 : i32 to index
    %get3A_854 = arith.constant 80 : index
    %get3A_855 = tpu.vector_load %arg7[%get3A_853, %get3A_854] {strides = array<i32>} : memref<4x208xi32, #tpu.memory_space<vmem>>, vector<16xi32>,
    %gather3A_856 = tpu.vector_load_idx %arg6[%get3A_855] : memref<50176xf32, #tpu.memory_space<vmem>>[vector<16xi32>], vector<16xf32>,
    %get3A_857 = arith.constant 0 : i32
    %get3A_858 = arith.index_cast %get3A_857 : i32 to index
    %get3A_859 = arith.constant 80 : index
    %get3A_860 = tpu.vector_load %arg8[%get3A_858, %get3A_859] {strides = array<i32>} : memref<4x208xf32, #tpu.memory_space<vmem>>, vector<16xf32>,
    %mul3A_861 = arith.mulf %gather3A_856, %get3A_860 : vector<16xf32>
    %get3A_862 = arith.constant 1 : i32
    %get3A_863 = arith.index_cast %get3A_862 : i32 to index
    %get3A_864 = arith.constant 80 : index
    %get3A_865 = tpu.vector_load %arg7[%get3A_863, %get3A_864] {strides = array<i32>} : memref<4x208xi32, #tpu.memory_space<vmem>>, vector<16xi32>,
    %gather3A_866 = tpu.vector_load_idx %arg6[%get3A_865] : memref<50176xf32, #tpu.memory_space<vmem>>[vector<16xi32>], vector<16xf32>,
    %get3A_867 = arith.constant 1 : i32
    %get3A_868 = arith.index_cast %get3A_867 : i32 to index
    %get3A_869 = arith.constant 80 : index
    %get3A_870 = tpu.vector_load %arg8[%get3A_868, %get3A_869] {strides = array<i32>} : memref<4x208xf32, #tpu.memory_space<vmem>>, vector<16xf32>,
    %mul3A_871 = arith.mulf %gather3A_866, %get3A_870 : vector<16xf32>
    %add3A_872 = arith.addf %mul3A_861, %mul3A_871 : vector<16xf32>
    %get3A_873 = arith.constant 2 : i32
    %get3A_874 = arith.index_cast %get3A_873 : i32 to index
    %get3A_875 = arith.constant 80 : index
    %get3A_876 = tpu.vector_load %arg7[%get3A_874, %get3A_875] {strides = array<i32>} : memref<4x208xi32, #tpu.memory_space<vmem>>, vector<16xi32>,
    %gather3A_877 = tpu.vector_load_idx %arg6[%get3A_876] : memref<50176xf32, #tpu.memory_space<vmem>>[vector<16xi32>], vector<16xf32>,
    %get3A_878 = arith.constant 2 : i32
    %get3A_879 = arith.index_cast %get3A_878 : i32 to index
    %get3A_880 = arith.constant 80 : index
    %get3A_881 = tpu.vector_load %arg8[%get3A_879, %get3A_880] {strides = array<i32>} : memref<4x208xf32, #tpu.memory_space<vmem>>, vector<16xf32>,
    %mul3A_882 = arith.mulf %gather3A_877, %get3A_881 : vector<16xf32>
    %add3A_883 = arith.addf %add3A_872, %mul3A_882 : vector<16xf32>
    %get3A_884 = arith.constant 3 : i32
    %get3A_885 = arith.index_cast %get3A_884 : i32 to index
    %get3A_886 = arith.constant 80 : index
    %get3A_887 = tpu.vector_load %arg7[%get3A_885, %get3A_886] {strides = array<i32>} : memref<4x208xi32, #tpu.memory_space<vmem>>, vector<16xi32>,
    %gather3A_888 = tpu.vector_load_idx %arg6[%get3A_887] : memref<50176xf32, #tpu.memory_space<vmem>>[vector<16xi32>], vector<16xf32>,
    %get3A_889 = arith.constant 3 : i32
    %get3A_890 = arith.index_cast %get3A_889 : i32 to index
    %get3A_891 = arith.constant 80 : index
    %get3A_892 = tpu.vector_load %arg8[%get3A_890, %get3A_891] {strides = array<i32>} : memref<4x208xf32, #tpu.memory_space<vmem>>, vector<16xf32>,
    %mul3A_893 = arith.mulf %gather3A_888, %get3A_892 : vector<16xf32>
    %add3A_894 = arith.addf %add3A_883, %mul3A_893 : vector<16xf32>
    %swap3A_895 = arith.constant 1 : i32
    %swap3A_896 = arith.index_cast %swap3A_895 : i32 to index
    %swap3A_897 = arith.constant 80 : index
    %swap3A_898 = tpu.vector_load %arg9[%swap3A_896, %swap3A_897] {strides = array<i32>} : memref<3x208xf32, #tpu.memory_space<vmem>>, vector<16xf32>,
    tpu.vector_store %arg9[%swap3A_896, %swap3A_897], %add3A_894 {strides = array<i32>} : memref<3x208xf32, #tpu.memory_space<vmem>>, vector<16xf32>,
    %get3A_899 = arith.constant 0 : i32
    %get3A_900 = arith.index_cast %get3A_899 : i32 to index
    %get3A_901 = arith.constant 96 : index
    %get3A_902 = tpu.vector_load %arg7[%get3A_900, %get3A_901] {strides = array<i32>} : memref<4x208xi32, #tpu.memory_space<vmem>>, vector<16xi32>,
    %gather3A_903 = tpu.vector_load_idx %arg6[%get3A_902] : memref<50176xf32, #tpu.memory_space<vmem>>[vector<16xi32>], vector<16xf32>,
    %get3A_904 = arith.constant 0 : i32
    %get3A_905 = arith.index_cast %get3A_904 : i32 to index
    %get3A_906 = arith.constant 96 : index
    %get3A_907 = tpu.vector_load %arg8[%get3A_905, %get3A_906] {strides = array<i32>} : memref<4x208xf32, #tpu.memory_space<vmem>>, vector<16xf32>,
    %mul3A_908 = arith.mulf %gather3A_903, %get3A_907 : vector<16xf32>
    %get3A_909 = arith.constant 1 : i32
    %get3A_910 = arith.index_cast %get3A_909 : i32 to index
    %get3A_911 = arith.constant 96 : index
    %get3A_912 = tpu.vector_load %arg7[%get3A_910, %get3A_911] {strides = array<i32>} : memref<4x208xi32, #tpu.memory_space<vmem>>, vector<16xi32>,
    %gather3A_913 = tpu.vector_load_idx %arg6[%get3A_912] : memref<50176xf32, #tpu.memory_space<vmem>>[vector<16xi32>], vector<16xf32>,
    %get3A_914 = arith.constant 1 : i32
    %get3A_915 = arith.index_cast %get3A_914 : i32 to index
    %get3A_916 = arith.constant 96 : index
    %get3A_917 = tpu.vector_load %arg8[%get3A_915, %get3A_916] {strides = array<i32>} : memref<4x208xf32, #tpu.memory_space<vmem>>, vector<16xf32>,
    %mul3A_918 = arith.mulf %gather3A_913, %get3A_917 : vector<16xf32>
    %add3A_919 = arith.addf %mul3A_908, %mul3A_918 : vector<16xf32>
    %get3A_920 = arith.constant 2 : i32
    %get3A_921 = arith.index_cast %get3A_920 : i32 to index
    %get3A_922 = arith.constant 96 : index
    %get3A_923 = tpu.vector_load %arg7[%get3A_921, %get3A_922] {strides = array<i32>} : memref<4x208xi32, #tpu.memory_space<vmem>>, vector<16xi32>,
    %gather3A_924 = tpu.vector_load_idx %arg6[%get3A_923] : memref<50176xf32, #tpu.memory_space<vmem>>[vector<16xi32>], vector<16xf32>,
    %get3A_925 = arith.constant 2 : i32
    %get3A_926 = arith.index_cast %get3A_925 : i32 to index
    %get3A_927 = arith.constant 96 : index
    %get3A_928 = tpu.vector_load %arg8[%get3A_926, %get3A_927] {strides = array<i32>} : memref<4x208xf32, #tpu.memory_space<vmem>>, vector<16xf32>,
    %mul3A_929 = arith.mulf %gather3A_924, %get3A_928 : vector<16xf32>
    %add3A_930 = arith.addf %add3A_919, %mul3A_929 : vector<16xf32>
    %get3A_931 = arith.constant 3 : i32
    %get3A_932 = arith.index_cast %get3A_931 : i32 to index
    %get3A_933 = arith.constant 96 : index
    %get3A_934 = tpu.vector_load %arg7[%get3A_932, %get3A_933] {strides = array<i32>} : memref<4x208xi32, #tpu.memory_space<vmem>>, vector<16xi32>,
    %gather3A_935 = tpu.vector_load_idx %arg6[%get3A_934] : memref<50176xf32, #tpu.memory_space<vmem>>[vector<16xi32>], vector<16xf32>,
    %get3A_936 = arith.constant 3 : i32
    %get3A_937 = arith.index_cast %get3A_936 : i32 to index
    %get3A_938 = arith.constant 96 : index
    %get3A_939 = tpu.vector_load %arg8[%get3A_937, %get3A_938] {strides = array<i32>} : memref<4x208xf32, #tpu.memory_space<vmem>>, vector<16xf32>,
    %mul3A_940 = arith.mulf %gather3A_935, %get3A_939 : vector<16xf32>
    %add3A_941 = arith.addf %add3A_930, %mul3A_940 : vector<16xf32>
    %swap3A_942 = arith.constant 1 : i32
    %swap3A_943 = arith.index_cast %swap3A_942 : i32 to index
    %swap3A_944 = arith.constant 96 : index
    %swap3A_945 = tpu.vector_load %arg9[%swap3A_943, %swap3A_944] {strides = array<i32>} : memref<3x208xf32, #tpu.memory_space<vmem>>, vector<16xf32>,
    tpu.vector_store %arg9[%swap3A_943, %swap3A_944], %add3A_941 {strides = array<i32>} : memref<3x208xf32, #tpu.memory_space<vmem>>, vector<16xf32>,
    %get3A_946 = arith.constant 0 : i32
    %get3A_947 = arith.index_cast %get3A_946 : i32 to index
    %get3A_948 = arith.constant 112 : index
    %get3A_949 = tpu.vector_load %arg7[%get3A_947, %get3A_948] {strides = array<i32>} : memref<4x208xi32, #tpu.memory_space<vmem>>, vector<16xi32>,
    %gather3A_950 = tpu.vector_load_idx %arg6[%get3A_949] : memref<50176xf32, #tpu.memory_space<vmem>>[vector<16xi32>], vector<16xf32>,
    %get3A_951 = arith.constant 0 : i32
    %get3A_952 = arith.index_cast %get3A_951 : i32 to index
    %get3A_953 = arith.constant 112 : index
    %get3A_954 = tpu.vector_load %arg8[%get3A_952, %get3A_953] {strides = array<i32>} : memref<4x208xf32, #tpu.memory_space<vmem>>, vector<16xf32>,
    %mul3A_955 = arith.mulf %gather3A_950, %get3A_954 : vector<16xf32>
    %get3A_956 = arith.constant 1 : i32
    %get3A_957 = arith.index_cast %get3A_956 : i32 to index
    %get3A_958 = arith.constant 112 : index
    %get3A_959 = tpu.vector_load %arg7[%get3A_957, %get3A_958] {strides = array<i32>} : memref<4x208xi32, #tpu.memory_space<vmem>>, vector<16xi32>,
    %gather3A_960 = tpu.vector_load_idx %arg6[%get3A_959] : memref<50176xf32, #tpu.memory_space<vmem>>[vector<16xi32>], vector<16xf32>,
    %get3A_961 = arith.constant 1 : i32
    %get3A_962 = arith.index_cast %get3A_961 : i32 to index
    %get3A_963 = arith.constant 112 : index
    %get3A_964 = tpu.vector_load %arg8[%get3A_962, %get3A_963] {strides = array<i32>} : memref<4x208xf32, #tpu.memory_space<vmem>>, vector<16xf32>,
    %mul3A_965 = arith.mulf %gather3A_960, %get3A_964 : vector<16xf32>
    %add3A_966 = arith.addf %mul3A_955, %mul3A_965 : vector<16xf32>
    %get3A_967 = arith.constant 2 : i32
    %get3A_968 = arith.index_cast %get3A_967 : i32 to index
    %get3A_969 = arith.constant 112 : index
    %get3A_970 = tpu.vector_load %arg7[%get3A_968, %get3A_969] {strides = array<i32>} : memref<4x208xi32, #tpu.memory_space<vmem>>, vector<16xi32>,
    %gather3A_971 = tpu.vector_load_idx %arg6[%get3A_970] : memref<50176xf32, #tpu.memory_space<vmem>>[vector<16xi32>], vector<16xf32>,
    %get3A_972 = arith.constant 2 : i32
    %get3A_973 = arith.index_cast %get3A_972 : i32 to index
    %get3A_974 = arith.constant 112 : index
    %get3A_975 = tpu.vector_load %arg8[%get3A_973, %get3A_974] {strides = array<i32>} : memref<4x208xf32, #tpu.memory_space<vmem>>, vector<16xf32>,
    %mul3A_976 = arith.mulf %gather3A_971, %get3A_975 : vector<16xf32>
    %add3A_977 = arith.addf %add3A_966, %mul3A_976 : vector<16xf32>
    %get3A_978 = arith.constant 3 : i32
    %get3A_979 = arith.index_cast %get3A_978 : i32 to index
    %get3A_980 = arith.constant 112 : index
    %get3A_981 = tpu.vector_load %arg7[%get3A_979, %get3A_980] {strides = array<i32>} : memref<4x208xi32, #tpu.memory_space<vmem>>, vector<16xi32>,
    %gather3A_982 = tpu.vector_load_idx %arg6[%get3A_981] : memref<50176xf32, #tpu.memory_space<vmem>>[vector<16xi32>], vector<16xf32>,
    %get3A_983 = arith.constant 3 : i32
    %get3A_984 = arith.index_cast %get3A_983 : i32 to index
    %get3A_985 = arith.constant 112 : index
    %get3A_986 = tpu.vector_load %arg8[%get3A_984, %get3A_985] {strides = array<i32>} : memref<4x208xf32, #tpu.memory_space<vmem>>, vector<16xf32>,
    %mul3A_987 = arith.mulf %gather3A_982, %get3A_986 : vector<16xf32>
    %add3A_988 = arith.addf %add3A_977, %mul3A_987 : vector<16xf32>
    %swap3A_989 = arith.constant 1 : i32
    %swap3A_990 = arith.index_cast %swap3A_989 : i32 to index
    %swap3A_991 = arith.constant 112 : index
    %swap3A_992 = tpu.vector_load %arg9[%swap3A_990, %swap3A_991] {strides = array<i32>} : memref<3x208xf32, #tpu.memory_space<vmem>>, vector<16xf32>,
    tpu.vector_store %arg9[%swap3A_990, %swap3A_991], %add3A_988 {strides = array<i32>} : memref<3x208xf32, #tpu.memory_space<vmem>>, vector<16xf32>,
    %get3A_993 = arith.constant 0 : i32
    %get3A_994 = arith.index_cast %get3A_993 : i32 to index
    %get3A_995 = arith.constant 128 : index
    %get3A_996 = tpu.vector_load %arg7[%get3A_994, %get3A_995] {strides = array<i32>} : memref<4x208xi32, #tpu.memory_space<vmem>>, vector<16xi32>,
    %gather3A_997 = tpu.vector_load_idx %arg6[%get3A_996] : memref<50176xf32, #tpu.memory_space<vmem>>[vector<16xi32>], vector<16xf32>,
    %get3A_998 = arith.constant 0 : i32
    %get3A_999 = arith.index_cast %get3A_998 : i32 to index
    %get3A_1000 = arith.constant 128 : index
    %get3A_1001 = tpu.vector_load %arg8[%get3A_999, %get3A_1000] {strides = array<i32>} : memref<4x208xf32, #tpu.memory_space<vmem>>, vector<16xf32>,
    %mul3A_1002 = arith.mulf %gather3A_997, %get3A_1001 : vector<16xf32>
    %get3A_1003 = arith.constant 1 : i32
    %get3A_1004 = arith.index_cast %get3A_1003 : i32 to index
    %get3A_1005 = arith.constant 128 : index
    %get3A_1006 = tpu.vector_load %arg7[%get3A_1004, %get3A_1005] {strides = array<i32>} : memref<4x208xi32, #tpu.memory_space<vmem>>, vector<16xi32>,
    %gather3A_1007 = tpu.vector_load_idx %arg6[%get3A_1006] : memref<50176xf32, #tpu.memory_space<vmem>>[vector<16xi32>], vector<16xf32>,
    %get3A_1008 = arith.constant 1 : i32
    %get3A_1009 = arith.index_cast %get3A_1008 : i32 to index
    %get3A_1010 = arith.constant 128 : index
    %get3A_1011 = tpu.vector_load %arg8[%get3A_1009, %get3A_1010] {strides = array<i32>} : memref<4x208xf32, #tpu.memory_space<vmem>>, vector<16xf32>,
    %mul3A_1012 = arith.mulf %gather3A_1007, %get3A_1011 : vector<16xf32>
    %add3A_1013 = arith.addf %mul3A_1002, %mul3A_1012 : vector<16xf32>
    %get3A_1014 = arith.constant 2 : i32
    %get3A_1015 = arith.index_cast %get3A_1014 : i32 to index
    %get3A_1016 = arith.constant 128 : index
    %get3A_1017 = tpu.vector_load %arg7[%get3A_1015, %get3A_1016] {strides = array<i32>} : memref<4x208xi32, #tpu.memory_space<vmem>>, vector<16xi32>,
    %gather3A_1018 = tpu.vector_load_idx %arg6[%get3A_1017] : memref<50176xf32, #tpu.memory_space<vmem>>[vector<16xi32>], vector<16xf32>,
    %get3A_1019 = arith.constant 2 : i32
    %get3A_1020 = arith.index_cast %get3A_1019 : i32 to index
    %get3A_1021 = arith.constant 128 : index
    %get3A_1022 = tpu.vector_load %arg8[%get3A_1020, %get3A_1021] {strides = array<i32>} : memref<4x208xf32, #tpu.memory_space<vmem>>, vector<16xf32>,
    %mul3A_1023 = arith.mulf %gather3A_1018, %get3A_1022 : vector<16xf32>
    %add3A_1024 = arith.addf %add3A_1013, %mul3A_1023 : vector<16xf32>
    %get3A_1025 = arith.constant 3 : i32
    %get3A_1026 = arith.index_cast %get3A_1025 : i32 to index
    %get3A_1027 = arith.constant 128 : index
    %get3A_1028 = tpu.vector_load %arg7[%get3A_1026, %get3A_1027] {strides = array<i32>} : memref<4x208xi32, #tpu.memory_space<vmem>>, vector<16xi32>,
    %gather3A_1029 = tpu.vector_load_idx %arg6[%get3A_1028] : memref<50176xf32, #tpu.memory_space<vmem>>[vector<16xi32>], vector<16xf32>,
    %get3A_1030 = arith.constant 3 : i32
    %get3A_1031 = arith.index_cast %get3A_1030 : i32 to index
    %get3A_1032 = arith.constant 128 : index
    %get3A_1033 = tpu.vector_load %arg8[%get3A_1031, %get3A_1032] {strides = array<i32>} : memref<4x208xf32, #tpu.memory_space<vmem>>, vector<16xf32>,
    %mul3A_1034 = arith.mulf %gather3A_1029, %get3A_1033 : vector<16xf32>
    %add3A_1035 = arith.addf %add3A_1024, %mul3A_1034 : vector<16xf32>
    %swap3A_1036 = arith.constant 1 : i32
    %swap3A_1037 = arith.index_cast %swap3A_1036 : i32 to index
    %swap3A_1038 = arith.constant 128 : index
    %swap3A_1039 = tpu.vector_load %arg9[%swap3A_1037, %swap3A_1038] {strides = array<i32>} : memref<3x208xf32, #tpu.memory_space<vmem>>, vector<16xf32>,
    tpu.vector_store %arg9[%swap3A_1037, %swap3A_1038], %add3A_1035 {strides = array<i32>} : memref<3x208xf32, #tpu.memory_space<vmem>>, vector<16xf32>,
    %get3A_1040 = arith.constant 0 : i32
    %get3A_1041 = arith.index_cast %get3A_1040 : i32 to index
    %get3A_1042 = arith.constant 144 : index
    %get3A_1043 = tpu.vector_load %arg7[%get3A_1041, %get3A_1042] {strides = array<i32>} : memref<4x208xi32, #tpu.memory_space<vmem>>, vector<16xi32>,
    %gather3A_1044 = tpu.vector_load_idx %arg6[%get3A_1043] : memref<50176xf32, #tpu.memory_space<vmem>>[vector<16xi32>], vector<16xf32>,
    %get3A_1045 = arith.constant 0 : i32
    %get3A_1046 = arith.index_cast %get3A_1045 : i32 to index
    %get3A_1047 = arith.constant 144 : index
    %get3A_1048 = tpu.vector_load %arg8[%get3A_1046, %get3A_1047] {strides = array<i32>} : memref<4x208xf32, #tpu.memory_space<vmem>>, vector<16xf32>,
    %mul3A_1049 = arith.mulf %gather3A_1044, %get3A_1048 : vector<16xf32>
    %get3A_1050 = arith.constant 1 : i32
    %get3A_1051 = arith.index_cast %get3A_1050 : i32 to index
    %get3A_1052 = arith.constant 144 : index
    %get3A_1053 = tpu.vector_load %arg7[%get3A_1051, %get3A_1052] {strides = array<i32>} : memref<4x208xi32, #tpu.memory_space<vmem>>, vector<16xi32>,
    %gather3A_1054 = tpu.vector_load_idx %arg6[%get3A_1053] : memref<50176xf32, #tpu.memory_space<vmem>>[vector<16xi32>], vector<16xf32>,
    %get3A_1055 = arith.constant 1 : i32
    %get3A_1056 = arith.index_cast %get3A_1055 : i32 to index
    %get3A_1057 = arith.constant 144 : index
    %get3A_1058 = tpu.vector_load %arg8[%get3A_1056, %get3A_1057] {strides = array<i32>} : memref<4x208xf32, #tpu.memory_space<vmem>>, vector<16xf32>,
    %mul3A_1059 = arith.mulf %gather3A_1054, %get3A_1058 : vector<16xf32>
    %add3A_1060 = arith.addf %mul3A_1049, %mul3A_1059 : vector<16xf32>
    %get3A_1061 = arith.constant 2 : i32
    %get3A_1062 = arith.index_cast %get3A_1061 : i32 to index
    %get3A_1063 = arith.constant 144 : index
    %get3A_1064 = tpu.vector_load %arg7[%get3A_1062, %get3A_1063] {strides = array<i32>} : memref<4x208xi32, #tpu.memory_space<vmem>>, vector<16xi32>,
    %gather3A_1065 = tpu.vector_load_idx %arg6[%get3A_1064] : memref<50176xf32, #tpu.memory_space<vmem>>[vector<16xi32>], vector<16xf32>,
    %get3A_1066 = arith.constant 2 : i32
    %get3A_1067 = arith.index_cast %get3A_1066 : i32 to index
    %get3A_1068 = arith.constant 144 : index
    %get3A_1069 = tpu.vector_load %arg8[%get3A_1067, %get3A_1068] {strides = array<i32>} : memref<4x208xf32, #tpu.memory_space<vmem>>, vector<16xf32>,
    %mul3A_1070 = arith.mulf %gather3A_1065, %get3A_1069 : vector<16xf32>
    %add3A_1071 = arith.addf %add3A_1060, %mul3A_1070 : vector<16xf32>
    %get3A_1072 = arith.constant 3 : i32
    %get3A_1073 = arith.index_cast %get3A_1072 : i32 to index
    %get3A_1074 = arith.constant 144 : index
    %get3A_1075 = tpu.vector_load %arg7[%get3A_1073, %get3A_1074] {strides = array<i32>} : memref<4x208xi32, #tpu.memory_space<vmem>>, vector<16xi32>,
    %gather3A_1076 = tpu.vector_load_idx %arg6[%get3A_1075] : memref<50176xf32, #tpu.memory_space<vmem>>[vector<16xi32>], vector<16xf32>,
    %get3A_1077 = arith.constant 3 : i32
    %get3A_1078 = arith.index_cast %get3A_1077 : i32 to index
    %get3A_1079 = arith.constant 144 : index
    %get3A_1080 = tpu.vector_load %arg8[%get3A_1078, %get3A_1079] {strides = array<i32>} : memref<4x208xf32, #tpu.memory_space<vmem>>, vector<16xf32>,
    %mul3A_1081 = arith.mulf %gather3A_1076, %get3A_1080 : vector<16xf32>
    %add3A_1082 = arith.addf %add3A_1071, %mul3A_1081 : vector<16xf32>
    %swap3A_1083 = arith.constant 1 : i32
    %swap3A_1084 = arith.index_cast %swap3A_1083 : i32 to index
    %swap3A_1085 = arith.constant 144 : index
    %swap3A_1086 = tpu.vector_load %arg9[%swap3A_1084, %swap3A_1085] {strides = array<i32>} : memref<3x208xf32, #tpu.memory_space<vmem>>, vector<16xf32>,
    tpu.vector_store %arg9[%swap3A_1084, %swap3A_1085], %add3A_1082 {strides = array<i32>} : memref<3x208xf32, #tpu.memory_space<vmem>>, vector<16xf32>,
    %get3A_1087 = arith.constant 0 : i32
    %get3A_1088 = arith.index_cast %get3A_1087 : i32 to index
    %get3A_1089 = arith.constant 160 : index
    %get3A_1090 = tpu.vector_load %arg7[%get3A_1088, %get3A_1089] {strides = array<i32>} : memref<4x208xi32, #tpu.memory_space<vmem>>, vector<16xi32>,
    %gather3A_1091 = tpu.vector_load_idx %arg6[%get3A_1090] : memref<50176xf32, #tpu.memory_space<vmem>>[vector<16xi32>], vector<16xf32>,
    %get3A_1092 = arith.constant 0 : i32
    %get3A_1093 = arith.index_cast %get3A_1092 : i32 to index
    %get3A_1094 = arith.constant 160 : index
    %get3A_1095 = tpu.vector_load %arg8[%get3A_1093, %get3A_1094] {strides = array<i32>} : memref<4x208xf32, #tpu.memory_space<vmem>>, vector<16xf32>,
    %mul3A_1096 = arith.mulf %gather3A_1091, %get3A_1095 : vector<16xf32>
    %get3A_1097 = arith.constant 1 : i32
    %get3A_1098 = arith.index_cast %get3A_1097 : i32 to index
    %get3A_1099 = arith.constant 160 : index
    %get3A_1100 = tpu.vector_load %arg7[%get3A_1098, %get3A_1099] {strides = array<i32>} : memref<4x208xi32, #tpu.memory_space<vmem>>, vector<16xi32>,
    %gather3A_1101 = tpu.vector_load_idx %arg6[%get3A_1100] : memref<50176xf32, #tpu.memory_space<vmem>>[vector<16xi32>], vector<16xf32>,
    %get3A_1102 = arith.constant 1 : i32
    %get3A_1103 = arith.index_cast %get3A_1102 : i32 to index
    %get3A_1104 = arith.constant 160 : index
    %get3A_1105 = tpu.vector_load %arg8[%get3A_1103, %get3A_1104] {strides = array<i32>} : memref<4x208xf32, #tpu.memory_space<vmem>>, vector<16xf32>,
    %mul3A_1106 = arith.mulf %gather3A_1101, %get3A_1105 : vector<16xf32>
    %add3A_1107 = arith.addf %mul3A_1096, %mul3A_1106 : vector<16xf32>
    %get3A_1108 = arith.constant 2 : i32
    %get3A_1109 = arith.index_cast %get3A_1108 : i32 to index
    %get3A_1110 = arith.constant 160 : index
    %get3A_1111 = tpu.vector_load %arg7[%get3A_1109, %get3A_1110] {strides = array<i32>} : memref<4x208xi32, #tpu.memory_space<vmem>>, vector<16xi32>,
    %gather3A_1112 = tpu.vector_load_idx %arg6[%get3A_1111] : memref<50176xf32, #tpu.memory_space<vmem>>[vector<16xi32>], vector<16xf32>,
    %get3A_1113 = arith.constant 2 : i32
    %get3A_1114 = arith.index_cast %get3A_1113 : i32 to index
    %get3A_1115 = arith.constant 160 : index
    %get3A_1116 = tpu.vector_load %arg8[%get3A_1114, %get3A_1115] {strides = array<i32>} : memref<4x208xf32, #tpu.memory_space<vmem>>, vector<16xf32>,
    %mul3A_1117 = arith.mulf %gather3A_1112, %get3A_1116 : vector<16xf32>
    %add3A_1118 = arith.addf %add3A_1107, %mul3A_1117 : vector<16xf32>
    %get3A_1119 = arith.constant 3 : i32
    %get3A_1120 = arith.index_cast %get3A_1119 : i32 to index
    %get3A_1121 = arith.constant 160 : index
    %get3A_1122 = tpu.vector_load %arg7[%get3A_1120, %get3A_1121] {strides = array<i32>} : memref<4x208xi32, #tpu.memory_space<vmem>>, vector<16xi32>,
    %gather3A_1123 = tpu.vector_load_idx %arg6[%get3A_1122] : memref<50176xf32, #tpu.memory_space<vmem>>[vector<16xi32>], vector<16xf32>,
    %get3A_1124 = arith.constant 3 : i32
    %get3A_1125 = arith.index_cast %get3A_1124 : i32 to index
    %get3A_1126 = arith.constant 160 : index
    %get3A_1127 = tpu.vector_load %arg8[%get3A_1125, %get3A_1126] {strides = array<i32>} : memref<4x208xf32, #tpu.memory_space<vmem>>, vector<16xf32>,
    %mul3A_1128 = arith.mulf %gather3A_1123, %get3A_1127 : vector<16xf32>
    %add3A_1129 = arith.addf %add3A_1118, %mul3A_1128 : vector<16xf32>
    %swap3A_1130 = arith.constant 1 : i32
    %swap3A_1131 = arith.index_cast %swap3A_1130 : i32 to index
    %swap3A_1132 = arith.constant 160 : index
    %swap3A_1133 = tpu.vector_load %arg9[%swap3A_1131, %swap3A_1132] {strides = array<i32>} : memref<3x208xf32, #tpu.memory_space<vmem>>, vector<16xf32>,
    tpu.vector_store %arg9[%swap3A_1131, %swap3A_1132], %add3A_1129 {strides = array<i32>} : memref<3x208xf32, #tpu.memory_space<vmem>>, vector<16xf32>,
    %get3A_1134 = arith.constant 0 : i32
    %get3A_1135 = arith.index_cast %get3A_1134 : i32 to index
    %get3A_1136 = arith.constant 176 : index
    %get3A_1137 = tpu.vector_load %arg7[%get3A_1135, %get3A_1136] {strides = array<i32>} : memref<4x208xi32, #tpu.memory_space<vmem>>, vector<16xi32>,
    %gather3A_1138 = tpu.vector_load_idx %arg6[%get3A_1137] : memref<50176xf32, #tpu.memory_space<vmem>>[vector<16xi32>], vector<16xf32>,
    %get3A_1139 = arith.constant 0 : i32
    %get3A_1140 = arith.index_cast %get3A_1139 : i32 to index
    %get3A_1141 = arith.constant 176 : index
    %get3A_1142 = tpu.vector_load %arg8[%get3A_1140, %get3A_1141] {strides = array<i32>} : memref<4x208xf32, #tpu.memory_space<vmem>>, vector<16xf32>,
    %mul3A_1143 = arith.mulf %gather3A_1138, %get3A_1142 : vector<16xf32>
    %get3A_1144 = arith.constant 1 : i32
    %get3A_1145 = arith.index_cast %get3A_1144 : i32 to index
    %get3A_1146 = arith.constant 176 : index
    %get3A_1147 = tpu.vector_load %arg7[%get3A_1145, %get3A_1146] {strides = array<i32>} : memref<4x208xi32, #tpu.memory_space<vmem>>, vector<16xi32>,
    %gather3A_1148 = tpu.vector_load_idx %arg6[%get3A_1147] : memref<50176xf32, #tpu.memory_space<vmem>>[vector<16xi32>], vector<16xf32>,
    %get3A_1149 = arith.constant 1 : i32
    %get3A_1150 = arith.index_cast %get3A_1149 : i32 to index
    %get3A_1151 = arith.constant 176 : index
    %get3A_1152 = tpu.vector_load %arg8[%get3A_1150, %get3A_1151] {strides = array<i32>} : memref<4x208xf32, #tpu.memory_space<vmem>>, vector<16xf32>,
    %mul3A_1153 = arith.mulf %gather3A_1148, %get3A_1152 : vector<16xf32>
    %add3A_1154 = arith.addf %mul3A_1143, %mul3A_1153 : vector<16xf32>
    %get3A_1155 = arith.constant 2 : i32
    %get3A_1156 = arith.index_cast %get3A_1155 : i32 to index
    %get3A_1157 = arith.constant 176 : index
    %get3A_1158 = tpu.vector_load %arg7[%get3A_1156, %get3A_1157] {strides = array<i32>} : memref<4x208xi32, #tpu.memory_space<vmem>>, vector<16xi32>,
    %gather3A_1159 = tpu.vector_load_idx %arg6[%get3A_1158] : memref<50176xf32, #tpu.memory_space<vmem>>[vector<16xi32>], vector<16xf32>,
    %get3A_1160 = arith.constant 2 : i32
    %get3A_1161 = arith.index_cast %get3A_1160 : i32 to index
    %get3A_1162 = arith.constant 176 : index
    %get3A_1163 = tpu.vector_load %arg8[%get3A_1161, %get3A_1162] {strides = array<i32>} : memref<4x208xf32, #tpu.memory_space<vmem>>, vector<16xf32>,
    %mul3A_1164 = arith.mulf %gather3A_1159, %get3A_1163 : vector<16xf32>
    %add3A_1165 = arith.addf %add3A_1154, %mul3A_1164 : vector<16xf32>
    %get3A_1166 = arith.constant 3 : i32
    %get3A_1167 = arith.index_cast %get3A_1166 : i32 to index
    %get3A_1168 = arith.constant 176 : index
    %get3A_1169 = tpu.vector_load %arg7[%get3A_1167, %get3A_1168] {strides = array<i32>} : memref<4x208xi32, #tpu.memory_space<vmem>>, vector<16xi32>,
    %gather3A_1170 = tpu.vector_load_idx %arg6[%get3A_1169] : memref<50176xf32, #tpu.memory_space<vmem>>[vector<16xi32>], vector<16xf32>,
    %get3A_1171 = arith.constant 3 : i32
    %get3A_1172 = arith.index_cast %get3A_1171 : i32 to index
    %get3A_1173 = arith.constant 176 : index
    %get3A_1174 = tpu.vector_load %arg8[%get3A_1172, %get3A_1173] {strides = array<i32>} : memref<4x208xf32, #tpu.memory_space<vmem>>, vector<16xf32>,
    %mul3A_1175 = arith.mulf %gather3A_1170, %get3A_1174 : vector<16xf32>
    %add3A_1176 = arith.addf %add3A_1165, %mul3A_1175 : vector<16xf32>
    %swap3A_1177 = arith.constant 1 : i32
    %swap3A_1178 = arith.index_cast %swap3A_1177 : i32 to index
    %swap3A_1179 = arith.constant 176 : index
    %swap3A_1180 = tpu.vector_load %arg9[%swap3A_1178, %swap3A_1179] {strides = array<i32>} : memref<3x208xf32, #tpu.memory_space<vmem>>, vector<16xf32>,
    tpu.vector_store %arg9[%swap3A_1178, %swap3A_1179], %add3A_1176 {strides = array<i32>} : memref<3x208xf32, #tpu.memory_space<vmem>>, vector<16xf32>,
    %get3A_1181 = arith.constant 0 : i32
    %get3A_1182 = arith.index_cast %get3A_1181 : i32 to index
    %get3A_1183 = arith.constant 192 : index
    %get3A_1184 = tpu.vector_load %arg7[%get3A_1182, %get3A_1183] {strides = array<i32>} : memref<4x208xi32, #tpu.memory_space<vmem>>, vector<16xi32>,
    %gather3A_1185 = tpu.vector_load_idx %arg6[%get3A_1184] : memref<50176xf32, #tpu.memory_space<vmem>>[vector<16xi32>], vector<16xf32>,
    %get3A_1186 = arith.constant 0 : i32
    %get3A_1187 = arith.index_cast %get3A_1186 : i32 to index
    %get3A_1188 = arith.constant 192 : index
    %get3A_1189 = tpu.vector_load %arg8[%get3A_1187, %get3A_1188] {strides = array<i32>} : memref<4x208xf32, #tpu.memory_space<vmem>>, vector<16xf32>,
    %mul3A_1190 = arith.mulf %gather3A_1185, %get3A_1189 : vector<16xf32>
    %get3A_1191 = arith.constant 1 : i32
    %get3A_1192 = arith.index_cast %get3A_1191 : i32 to index
    %get3A_1193 = arith.constant 192 : index
    %get3A_1194 = tpu.vector_load %arg7[%get3A_1192, %get3A_1193] {strides = array<i32>} : memref<4x208xi32, #tpu.memory_space<vmem>>, vector<16xi32>,
    %gather3A_1195 = tpu.vector_load_idx %arg6[%get3A_1194] : memref<50176xf32, #tpu.memory_space<vmem>>[vector<16xi32>], vector<16xf32>,
    %get3A_1196 = arith.constant 1 : i32
    %get3A_1197 = arith.index_cast %get3A_1196 : i32 to index
    %get3A_1198 = arith.constant 192 : index
    %get3A_1199 = tpu.vector_load %arg8[%get3A_1197, %get3A_1198] {strides = array<i32>} : memref<4x208xf32, #tpu.memory_space<vmem>>, vector<16xf32>,
    %mul3A_1200 = arith.mulf %gather3A_1195, %get3A_1199 : vector<16xf32>
    %add3A_1201 = arith.addf %mul3A_1190, %mul3A_1200 : vector<16xf32>
    %get3A_1202 = arith.constant 2 : i32
    %get3A_1203 = arith.index_cast %get3A_1202 : i32 to index
    %get3A_1204 = arith.constant 192 : index
    %get3A_1205 = tpu.vector_load %arg7[%get3A_1203, %get3A_1204] {strides = array<i32>} : memref<4x208xi32, #tpu.memory_space<vmem>>, vector<16xi32>,
    %gather3A_1206 = tpu.vector_load_idx %arg6[%get3A_1205] : memref<50176xf32, #tpu.memory_space<vmem>>[vector<16xi32>], vector<16xf32>,
    %get3A_1207 = arith.constant 2 : i32
    %get3A_1208 = arith.index_cast %get3A_1207 : i32 to index
    %get3A_1209 = arith.constant 192 : index
    %get3A_1210 = tpu.vector_load %arg8[%get3A_1208, %get3A_1209] {strides = array<i32>} : memref<4x208xf32, #tpu.memory_space<vmem>>, vector<16xf32>,
    %mul3A_1211 = arith.mulf %gather3A_1206, %get3A_1210 : vector<16xf32>
    %add3A_1212 = arith.addf %add3A_1201, %mul3A_1211 : vector<16xf32>
    %get3A_1213 = arith.constant 3 : i32
    %get3A_1214 = arith.index_cast %get3A_1213 : i32 to index
    %get3A_1215 = arith.constant 192 : index
    %get3A_1216 = tpu.vector_load %arg7[%get3A_1214, %get3A_1215] {strides = array<i32>} : memref<4x208xi32, #tpu.memory_space<vmem>>, vector<16xi32>,
    %gather3A_1217 = tpu.vector_load_idx %arg6[%get3A_1216] : memref<50176xf32, #tpu.memory_space<vmem>>[vector<16xi32>], vector<16xf32>,
    %get3A_1218 = arith.constant 3 : i32
    %get3A_1219 = arith.index_cast %get3A_1218 : i32 to index
    %get3A_1220 = arith.constant 192 : index
    %get3A_1221 = tpu.vector_load %arg8[%get3A_1219, %get3A_1220] {strides = array<i32>} : memref<4x208xf32, #tpu.memory_space<vmem>>, vector<16xf32>,
    %mul3A_1222 = arith.mulf %gather3A_1217, %get3A_1221 : vector<16xf32>
    %add3A_1223 = arith.addf %add3A_1212, %mul3A_1222 : vector<16xf32>
    %swap3A_1224 = arith.constant 1 : i32
    %swap3A_1225 = arith.index_cast %swap3A_1224 : i32 to index
    %swap3A_1226 = arith.constant 192 : index
    %swap3A_1227 = tpu.vector_load %arg9[%swap3A_1225, %swap3A_1226] {strides = array<i32>} : memref<3x208xf32, #tpu.memory_space<vmem>>, vector<16xf32>,
    tpu.vector_store %arg9[%swap3A_1225, %swap3A_1226], %add3A_1223 {strides = array<i32>} : memref<3x208xf32, #tpu.memory_space<vmem>>, vector<16xf32>,
    %mul3A_1228 = arith.constant 3 : i32
    %mul3A_1229 = arith.muli %add3A, %mul3A_1228 : i32
    %add3A_1230 = arith.constant 2 : i32
    %add3A_1231 = arith.addi %mul3A_1229, %add3A_1230 : i32
    "tpu.region"() ({
      %run_scoped3A = tpu.sem_alloc : memref<!tpu.dma_semaphore, #tpu.memory_space<semaphore_mem>>
      %dma_start3A = arith.constant 0 : i32
      %dma_start3A_1843 = tpu.memref_slice %arg2[%add3A_1231, %dma_start3A] : memref<96x50176xf32, #tpu.memory_space<hbm>> -> memref<1x50176xf32, #tpu.memory_space<hbm>>
      %dma_start3A_1844 = tpu.memref_squeeze %dma_start3A_1843 : memref<1x50176xf32, #tpu.memory_space<hbm>> -> memref<50176xf32, #tpu.memory_space<hbm>>
      %dma_start3A_1845 = arith.constant 0 : i32
      %dma_start3A_1846 = tpu.memref_slice %arg2[%add3A_1231, %dma_start3A_1845] : memref<96x50176xf32, #tpu.memory_space<hbm>> -> memref<1x50176xf32, #tpu.memory_space<hbm>>
      %dma_start3A_1847 = tpu.memref_squeeze %dma_start3A_1846 : memref<1x50176xf32, #tpu.memory_space<hbm>> -> memref<50176xf32, #tpu.memory_space<hbm>>
      tpu.enqueue_dma source(%dma_start3A_1847 : memref<50176xf32, #tpu.memory_space<hbm>>) target(%arg6 : memref<50176xf32, #tpu.memory_space<vmem>>) target_semaphore(%run_scoped3A : memref<!tpu.dma_semaphore, #tpu.memory_space<semaphore_mem>>)
      %dma_wait3A = arith.constant 0 : i32
      %dma_wait3A_1848 = tpu.memref_slice %arg2[%add3A_1231, %dma_wait3A] : memref<96x50176xf32, #tpu.memory_space<hbm>> -> memref<1x50176xf32, #tpu.memory_space<hbm>>
      %dma_wait3A_1849 = tpu.memref_squeeze %dma_wait3A_1848 : memref<1x50176xf32, #tpu.memory_space<hbm>> -> memref<50176xf32, #tpu.memory_space<hbm>>
      %dma_wait3A_1850 = arith.constant 0 : i32
      %dma_wait3A_1851 = tpu.memref_slice %arg2[%add3A_1231, %dma_wait3A_1850] : memref<96x50176xf32, #tpu.memory_space<hbm>> -> memref<1x50176xf32, #tpu.memory_space<hbm>>
      %dma_wait3A_1852 = tpu.memref_squeeze %dma_wait3A_1851 : memref<1x50176xf32, #tpu.memory_space<hbm>> -> memref<50176xf32, #tpu.memory_space<hbm>>
      tpu.wait_dma2 semaphore(%run_scoped3A : memref<!tpu.dma_semaphore, #tpu.memory_space<semaphore_mem>>) src(%dma_wait3A_1852 : memref<50176xf32, #tpu.memory_space<hbm>>) dst(%arg6 : memref<50176xf32, #tpu.memory_space<vmem>>)
      tpu.yield
    }) : () -> ()
    %get3A_1232 = arith.constant 0 : i32
    %get3A_1233 = arith.index_cast %get3A_1232 : i32 to index
    %get3A_1234 = arith.constant 0 : index
    %get3A_1235 = tpu.vector_load %arg7[%get3A_1233, %get3A_1234] {strides = array<i32>} : memref<4x208xi32, #tpu.memory_space<vmem>>, vector<16xi32>,
    %gather3A_1236 = tpu.vector_load_idx %arg6[%get3A_1235] : memref<50176xf32, #tpu.memory_space<vmem>>[vector<16xi32>], vector<16xf32>,
    %get3A_1237 = arith.constant 0 : i32
    %get3A_1238 = arith.index_cast %get3A_1237 : i32 to index
    %get3A_1239 = arith.constant 0 : index
    %get3A_1240 = tpu.vector_load %arg8[%get3A_1238, %get3A_1239] {strides = array<i32>} : memref<4x208xf32, #tpu.memory_space<vmem>>, vector<16xf32>,
    %mul3A_1241 = arith.mulf %gather3A_1236, %get3A_1240 : vector<16xf32>
    %get3A_1242 = arith.constant 1 : i32
    %get3A_1243 = arith.index_cast %get3A_1242 : i32 to index
    %get3A_1244 = arith.constant 0 : index
    %get3A_1245 = tpu.vector_load %arg7[%get3A_1243, %get3A_1244] {strides = array<i32>} : memref<4x208xi32, #tpu.memory_space<vmem>>, vector<16xi32>,
    %gather3A_1246 = tpu.vector_load_idx %arg6[%get3A_1245] : memref<50176xf32, #tpu.memory_space<vmem>>[vector<16xi32>], vector<16xf32>,
    %get3A_1247 = arith.constant 1 : i32
    %get3A_1248 = arith.index_cast %get3A_1247 : i32 to index
    %get3A_1249 = arith.constant 0 : index
    %get3A_1250 = tpu.vector_load %arg8[%get3A_1248, %get3A_1249] {strides = array<i32>} : memref<4x208xf32, #tpu.memory_space<vmem>>, vector<16xf32>,
    %mul3A_1251 = arith.mulf %gather3A_1246, %get3A_1250 : vector<16xf32>
    %add3A_1252 = arith.addf %mul3A_1241, %mul3A_1251 : vector<16xf32>
    %get3A_1253 = arith.constant 2 : i32
    %get3A_1254 = arith.index_cast %get3A_1253 : i32 to index
    %get3A_1255 = arith.constant 0 : index
    %get3A_1256 = tpu.vector_load %arg7[%get3A_1254, %get3A_1255] {strides = array<i32>} : memref<4x208xi32, #tpu.memory_space<vmem>>, vector<16xi32>,
    %gather3A_1257 = tpu.vector_load_idx %arg6[%get3A_1256] : memref<50176xf32, #tpu.memory_space<vmem>>[vector<16xi32>], vector<16xf32>,
    %get3A_1258 = arith.constant 2 : i32
    %get3A_1259 = arith.index_cast %get3A_1258 : i32 to index
    %get3A_1260 = arith.constant 0 : index
    %get3A_1261 = tpu.vector_load %arg8[%get3A_1259, %get3A_1260] {strides = array<i32>} : memref<4x208xf32, #tpu.memory_space<vmem>>, vector<16xf32>,
    %mul3A_1262 = arith.mulf %gather3A_1257, %get3A_1261 : vector<16xf32>
    %add3A_1263 = arith.addf %add3A_1252, %mul3A_1262 : vector<16xf32>
    %get3A_1264 = arith.constant 3 : i32
    %get3A_1265 = arith.index_cast %get3A_1264 : i32 to index
    %get3A_1266 = arith.constant 0 : index
    %get3A_1267 = tpu.vector_load %arg7[%get3A_1265, %get3A_1266] {strides = array<i32>} : memref<4x208xi32, #tpu.memory_space<vmem>>, vector<16xi32>,
    %gather3A_1268 = tpu.vector_load_idx %arg6[%get3A_1267] : memref<50176xf32, #tpu.memory_space<vmem>>[vector<16xi32>], vector<16xf32>,
    %get3A_1269 = arith.constant 3 : i32
    %get3A_1270 = arith.index_cast %get3A_1269 : i32 to index
    %get3A_1271 = arith.constant 0 : index
    %get3A_1272 = tpu.vector_load %arg8[%get3A_1270, %get3A_1271] {strides = array<i32>} : memref<4x208xf32, #tpu.memory_space<vmem>>, vector<16xf32>,
    %mul3A_1273 = arith.mulf %gather3A_1268, %get3A_1272 : vector<16xf32>
    %add3A_1274 = arith.addf %add3A_1263, %mul3A_1273 : vector<16xf32>
    %swap3A_1275 = arith.constant 2 : i32
    %swap3A_1276 = arith.index_cast %swap3A_1275 : i32 to index
    %swap3A_1277 = arith.constant 0 : index
    %swap3A_1278 = tpu.vector_load %arg9[%swap3A_1276, %swap3A_1277] {strides = array<i32>} : memref<3x208xf32, #tpu.memory_space<vmem>>, vector<16xf32>,
    tpu.vector_store %arg9[%swap3A_1276, %swap3A_1277], %add3A_1274 {strides = array<i32>} : memref<3x208xf32, #tpu.memory_space<vmem>>, vector<16xf32>,
    %get3A_1279 = arith.constant 0 : i32
    %get3A_1280 = arith.index_cast %get3A_1279 : i32 to index
    %get3A_1281 = arith.constant 16 : index
    %get3A_1282 = tpu.vector_load %arg7[%get3A_1280, %get3A_1281] {strides = array<i32>} : memref<4x208xi32, #tpu.memory_space<vmem>>, vector<16xi32>,
    %gather3A_1283 = tpu.vector_load_idx %arg6[%get3A_1282] : memref<50176xf32, #tpu.memory_space<vmem>>[vector<16xi32>], vector<16xf32>,
    %get3A_1284 = arith.constant 0 : i32
    %get3A_1285 = arith.index_cast %get3A_1284 : i32 to index
    %get3A_1286 = arith.constant 16 : index
    %get3A_1287 = tpu.vector_load %arg8[%get3A_1285, %get3A_1286] {strides = array<i32>} : memref<4x208xf32, #tpu.memory_space<vmem>>, vector<16xf32>,
    %mul3A_1288 = arith.mulf %gather3A_1283, %get3A_1287 : vector<16xf32>
    %get3A_1289 = arith.constant 1 : i32
    %get3A_1290 = arith.index_cast %get3A_1289 : i32 to index
    %get3A_1291 = arith.constant 16 : index
    %get3A_1292 = tpu.vector_load %arg7[%get3A_1290, %get3A_1291] {strides = array<i32>} : memref<4x208xi32, #tpu.memory_space<vmem>>, vector<16xi32>,
    %gather3A_1293 = tpu.vector_load_idx %arg6[%get3A_1292] : memref<50176xf32, #tpu.memory_space<vmem>>[vector<16xi32>], vector<16xf32>,
    %get3A_1294 = arith.constant 1 : i32
    %get3A_1295 = arith.index_cast %get3A_1294 : i32 to index
    %get3A_1296 = arith.constant 16 : index
    %get3A_1297 = tpu.vector_load %arg8[%get3A_1295, %get3A_1296] {strides = array<i32>} : memref<4x208xf32, #tpu.memory_space<vmem>>, vector<16xf32>,
    %mul3A_1298 = arith.mulf %gather3A_1293, %get3A_1297 : vector<16xf32>
    %add3A_1299 = arith.addf %mul3A_1288, %mul3A_1298 : vector<16xf32>
    %get3A_1300 = arith.constant 2 : i32
    %get3A_1301 = arith.index_cast %get3A_1300 : i32 to index
    %get3A_1302 = arith.constant 16 : index
    %get3A_1303 = tpu.vector_load %arg7[%get3A_1301, %get3A_1302] {strides = array<i32>} : memref<4x208xi32, #tpu.memory_space<vmem>>, vector<16xi32>,
    %gather3A_1304 = tpu.vector_load_idx %arg6[%get3A_1303] : memref<50176xf32, #tpu.memory_space<vmem>>[vector<16xi32>], vector<16xf32>,
    %get3A_1305 = arith.constant 2 : i32
    %get3A_1306 = arith.index_cast %get3A_1305 : i32 to index
    %get3A_1307 = arith.constant 16 : index
    %get3A_1308 = tpu.vector_load %arg8[%get3A_1306, %get3A_1307] {strides = array<i32>} : memref<4x208xf32, #tpu.memory_space<vmem>>, vector<16xf32>,
    %mul3A_1309 = arith.mulf %gather3A_1304, %get3A_1308 : vector<16xf32>
    %add3A_1310 = arith.addf %add3A_1299, %mul3A_1309 : vector<16xf32>
    %get3A_1311 = arith.constant 3 : i32
    %get3A_1312 = arith.index_cast %get3A_1311 : i32 to index
    %get3A_1313 = arith.constant 16 : index
    %get3A_1314 = tpu.vector_load %arg7[%get3A_1312, %get3A_1313] {strides = array<i32>} : memref<4x208xi32, #tpu.memory_space<vmem>>, vector<16xi32>,
    %gather3A_1315 = tpu.vector_load_idx %arg6[%get3A_1314] : memref<50176xf32, #tpu.memory_space<vmem>>[vector<16xi32>], vector<16xf32>,
    %get3A_1316 = arith.constant 3 : i32
    %get3A_1317 = arith.index_cast %get3A_1316 : i32 to index
    %get3A_1318 = arith.constant 16 : index
    %get3A_1319 = tpu.vector_load %arg8[%get3A_1317, %get3A_1318] {strides = array<i32>} : memref<4x208xf32, #tpu.memory_space<vmem>>, vector<16xf32>,
    %mul3A_1320 = arith.mulf %gather3A_1315, %get3A_1319 : vector<16xf32>
    %add3A_1321 = arith.addf %add3A_1310, %mul3A_1320 : vector<16xf32>
    %swap3A_1322 = arith.constant 2 : i32
    %swap3A_1323 = arith.index_cast %swap3A_1322 : i32 to index
    %swap3A_1324 = arith.constant 16 : index
    %swap3A_1325 = tpu.vector_load %arg9[%swap3A_1323, %swap3A_1324] {strides = array<i32>} : memref<3x208xf32, #tpu.memory_space<vmem>>, vector<16xf32>,
    tpu.vector_store %arg9[%swap3A_1323, %swap3A_1324], %add3A_1321 {strides = array<i32>} : memref<3x208xf32, #tpu.memory_space<vmem>>, vector<16xf32>,
    %get3A_1326 = arith.constant 0 : i32
    %get3A_1327 = arith.index_cast %get3A_1326 : i32 to index
    %get3A_1328 = arith.constant 32 : index
    %get3A_1329 = tpu.vector_load %arg7[%get3A_1327, %get3A_1328] {strides = array<i32>} : memref<4x208xi32, #tpu.memory_space<vmem>>, vector<16xi32>,
    %gather3A_1330 = tpu.vector_load_idx %arg6[%get3A_1329] : memref<50176xf32, #tpu.memory_space<vmem>>[vector<16xi32>], vector<16xf32>,
    %get3A_1331 = arith.constant 0 : i32
    %get3A_1332 = arith.index_cast %get3A_1331 : i32 to index
    %get3A_1333 = arith.constant 32 : index
    %get3A_1334 = tpu.vector_load %arg8[%get3A_1332, %get3A_1333] {strides = array<i32>} : memref<4x208xf32, #tpu.memory_space<vmem>>, vector<16xf32>,
    %mul3A_1335 = arith.mulf %gather3A_1330, %get3A_1334 : vector<16xf32>
    %get3A_1336 = arith.constant 1 : i32
    %get3A_1337 = arith.index_cast %get3A_1336 : i32 to index
    %get3A_1338 = arith.constant 32 : index
    %get3A_1339 = tpu.vector_load %arg7[%get3A_1337, %get3A_1338] {strides = array<i32>} : memref<4x208xi32, #tpu.memory_space<vmem>>, vector<16xi32>,
    %gather3A_1340 = tpu.vector_load_idx %arg6[%get3A_1339] : memref<50176xf32, #tpu.memory_space<vmem>>[vector<16xi32>], vector<16xf32>,
    %get3A_1341 = arith.constant 1 : i32
    %get3A_1342 = arith.index_cast %get3A_1341 : i32 to index
    %get3A_1343 = arith.constant 32 : index
    %get3A_1344 = tpu.vector_load %arg8[%get3A_1342, %get3A_1343] {strides = array<i32>} : memref<4x208xf32, #tpu.memory_space<vmem>>, vector<16xf32>,
    %mul3A_1345 = arith.mulf %gather3A_1340, %get3A_1344 : vector<16xf32>
    %add3A_1346 = arith.addf %mul3A_1335, %mul3A_1345 : vector<16xf32>
    %get3A_1347 = arith.constant 2 : i32
    %get3A_1348 = arith.index_cast %get3A_1347 : i32 to index
    %get3A_1349 = arith.constant 32 : index
    %get3A_1350 = tpu.vector_load %arg7[%get3A_1348, %get3A_1349] {strides = array<i32>} : memref<4x208xi32, #tpu.memory_space<vmem>>, vector<16xi32>,
    %gather3A_1351 = tpu.vector_load_idx %arg6[%get3A_1350] : memref<50176xf32, #tpu.memory_space<vmem>>[vector<16xi32>], vector<16xf32>,
    %get3A_1352 = arith.constant 2 : i32
    %get3A_1353 = arith.index_cast %get3A_1352 : i32 to index
    %get3A_1354 = arith.constant 32 : index
    %get3A_1355 = tpu.vector_load %arg8[%get3A_1353, %get3A_1354] {strides = array<i32>} : memref<4x208xf32, #tpu.memory_space<vmem>>, vector<16xf32>,
    %mul3A_1356 = arith.mulf %gather3A_1351, %get3A_1355 : vector<16xf32>
    %add3A_1357 = arith.addf %add3A_1346, %mul3A_1356 : vector<16xf32>
    %get3A_1358 = arith.constant 3 : i32
    %get3A_1359 = arith.index_cast %get3A_1358 : i32 to index
    %get3A_1360 = arith.constant 32 : index
    %get3A_1361 = tpu.vector_load %arg7[%get3A_1359, %get3A_1360] {strides = array<i32>} : memref<4x208xi32, #tpu.memory_space<vmem>>, vector<16xi32>,
    %gather3A_1362 = tpu.vector_load_idx %arg6[%get3A_1361] : memref<50176xf32, #tpu.memory_space<vmem>>[vector<16xi32>], vector<16xf32>,
    %get3A_1363 = arith.constant 3 : i32
    %get3A_1364 = arith.index_cast %get3A_1363 : i32 to index
    %get3A_1365 = arith.constant 32 : index
    %get3A_1366 = tpu.vector_load %arg8[%get3A_1364, %get3A_1365] {strides = array<i32>} : memref<4x208xf32, #tpu.memory_space<vmem>>, vector<16xf32>,
    %mul3A_1367 = arith.mulf %gather3A_1362, %get3A_1366 : vector<16xf32>
    %add3A_1368 = arith.addf %add3A_1357, %mul3A_1367 : vector<16xf32>
    %swap3A_1369 = arith.constant 2 : i32
    %swap3A_1370 = arith.index_cast %swap3A_1369 : i32 to index
    %swap3A_1371 = arith.constant 32 : index
    %swap3A_1372 = tpu.vector_load %arg9[%swap3A_1370, %swap3A_1371] {strides = array<i32>} : memref<3x208xf32, #tpu.memory_space<vmem>>, vector<16xf32>,
    tpu.vector_store %arg9[%swap3A_1370, %swap3A_1371], %add3A_1368 {strides = array<i32>} : memref<3x208xf32, #tpu.memory_space<vmem>>, vector<16xf32>,
    %get3A_1373 = arith.constant 0 : i32
    %get3A_1374 = arith.index_cast %get3A_1373 : i32 to index
    %get3A_1375 = arith.constant 48 : index
    %get3A_1376 = tpu.vector_load %arg7[%get3A_1374, %get3A_1375] {strides = array<i32>} : memref<4x208xi32, #tpu.memory_space<vmem>>, vector<16xi32>,
    %gather3A_1377 = tpu.vector_load_idx %arg6[%get3A_1376] : memref<50176xf32, #tpu.memory_space<vmem>>[vector<16xi32>], vector<16xf32>,
    %get3A_1378 = arith.constant 0 : i32
    %get3A_1379 = arith.index_cast %get3A_1378 : i32 to index
    %get3A_1380 = arith.constant 48 : index
    %get3A_1381 = tpu.vector_load %arg8[%get3A_1379, %get3A_1380] {strides = array<i32>} : memref<4x208xf32, #tpu.memory_space<vmem>>, vector<16xf32>,
    %mul3A_1382 = arith.mulf %gather3A_1377, %get3A_1381 : vector<16xf32>
    %get3A_1383 = arith.constant 1 : i32
    %get3A_1384 = arith.index_cast %get3A_1383 : i32 to index
    %get3A_1385 = arith.constant 48 : index
    %get3A_1386 = tpu.vector_load %arg7[%get3A_1384, %get3A_1385] {strides = array<i32>} : memref<4x208xi32, #tpu.memory_space<vmem>>, vector<16xi32>,
    %gather3A_1387 = tpu.vector_load_idx %arg6[%get3A_1386] : memref<50176xf32, #tpu.memory_space<vmem>>[vector<16xi32>], vector<16xf32>,
    %get3A_1388 = arith.constant 1 : i32
    %get3A_1389 = arith.index_cast %get3A_1388 : i32 to index
    %get3A_1390 = arith.constant 48 : index
    %get3A_1391 = tpu.vector_load %arg8[%get3A_1389, %get3A_1390] {strides = array<i32>} : memref<4x208xf32, #tpu.memory_space<vmem>>, vector<16xf32>,
    %mul3A_1392 = arith.mulf %gather3A_1387, %get3A_1391 : vector<16xf32>
    %add3A_1393 = arith.addf %mul3A_1382, %mul3A_1392 : vector<16xf32>
    %get3A_1394 = arith.constant 2 : i32
    %get3A_1395 = arith.index_cast %get3A_1394 : i32 to index
    %get3A_1396 = arith.constant 48 : index
    %get3A_1397 = tpu.vector_load %arg7[%get3A_1395, %get3A_1396] {strides = array<i32>} : memref<4x208xi32, #tpu.memory_space<vmem>>, vector<16xi32>,
    %gather3A_1398 = tpu.vector_load_idx %arg6[%get3A_1397] : memref<50176xf32, #tpu.memory_space<vmem>>[vector<16xi32>], vector<16xf32>,
    %get3A_1399 = arith.constant 2 : i32
    %get3A_1400 = arith.index_cast %get3A_1399 : i32 to index
    %get3A_1401 = arith.constant 48 : index
    %get3A_1402 = tpu.vector_load %arg8[%get3A_1400, %get3A_1401] {strides = array<i32>} : memref<4x208xf32, #tpu.memory_space<vmem>>, vector<16xf32>,
    %mul3A_1403 = arith.mulf %gather3A_1398, %get3A_1402 : vector<16xf32>
    %add3A_1404 = arith.addf %add3A_1393, %mul3A_1403 : vector<16xf32>
    %get3A_1405 = arith.constant 3 : i32
    %get3A_1406 = arith.index_cast %get3A_1405 : i32 to index
    %get3A_1407 = arith.constant 48 : index
    %get3A_1408 = tpu.vector_load %arg7[%get3A_1406, %get3A_1407] {strides = array<i32>} : memref<4x208xi32, #tpu.memory_space<vmem>>, vector<16xi32>,
    %gather3A_1409 = tpu.vector_load_idx %arg6[%get3A_1408] : memref<50176xf32, #tpu.memory_space<vmem>>[vector<16xi32>], vector<16xf32>,
    %get3A_1410 = arith.constant 3 : i32
    %get3A_1411 = arith.index_cast %get3A_1410 : i32 to index
    %get3A_1412 = arith.constant 48 : index
    %get3A_1413 = tpu.vector_load %arg8[%get3A_1411, %get3A_1412] {strides = array<i32>} : memref<4x208xf32, #tpu.memory_space<vmem>>, vector<16xf32>,
    %mul3A_1414 = arith.mulf %gather3A_1409, %get3A_1413 : vector<16xf32>
    %add3A_1415 = arith.addf %add3A_1404, %mul3A_1414 : vector<16xf32>
    %swap3A_1416 = arith.constant 2 : i32
    %swap3A_1417 = arith.index_cast %swap3A_1416 : i32 to index
    %swap3A_1418 = arith.constant 48 : index
    %swap3A_1419 = tpu.vector_load %arg9[%swap3A_1417, %swap3A_1418] {strides = array<i32>} : memref<3x208xf32, #tpu.memory_space<vmem>>, vector<16xf32>,
    tpu.vector_store %arg9[%swap3A_1417, %swap3A_1418], %add3A_1415 {strides = array<i32>} : memref<3x208xf32, #tpu.memory_space<vmem>>, vector<16xf32>,
    %get3A_1420 = arith.constant 0 : i32
    %get3A_1421 = arith.index_cast %get3A_1420 : i32 to index
    %get3A_1422 = arith.constant 64 : index
    %get3A_1423 = tpu.vector_load %arg7[%get3A_1421, %get3A_1422] {strides = array<i32>} : memref<4x208xi32, #tpu.memory_space<vmem>>, vector<16xi32>,
    %gather3A_1424 = tpu.vector_load_idx %arg6[%get3A_1423] : memref<50176xf32, #tpu.memory_space<vmem>>[vector<16xi32>], vector<16xf32>,
    %get3A_1425 = arith.constant 0 : i32
    %get3A_1426 = arith.index_cast %get3A_1425 : i32 to index
    %get3A_1427 = arith.constant 64 : index
    %get3A_1428 = tpu.vector_load %arg8[%get3A_1426, %get3A_1427] {strides = array<i32>} : memref<4x208xf32, #tpu.memory_space<vmem>>, vector<16xf32>,
    %mul3A_1429 = arith.mulf %gather3A_1424, %get3A_1428 : vector<16xf32>
    %get3A_1430 = arith.constant 1 : i32
    %get3A_1431 = arith.index_cast %get3A_1430 : i32 to index
    %get3A_1432 = arith.constant 64 : index
    %get3A_1433 = tpu.vector_load %arg7[%get3A_1431, %get3A_1432] {strides = array<i32>} : memref<4x208xi32, #tpu.memory_space<vmem>>, vector<16xi32>,
    %gather3A_1434 = tpu.vector_load_idx %arg6[%get3A_1433] : memref<50176xf32, #tpu.memory_space<vmem>>[vector<16xi32>], vector<16xf32>,
    %get3A_1435 = arith.constant 1 : i32
    %get3A_1436 = arith.index_cast %get3A_1435 : i32 to index
    %get3A_1437 = arith.constant 64 : index
    %get3A_1438 = tpu.vector_load %arg8[%get3A_1436, %get3A_1437] {strides = array<i32>} : memref<4x208xf32, #tpu.memory_space<vmem>>, vector<16xf32>,
    %mul3A_1439 = arith.mulf %gather3A_1434, %get3A_1438 : vector<16xf32>
    %add3A_1440 = arith.addf %mul3A_1429, %mul3A_1439 : vector<16xf32>
    %get3A_1441 = arith.constant 2 : i32
    %get3A_1442 = arith.index_cast %get3A_1441 : i32 to index
    %get3A_1443 = arith.constant 64 : index
    %get3A_1444 = tpu.vector_load %arg7[%get3A_1442, %get3A_1443] {strides = array<i32>} : memref<4x208xi32, #tpu.memory_space<vmem>>, vector<16xi32>,
    %gather3A_1445 = tpu.vector_load_idx %arg6[%get3A_1444] : memref<50176xf32, #tpu.memory_space<vmem>>[vector<16xi32>], vector<16xf32>,
    %get3A_1446 = arith.constant 2 : i32
    %get3A_1447 = arith.index_cast %get3A_1446 : i32 to index
    %get3A_1448 = arith.constant 64 : index
    %get3A_1449 = tpu.vector_load %arg8[%get3A_1447, %get3A_1448] {strides = array<i32>} : memref<4x208xf32, #tpu.memory_space<vmem>>, vector<16xf32>,
    %mul3A_1450 = arith.mulf %gather3A_1445, %get3A_1449 : vector<16xf32>
    %add3A_1451 = arith.addf %add3A_1440, %mul3A_1450 : vector<16xf32>
    %get3A_1452 = arith.constant 3 : i32
    %get3A_1453 = arith.index_cast %get3A_1452 : i32 to index
    %get3A_1454 = arith.constant 64 : index
    %get3A_1455 = tpu.vector_load %arg7[%get3A_1453, %get3A_1454] {strides = array<i32>} : memref<4x208xi32, #tpu.memory_space<vmem>>, vector<16xi32>,
    %gather3A_1456 = tpu.vector_load_idx %arg6[%get3A_1455] : memref<50176xf32, #tpu.memory_space<vmem>>[vector<16xi32>], vector<16xf32>,
    %get3A_1457 = arith.constant 3 : i32
    %get3A_1458 = arith.index_cast %get3A_1457 : i32 to index
    %get3A_1459 = arith.constant 64 : index
    %get3A_1460 = tpu.vector_load %arg8[%get3A_1458, %get3A_1459] {strides = array<i32>} : memref<4x208xf32, #tpu.memory_space<vmem>>, vector<16xf32>,
    %mul3A_1461 = arith.mulf %gather3A_1456, %get3A_1460 : vector<16xf32>
    %add3A_1462 = arith.addf %add3A_1451, %mul3A_1461 : vector<16xf32>
    %swap3A_1463 = arith.constant 2 : i32
    %swap3A_1464 = arith.index_cast %swap3A_1463 : i32 to index
    %swap3A_1465 = arith.constant 64 : index
    %swap3A_1466 = tpu.vector_load %arg9[%swap3A_1464, %swap3A_1465] {strides = array<i32>} : memref<3x208xf32, #tpu.memory_space<vmem>>, vector<16xf32>,
    tpu.vector_store %arg9[%swap3A_1464, %swap3A_1465], %add3A_1462 {strides = array<i32>} : memref<3x208xf32, #tpu.memory_space<vmem>>, vector<16xf32>,
    %get3A_1467 = arith.constant 0 : i32
    %get3A_1468 = arith.index_cast %get3A_1467 : i32 to index
    %get3A_1469 = arith.constant 80 : index
    %get3A_1470 = tpu.vector_load %arg7[%get3A_1468, %get3A_1469] {strides = array<i32>} : memref<4x208xi32, #tpu.memory_space<vmem>>, vector<16xi32>,
    %gather3A_1471 = tpu.vector_load_idx %arg6[%get3A_1470] : memref<50176xf32, #tpu.memory_space<vmem>>[vector<16xi32>], vector<16xf32>,
    %get3A_1472 = arith.constant 0 : i32
    %get3A_1473 = arith.index_cast %get3A_1472 : i32 to index
    %get3A_1474 = arith.constant 80 : index
    %get3A_1475 = tpu.vector_load %arg8[%get3A_1473, %get3A_1474] {strides = array<i32>} : memref<4x208xf32, #tpu.memory_space<vmem>>, vector<16xf32>,
    %mul3A_1476 = arith.mulf %gather3A_1471, %get3A_1475 : vector<16xf32>
    %get3A_1477 = arith.constant 1 : i32
    %get3A_1478 = arith.index_cast %get3A_1477 : i32 to index
    %get3A_1479 = arith.constant 80 : index
    %get3A_1480 = tpu.vector_load %arg7[%get3A_1478, %get3A_1479] {strides = array<i32>} : memref<4x208xi32, #tpu.memory_space<vmem>>, vector<16xi32>,
    %gather3A_1481 = tpu.vector_load_idx %arg6[%get3A_1480] : memref<50176xf32, #tpu.memory_space<vmem>>[vector<16xi32>], vector<16xf32>,
    %get3A_1482 = arith.constant 1 : i32
    %get3A_1483 = arith.index_cast %get3A_1482 : i32 to index
    %get3A_1484 = arith.constant 80 : index
    %get3A_1485 = tpu.vector_load %arg8[%get3A_1483, %get3A_1484] {strides = array<i32>} : memref<4x208xf32, #tpu.memory_space<vmem>>, vector<16xf32>,
    %mul3A_1486 = arith.mulf %gather3A_1481, %get3A_1485 : vector<16xf32>
    %add3A_1487 = arith.addf %mul3A_1476, %mul3A_1486 : vector<16xf32>
    %get3A_1488 = arith.constant 2 : i32
    %get3A_1489 = arith.index_cast %get3A_1488 : i32 to index
    %get3A_1490 = arith.constant 80 : index
    %get3A_1491 = tpu.vector_load %arg7[%get3A_1489, %get3A_1490] {strides = array<i32>} : memref<4x208xi32, #tpu.memory_space<vmem>>, vector<16xi32>,
    %gather3A_1492 = tpu.vector_load_idx %arg6[%get3A_1491] : memref<50176xf32, #tpu.memory_space<vmem>>[vector<16xi32>], vector<16xf32>,
    %get3A_1493 = arith.constant 2 : i32
    %get3A_1494 = arith.index_cast %get3A_1493 : i32 to index
    %get3A_1495 = arith.constant 80 : index
    %get3A_1496 = tpu.vector_load %arg8[%get3A_1494, %get3A_1495] {strides = array<i32>} : memref<4x208xf32, #tpu.memory_space<vmem>>, vector<16xf32>,
    %mul3A_1497 = arith.mulf %gather3A_1492, %get3A_1496 : vector<16xf32>
    %add3A_1498 = arith.addf %add3A_1487, %mul3A_1497 : vector<16xf32>
    %get3A_1499 = arith.constant 3 : i32
    %get3A_1500 = arith.index_cast %get3A_1499 : i32 to index
    %get3A_1501 = arith.constant 80 : index
    %get3A_1502 = tpu.vector_load %arg7[%get3A_1500, %get3A_1501] {strides = array<i32>} : memref<4x208xi32, #tpu.memory_space<vmem>>, vector<16xi32>,
    %gather3A_1503 = tpu.vector_load_idx %arg6[%get3A_1502] : memref<50176xf32, #tpu.memory_space<vmem>>[vector<16xi32>], vector<16xf32>,
    %get3A_1504 = arith.constant 3 : i32
    %get3A_1505 = arith.index_cast %get3A_1504 : i32 to index
    %get3A_1506 = arith.constant 80 : index
    %get3A_1507 = tpu.vector_load %arg8[%get3A_1505, %get3A_1506] {strides = array<i32>} : memref<4x208xf32, #tpu.memory_space<vmem>>, vector<16xf32>,
    %mul3A_1508 = arith.mulf %gather3A_1503, %get3A_1507 : vector<16xf32>
    %add3A_1509 = arith.addf %add3A_1498, %mul3A_1508 : vector<16xf32>
    %swap3A_1510 = arith.constant 2 : i32
    %swap3A_1511 = arith.index_cast %swap3A_1510 : i32 to index
    %swap3A_1512 = arith.constant 80 : index
    %swap3A_1513 = tpu.vector_load %arg9[%swap3A_1511, %swap3A_1512] {strides = array<i32>} : memref<3x208xf32, #tpu.memory_space<vmem>>, vector<16xf32>,
    tpu.vector_store %arg9[%swap3A_1511, %swap3A_1512], %add3A_1509 {strides = array<i32>} : memref<3x208xf32, #tpu.memory_space<vmem>>, vector<16xf32>,
    %get3A_1514 = arith.constant 0 : i32
    %get3A_1515 = arith.index_cast %get3A_1514 : i32 to index
    %get3A_1516 = arith.constant 96 : index
    %get3A_1517 = tpu.vector_load %arg7[%get3A_1515, %get3A_1516] {strides = array<i32>} : memref<4x208xi32, #tpu.memory_space<vmem>>, vector<16xi32>,
    %gather3A_1518 = tpu.vector_load_idx %arg6[%get3A_1517] : memref<50176xf32, #tpu.memory_space<vmem>>[vector<16xi32>], vector<16xf32>,
    %get3A_1519 = arith.constant 0 : i32
    %get3A_1520 = arith.index_cast %get3A_1519 : i32 to index
    %get3A_1521 = arith.constant 96 : index
    %get3A_1522 = tpu.vector_load %arg8[%get3A_1520, %get3A_1521] {strides = array<i32>} : memref<4x208xf32, #tpu.memory_space<vmem>>, vector<16xf32>,
    %mul3A_1523 = arith.mulf %gather3A_1518, %get3A_1522 : vector<16xf32>
    %get3A_1524 = arith.constant 1 : i32
    %get3A_1525 = arith.index_cast %get3A_1524 : i32 to index
    %get3A_1526 = arith.constant 96 : index
    %get3A_1527 = tpu.vector_load %arg7[%get3A_1525, %get3A_1526] {strides = array<i32>} : memref<4x208xi32, #tpu.memory_space<vmem>>, vector<16xi32>,
    %gather3A_1528 = tpu.vector_load_idx %arg6[%get3A_1527] : memref<50176xf32, #tpu.memory_space<vmem>>[vector<16xi32>], vector<16xf32>,
    %get3A_1529 = arith.constant 1 : i32
    %get3A_1530 = arith.index_cast %get3A_1529 : i32 to index
    %get3A_1531 = arith.constant 96 : index
    %get3A_1532 = tpu.vector_load %arg8[%get3A_1530, %get3A_1531] {strides = array<i32>} : memref<4x208xf32, #tpu.memory_space<vmem>>, vector<16xf32>,
    %mul3A_1533 = arith.mulf %gather3A_1528, %get3A_1532 : vector<16xf32>
    %add3A_1534 = arith.addf %mul3A_1523, %mul3A_1533 : vector<16xf32>
    %get3A_1535 = arith.constant 2 : i32
    %get3A_1536 = arith.index_cast %get3A_1535 : i32 to index
    %get3A_1537 = arith.constant 96 : index
    %get3A_1538 = tpu.vector_load %arg7[%get3A_1536, %get3A_1537] {strides = array<i32>} : memref<4x208xi32, #tpu.memory_space<vmem>>, vector<16xi32>,
    %gather3A_1539 = tpu.vector_load_idx %arg6[%get3A_1538] : memref<50176xf32, #tpu.memory_space<vmem>>[vector<16xi32>], vector<16xf32>,
    %get3A_1540 = arith.constant 2 : i32
    %get3A_1541 = arith.index_cast %get3A_1540 : i32 to index
    %get3A_1542 = arith.constant 96 : index
    %get3A_1543 = tpu.vector_load %arg8[%get3A_1541, %get3A_1542] {strides = array<i32>} : memref<4x208xf32, #tpu.memory_space<vmem>>, vector<16xf32>,
    %mul3A_1544 = arith.mulf %gather3A_1539, %get3A_1543 : vector<16xf32>
    %add3A_1545 = arith.addf %add3A_1534, %mul3A_1544 : vector<16xf32>
    %get3A_1546 = arith.constant 3 : i32
    %get3A_1547 = arith.index_cast %get3A_1546 : i32 to index
    %get3A_1548 = arith.constant 96 : index
    %get3A_1549 = tpu.vector_load %arg7[%get3A_1547, %get3A_1548] {strides = array<i32>} : memref<4x208xi32, #tpu.memory_space<vmem>>, vector<16xi32>,
    %gather3A_1550 = tpu.vector_load_idx %arg6[%get3A_1549] : memref<50176xf32, #tpu.memory_space<vmem>>[vector<16xi32>], vector<16xf32>,
    %get3A_1551 = arith.constant 3 : i32
    %get3A_1552 = arith.index_cast %get3A_1551 : i32 to index
    %get3A_1553 = arith.constant 96 : index
    %get3A_1554 = tpu.vector_load %arg8[%get3A_1552, %get3A_1553] {strides = array<i32>} : memref<4x208xf32, #tpu.memory_space<vmem>>, vector<16xf32>,
    %mul3A_1555 = arith.mulf %gather3A_1550, %get3A_1554 : vector<16xf32>
    %add3A_1556 = arith.addf %add3A_1545, %mul3A_1555 : vector<16xf32>
    %swap3A_1557 = arith.constant 2 : i32
    %swap3A_1558 = arith.index_cast %swap3A_1557 : i32 to index
    %swap3A_1559 = arith.constant 96 : index
    %swap3A_1560 = tpu.vector_load %arg9[%swap3A_1558, %swap3A_1559] {strides = array<i32>} : memref<3x208xf32, #tpu.memory_space<vmem>>, vector<16xf32>,
    tpu.vector_store %arg9[%swap3A_1558, %swap3A_1559], %add3A_1556 {strides = array<i32>} : memref<3x208xf32, #tpu.memory_space<vmem>>, vector<16xf32>,
    %get3A_1561 = arith.constant 0 : i32
    %get3A_1562 = arith.index_cast %get3A_1561 : i32 to index
    %get3A_1563 = arith.constant 112 : index
    %get3A_1564 = tpu.vector_load %arg7[%get3A_1562, %get3A_1563] {strides = array<i32>} : memref<4x208xi32, #tpu.memory_space<vmem>>, vector<16xi32>,
    %gather3A_1565 = tpu.vector_load_idx %arg6[%get3A_1564] : memref<50176xf32, #tpu.memory_space<vmem>>[vector<16xi32>], vector<16xf32>,
    %get3A_1566 = arith.constant 0 : i32
    %get3A_1567 = arith.index_cast %get3A_1566 : i32 to index
    %get3A_1568 = arith.constant 112 : index
    %get3A_1569 = tpu.vector_load %arg8[%get3A_1567, %get3A_1568] {strides = array<i32>} : memref<4x208xf32, #tpu.memory_space<vmem>>, vector<16xf32>,
    %mul3A_1570 = arith.mulf %gather3A_1565, %get3A_1569 : vector<16xf32>
    %get3A_1571 = arith.constant 1 : i32
    %get3A_1572 = arith.index_cast %get3A_1571 : i32 to index
    %get3A_1573 = arith.constant 112 : index
    %get3A_1574 = tpu.vector_load %arg7[%get3A_1572, %get3A_1573] {strides = array<i32>} : memref<4x208xi32, #tpu.memory_space<vmem>>, vector<16xi32>,
    %gather3A_1575 = tpu.vector_load_idx %arg6[%get3A_1574] : memref<50176xf32, #tpu.memory_space<vmem>>[vector<16xi32>], vector<16xf32>,
    %get3A_1576 = arith.constant 1 : i32
    %get3A_1577 = arith.index_cast %get3A_1576 : i32 to index
    %get3A_1578 = arith.constant 112 : index
    %get3A_1579 = tpu.vector_load %arg8[%get3A_1577, %get3A_1578] {strides = array<i32>} : memref<4x208xf32, #tpu.memory_space<vmem>>, vector<16xf32>,
    %mul3A_1580 = arith.mulf %gather3A_1575, %get3A_1579 : vector<16xf32>
    %add3A_1581 = arith.addf %mul3A_1570, %mul3A_1580 : vector<16xf32>
    %get3A_1582 = arith.constant 2 : i32
    %get3A_1583 = arith.index_cast %get3A_1582 : i32 to index
    %get3A_1584 = arith.constant 112 : index
    %get3A_1585 = tpu.vector_load %arg7[%get3A_1583, %get3A_1584] {strides = array<i32>} : memref<4x208xi32, #tpu.memory_space<vmem>>, vector<16xi32>,
    %gather3A_1586 = tpu.vector_load_idx %arg6[%get3A_1585] : memref<50176xf32, #tpu.memory_space<vmem>>[vector<16xi32>], vector<16xf32>,
    %get3A_1587 = arith.constant 2 : i32
    %get3A_1588 = arith.index_cast %get3A_1587 : i32 to index
    %get3A_1589 = arith.constant 112 : index
    %get3A_1590 = tpu.vector_load %arg8[%get3A_1588, %get3A_1589] {strides = array<i32>} : memref<4x208xf32, #tpu.memory_space<vmem>>, vector<16xf32>,
    %mul3A_1591 = arith.mulf %gather3A_1586, %get3A_1590 : vector<16xf32>
    %add3A_1592 = arith.addf %add3A_1581, %mul3A_1591 : vector<16xf32>
    %get3A_1593 = arith.constant 3 : i32
    %get3A_1594 = arith.index_cast %get3A_1593 : i32 to index
    %get3A_1595 = arith.constant 112 : index
    %get3A_1596 = tpu.vector_load %arg7[%get3A_1594, %get3A_1595] {strides = array<i32>} : memref<4x208xi32, #tpu.memory_space<vmem>>, vector<16xi32>,
    %gather3A_1597 = tpu.vector_load_idx %arg6[%get3A_1596] : memref<50176xf32, #tpu.memory_space<vmem>>[vector<16xi32>], vector<16xf32>,
    %get3A_1598 = arith.constant 3 : i32
    %get3A_1599 = arith.index_cast %get3A_1598 : i32 to index
    %get3A_1600 = arith.constant 112 : index
    %get3A_1601 = tpu.vector_load %arg8[%get3A_1599, %get3A_1600] {strides = array<i32>} : memref<4x208xf32, #tpu.memory_space<vmem>>, vector<16xf32>,
    %mul3A_1602 = arith.mulf %gather3A_1597, %get3A_1601 : vector<16xf32>
    %add3A_1603 = arith.addf %add3A_1592, %mul3A_1602 : vector<16xf32>
    %swap3A_1604 = arith.constant 2 : i32
    %swap3A_1605 = arith.index_cast %swap3A_1604 : i32 to index
    %swap3A_1606 = arith.constant 112 : index
    %swap3A_1607 = tpu.vector_load %arg9[%swap3A_1605, %swap3A_1606] {strides = array<i32>} : memref<3x208xf32, #tpu.memory_space<vmem>>, vector<16xf32>,
    tpu.vector_store %arg9[%swap3A_1605, %swap3A_1606], %add3A_1603 {strides = array<i32>} : memref<3x208xf32, #tpu.memory_space<vmem>>, vector<16xf32>,
    %get3A_1608 = arith.constant 0 : i32
    %get3A_1609 = arith.index_cast %get3A_1608 : i32 to index
    %get3A_1610 = arith.constant 128 : index
    %get3A_1611 = tpu.vector_load %arg7[%get3A_1609, %get3A_1610] {strides = array<i32>} : memref<4x208xi32, #tpu.memory_space<vmem>>, vector<16xi32>,
    %gather3A_1612 = tpu.vector_load_idx %arg6[%get3A_1611] : memref<50176xf32, #tpu.memory_space<vmem>>[vector<16xi32>], vector<16xf32>,
    %get3A_1613 = arith.constant 0 : i32
    %get3A_1614 = arith.index_cast %get3A_1613 : i32 to index
    %get3A_1615 = arith.constant 128 : index
    %get3A_1616 = tpu.vector_load %arg8[%get3A_1614, %get3A_1615] {strides = array<i32>} : memref<4x208xf32, #tpu.memory_space<vmem>>, vector<16xf32>,
    %mul3A_1617 = arith.mulf %gather3A_1612, %get3A_1616 : vector<16xf32>
    %get3A_1618 = arith.constant 1 : i32
    %get3A_1619 = arith.index_cast %get3A_1618 : i32 to index
    %get3A_1620 = arith.constant 128 : index
    %get3A_1621 = tpu.vector_load %arg7[%get3A_1619, %get3A_1620] {strides = array<i32>} : memref<4x208xi32, #tpu.memory_space<vmem>>, vector<16xi32>,
    %gather3A_1622 = tpu.vector_load_idx %arg6[%get3A_1621] : memref<50176xf32, #tpu.memory_space<vmem>>[vector<16xi32>], vector<16xf32>,
    %get3A_1623 = arith.constant 1 : i32
    %get3A_1624 = arith.index_cast %get3A_1623 : i32 to index
    %get3A_1625 = arith.constant 128 : index
    %get3A_1626 = tpu.vector_load %arg8[%get3A_1624, %get3A_1625] {strides = array<i32>} : memref<4x208xf32, #tpu.memory_space<vmem>>, vector<16xf32>,
    %mul3A_1627 = arith.mulf %gather3A_1622, %get3A_1626 : vector<16xf32>
    %add3A_1628 = arith.addf %mul3A_1617, %mul3A_1627 : vector<16xf32>
    %get3A_1629 = arith.constant 2 : i32
    %get3A_1630 = arith.index_cast %get3A_1629 : i32 to index
    %get3A_1631 = arith.constant 128 : index
    %get3A_1632 = tpu.vector_load %arg7[%get3A_1630, %get3A_1631] {strides = array<i32>} : memref<4x208xi32, #tpu.memory_space<vmem>>, vector<16xi32>,
    %gather3A_1633 = tpu.vector_load_idx %arg6[%get3A_1632] : memref<50176xf32, #tpu.memory_space<vmem>>[vector<16xi32>], vector<16xf32>,
    %get3A_1634 = arith.constant 2 : i32
    %get3A_1635 = arith.index_cast %get3A_1634 : i32 to index
    %get3A_1636 = arith.constant 128 : index
    %get3A_1637 = tpu.vector_load %arg8[%get3A_1635, %get3A_1636] {strides = array<i32>} : memref<4x208xf32, #tpu.memory_space<vmem>>, vector<16xf32>,
    %mul3A_1638 = arith.mulf %gather3A_1633, %get3A_1637 : vector<16xf32>
    %add3A_1639 = arith.addf %add3A_1628, %mul3A_1638 : vector<16xf32>
    %get3A_1640 = arith.constant 3 : i32
    %get3A_1641 = arith.index_cast %get3A_1640 : i32 to index
    %get3A_1642 = arith.constant 128 : index
    %get3A_1643 = tpu.vector_load %arg7[%get3A_1641, %get3A_1642] {strides = array<i32>} : memref<4x208xi32, #tpu.memory_space<vmem>>, vector<16xi32>,
    %gather3A_1644 = tpu.vector_load_idx %arg6[%get3A_1643] : memref<50176xf32, #tpu.memory_space<vmem>>[vector<16xi32>], vector<16xf32>,
    %get3A_1645 = arith.constant 3 : i32
    %get3A_1646 = arith.index_cast %get3A_1645 : i32 to index
    %get3A_1647 = arith.constant 128 : index
    %get3A_1648 = tpu.vector_load %arg8[%get3A_1646, %get3A_1647] {strides = array<i32>} : memref<4x208xf32, #tpu.memory_space<vmem>>, vector<16xf32>,
    %mul3A_1649 = arith.mulf %gather3A_1644, %get3A_1648 : vector<16xf32>
    %add3A_1650 = arith.addf %add3A_1639, %mul3A_1649 : vector<16xf32>
    %swap3A_1651 = arith.constant 2 : i32
    %swap3A_1652 = arith.index_cast %swap3A_1651 : i32 to index
    %swap3A_1653 = arith.constant 128 : index
    %swap3A_1654 = tpu.vector_load %arg9[%swap3A_1652, %swap3A_1653] {strides = array<i32>} : memref<3x208xf32, #tpu.memory_space<vmem>>, vector<16xf32>,
    tpu.vector_store %arg9[%swap3A_1652, %swap3A_1653], %add3A_1650 {strides = array<i32>} : memref<3x208xf32, #tpu.memory_space<vmem>>, vector<16xf32>,
    %get3A_1655 = arith.constant 0 : i32
    %get3A_1656 = arith.index_cast %get3A_1655 : i32 to index
    %get3A_1657 = arith.constant 144 : index
    %get3A_1658 = tpu.vector_load %arg7[%get3A_1656, %get3A_1657] {strides = array<i32>} : memref<4x208xi32, #tpu.memory_space<vmem>>, vector<16xi32>,
    %gather3A_1659 = tpu.vector_load_idx %arg6[%get3A_1658] : memref<50176xf32, #tpu.memory_space<vmem>>[vector<16xi32>], vector<16xf32>,
    %get3A_1660 = arith.constant 0 : i32
    %get3A_1661 = arith.index_cast %get3A_1660 : i32 to index
    %get3A_1662 = arith.constant 144 : index
    %get3A_1663 = tpu.vector_load %arg8[%get3A_1661, %get3A_1662] {strides = array<i32>} : memref<4x208xf32, #tpu.memory_space<vmem>>, vector<16xf32>,
    %mul3A_1664 = arith.mulf %gather3A_1659, %get3A_1663 : vector<16xf32>
    %get3A_1665 = arith.constant 1 : i32
    %get3A_1666 = arith.index_cast %get3A_1665 : i32 to index
    %get3A_1667 = arith.constant 144 : index
    %get3A_1668 = tpu.vector_load %arg7[%get3A_1666, %get3A_1667] {strides = array<i32>} : memref<4x208xi32, #tpu.memory_space<vmem>>, vector<16xi32>,
    %gather3A_1669 = tpu.vector_load_idx %arg6[%get3A_1668] : memref<50176xf32, #tpu.memory_space<vmem>>[vector<16xi32>], vector<16xf32>,
    %get3A_1670 = arith.constant 1 : i32
    %get3A_1671 = arith.index_cast %get3A_1670 : i32 to index
    %get3A_1672 = arith.constant 144 : index
    %get3A_1673 = tpu.vector_load %arg8[%get3A_1671, %get3A_1672] {strides = array<i32>} : memref<4x208xf32, #tpu.memory_space<vmem>>, vector<16xf32>,
    %mul3A_1674 = arith.mulf %gather3A_1669, %get3A_1673 : vector<16xf32>
    %add3A_1675 = arith.addf %mul3A_1664, %mul3A_1674 : vector<16xf32>
    %get3A_1676 = arith.constant 2 : i32
    %get3A_1677 = arith.index_cast %get3A_1676 : i32 to index
    %get3A_1678 = arith.constant 144 : index
    %get3A_1679 = tpu.vector_load %arg7[%get3A_1677, %get3A_1678] {strides = array<i32>} : memref<4x208xi32, #tpu.memory_space<vmem>>, vector<16xi32>,
    %gather3A_1680 = tpu.vector_load_idx %arg6[%get3A_1679] : memref<50176xf32, #tpu.memory_space<vmem>>[vector<16xi32>], vector<16xf32>,
    %get3A_1681 = arith.constant 2 : i32
    %get3A_1682 = arith.index_cast %get3A_1681 : i32 to index
    %get3A_1683 = arith.constant 144 : index
    %get3A_1684 = tpu.vector_load %arg8[%get3A_1682, %get3A_1683] {strides = array<i32>} : memref<4x208xf32, #tpu.memory_space<vmem>>, vector<16xf32>,
    %mul3A_1685 = arith.mulf %gather3A_1680, %get3A_1684 : vector<16xf32>
    %add3A_1686 = arith.addf %add3A_1675, %mul3A_1685 : vector<16xf32>
    %get3A_1687 = arith.constant 3 : i32
    %get3A_1688 = arith.index_cast %get3A_1687 : i32 to index
    %get3A_1689 = arith.constant 144 : index
    %get3A_1690 = tpu.vector_load %arg7[%get3A_1688, %get3A_1689] {strides = array<i32>} : memref<4x208xi32, #tpu.memory_space<vmem>>, vector<16xi32>,
    %gather3A_1691 = tpu.vector_load_idx %arg6[%get3A_1690] : memref<50176xf32, #tpu.memory_space<vmem>>[vector<16xi32>], vector<16xf32>,
    %get3A_1692 = arith.constant 3 : i32
    %get3A_1693 = arith.index_cast %get3A_1692 : i32 to index
    %get3A_1694 = arith.constant 144 : index
    %get3A_1695 = tpu.vector_load %arg8[%get3A_1693, %get3A_1694] {strides = array<i32>} : memref<4x208xf32, #tpu.memory_space<vmem>>, vector<16xf32>,
    %mul3A_1696 = arith.mulf %gather3A_1691, %get3A_1695 : vector<16xf32>
    %add3A_1697 = arith.addf %add3A_1686, %mul3A_1696 : vector<16xf32>
    %swap3A_1698 = arith.constant 2 : i32
    %swap3A_1699 = arith.index_cast %swap3A_1698 : i32 to index
    %swap3A_1700 = arith.constant 144 : index
    %swap3A_1701 = tpu.vector_load %arg9[%swap3A_1699, %swap3A_1700] {strides = array<i32>} : memref<3x208xf32, #tpu.memory_space<vmem>>, vector<16xf32>,
    tpu.vector_store %arg9[%swap3A_1699, %swap3A_1700], %add3A_1697 {strides = array<i32>} : memref<3x208xf32, #tpu.memory_space<vmem>>, vector<16xf32>,
    %get3A_1702 = arith.constant 0 : i32
    %get3A_1703 = arith.index_cast %get3A_1702 : i32 to index
    %get3A_1704 = arith.constant 160 : index
    %get3A_1705 = tpu.vector_load %arg7[%get3A_1703, %get3A_1704] {strides = array<i32>} : memref<4x208xi32, #tpu.memory_space<vmem>>, vector<16xi32>,
    %gather3A_1706 = tpu.vector_load_idx %arg6[%get3A_1705] : memref<50176xf32, #tpu.memory_space<vmem>>[vector<16xi32>], vector<16xf32>,
    %get3A_1707 = arith.constant 0 : i32
    %get3A_1708 = arith.index_cast %get3A_1707 : i32 to index
    %get3A_1709 = arith.constant 160 : index
    %get3A_1710 = tpu.vector_load %arg8[%get3A_1708, %get3A_1709] {strides = array<i32>} : memref<4x208xf32, #tpu.memory_space<vmem>>, vector<16xf32>,
    %mul3A_1711 = arith.mulf %gather3A_1706, %get3A_1710 : vector<16xf32>
    %get3A_1712 = arith.constant 1 : i32
    %get3A_1713 = arith.index_cast %get3A_1712 : i32 to index
    %get3A_1714 = arith.constant 160 : index
    %get3A_1715 = tpu.vector_load %arg7[%get3A_1713, %get3A_1714] {strides = array<i32>} : memref<4x208xi32, #tpu.memory_space<vmem>>, vector<16xi32>,
    %gather3A_1716 = tpu.vector_load_idx %arg6[%get3A_1715] : memref<50176xf32, #tpu.memory_space<vmem>>[vector<16xi32>], vector<16xf32>,
    %get3A_1717 = arith.constant 1 : i32
    %get3A_1718 = arith.index_cast %get3A_1717 : i32 to index
    %get3A_1719 = arith.constant 160 : index
    %get3A_1720 = tpu.vector_load %arg8[%get3A_1718, %get3A_1719] {strides = array<i32>} : memref<4x208xf32, #tpu.memory_space<vmem>>, vector<16xf32>,
    %mul3A_1721 = arith.mulf %gather3A_1716, %get3A_1720 : vector<16xf32>
    %add3A_1722 = arith.addf %mul3A_1711, %mul3A_1721 : vector<16xf32>
    %get3A_1723 = arith.constant 2 : i32
    %get3A_1724 = arith.index_cast %get3A_1723 : i32 to index
    %get3A_1725 = arith.constant 160 : index
    %get3A_1726 = tpu.vector_load %arg7[%get3A_1724, %get3A_1725] {strides = array<i32>} : memref<4x208xi32, #tpu.memory_space<vmem>>, vector<16xi32>,
    %gather3A_1727 = tpu.vector_load_idx %arg6[%get3A_1726] : memref<50176xf32, #tpu.memory_space<vmem>>[vector<16xi32>], vector<16xf32>,
    %get3A_1728 = arith.constant 2 : i32
    %get3A_1729 = arith.index_cast %get3A_1728 : i32 to index
    %get3A_1730 = arith.constant 160 : index
    %get3A_1731 = tpu.vector_load %arg8[%get3A_1729, %get3A_1730] {strides = array<i32>} : memref<4x208xf32, #tpu.memory_space<vmem>>, vector<16xf32>,
    %mul3A_1732 = arith.mulf %gather3A_1727, %get3A_1731 : vector<16xf32>
    %add3A_1733 = arith.addf %add3A_1722, %mul3A_1732 : vector<16xf32>
    %get3A_1734 = arith.constant 3 : i32
    %get3A_1735 = arith.index_cast %get3A_1734 : i32 to index
    %get3A_1736 = arith.constant 160 : index
    %get3A_1737 = tpu.vector_load %arg7[%get3A_1735, %get3A_1736] {strides = array<i32>} : memref<4x208xi32, #tpu.memory_space<vmem>>, vector<16xi32>,
    %gather3A_1738 = tpu.vector_load_idx %arg6[%get3A_1737] : memref<50176xf32, #tpu.memory_space<vmem>>[vector<16xi32>], vector<16xf32>,
    %get3A_1739 = arith.constant 3 : i32
    %get3A_1740 = arith.index_cast %get3A_1739 : i32 to index
    %get3A_1741 = arith.constant 160 : index
    %get3A_1742 = tpu.vector_load %arg8[%get3A_1740, %get3A_1741] {strides = array<i32>} : memref<4x208xf32, #tpu.memory_space<vmem>>, vector<16xf32>,
    %mul3A_1743 = arith.mulf %gather3A_1738, %get3A_1742 : vector<16xf32>
    %add3A_1744 = arith.addf %add3A_1733, %mul3A_1743 : vector<16xf32>
    %swap3A_1745 = arith.constant 2 : i32
    %swap3A_1746 = arith.index_cast %swap3A_1745 : i32 to index
    %swap3A_1747 = arith.constant 160 : index
    %swap3A_1748 = tpu.vector_load %arg9[%swap3A_1746, %swap3A_1747] {strides = array<i32>} : memref<3x208xf32, #tpu.memory_space<vmem>>, vector<16xf32>,
    tpu.vector_store %arg9[%swap3A_1746, %swap3A_1747], %add3A_1744 {strides = array<i32>} : memref<3x208xf32, #tpu.memory_space<vmem>>, vector<16xf32>,
    %get3A_1749 = arith.constant 0 : i32
    %get3A_1750 = arith.index_cast %get3A_1749 : i32 to index
    %get3A_1751 = arith.constant 176 : index
    %get3A_1752 = tpu.vector_load %arg7[%get3A_1750, %get3A_1751] {strides = array<i32>} : memref<4x208xi32, #tpu.memory_space<vmem>>, vector<16xi32>,
    %gather3A_1753 = tpu.vector_load_idx %arg6[%get3A_1752] : memref<50176xf32, #tpu.memory_space<vmem>>[vector<16xi32>], vector<16xf32>,
    %get3A_1754 = arith.constant 0 : i32
    %get3A_1755 = arith.index_cast %get3A_1754 : i32 to index
    %get3A_1756 = arith.constant 176 : index
    %get3A_1757 = tpu.vector_load %arg8[%get3A_1755, %get3A_1756] {strides = array<i32>} : memref<4x208xf32, #tpu.memory_space<vmem>>, vector<16xf32>,
    %mul3A_1758 = arith.mulf %gather3A_1753, %get3A_1757 : vector<16xf32>
    %get3A_1759 = arith.constant 1 : i32
    %get3A_1760 = arith.index_cast %get3A_1759 : i32 to index
    %get3A_1761 = arith.constant 176 : index
    %get3A_1762 = tpu.vector_load %arg7[%get3A_1760, %get3A_1761] {strides = array<i32>} : memref<4x208xi32, #tpu.memory_space<vmem>>, vector<16xi32>,
    %gather3A_1763 = tpu.vector_load_idx %arg6[%get3A_1762] : memref<50176xf32, #tpu.memory_space<vmem>>[vector<16xi32>], vector<16xf32>,
    %get3A_1764 = arith.constant 1 : i32
    %get3A_1765 = arith.index_cast %get3A_1764 : i32 to index
    %get3A_1766 = arith.constant 176 : index
    %get3A_1767 = tpu.vector_load %arg8[%get3A_1765, %get3A_1766] {strides = array<i32>} : memref<4x208xf32, #tpu.memory_space<vmem>>, vector<16xf32>,
    %mul3A_1768 = arith.mulf %gather3A_1763, %get3A_1767 : vector<16xf32>
    %add3A_1769 = arith.addf %mul3A_1758, %mul3A_1768 : vector<16xf32>
    %get3A_1770 = arith.constant 2 : i32
    %get3A_1771 = arith.index_cast %get3A_1770 : i32 to index
    %get3A_1772 = arith.constant 176 : index
    %get3A_1773 = tpu.vector_load %arg7[%get3A_1771, %get3A_1772] {strides = array<i32>} : memref<4x208xi32, #tpu.memory_space<vmem>>, vector<16xi32>,
    %gather3A_1774 = tpu.vector_load_idx %arg6[%get3A_1773] : memref<50176xf32, #tpu.memory_space<vmem>>[vector<16xi32>], vector<16xf32>,
    %get3A_1775 = arith.constant 2 : i32
    %get3A_1776 = arith.index_cast %get3A_1775 : i32 to index
    %get3A_1777 = arith.constant 176 : index
    %get3A_1778 = tpu.vector_load %arg8[%get3A_1776, %get3A_1777] {strides = array<i32>} : memref<4x208xf32, #tpu.memory_space<vmem>>, vector<16xf32>,
    %mul3A_1779 = arith.mulf %gather3A_1774, %get3A_1778 : vector<16xf32>
    %add3A_1780 = arith.addf %add3A_1769, %mul3A_1779 : vector<16xf32>
    %get3A_1781 = arith.constant 3 : i32
    %get3A_1782 = arith.index_cast %get3A_1781 : i32 to index
    %get3A_1783 = arith.constant 176 : index
    %get3A_1784 = tpu.vector_load %arg7[%get3A_1782, %get3A_1783] {strides = array<i32>} : memref<4x208xi32, #tpu.memory_space<vmem>>, vector<16xi32>,
    %gather3A_1785 = tpu.vector_load_idx %arg6[%get3A_1784] : memref<50176xf32, #tpu.memory_space<vmem>>[vector<16xi32>], vector<16xf32>,
    %get3A_1786 = arith.constant 3 : i32
    %get3A_1787 = arith.index_cast %get3A_1786 : i32 to index
    %get3A_1788 = arith.constant 176 : index
    %get3A_1789 = tpu.vector_load %arg8[%get3A_1787, %get3A_1788] {strides = array<i32>} : memref<4x208xf32, #tpu.memory_space<vmem>>, vector<16xf32>,
    %mul3A_1790 = arith.mulf %gather3A_1785, %get3A_1789 : vector<16xf32>
    %add3A_1791 = arith.addf %add3A_1780, %mul3A_1790 : vector<16xf32>
    %swap3A_1792 = arith.constant 2 : i32
    %swap3A_1793 = arith.index_cast %swap3A_1792 : i32 to index
    %swap3A_1794 = arith.constant 176 : index
    %swap3A_1795 = tpu.vector_load %arg9[%swap3A_1793, %swap3A_1794] {strides = array<i32>} : memref<3x208xf32, #tpu.memory_space<vmem>>, vector<16xf32>,
    tpu.vector_store %arg9[%swap3A_1793, %swap3A_1794], %add3A_1791 {strides = array<i32>} : memref<3x208xf32, #tpu.memory_space<vmem>>, vector<16xf32>,
    %get3A_1796 = arith.constant 0 : i32
    %get3A_1797 = arith.index_cast %get3A_1796 : i32 to index
    %get3A_1798 = arith.constant 192 : index
    %get3A_1799 = tpu.vector_load %arg7[%get3A_1797, %get3A_1798] {strides = array<i32>} : memref<4x208xi32, #tpu.memory_space<vmem>>, vector<16xi32>,
    %gather3A_1800 = tpu.vector_load_idx %arg6[%get3A_1799] : memref<50176xf32, #tpu.memory_space<vmem>>[vector<16xi32>], vector<16xf32>,
    %get3A_1801 = arith.constant 0 : i32
    %get3A_1802 = arith.index_cast %get3A_1801 : i32 to index
    %get3A_1803 = arith.constant 192 : index
    %get3A_1804 = tpu.vector_load %arg8[%get3A_1802, %get3A_1803] {strides = array<i32>} : memref<4x208xf32, #tpu.memory_space<vmem>>, vector<16xf32>,
    %mul3A_1805 = arith.mulf %gather3A_1800, %get3A_1804 : vector<16xf32>
    %get3A_1806 = arith.constant 1 : i32
    %get3A_1807 = arith.index_cast %get3A_1806 : i32 to index
    %get3A_1808 = arith.constant 192 : index
    %get3A_1809 = tpu.vector_load %arg7[%get3A_1807, %get3A_1808] {strides = array<i32>} : memref<4x208xi32, #tpu.memory_space<vmem>>, vector<16xi32>,
    %gather3A_1810 = tpu.vector_load_idx %arg6[%get3A_1809] : memref<50176xf32, #tpu.memory_space<vmem>>[vector<16xi32>], vector<16xf32>,
    %get3A_1811 = arith.constant 1 : i32
    %get3A_1812 = arith.index_cast %get3A_1811 : i32 to index
    %get3A_1813 = arith.constant 192 : index
    %get3A_1814 = tpu.vector_load %arg8[%get3A_1812, %get3A_1813] {strides = array<i32>} : memref<4x208xf32, #tpu.memory_space<vmem>>, vector<16xf32>,
    %mul3A_1815 = arith.mulf %gather3A_1810, %get3A_1814 : vector<16xf32>
    %add3A_1816 = arith.addf %mul3A_1805, %mul3A_1815 : vector<16xf32>
    %get3A_1817 = arith.constant 2 : i32
    %get3A_1818 = arith.index_cast %get3A_1817 : i32 to index
    %get3A_1819 = arith.constant 192 : index
    %get3A_1820 = tpu.vector_load %arg7[%get3A_1818, %get3A_1819] {strides = array<i32>} : memref<4x208xi32, #tpu.memory_space<vmem>>, vector<16xi32>,
    %gather3A_1821 = tpu.vector_load_idx %arg6[%get3A_1820] : memref<50176xf32, #tpu.memory_space<vmem>>[vector<16xi32>], vector<16xf32>,
    %get3A_1822 = arith.constant 2 : i32
    %get3A_1823 = arith.index_cast %get3A_1822 : i32 to index
    %get3A_1824 = arith.constant 192 : index
    %get3A_1825 = tpu.vector_load %arg8[%get3A_1823, %get3A_1824] {strides = array<i32>} : memref<4x208xf32, #tpu.memory_space<vmem>>, vector<16xf32>,
    %mul3A_1826 = arith.mulf %gather3A_1821, %get3A_1825 : vector<16xf32>
    %add3A_1827 = arith.addf %add3A_1816, %mul3A_1826 : vector<16xf32>
    %get3A_1828 = arith.constant 3 : i32
    %get3A_1829 = arith.index_cast %get3A_1828 : i32 to index
    %get3A_1830 = arith.constant 192 : index
    %get3A_1831 = tpu.vector_load %arg7[%get3A_1829, %get3A_1830] {strides = array<i32>} : memref<4x208xi32, #tpu.memory_space<vmem>>, vector<16xi32>,
    %gather3A_1832 = tpu.vector_load_idx %arg6[%get3A_1831] : memref<50176xf32, #tpu.memory_space<vmem>>[vector<16xi32>], vector<16xf32>,
    %get3A_1833 = arith.constant 3 : i32
    %get3A_1834 = arith.index_cast %get3A_1833 : i32 to index
    %get3A_1835 = arith.constant 192 : index
    %get3A_1836 = tpu.vector_load %arg8[%get3A_1834, %get3A_1835] {strides = array<i32>} : memref<4x208xf32, #tpu.memory_space<vmem>>, vector<16xf32>,
    %mul3A_1837 = arith.mulf %gather3A_1832, %get3A_1836 : vector<16xf32>
    %add3A_1838 = arith.addf %add3A_1827, %mul3A_1837 : vector<16xf32>
    %swap3A_1839 = arith.constant 2 : i32
    %swap3A_1840 = arith.index_cast %swap3A_1839 : i32 to index
    %swap3A_1841 = arith.constant 192 : index
    %swap3A_1842 = tpu.vector_load %arg9[%swap3A_1840, %swap3A_1841] {strides = array<i32>} : memref<3x208xf32, #tpu.memory_space<vmem>>, vector<16xf32>,
    tpu.vector_store %arg9[%swap3A_1840, %swap3A_1841], %add3A_1838 {strides = array<i32>} : memref<3x208xf32, #tpu.memory_space<vmem>>, vector<16xf32>,
    "tpu.region"() ({
      %run_scoped3A = tpu.sem_alloc : memref<!tpu.dma_semaphore, #tpu.memory_space<semaphore_mem>>
      %dma_start3A = arith.constant 0 : i32
      %dma_start3A_1843 = arith.constant 0 : i32
      %dma_start3A_1844 = tpu.memref_slice %arg5[%add3A, %dma_start3A, %dma_start3A_1843] : memref<32x3x208xf32, #tpu.memory_space<hbm>> -> memref<1x3x208xf32, #tpu.memory_space<hbm>>
      %dma_start3A_1845 = tpu.memref_squeeze %dma_start3A_1844 : memref<1x3x208xf32, #tpu.memory_space<hbm>> -> memref<3x208xf32, #tpu.memory_space<hbm>>
      %dma_start3A_1846 = arith.constant 0 : i32
      %dma_start3A_1847 = arith.constant 0 : i32
      %dma_start3A_1848 = tpu.memref_slice %arg5[%add3A, %dma_start3A_1846, %dma_start3A_1847] : memref<32x3x208xf32, #tpu.memory_space<hbm>> -> memref<1x3x208xf32, #tpu.memory_space<hbm>>
      %dma_start3A_1849 = tpu.memref_squeeze %dma_start3A_1848 : memref<1x3x208xf32, #tpu.memory_space<hbm>> -> memref<3x208xf32, #tpu.memory_space<hbm>>
      tpu.enqueue_dma source(%arg9 : memref<3x208xf32, #tpu.memory_space<vmem>>) target(%dma_start3A_1849 : memref<3x208xf32, #tpu.memory_space<hbm>>) target_semaphore(%run_scoped3A : memref<!tpu.dma_semaphore, #tpu.memory_space<semaphore_mem>>)
      %dma_wait3A = arith.constant 0 : i32
      %dma_wait3A_1850 = arith.constant 0 : i32
      %dma_wait3A_1851 = tpu.memref_slice %arg5[%add3A, %dma_wait3A, %dma_wait3A_1850] : memref<32x3x208xf32, #tpu.memory_space<hbm>> -> memref<1x3x208xf32, #tpu.memory_space<hbm>>
      %dma_wait3A_1852 = tpu.memref_squeeze %dma_wait3A_1851 : memref<1x3x208xf32, #tpu.memory_space<hbm>> -> memref<3x208xf32, #tpu.memory_space<hbm>>
      %dma_wait3A_1853 = arith.constant 0 : i32
      %dma_wait3A_1854 = arith.constant 0 : i32
      %dma_wait3A_1855 = tpu.memref_slice %arg5[%add3A, %dma_wait3A_1853, %dma_wait3A_1854] : memref<32x3x208xf32, #tpu.memory_space<hbm>> -> memref<1x3x208xf32, #tpu.memory_space<hbm>>
      %dma_wait3A_1856 = tpu.memref_squeeze %dma_wait3A_1855 : memref<1x3x208xf32, #tpu.memory_space<hbm>> -> memref<3x208xf32, #tpu.memory_space<hbm>>
      tpu.wait_dma2 semaphore(%run_scoped3A : memref<!tpu.dma_semaphore, #tpu.memory_space<semaphore_mem>>) src(%arg9 : memref<3x208xf32, #tpu.memory_space<vmem>>) dst(%dma_wait3A_1856 : memref<3x208xf32, #tpu.memory_space<hbm>>)
      tpu.yield
    }) : () -> ()
    return
  }
}

module attributes {stable_mosaic.version = 14 : i64} {
  func.func @_head_body(%arg0: i32, %arg1: memref<16x196x768xbf16, #tpu.memory_space<vmem>>, %arg2: memref<768x192xbf16, #tpu.memory_space<vmem>>, %arg3: memref<1x192xf32, #tpu.memory_space<vmem>>, %arg4: memref<1x192xf32, #tpu.memory_space<vmem>>, %arg5: memref<1x192xf32, #tpu.memory_space<vmem>>, %arg6: memref<4x192xf32, #tpu.memory_space<vmem>>, %arg7: memref<16x196x4xi32, #tpu.memory_space<vmem>>, %arg8: memref<16x196x4xf32, #tpu.memory_space<vmem>>) attributes {dimension_semantics = [#tpu.dimension_semantics<arbitrary>], iteration_bounds = array<i64: 2>, scalar_prefetch = 0 : i64, scratch_operands = 0 : i64, tpu.core_type = #tpu.core_type<tc>, window_params = [{transform_indices = @transform_0, window_bounds = array<i64: 16, 196, 768>}, {pipeline_mode = #tpu.pipeline_mode<synchronous>, transform_indices = @transform_1, window_bounds = array<i64: 768, 192>}, {pipeline_mode = #tpu.pipeline_mode<synchronous>, transform_indices = @transform_2, window_bounds = array<i64: 1, 192>}, {pipeline_mode = #tpu.pipeline_mode<synchronous>, transform_indices = @transform_3, window_bounds = array<i64: 1, 192>}, {pipeline_mode = #tpu.pipeline_mode<synchronous>, transform_indices = @transform_4, window_bounds = array<i64: 1, 192>}, {pipeline_mode = #tpu.pipeline_mode<synchronous>, transform_indices = @transform_5, window_bounds = array<i64: 4, 192>}, {transform_indices = @transform_6, window_bounds = array<i64: 16, 196, 4>}, {transform_indices = @transform_7, window_bounds = array<i64: 16, 196, 4>}]} {
    %get3A = arith.constant 0 : index
    %get3A_0 = arith.constant 0 : index
    %get3A_1 = arith.constant 0 : index
    %get3A_2 = vector.load %arg1[%get3A, %get3A_0, %get3A_1] : memref<16x196x768xbf16, #tpu.memory_space<vmem>>, vector<16x196x768xbf16>
    %reshape3A = vector.shape_cast %get3A_2 : vector<16x196x768xbf16> to vector<3136x768xbf16>
    %get3A_3 = arith.constant 0 : index
    %get3A_4 = arith.constant 0 : index
    %get3A_5 = vector.load %arg2[%get3A_3, %get3A_4] : memref<768x192xbf16, #tpu.memory_space<vmem>>, vector<768x192xbf16>
    %dot_general3A = arith.constant dense<0.000000e+00> : vector<3136x192xf32>
    %dot_general3A_6 = tpu.matmul %reshape3A, %get3A_5, %dot_general3A {dimension_numbers = #tpu.dot_dimension_numbers<[1], [0], [0], [1], [0, 0, 1, 1], [], []>, transpose_lhs_hint = false} : vector<3136x768xbf16>, vector<768x192xbf16>, vector<3136x192xf32> -> vector<3136x192xf32>
    %get3A_7 = arith.constant 0 : index
    %get3A_8 = arith.constant 0 : index
    %get3A_9 = vector.load %arg3[%get3A_7, %get3A_8] : memref<1x192xf32, #tpu.memory_space<vmem>>, vector<1x192xf32>
    %add3A = vector.broadcast %get3A_9 : vector<1x192xf32> to vector<3136x192xf32>
    %add3A_10 = arith.addf %dot_general3A_6, %add3A : vector<3136x192xf32>
    %get3A_11 = arith.constant 0 : index
    %get3A_12 = arith.constant 0 : index
    %get3A_13 = vector.load %arg4[%get3A_11, %get3A_12] : memref<1x192xf32, #tpu.memory_space<vmem>>, vector<1x192xf32>
    %get3A_14 = arith.constant 0 : index
    %get3A_15 = arith.constant 0 : index
    %get3A_16 = vector.load %arg5[%get3A_14, %get3A_15] : memref<1x192xf32, #tpu.memory_space<vmem>>, vector<1x192xf32>
    %reduce_sum3A = arith.constant dense<0.000000e+00> : vector<3136xf32>
    %reduce_sum3A_17 = vector.multi_reduction <add>, %add3A_10, %reduce_sum3A [1] : vector<3136x192xf32> to vector<3136xf32>
    %broadcast_in_dim3A = vector.shape_cast %reduce_sum3A_17 : vector<3136xf32> to vector<3136x1xf32>
    %div3A = arith.constant 1.920000e+02 : f32
    %div3A_18 = vector.broadcast %div3A : f32 to vector<3136x1xf32>
    %div3A_19 = arith.divf %broadcast_in_dim3A, %div3A_18 : vector<3136x1xf32>
    %sub3A = vector.broadcast %div3A_19 : vector<3136x1xf32> to vector<3136x192xf32>
    %sub3A_20 = arith.subf %add3A_10, %sub3A : vector<3136x192xf32>
    %mul3A = arith.mulf %sub3A_20, %sub3A_20 : vector<3136x192xf32>
    %reduce_sum3A_21 = arith.constant dense<0.000000e+00> : vector<3136xf32>
    %reduce_sum3A_22 = vector.multi_reduction <add>, %mul3A, %reduce_sum3A_21 [1] : vector<3136x192xf32> to vector<3136xf32>
    %broadcast_in_dim3A_23 = vector.shape_cast %reduce_sum3A_22 : vector<3136xf32> to vector<3136x1xf32>
    %div3A_24 = arith.constant 1.920000e+02 : f32
    %div3A_25 = vector.broadcast %div3A_24 : f32 to vector<3136x1xf32>
    %div3A_26 = arith.divf %broadcast_in_dim3A_23, %div3A_25 : vector<3136x1xf32>
    %add3A_27 = arith.constant 9.99999974E-6 : f32
    %add3A_28 = vector.broadcast %add3A_27 : f32 to vector<3136x1xf32>
    %add3A_29 = arith.addf %div3A_26, %add3A_28 : vector<3136x1xf32>
    %rsqrt3A = math.rsqrt %add3A_29 : vector<3136x1xf32>
    %mul3A_30 = vector.broadcast %rsqrt3A : vector<3136x1xf32> to vector<3136x192xf32>
    %mul3A_31 = arith.mulf %sub3A_20, %mul3A_30 : vector<3136x192xf32>
    %mul3A_32 = vector.broadcast %get3A_13 : vector<1x192xf32> to vector<3136x192xf32>
    %mul3A_33 = arith.mulf %mul3A_31, %mul3A_32 : vector<3136x192xf32>
    %add3A_34 = vector.broadcast %get3A_16 : vector<1x192xf32> to vector<3136x192xf32>
    %add3A_35 = arith.addf %mul3A_33, %add3A_34 : vector<3136x192xf32>
    %mul3A_36 = arith.constant 5.000000e-01 : f32
    %mul3A_37 = vector.broadcast %mul3A_36 : f32 to vector<3136x192xf32>
    %mul3A_38 = arith.mulf %mul3A_37, %add3A_35 : vector<3136x192xf32>
    %mul3A_39 = arith.constant 0.707106769 : f32
    %mul3A_40 = vector.broadcast %mul3A_39 : f32 to vector<3136x192xf32>
    %mul3A_41 = arith.mulf %add3A_35, %mul3A_40 : vector<3136x192xf32>
    %sign3A = tpu.bitcast %mul3A_41 : vector<3136x192xf32> -> vector<3136x192xi32>
    %sign3A_42 = arith.constant -2147483648 : i32
    %sign3A_43 = vector.broadcast %sign3A_42 : i32 to vector<3136x192xi32>
    %sign3A_44 = arith.andi %sign3A, %sign3A_43 : vector<3136x192xi32>
    %sign3A_45 = arith.constant 1065353216 : i32
    %sign3A_46 = vector.broadcast %sign3A_45 : i32 to vector<3136x192xi32>
    %sign3A_47 = arith.ori %sign3A_46, %sign3A_44 : vector<3136x192xi32>
    %sign3A_48 = tpu.bitcast %sign3A_47 : vector<3136x192xi32> -> vector<3136x192xf32>
    %sign3A_49 = math.absf %mul3A_41 : vector<3136x192xf32>
    %sign3A_50 = arith.constant 0.000000e+00 : f32
    %sign3A_51 = vector.broadcast %sign3A_50 : f32 to vector<3136x192xf32>
    %sign3A_52 = arith.cmpf ogt, %sign3A_49, %sign3A_51 : vector<3136x192xf32>
    %sign3A_53 = arith.select %sign3A_52, %sign3A_48, %mul3A_41 : vector<3136x192xi1>, vector<3136x192xf32>
    %abs3A = math.absf %mul3A_41 : vector<3136x192xf32>
    %mul3A_54 = arith.constant 0.327591091 : f32
    %mul3A_55 = vector.broadcast %mul3A_54 : f32 to vector<3136x192xf32>
    %mul3A_56 = arith.mulf %mul3A_55, %abs3A : vector<3136x192xf32>
    %add3A_57 = arith.constant 1.000000e+00 : f32
    %add3A_58 = vector.broadcast %add3A_57 : f32 to vector<3136x192xf32>
    %add3A_59 = arith.addf %add3A_58, %mul3A_56 : vector<3136x192xf32>
    %div3A_60 = arith.constant 1.000000e+00 : f32
    %div3A_61 = vector.broadcast %div3A_60 : f32 to vector<3136x192xf32>
    %div3A_62 = arith.divf %div3A_61, %add3A_59 : vector<3136x192xf32>
    %mul3A_63 = arith.constant 1.06140542 : f32
    %mul3A_64 = vector.broadcast %mul3A_63 : f32 to vector<3136x192xf32>
    %mul3A_65 = arith.mulf %div3A_62, %mul3A_64 : vector<3136x192xf32>
    %add3A_66 = arith.constant -1.45315206 : f32
    %add3A_67 = vector.broadcast %add3A_66 : f32 to vector<3136x192xf32>
    %add3A_68 = arith.addf %add3A_67, %mul3A_65 : vector<3136x192xf32>
    %mul3A_69 = arith.mulf %div3A_62, %add3A_68 : vector<3136x192xf32>
    %add3A_70 = arith.constant 1.42141378 : f32
    %add3A_71 = vector.broadcast %add3A_70 : f32 to vector<3136x192xf32>
    %add3A_72 = arith.addf %add3A_71, %mul3A_69 : vector<3136x192xf32>
    %mul3A_73 = arith.mulf %div3A_62, %add3A_72 : vector<3136x192xf32>
    %add3A_74 = arith.constant -0.284496725 : f32
    %add3A_75 = vector.broadcast %add3A_74 : f32 to vector<3136x192xf32>
    %add3A_76 = arith.addf %add3A_75, %mul3A_73 : vector<3136x192xf32>
    %mul3A_77 = arith.mulf %div3A_62, %add3A_76 : vector<3136x192xf32>
    %add3A_78 = arith.constant 0.254829586 : f32
    %add3A_79 = vector.broadcast %add3A_78 : f32 to vector<3136x192xf32>
    %add3A_80 = arith.addf %add3A_79, %mul3A_77 : vector<3136x192xf32>
    %mul3A_81 = arith.mulf %div3A_62, %add3A_80 : vector<3136x192xf32>
    %neg3A = arith.constant 0.000000e+00 : f32
    %neg3A_82 = vector.broadcast %neg3A : f32 to vector<3136x192xf32>
    %neg3A_83 = arith.subf %neg3A_82, %abs3A : vector<3136x192xf32>
    %mul3A_84 = arith.mulf %neg3A_83, %abs3A : vector<3136x192xf32>
    %exp3A = math.exp %mul3A_84 : vector<3136x192xf32>
    %mul3A_85 = arith.mulf %mul3A_81, %exp3A : vector<3136x192xf32>
    %sub3A_86 = arith.constant 1.000000e+00 : f32
    %sub3A_87 = vector.broadcast %sub3A_86 : f32 to vector<3136x192xf32>
    %sub3A_88 = arith.subf %sub3A_87, %mul3A_85 : vector<3136x192xf32>
    %mul3A_89 = arith.mulf %sign3A_53, %sub3A_88 : vector<3136x192xf32>
    %add3A_90 = arith.constant 1.000000e+00 : f32
    %add3A_91 = vector.broadcast %add3A_90 : f32 to vector<3136x192xf32>
    %add3A_92 = arith.addf %add3A_91, %mul3A_89 : vector<3136x192xf32>
    %mul3A_93 = arith.mulf %mul3A_38, %add3A_92 : vector<3136x192xf32>
    %get3A_94 = arith.constant 0 : index
    %get3A_95 = arith.constant 0 : index
    %get3A_96 = vector.load %arg6[%get3A_94, %get3A_95] : memref<4x192xf32, #tpu.memory_space<vmem>>, vector<4x192xf32>
    %dot_general3A_97 = arith.constant dense<0.000000e+00> : vector<3136x4xf32>
    %dot_general3A_98 = tpu.matmul %mul3A_93, %get3A_96, %dot_general3A_97 {dimension_numbers = #tpu.dot_dimension_numbers<[1], [1], [0], [0], [0, 0, 1, 0], [], []>, transpose_lhs_hint = false} : vector<3136x192xf32>, vector<4x192xf32>, vector<3136x4xf32> -> vector<3136x4xf32>
    %iota3A = tpu.iota {dimensions = array<i32: 0>} : vector<3136x1xi32>
    %jit3A = arith.constant 196 : i32
    %eq3A = arith.constant 0 : i32
    %eq3A_99 = arith.cmpi eq, %jit3A, %eq3A : i32
    %jit3A_100 = arith.constant 1 : i32
    %select_n3A = arith.select %eq3A_99, %jit3A_100, %jit3A : i32
    %rem3A = vector.broadcast %select_n3A : i32 to vector<3136x1xi32>
    %rem3A_101 = arith.remsi %iota3A, %rem3A : vector<3136x1xi32>
    %ne3A = arith.constant 0 : i32
    %ne3A_102 = vector.broadcast %ne3A : i32 to vector<3136x1xi32>
    %ne3A_103 = arith.cmpi ne, %rem3A_101, %ne3A_102 : vector<3136x1xi32>
    %lt3A = arith.constant 0 : i32
    %lt3A_104 = vector.broadcast %lt3A : i32 to vector<3136x1xi32>
    %lt3A_105 = arith.cmpi slt, %rem3A_101, %lt3A_104 : vector<3136x1xi32>
    %lt3A_106 = arith.constant 0 : i32
    %lt3A_107 = arith.cmpi slt, %select_n3A, %lt3A_106 : i32
    %ne3A_108 = vector.broadcast %lt3A_107 : i1 to vector<3136x1xi1>
    %ne3A_109 = vector.broadcast %ne3A_108 : vector<3136x1xi1> to vector<3136x1xi1>
    %ne3A_110 = arith.xori %lt3A_105, %ne3A_109 : vector<3136x1xi1>
    %and3A = arith.andi %ne3A_110, %ne3A_103 : vector<3136x1xi1>
    %add3A_111 = vector.broadcast %select_n3A : i32 to vector<3136x1xi32>
    %add3A_112 = arith.addi %rem3A_101, %add3A_111 : vector<3136x1xi32>
    %select_n3A_113 = arith.select %and3A, %add3A_112, %rem3A_101 : vector<3136x1xi1>, vector<3136x1xi32>
    %jit3A_114 = arith.constant 14 : i32
    %eq3A_115 = arith.constant 0 : i32
    %eq3A_116 = arith.cmpi eq, %jit3A_114, %eq3A_115 : i32
    %jit3A_117 = arith.constant 1 : i32
    %select_n3A_118 = arith.select %eq3A_116, %jit3A_117, %jit3A_114 : i32
    %rem3A_119 = vector.broadcast %select_n3A_118 : i32 to vector<3136x1xi32>
    %rem3A_120 = arith.remsi %select_n3A_113, %rem3A_119 : vector<3136x1xi32>
    %ne3A_121 = arith.constant 0 : i32
    %ne3A_122 = vector.broadcast %ne3A_121 : i32 to vector<3136x1xi32>
    %ne3A_123 = arith.cmpi ne, %rem3A_120, %ne3A_122 : vector<3136x1xi32>
    %lt3A_124 = arith.constant 0 : i32
    %lt3A_125 = vector.broadcast %lt3A_124 : i32 to vector<3136x1xi32>
    %lt3A_126 = arith.cmpi slt, %rem3A_120, %lt3A_125 : vector<3136x1xi32>
    %lt3A_127 = arith.constant 0 : i32
    %lt3A_128 = arith.cmpi slt, %select_n3A_118, %lt3A_127 : i32
    %ne3A_129 = vector.broadcast %lt3A_128 : i1 to vector<3136x1xi1>
    %ne3A_130 = vector.broadcast %ne3A_129 : vector<3136x1xi1> to vector<3136x1xi1>
    %ne3A_131 = arith.xori %lt3A_126, %ne3A_130 : vector<3136x1xi1>
    %and3A_132 = arith.andi %ne3A_131, %ne3A_123 : vector<3136x1xi1>
    %add3A_133 = vector.broadcast %select_n3A_118 : i32 to vector<3136x1xi32>
    %add3A_134 = arith.addi %rem3A_120, %add3A_133 : vector<3136x1xi32>
    %select_n3A_135 = arith.select %and3A_132, %add3A_134, %rem3A_120 : vector<3136x1xi1>, vector<3136x1xi32>
    %convert_element_type3A = arith.sitofp %select_n3A_135 : vector<3136x1xi32> to vector<3136x1xf32>
    %add3A_136 = arith.constant 5.000000e-01 : f32
    %add3A_137 = vector.broadcast %add3A_136 : f32 to vector<3136x1xf32>
    %add3A_138 = arith.addf %convert_element_type3A, %add3A_137 : vector<3136x1xf32>
    %div3A_139 = arith.constant 1.400000e+01 : f32
    %div3A_140 = vector.broadcast %div3A_139 : f32 to vector<3136x1xf32>
    %div3A_141 = arith.divf %add3A_138, %div3A_140 : vector<3136x1xf32>
    %jit3A_142 = arith.constant 14 : i32
    %div3A_143 = vector.broadcast %jit3A_142 : i32 to vector<3136x1xi32>
    %div3A_144 = arith.divsi %select_n3A_113, %div3A_143 : vector<3136x1xi32>
    %sign3A_145 = arith.constant 0 : i32
    %sign3A_146 = vector.broadcast %sign3A_145 : i32 to vector<3136x1xi32>
    %sign3A_147 = arith.cmpi sgt, %select_n3A_113, %sign3A_146 : vector<3136x1xi32>
    %sign3A_148 = arith.extui %sign3A_147 : vector<3136x1xi1> to vector<3136x1xi32>
    %sign3A_149 = arith.constant 0 : i32
    %sign3A_150 = vector.broadcast %sign3A_149 : i32 to vector<3136x1xi32>
    %sign3A_151 = arith.cmpi slt, %select_n3A_113, %sign3A_150 : vector<3136x1xi32>
    %sign3A_152 = arith.extui %sign3A_151 : vector<3136x1xi1> to vector<3136x1xi32>
    %sign3A_153 = arith.subi %sign3A_148, %sign3A_152 : vector<3136x1xi32>
    %sign3A_154 = arith.constant 0 : i32
    %sign3A_155 = arith.cmpi sgt, %jit3A_142, %sign3A_154 : i32
    %sign3A_156 = arith.extui %sign3A_155 : i1 to i32
    %sign3A_157 = arith.constant 0 : i32
    %sign3A_158 = arith.cmpi slt, %jit3A_142, %sign3A_157 : i32
    %sign3A_159 = arith.extui %sign3A_158 : i1 to i32
    %sign3A_160 = arith.subi %sign3A_156, %sign3A_159 : i32
    %ne3A_161 = vector.broadcast %sign3A_160 : i32 to vector<3136x1xi32>
    %ne3A_162 = arith.cmpi ne, %sign3A_153, %ne3A_161 : vector<3136x1xi32>
    %rem3A_163 = vector.broadcast %jit3A_142 : i32 to vector<3136x1xi32>
    %rem3A_164 = arith.remsi %select_n3A_113, %rem3A_163 : vector<3136x1xi32>
    %ne3A_165 = arith.constant 0 : i32
    %ne3A_166 = vector.broadcast %ne3A_165 : i32 to vector<3136x1xi32>
    %ne3A_167 = arith.cmpi ne, %rem3A_164, %ne3A_166 : vector<3136x1xi32>
    %and3A_168 = arith.andi %ne3A_162, %ne3A_167 : vector<3136x1xi1>
    %sub3A_169 = arith.constant 1 : i32
    %sub3A_170 = vector.broadcast %sub3A_169 : i32 to vector<3136x1xi32>
    %sub3A_171 = arith.subi %div3A_144, %sub3A_170 : vector<3136x1xi32>
    %select_n3A_172 = arith.select %and3A_168, %sub3A_171, %div3A_144 : vector<3136x1xi1>, vector<3136x1xi32>
    %convert_element_type3A_173 = arith.sitofp %select_n3A_172 : vector<3136x1xi32> to vector<3136x1xf32>
    %add3A_174 = arith.constant 5.000000e-01 : f32
    %add3A_175 = vector.broadcast %add3A_174 : f32 to vector<3136x1xf32>
    %add3A_176 = arith.addf %convert_element_type3A_173, %add3A_175 : vector<3136x1xf32>
    %div3A_177 = arith.constant 1.400000e+01 : f32
    %div3A_178 = vector.broadcast %div3A_177 : f32 to vector<3136x1xf32>
    %div3A_179 = arith.divf %add3A_176, %div3A_178 : vector<3136x1xf32>
    %slice3A = vector.extract_strided_slice %dot_general3A_98 {offsets = [0, 0], sizes = [3136, 1], strides = [1, 1]} : vector<3136x4xf32> to vector<3136x1xf32>
    %mul3A_180 = arith.constant 0.0714285746 : f32
    %mul3A_181 = vector.broadcast %mul3A_180 : f32 to vector<3136x1xf32>
    %mul3A_182 = arith.mulf %slice3A, %mul3A_181 : vector<3136x1xf32>
    %add3A_183 = arith.addf %div3A_141, %mul3A_182 : vector<3136x1xf32>
    %slice3A_184 = vector.extract_strided_slice %dot_general3A_98 {offsets = [0, 1], sizes = [3136, 1], strides = [1, 1]} : vector<3136x4xf32> to vector<3136x1xf32>
    %mul3A_185 = arith.constant 0.0714285746 : f32
    %mul3A_186 = vector.broadcast %mul3A_185 : f32 to vector<3136x1xf32>
    %mul3A_187 = arith.mulf %slice3A_184, %mul3A_186 : vector<3136x1xf32>
    %add3A_188 = arith.addf %div3A_179, %mul3A_187 : vector<3136x1xf32>
    %mul3A_189 = arith.constant 2.240000e+02 : f32
    %mul3A_190 = vector.broadcast %mul3A_189 : f32 to vector<3136x1xf32>
    %mul3A_191 = arith.mulf %add3A_183, %mul3A_190 : vector<3136x1xf32>
    %sub3A_192 = arith.constant 5.000000e-01 : f32
    %sub3A_193 = vector.broadcast %sub3A_192 : f32 to vector<3136x1xf32>
    %sub3A_194 = arith.subf %mul3A_191, %sub3A_193 : vector<3136x1xf32>
    %mul3A_195 = arith.constant 2.240000e+02 : f32
    %mul3A_196 = vector.broadcast %mul3A_195 : f32 to vector<3136x1xf32>
    %mul3A_197 = arith.mulf %add3A_188, %mul3A_196 : vector<3136x1xf32>
    %sub3A_198 = arith.constant 5.000000e-01 : f32
    %sub3A_199 = vector.broadcast %sub3A_198 : f32 to vector<3136x1xf32>
    %sub3A_200 = arith.subf %mul3A_197, %sub3A_199 : vector<3136x1xf32>
    %floor3A = math.floor %sub3A_194 : vector<3136x1xf32>
    %floor3A_201 = math.floor %sub3A_200 : vector<3136x1xf32>
    %sub3A_202 = arith.subf %sub3A_194, %floor3A : vector<3136x1xf32>
    %sub3A_203 = arith.subf %sub3A_200, %floor3A_201 : vector<3136x1xf32>
    %convert_element_type3A_204 = arith.fptosi %floor3A : vector<3136x1xf32> to vector<3136x1xi32>
    %convert_element_type3A_205 = arith.fptosi %floor3A_201 : vector<3136x1xf32> to vector<3136x1xi32>
    %sub3A_206 = arith.constant 1.000000e+00 : f32
    %sub3A_207 = vector.broadcast %sub3A_206 : f32 to vector<3136x1xf32>
    %sub3A_208 = arith.subf %sub3A_207, %sub3A_202 : vector<3136x1xf32>
    %sub3A_209 = arith.constant 1.000000e+00 : f32
    %sub3A_210 = vector.broadcast %sub3A_209 : f32 to vector<3136x1xf32>
    %sub3A_211 = arith.subf %sub3A_210, %sub3A_203 : vector<3136x1xf32>
    %mul3A_212 = arith.mulf %sub3A_208, %sub3A_211 : vector<3136x1xf32>
    %sub3A_213 = arith.constant 1.000000e+00 : f32
    %sub3A_214 = vector.broadcast %sub3A_213 : f32 to vector<3136x1xf32>
    %sub3A_215 = arith.subf %sub3A_214, %sub3A_203 : vector<3136x1xf32>
    %mul3A_216 = arith.mulf %sub3A_202, %sub3A_215 : vector<3136x1xf32>
    %sub3A_217 = arith.constant 1.000000e+00 : f32
    %sub3A_218 = vector.broadcast %sub3A_217 : f32 to vector<3136x1xf32>
    %sub3A_219 = arith.subf %sub3A_218, %sub3A_202 : vector<3136x1xf32>
    %mul3A_220 = arith.mulf %sub3A_219, %sub3A_203 : vector<3136x1xf32>
    %mul3A_221 = arith.mulf %sub3A_202, %sub3A_203 : vector<3136x1xf32>
    %add3A_222 = arith.constant 0 : i32
    %add3A_223 = vector.broadcast %add3A_222 : i32 to vector<3136x1xi32>
    %add3A_224 = arith.addi %convert_element_type3A_204, %add3A_223 : vector<3136x1xi32>
    %add3A_225 = arith.constant 0 : i32
    %add3A_226 = vector.broadcast %add3A_225 : i32 to vector<3136x1xi32>
    %add3A_227 = arith.addi %convert_element_type3A_205, %add3A_226 : vector<3136x1xi32>
    %ge3A = arith.constant 0 : i32
    %ge3A_228 = vector.broadcast %ge3A : i32 to vector<3136x1xi32>
    %ge3A_229 = arith.cmpi sge, %add3A_224, %ge3A_228 : vector<3136x1xi32>
    %lt3A_230 = arith.constant 224 : i32
    %lt3A_231 = vector.broadcast %lt3A_230 : i32 to vector<3136x1xi32>
    %lt3A_232 = arith.cmpi slt, %add3A_224, %lt3A_231 : vector<3136x1xi32>
    %and3A_233 = arith.andi %ge3A_229, %lt3A_232 : vector<3136x1xi1>
    %ge3A_234 = arith.constant 0 : i32
    %ge3A_235 = vector.broadcast %ge3A_234 : i32 to vector<3136x1xi32>
    %ge3A_236 = arith.cmpi sge, %add3A_227, %ge3A_235 : vector<3136x1xi32>
    %and3A_237 = arith.andi %and3A_233, %ge3A_236 : vector<3136x1xi1>
    %lt3A_238 = arith.constant 224 : i32
    %lt3A_239 = vector.broadcast %lt3A_238 : i32 to vector<3136x1xi32>
    %lt3A_240 = arith.cmpi slt, %add3A_227, %lt3A_239 : vector<3136x1xi32>
    %and3A_241 = arith.andi %and3A_237, %lt3A_240 : vector<3136x1xi1>
    %jit3A_242 = arith.constant 0 : i32
    %jit3A_243 = arith.constant 223 : i32
    %max3A = vector.broadcast %jit3A_242 : i32 to vector<3136x1xi32>
    %max3A_244 = arith.maxsi %max3A, %add3A_227 : vector<3136x1xi32>
    %min3A = vector.broadcast %jit3A_243 : i32 to vector<3136x1xi32>
    %min3A_245 = arith.minsi %min3A, %max3A_244 : vector<3136x1xi32>
    %mul3A_246 = arith.constant 224 : i32
    %mul3A_247 = vector.broadcast %mul3A_246 : i32 to vector<3136x1xi32>
    %mul3A_248 = arith.muli %min3A_245, %mul3A_247 : vector<3136x1xi32>
    %jit3A_249 = arith.constant 0 : i32
    %jit3A_250 = arith.constant 223 : i32
    %max3A_251 = vector.broadcast %jit3A_249 : i32 to vector<3136x1xi32>
    %max3A_252 = arith.maxsi %max3A_251, %add3A_224 : vector<3136x1xi32>
    %min3A_253 = vector.broadcast %jit3A_250 : i32 to vector<3136x1xi32>
    %min3A_254 = arith.minsi %min3A_253, %max3A_252 : vector<3136x1xi32>
    %add3A_255 = arith.addi %mul3A_248, %min3A_254 : vector<3136x1xi32>
    %convert_element_type3A_256 = arith.extui %and3A_241 : vector<3136x1xi1> to vector<3136x1xi32>
    %convert_element_type3A_257 = arith.sitofp %convert_element_type3A_256 : vector<3136x1xi32> to vector<3136x1xf32>
    %mul3A_258 = arith.mulf %mul3A_212, %convert_element_type3A_257 : vector<3136x1xf32>
    %add3A_259 = arith.constant 1 : i32
    %add3A_260 = vector.broadcast %add3A_259 : i32 to vector<3136x1xi32>
    %add3A_261 = arith.addi %convert_element_type3A_204, %add3A_260 : vector<3136x1xi32>
    %add3A_262 = arith.constant 0 : i32
    %add3A_263 = vector.broadcast %add3A_262 : i32 to vector<3136x1xi32>
    %add3A_264 = arith.addi %convert_element_type3A_205, %add3A_263 : vector<3136x1xi32>
    %ge3A_265 = arith.constant 0 : i32
    %ge3A_266 = vector.broadcast %ge3A_265 : i32 to vector<3136x1xi32>
    %ge3A_267 = arith.cmpi sge, %add3A_261, %ge3A_266 : vector<3136x1xi32>
    %lt3A_268 = arith.constant 224 : i32
    %lt3A_269 = vector.broadcast %lt3A_268 : i32 to vector<3136x1xi32>
    %lt3A_270 = arith.cmpi slt, %add3A_261, %lt3A_269 : vector<3136x1xi32>
    %and3A_271 = arith.andi %ge3A_267, %lt3A_270 : vector<3136x1xi1>
    %ge3A_272 = arith.constant 0 : i32
    %ge3A_273 = vector.broadcast %ge3A_272 : i32 to vector<3136x1xi32>
    %ge3A_274 = arith.cmpi sge, %add3A_264, %ge3A_273 : vector<3136x1xi32>
    %and3A_275 = arith.andi %and3A_271, %ge3A_274 : vector<3136x1xi1>
    %lt3A_276 = arith.constant 224 : i32
    %lt3A_277 = vector.broadcast %lt3A_276 : i32 to vector<3136x1xi32>
    %lt3A_278 = arith.cmpi slt, %add3A_264, %lt3A_277 : vector<3136x1xi32>
    %and3A_279 = arith.andi %and3A_275, %lt3A_278 : vector<3136x1xi1>
    %jit3A_280 = arith.constant 0 : i32
    %jit3A_281 = arith.constant 223 : i32
    %max3A_282 = vector.broadcast %jit3A_280 : i32 to vector<3136x1xi32>
    %max3A_283 = arith.maxsi %max3A_282, %add3A_264 : vector<3136x1xi32>
    %min3A_284 = vector.broadcast %jit3A_281 : i32 to vector<3136x1xi32>
    %min3A_285 = arith.minsi %min3A_284, %max3A_283 : vector<3136x1xi32>
    %mul3A_286 = arith.constant 224 : i32
    %mul3A_287 = vector.broadcast %mul3A_286 : i32 to vector<3136x1xi32>
    %mul3A_288 = arith.muli %min3A_285, %mul3A_287 : vector<3136x1xi32>
    %jit3A_289 = arith.constant 0 : i32
    %jit3A_290 = arith.constant 223 : i32
    %max3A_291 = vector.broadcast %jit3A_289 : i32 to vector<3136x1xi32>
    %max3A_292 = arith.maxsi %max3A_291, %add3A_261 : vector<3136x1xi32>
    %min3A_293 = vector.broadcast %jit3A_290 : i32 to vector<3136x1xi32>
    %min3A_294 = arith.minsi %min3A_293, %max3A_292 : vector<3136x1xi32>
    %add3A_295 = arith.addi %mul3A_288, %min3A_294 : vector<3136x1xi32>
    %convert_element_type3A_296 = arith.extui %and3A_279 : vector<3136x1xi1> to vector<3136x1xi32>
    %convert_element_type3A_297 = arith.sitofp %convert_element_type3A_296 : vector<3136x1xi32> to vector<3136x1xf32>
    %mul3A_298 = arith.mulf %mul3A_216, %convert_element_type3A_297 : vector<3136x1xf32>
    %add3A_299 = arith.constant 0 : i32
    %add3A_300 = vector.broadcast %add3A_299 : i32 to vector<3136x1xi32>
    %add3A_301 = arith.addi %convert_element_type3A_204, %add3A_300 : vector<3136x1xi32>
    %add3A_302 = arith.constant 1 : i32
    %add3A_303 = vector.broadcast %add3A_302 : i32 to vector<3136x1xi32>
    %add3A_304 = arith.addi %convert_element_type3A_205, %add3A_303 : vector<3136x1xi32>
    %ge3A_305 = arith.constant 0 : i32
    %ge3A_306 = vector.broadcast %ge3A_305 : i32 to vector<3136x1xi32>
    %ge3A_307 = arith.cmpi sge, %add3A_301, %ge3A_306 : vector<3136x1xi32>
    %lt3A_308 = arith.constant 224 : i32
    %lt3A_309 = vector.broadcast %lt3A_308 : i32 to vector<3136x1xi32>
    %lt3A_310 = arith.cmpi slt, %add3A_301, %lt3A_309 : vector<3136x1xi32>
    %and3A_311 = arith.andi %ge3A_307, %lt3A_310 : vector<3136x1xi1>
    %ge3A_312 = arith.constant 0 : i32
    %ge3A_313 = vector.broadcast %ge3A_312 : i32 to vector<3136x1xi32>
    %ge3A_314 = arith.cmpi sge, %add3A_304, %ge3A_313 : vector<3136x1xi32>
    %and3A_315 = arith.andi %and3A_311, %ge3A_314 : vector<3136x1xi1>
    %lt3A_316 = arith.constant 224 : i32
    %lt3A_317 = vector.broadcast %lt3A_316 : i32 to vector<3136x1xi32>
    %lt3A_318 = arith.cmpi slt, %add3A_304, %lt3A_317 : vector<3136x1xi32>
    %and3A_319 = arith.andi %and3A_315, %lt3A_318 : vector<3136x1xi1>
    %jit3A_320 = arith.constant 0 : i32
    %jit3A_321 = arith.constant 223 : i32
    %max3A_322 = vector.broadcast %jit3A_320 : i32 to vector<3136x1xi32>
    %max3A_323 = arith.maxsi %max3A_322, %add3A_304 : vector<3136x1xi32>
    %min3A_324 = vector.broadcast %jit3A_321 : i32 to vector<3136x1xi32>
    %min3A_325 = arith.minsi %min3A_324, %max3A_323 : vector<3136x1xi32>
    %mul3A_326 = arith.constant 224 : i32
    %mul3A_327 = vector.broadcast %mul3A_326 : i32 to vector<3136x1xi32>
    %mul3A_328 = arith.muli %min3A_325, %mul3A_327 : vector<3136x1xi32>
    %jit3A_329 = arith.constant 0 : i32
    %jit3A_330 = arith.constant 223 : i32
    %max3A_331 = vector.broadcast %jit3A_329 : i32 to vector<3136x1xi32>
    %max3A_332 = arith.maxsi %max3A_331, %add3A_301 : vector<3136x1xi32>
    %min3A_333 = vector.broadcast %jit3A_330 : i32 to vector<3136x1xi32>
    %min3A_334 = arith.minsi %min3A_333, %max3A_332 : vector<3136x1xi32>
    %add3A_335 = arith.addi %mul3A_328, %min3A_334 : vector<3136x1xi32>
    %convert_element_type3A_336 = arith.extui %and3A_319 : vector<3136x1xi1> to vector<3136x1xi32>
    %convert_element_type3A_337 = arith.sitofp %convert_element_type3A_336 : vector<3136x1xi32> to vector<3136x1xf32>
    %mul3A_338 = arith.mulf %mul3A_220, %convert_element_type3A_337 : vector<3136x1xf32>
    %add3A_339 = arith.constant 1 : i32
    %add3A_340 = vector.broadcast %add3A_339 : i32 to vector<3136x1xi32>
    %add3A_341 = arith.addi %convert_element_type3A_204, %add3A_340 : vector<3136x1xi32>
    %add3A_342 = arith.constant 1 : i32
    %add3A_343 = vector.broadcast %add3A_342 : i32 to vector<3136x1xi32>
    %add3A_344 = arith.addi %convert_element_type3A_205, %add3A_343 : vector<3136x1xi32>
    %ge3A_345 = arith.constant 0 : i32
    %ge3A_346 = vector.broadcast %ge3A_345 : i32 to vector<3136x1xi32>
    %ge3A_347 = arith.cmpi sge, %add3A_341, %ge3A_346 : vector<3136x1xi32>
    %lt3A_348 = arith.constant 224 : i32
    %lt3A_349 = vector.broadcast %lt3A_348 : i32 to vector<3136x1xi32>
    %lt3A_350 = arith.cmpi slt, %add3A_341, %lt3A_349 : vector<3136x1xi32>
    %and3A_351 = arith.andi %ge3A_347, %lt3A_350 : vector<3136x1xi1>
    %ge3A_352 = arith.constant 0 : i32
    %ge3A_353 = vector.broadcast %ge3A_352 : i32 to vector<3136x1xi32>
    %ge3A_354 = arith.cmpi sge, %add3A_344, %ge3A_353 : vector<3136x1xi32>
    %and3A_355 = arith.andi %and3A_351, %ge3A_354 : vector<3136x1xi1>
    %lt3A_356 = arith.constant 224 : i32
    %lt3A_357 = vector.broadcast %lt3A_356 : i32 to vector<3136x1xi32>
    %lt3A_358 = arith.cmpi slt, %add3A_344, %lt3A_357 : vector<3136x1xi32>
    %and3A_359 = arith.andi %and3A_355, %lt3A_358 : vector<3136x1xi1>
    %jit3A_360 = arith.constant 0 : i32
    %jit3A_361 = arith.constant 223 : i32
    %max3A_362 = vector.broadcast %jit3A_360 : i32 to vector<3136x1xi32>
    %max3A_363 = arith.maxsi %max3A_362, %add3A_344 : vector<3136x1xi32>
    %min3A_364 = vector.broadcast %jit3A_361 : i32 to vector<3136x1xi32>
    %min3A_365 = arith.minsi %min3A_364, %max3A_363 : vector<3136x1xi32>
    %mul3A_366 = arith.constant 224 : i32
    %mul3A_367 = vector.broadcast %mul3A_366 : i32 to vector<3136x1xi32>
    %mul3A_368 = arith.muli %min3A_365, %mul3A_367 : vector<3136x1xi32>
    %jit3A_369 = arith.constant 0 : i32
    %jit3A_370 = arith.constant 223 : i32
    %max3A_371 = vector.broadcast %jit3A_369 : i32 to vector<3136x1xi32>
    %max3A_372 = arith.maxsi %max3A_371, %add3A_341 : vector<3136x1xi32>
    %min3A_373 = vector.broadcast %jit3A_370 : i32 to vector<3136x1xi32>
    %min3A_374 = arith.minsi %min3A_373, %max3A_372 : vector<3136x1xi32>
    %add3A_375 = arith.addi %mul3A_368, %min3A_374 : vector<3136x1xi32>
    %convert_element_type3A_376 = arith.extui %and3A_359 : vector<3136x1xi1> to vector<3136x1xi32>
    %convert_element_type3A_377 = arith.sitofp %convert_element_type3A_376 : vector<3136x1xi32> to vector<3136x1xf32>
    %mul3A_378 = arith.mulf %mul3A_221, %convert_element_type3A_377 : vector<3136x1xf32>
    %concatenate3A = tpu.concatenate %add3A_255, %add3A_295, %add3A_335, %add3A_375 in 1 : vector<3136x1xi32>, vector<3136x1xi32>, vector<3136x1xi32>, vector<3136x1xi32> -> vector<3136x4xi32>
    %reshape3A_379 = vector.shape_cast %concatenate3A : vector<3136x4xi32> to vector<16x196x4xi32>
    %swap3A = arith.constant 0 : index
    %swap3A_380 = arith.constant 0 : index
    %swap3A_381 = arith.constant 0 : index
    %swap3A_382 = vector.load %arg7[%swap3A, %swap3A_380, %swap3A_381] : memref<16x196x4xi32, #tpu.memory_space<vmem>>, vector<16x196x4xi32>
    tpu.vector_store %arg7[%swap3A, %swap3A_380, %swap3A_381], %reshape3A_379 {strides = array<i32>} : memref<16x196x4xi32, #tpu.memory_space<vmem>>, vector<16x196x4xi32>,
    %concatenate3A_383 = tpu.concatenate %mul3A_258, %mul3A_298, %mul3A_338, %mul3A_378 in 1 : vector<3136x1xf32>, vector<3136x1xf32>, vector<3136x1xf32>, vector<3136x1xf32> -> vector<3136x4xf32>
    %reshape3A_384 = vector.shape_cast %concatenate3A_383 : vector<3136x4xf32> to vector<16x196x4xf32>
    %swap3A_385 = arith.constant 0 : index
    %swap3A_386 = arith.constant 0 : index
    %swap3A_387 = arith.constant 0 : index
    %swap3A_388 = vector.load %arg8[%swap3A_385, %swap3A_386, %swap3A_387] : memref<16x196x4xf32, #tpu.memory_space<vmem>>, vector<16x196x4xf32>
    tpu.vector_store %arg8[%swap3A_385, %swap3A_386, %swap3A_387], %reshape3A_384 {strides = array<i32>} : memref<16x196x4xf32, #tpu.memory_space<vmem>>, vector<16x196x4xf32>,
    return
  }
  func.func @transform_0(%arg0: i32) -> (i32, i32, i32) {
    %c0_i32 = arith.constant 0 : i32
    %c0_i32_0 = arith.constant 0 : i32
    %c0_i32_1 = arith.constant 0 : i32
    return %arg0, %c0_i32, %c0_i32_0 : i32, i32, i32
  }
  func.func @transform_1(%arg0: i32) -> (i32, i32) {
    %c0_i32 = arith.constant 0 : i32
    %c0_i32_0 = arith.constant 0 : i32
    %c0_i32_1 = arith.constant 0 : i32
    return %c0_i32, %c0_i32_0 : i32, i32
  }
  func.func @transform_2(%arg0: i32) -> (i32, i32) {
    %c0_i32 = arith.constant 0 : i32
    %c0_i32_0 = arith.constant 0 : i32
    %c0_i32_1 = arith.constant 0 : i32
    return %c0_i32, %c0_i32_0 : i32, i32
  }
  func.func @transform_3(%arg0: i32) -> (i32, i32) {
    %c0_i32 = arith.constant 0 : i32
    %c0_i32_0 = arith.constant 0 : i32
    %c0_i32_1 = arith.constant 0 : i32
    return %c0_i32, %c0_i32_0 : i32, i32
  }
  func.func @transform_4(%arg0: i32) -> (i32, i32) {
    %c0_i32 = arith.constant 0 : i32
    %c0_i32_0 = arith.constant 0 : i32
    %c0_i32_1 = arith.constant 0 : i32
    return %c0_i32, %c0_i32_0 : i32, i32
  }
  func.func @transform_5(%arg0: i32) -> (i32, i32) {
    %c0_i32 = arith.constant 0 : i32
    %c0_i32_0 = arith.constant 0 : i32
    %c0_i32_1 = arith.constant 0 : i32
    return %c0_i32, %c0_i32_0 : i32, i32
  }
  func.func @transform_6(%arg0: i32) -> (i32, i32, i32) {
    %c0_i32 = arith.constant 0 : i32
    %c0_i32_0 = arith.constant 0 : i32
    %c0_i32_1 = arith.constant 0 : i32
    return %arg0, %c0_i32, %c0_i32_0 : i32, i32, i32
  }
  func.func @transform_7(%arg0: i32) -> (i32, i32, i32) {
    %c0_i32 = arith.constant 0 : i32
    %c0_i32_0 = arith.constant 0 : i32
    %c0_i32_1 = arith.constant 0 : i32
    return %arg0, %c0_i32, %c0_i32_0 : i32, i32, i32
  }
}

module attributes {stable_mosaic.version = 14 : i64} {
  func.func @_tail_body(%arg0: i32, %arg1: memref<16x3x208xf32, #tpu.memory_space<vmem>>, %arg2: memref<192x3xf32, #tpu.memory_space<vmem>>, %arg3: memref<192x1xf32, #tpu.memory_space<vmem>>, %arg4: memref<192x1xf32, #tpu.memory_space<vmem>>, %arg5: memref<192x1xf32, #tpu.memory_space<vmem>>, %arg6: memref<16x192x196xf32, #tpu.memory_space<vmem>>) attributes {dimension_semantics = [#tpu.dimension_semantics<arbitrary>], iteration_bounds = array<i64: 2>, scalar_prefetch = 0 : i64, scratch_operands = 0 : i64, tpu.core_type = #tpu.core_type<tc>, window_params = [{transform_indices = @transform_0, window_bounds = array<i64: 16, 3, 208>}, {pipeline_mode = #tpu.pipeline_mode<synchronous>, transform_indices = @transform_1, window_bounds = array<i64: 192, 3>}, {pipeline_mode = #tpu.pipeline_mode<synchronous>, transform_indices = @transform_2, window_bounds = array<i64: 192, 1>}, {pipeline_mode = #tpu.pipeline_mode<synchronous>, transform_indices = @transform_3, window_bounds = array<i64: 192, 1>}, {pipeline_mode = #tpu.pipeline_mode<synchronous>, transform_indices = @transform_4, window_bounds = array<i64: 192, 1>}, {transform_indices = @transform_5, window_bounds = array<i64: 16, 192, 196>}]} {
    %get3A = arith.constant 0 : index
    %get3A_0 = arith.constant 0 : index
    %get3A_1 = vector.load %arg2[%get3A, %get3A_0] : memref<192x3xf32, #tpu.memory_space<vmem>>, vector<192x3xf32>
    %get3A_2 = arith.constant 0 : index
    %get3A_3 = arith.constant 0 : index
    %get3A_4 = vector.load %arg3[%get3A_2, %get3A_3] : memref<192x1xf32, #tpu.memory_space<vmem>>, vector<192x1xf32>
    %get3A_5 = arith.constant 0 : index
    %get3A_6 = arith.constant 0 : index
    %get3A_7 = vector.load %arg4[%get3A_5, %get3A_6] : memref<192x1xf32, #tpu.memory_space<vmem>>, vector<192x1xf32>
    %get3A_8 = arith.constant 0 : index
    %get3A_9 = arith.constant 0 : index
    %get3A_10 = vector.load %arg5[%get3A_8, %get3A_9] : memref<192x1xf32, #tpu.memory_space<vmem>>, vector<192x1xf32>
    %get3A_11 = arith.constant 0 : index
    %get3A_12 = arith.constant 0 : index
    %get3A_13 = arith.constant 0 : index
    %get3A_14 = vector.load %arg1[%get3A_11, %get3A_12, %get3A_13] : memref<16x3x208xf32, #tpu.memory_space<vmem>>, vector<1x3x196xf32>
    %get3A_15 = vector.shape_cast %get3A_14 : vector<1x3x196xf32> to vector<3x196xf32>
    %dot_general3A = arith.constant dense<0.000000e+00> : vector<192x196xf32>
    %dot_general3A_16 = tpu.matmul %get3A_1, %get3A_15, %dot_general3A {dimension_numbers = #tpu.dot_dimension_numbers<[1], [0], [0], [1], [0, 0, 1, 1], [], []>, transpose_lhs_hint = false} : vector<192x3xf32>, vector<3x196xf32>, vector<192x196xf32> -> vector<192x196xf32>
    %add3A = vector.broadcast %get3A_4 : vector<192x1xf32> to vector<192x196xf32>
    %add3A_17 = arith.addf %dot_general3A_16, %add3A : vector<192x196xf32>
    %reduce_sum3A = arith.constant dense<0.000000e+00> : vector<196xf32>
    %reduce_sum3A_18 = vector.multi_reduction <add>, %add3A_17, %reduce_sum3A [0] : vector<192x196xf32> to vector<196xf32>
    %broadcast_in_dim3A = vector.shape_cast %reduce_sum3A_18 : vector<196xf32> to vector<1x196xf32>
    %div3A = arith.constant 1.920000e+02 : f32
    %div3A_19 = vector.broadcast %div3A : f32 to vector<1x196xf32>
    %div3A_20 = arith.divf %broadcast_in_dim3A, %div3A_19 : vector<1x196xf32>
    %sub3A = vector.broadcast %div3A_20 : vector<1x196xf32> to vector<192x196xf32>
    %sub3A_21 = arith.subf %add3A_17, %sub3A : vector<192x196xf32>
    %mul3A = arith.mulf %sub3A_21, %sub3A_21 : vector<192x196xf32>
    %reduce_sum3A_22 = arith.constant dense<0.000000e+00> : vector<196xf32>
    %reduce_sum3A_23 = vector.multi_reduction <add>, %mul3A, %reduce_sum3A_22 [0] : vector<192x196xf32> to vector<196xf32>
    %broadcast_in_dim3A_24 = vector.shape_cast %reduce_sum3A_23 : vector<196xf32> to vector<1x196xf32>
    %div3A_25 = arith.constant 1.920000e+02 : f32
    %div3A_26 = vector.broadcast %div3A_25 : f32 to vector<1x196xf32>
    %div3A_27 = arith.divf %broadcast_in_dim3A_24, %div3A_26 : vector<1x196xf32>
    %add3A_28 = arith.constant 9.99999974E-6 : f32
    %add3A_29 = vector.broadcast %add3A_28 : f32 to vector<1x196xf32>
    %add3A_30 = arith.addf %div3A_27, %add3A_29 : vector<1x196xf32>
    %rsqrt3A = math.rsqrt %add3A_30 : vector<1x196xf32>
    %mul3A_31 = vector.broadcast %rsqrt3A : vector<1x196xf32> to vector<192x196xf32>
    %mul3A_32 = arith.mulf %sub3A_21, %mul3A_31 : vector<192x196xf32>
    %mul3A_33 = vector.broadcast %get3A_7 : vector<192x1xf32> to vector<192x196xf32>
    %mul3A_34 = arith.mulf %mul3A_32, %mul3A_33 : vector<192x196xf32>
    %add3A_35 = vector.broadcast %get3A_10 : vector<192x1xf32> to vector<192x196xf32>
    %add3A_36 = arith.addf %mul3A_34, %add3A_35 : vector<192x196xf32>
    %swap3A = arith.constant 0 : index
    %swap3A_37 = arith.constant 0 : index
    %swap3A_38 = arith.constant 0 : index
    %swap3A_39 = vector.load %arg6[%swap3A, %swap3A_37, %swap3A_38] : memref<16x192x196xf32, #tpu.memory_space<vmem>>, vector<1x192x196xf32>
    %swap3A_40 = vector.shape_cast %swap3A_39 : vector<1x192x196xf32> to vector<192x196xf32>
    %swap3A_41 = vector.shape_cast %add3A_36 : vector<192x196xf32> to vector<1x192x196xf32>
    tpu.vector_store %arg6[%swap3A, %swap3A_37, %swap3A_38], %swap3A_41 {strides = array<i32>} : memref<16x192x196xf32, #tpu.memory_space<vmem>>, vector<1x192x196xf32>,
    %get3A_42 = arith.constant 1 : index
    %get3A_43 = arith.constant 0 : index
    %get3A_44 = arith.constant 0 : index
    %get3A_45 = vector.load %arg1[%get3A_42, %get3A_43, %get3A_44] : memref<16x3x208xf32, #tpu.memory_space<vmem>>, vector<1x3x196xf32>
    %get3A_46 = vector.shape_cast %get3A_45 : vector<1x3x196xf32> to vector<3x196xf32>
    %dot_general3A_47 = arith.constant dense<0.000000e+00> : vector<192x196xf32>
    %dot_general3A_48 = tpu.matmul %get3A_1, %get3A_46, %dot_general3A_47 {dimension_numbers = #tpu.dot_dimension_numbers<[1], [0], [0], [1], [0, 0, 1, 1], [], []>, transpose_lhs_hint = false} : vector<192x3xf32>, vector<3x196xf32>, vector<192x196xf32> -> vector<192x196xf32>
    %add3A_49 = vector.broadcast %get3A_4 : vector<192x1xf32> to vector<192x196xf32>
    %add3A_50 = arith.addf %dot_general3A_48, %add3A_49 : vector<192x196xf32>
    %reduce_sum3A_51 = arith.constant dense<0.000000e+00> : vector<196xf32>
    %reduce_sum3A_52 = vector.multi_reduction <add>, %add3A_50, %reduce_sum3A_51 [0] : vector<192x196xf32> to vector<196xf32>
    %broadcast_in_dim3A_53 = vector.shape_cast %reduce_sum3A_52 : vector<196xf32> to vector<1x196xf32>
    %div3A_54 = arith.constant 1.920000e+02 : f32
    %div3A_55 = vector.broadcast %div3A_54 : f32 to vector<1x196xf32>
    %div3A_56 = arith.divf %broadcast_in_dim3A_53, %div3A_55 : vector<1x196xf32>
    %sub3A_57 = vector.broadcast %div3A_56 : vector<1x196xf32> to vector<192x196xf32>
    %sub3A_58 = arith.subf %add3A_50, %sub3A_57 : vector<192x196xf32>
    %mul3A_59 = arith.mulf %sub3A_58, %sub3A_58 : vector<192x196xf32>
    %reduce_sum3A_60 = arith.constant dense<0.000000e+00> : vector<196xf32>
    %reduce_sum3A_61 = vector.multi_reduction <add>, %mul3A_59, %reduce_sum3A_60 [0] : vector<192x196xf32> to vector<196xf32>
    %broadcast_in_dim3A_62 = vector.shape_cast %reduce_sum3A_61 : vector<196xf32> to vector<1x196xf32>
    %div3A_63 = arith.constant 1.920000e+02 : f32
    %div3A_64 = vector.broadcast %div3A_63 : f32 to vector<1x196xf32>
    %div3A_65 = arith.divf %broadcast_in_dim3A_62, %div3A_64 : vector<1x196xf32>
    %add3A_66 = arith.constant 9.99999974E-6 : f32
    %add3A_67 = vector.broadcast %add3A_66 : f32 to vector<1x196xf32>
    %add3A_68 = arith.addf %div3A_65, %add3A_67 : vector<1x196xf32>
    %rsqrt3A_69 = math.rsqrt %add3A_68 : vector<1x196xf32>
    %mul3A_70 = vector.broadcast %rsqrt3A_69 : vector<1x196xf32> to vector<192x196xf32>
    %mul3A_71 = arith.mulf %sub3A_58, %mul3A_70 : vector<192x196xf32>
    %mul3A_72 = vector.broadcast %get3A_7 : vector<192x1xf32> to vector<192x196xf32>
    %mul3A_73 = arith.mulf %mul3A_71, %mul3A_72 : vector<192x196xf32>
    %add3A_74 = vector.broadcast %get3A_10 : vector<192x1xf32> to vector<192x196xf32>
    %add3A_75 = arith.addf %mul3A_73, %add3A_74 : vector<192x196xf32>
    %swap3A_76 = arith.constant 1 : index
    %swap3A_77 = arith.constant 0 : index
    %swap3A_78 = arith.constant 0 : index
    %swap3A_79 = vector.load %arg6[%swap3A_76, %swap3A_77, %swap3A_78] : memref<16x192x196xf32, #tpu.memory_space<vmem>>, vector<1x192x196xf32>
    %swap3A_80 = vector.shape_cast %swap3A_79 : vector<1x192x196xf32> to vector<192x196xf32>
    %swap3A_81 = vector.shape_cast %add3A_75 : vector<192x196xf32> to vector<1x192x196xf32>
    tpu.vector_store %arg6[%swap3A_76, %swap3A_77, %swap3A_78], %swap3A_81 {strides = array<i32>} : memref<16x192x196xf32, #tpu.memory_space<vmem>>, vector<1x192x196xf32>,
    %get3A_82 = arith.constant 2 : index
    %get3A_83 = arith.constant 0 : index
    %get3A_84 = arith.constant 0 : index
    %get3A_85 = vector.load %arg1[%get3A_82, %get3A_83, %get3A_84] : memref<16x3x208xf32, #tpu.memory_space<vmem>>, vector<1x3x196xf32>
    %get3A_86 = vector.shape_cast %get3A_85 : vector<1x3x196xf32> to vector<3x196xf32>
    %dot_general3A_87 = arith.constant dense<0.000000e+00> : vector<192x196xf32>
    %dot_general3A_88 = tpu.matmul %get3A_1, %get3A_86, %dot_general3A_87 {dimension_numbers = #tpu.dot_dimension_numbers<[1], [0], [0], [1], [0, 0, 1, 1], [], []>, transpose_lhs_hint = false} : vector<192x3xf32>, vector<3x196xf32>, vector<192x196xf32> -> vector<192x196xf32>
    %add3A_89 = vector.broadcast %get3A_4 : vector<192x1xf32> to vector<192x196xf32>
    %add3A_90 = arith.addf %dot_general3A_88, %add3A_89 : vector<192x196xf32>
    %reduce_sum3A_91 = arith.constant dense<0.000000e+00> : vector<196xf32>
    %reduce_sum3A_92 = vector.multi_reduction <add>, %add3A_90, %reduce_sum3A_91 [0] : vector<192x196xf32> to vector<196xf32>
    %broadcast_in_dim3A_93 = vector.shape_cast %reduce_sum3A_92 : vector<196xf32> to vector<1x196xf32>
    %div3A_94 = arith.constant 1.920000e+02 : f32
    %div3A_95 = vector.broadcast %div3A_94 : f32 to vector<1x196xf32>
    %div3A_96 = arith.divf %broadcast_in_dim3A_93, %div3A_95 : vector<1x196xf32>
    %sub3A_97 = vector.broadcast %div3A_96 : vector<1x196xf32> to vector<192x196xf32>
    %sub3A_98 = arith.subf %add3A_90, %sub3A_97 : vector<192x196xf32>
    %mul3A_99 = arith.mulf %sub3A_98, %sub3A_98 : vector<192x196xf32>
    %reduce_sum3A_100 = arith.constant dense<0.000000e+00> : vector<196xf32>
    %reduce_sum3A_101 = vector.multi_reduction <add>, %mul3A_99, %reduce_sum3A_100 [0] : vector<192x196xf32> to vector<196xf32>
    %broadcast_in_dim3A_102 = vector.shape_cast %reduce_sum3A_101 : vector<196xf32> to vector<1x196xf32>
    %div3A_103 = arith.constant 1.920000e+02 : f32
    %div3A_104 = vector.broadcast %div3A_103 : f32 to vector<1x196xf32>
    %div3A_105 = arith.divf %broadcast_in_dim3A_102, %div3A_104 : vector<1x196xf32>
    %add3A_106 = arith.constant 9.99999974E-6 : f32
    %add3A_107 = vector.broadcast %add3A_106 : f32 to vector<1x196xf32>
    %add3A_108 = arith.addf %div3A_105, %add3A_107 : vector<1x196xf32>
    %rsqrt3A_109 = math.rsqrt %add3A_108 : vector<1x196xf32>
    %mul3A_110 = vector.broadcast %rsqrt3A_109 : vector<1x196xf32> to vector<192x196xf32>
    %mul3A_111 = arith.mulf %sub3A_98, %mul3A_110 : vector<192x196xf32>
    %mul3A_112 = vector.broadcast %get3A_7 : vector<192x1xf32> to vector<192x196xf32>
    %mul3A_113 = arith.mulf %mul3A_111, %mul3A_112 : vector<192x196xf32>
    %add3A_114 = vector.broadcast %get3A_10 : vector<192x1xf32> to vector<192x196xf32>
    %add3A_115 = arith.addf %mul3A_113, %add3A_114 : vector<192x196xf32>
    %swap3A_116 = arith.constant 2 : index
    %swap3A_117 = arith.constant 0 : index
    %swap3A_118 = arith.constant 0 : index
    %swap3A_119 = vector.load %arg6[%swap3A_116, %swap3A_117, %swap3A_118] : memref<16x192x196xf32, #tpu.memory_space<vmem>>, vector<1x192x196xf32>
    %swap3A_120 = vector.shape_cast %swap3A_119 : vector<1x192x196xf32> to vector<192x196xf32>
    %swap3A_121 = vector.shape_cast %add3A_115 : vector<192x196xf32> to vector<1x192x196xf32>
    tpu.vector_store %arg6[%swap3A_116, %swap3A_117, %swap3A_118], %swap3A_121 {strides = array<i32>} : memref<16x192x196xf32, #tpu.memory_space<vmem>>, vector<1x192x196xf32>,
    %get3A_122 = arith.constant 3 : index
    %get3A_123 = arith.constant 0 : index
    %get3A_124 = arith.constant 0 : index
    %get3A_125 = vector.load %arg1[%get3A_122, %get3A_123, %get3A_124] : memref<16x3x208xf32, #tpu.memory_space<vmem>>, vector<1x3x196xf32>
    %get3A_126 = vector.shape_cast %get3A_125 : vector<1x3x196xf32> to vector<3x196xf32>
    %dot_general3A_127 = arith.constant dense<0.000000e+00> : vector<192x196xf32>
    %dot_general3A_128 = tpu.matmul %get3A_1, %get3A_126, %dot_general3A_127 {dimension_numbers = #tpu.dot_dimension_numbers<[1], [0], [0], [1], [0, 0, 1, 1], [], []>, transpose_lhs_hint = false} : vector<192x3xf32>, vector<3x196xf32>, vector<192x196xf32> -> vector<192x196xf32>
    %add3A_129 = vector.broadcast %get3A_4 : vector<192x1xf32> to vector<192x196xf32>
    %add3A_130 = arith.addf %dot_general3A_128, %add3A_129 : vector<192x196xf32>
    %reduce_sum3A_131 = arith.constant dense<0.000000e+00> : vector<196xf32>
    %reduce_sum3A_132 = vector.multi_reduction <add>, %add3A_130, %reduce_sum3A_131 [0] : vector<192x196xf32> to vector<196xf32>
    %broadcast_in_dim3A_133 = vector.shape_cast %reduce_sum3A_132 : vector<196xf32> to vector<1x196xf32>
    %div3A_134 = arith.constant 1.920000e+02 : f32
    %div3A_135 = vector.broadcast %div3A_134 : f32 to vector<1x196xf32>
    %div3A_136 = arith.divf %broadcast_in_dim3A_133, %div3A_135 : vector<1x196xf32>
    %sub3A_137 = vector.broadcast %div3A_136 : vector<1x196xf32> to vector<192x196xf32>
    %sub3A_138 = arith.subf %add3A_130, %sub3A_137 : vector<192x196xf32>
    %mul3A_139 = arith.mulf %sub3A_138, %sub3A_138 : vector<192x196xf32>
    %reduce_sum3A_140 = arith.constant dense<0.000000e+00> : vector<196xf32>
    %reduce_sum3A_141 = vector.multi_reduction <add>, %mul3A_139, %reduce_sum3A_140 [0] : vector<192x196xf32> to vector<196xf32>
    %broadcast_in_dim3A_142 = vector.shape_cast %reduce_sum3A_141 : vector<196xf32> to vector<1x196xf32>
    %div3A_143 = arith.constant 1.920000e+02 : f32
    %div3A_144 = vector.broadcast %div3A_143 : f32 to vector<1x196xf32>
    %div3A_145 = arith.divf %broadcast_in_dim3A_142, %div3A_144 : vector<1x196xf32>
    %add3A_146 = arith.constant 9.99999974E-6 : f32
    %add3A_147 = vector.broadcast %add3A_146 : f32 to vector<1x196xf32>
    %add3A_148 = arith.addf %div3A_145, %add3A_147 : vector<1x196xf32>
    %rsqrt3A_149 = math.rsqrt %add3A_148 : vector<1x196xf32>
    %mul3A_150 = vector.broadcast %rsqrt3A_149 : vector<1x196xf32> to vector<192x196xf32>
    %mul3A_151 = arith.mulf %sub3A_138, %mul3A_150 : vector<192x196xf32>
    %mul3A_152 = vector.broadcast %get3A_7 : vector<192x1xf32> to vector<192x196xf32>
    %mul3A_153 = arith.mulf %mul3A_151, %mul3A_152 : vector<192x196xf32>
    %add3A_154 = vector.broadcast %get3A_10 : vector<192x1xf32> to vector<192x196xf32>
    %add3A_155 = arith.addf %mul3A_153, %add3A_154 : vector<192x196xf32>
    %swap3A_156 = arith.constant 3 : index
    %swap3A_157 = arith.constant 0 : index
    %swap3A_158 = arith.constant 0 : index
    %swap3A_159 = vector.load %arg6[%swap3A_156, %swap3A_157, %swap3A_158] : memref<16x192x196xf32, #tpu.memory_space<vmem>>, vector<1x192x196xf32>
    %swap3A_160 = vector.shape_cast %swap3A_159 : vector<1x192x196xf32> to vector<192x196xf32>
    %swap3A_161 = vector.shape_cast %add3A_155 : vector<192x196xf32> to vector<1x192x196xf32>
    tpu.vector_store %arg6[%swap3A_156, %swap3A_157, %swap3A_158], %swap3A_161 {strides = array<i32>} : memref<16x192x196xf32, #tpu.memory_space<vmem>>, vector<1x192x196xf32>,
    %get3A_162 = arith.constant 4 : index
    %get3A_163 = arith.constant 0 : index
    %get3A_164 = arith.constant 0 : index
    %get3A_165 = vector.load %arg1[%get3A_162, %get3A_163, %get3A_164] : memref<16x3x208xf32, #tpu.memory_space<vmem>>, vector<1x3x196xf32>
    %get3A_166 = vector.shape_cast %get3A_165 : vector<1x3x196xf32> to vector<3x196xf32>
    %dot_general3A_167 = arith.constant dense<0.000000e+00> : vector<192x196xf32>
    %dot_general3A_168 = tpu.matmul %get3A_1, %get3A_166, %dot_general3A_167 {dimension_numbers = #tpu.dot_dimension_numbers<[1], [0], [0], [1], [0, 0, 1, 1], [], []>, transpose_lhs_hint = false} : vector<192x3xf32>, vector<3x196xf32>, vector<192x196xf32> -> vector<192x196xf32>
    %add3A_169 = vector.broadcast %get3A_4 : vector<192x1xf32> to vector<192x196xf32>
    %add3A_170 = arith.addf %dot_general3A_168, %add3A_169 : vector<192x196xf32>
    %reduce_sum3A_171 = arith.constant dense<0.000000e+00> : vector<196xf32>
    %reduce_sum3A_172 = vector.multi_reduction <add>, %add3A_170, %reduce_sum3A_171 [0] : vector<192x196xf32> to vector<196xf32>
    %broadcast_in_dim3A_173 = vector.shape_cast %reduce_sum3A_172 : vector<196xf32> to vector<1x196xf32>
    %div3A_174 = arith.constant 1.920000e+02 : f32
    %div3A_175 = vector.broadcast %div3A_174 : f32 to vector<1x196xf32>
    %div3A_176 = arith.divf %broadcast_in_dim3A_173, %div3A_175 : vector<1x196xf32>
    %sub3A_177 = vector.broadcast %div3A_176 : vector<1x196xf32> to vector<192x196xf32>
    %sub3A_178 = arith.subf %add3A_170, %sub3A_177 : vector<192x196xf32>
    %mul3A_179 = arith.mulf %sub3A_178, %sub3A_178 : vector<192x196xf32>
    %reduce_sum3A_180 = arith.constant dense<0.000000e+00> : vector<196xf32>
    %reduce_sum3A_181 = vector.multi_reduction <add>, %mul3A_179, %reduce_sum3A_180 [0] : vector<192x196xf32> to vector<196xf32>
    %broadcast_in_dim3A_182 = vector.shape_cast %reduce_sum3A_181 : vector<196xf32> to vector<1x196xf32>
    %div3A_183 = arith.constant 1.920000e+02 : f32
    %div3A_184 = vector.broadcast %div3A_183 : f32 to vector<1x196xf32>
    %div3A_185 = arith.divf %broadcast_in_dim3A_182, %div3A_184 : vector<1x196xf32>
    %add3A_186 = arith.constant 9.99999974E-6 : f32
    %add3A_187 = vector.broadcast %add3A_186 : f32 to vector<1x196xf32>
    %add3A_188 = arith.addf %div3A_185, %add3A_187 : vector<1x196xf32>
    %rsqrt3A_189 = math.rsqrt %add3A_188 : vector<1x196xf32>
    %mul3A_190 = vector.broadcast %rsqrt3A_189 : vector<1x196xf32> to vector<192x196xf32>
    %mul3A_191 = arith.mulf %sub3A_178, %mul3A_190 : vector<192x196xf32>
    %mul3A_192 = vector.broadcast %get3A_7 : vector<192x1xf32> to vector<192x196xf32>
    %mul3A_193 = arith.mulf %mul3A_191, %mul3A_192 : vector<192x196xf32>
    %add3A_194 = vector.broadcast %get3A_10 : vector<192x1xf32> to vector<192x196xf32>
    %add3A_195 = arith.addf %mul3A_193, %add3A_194 : vector<192x196xf32>
    %swap3A_196 = arith.constant 4 : index
    %swap3A_197 = arith.constant 0 : index
    %swap3A_198 = arith.constant 0 : index
    %swap3A_199 = vector.load %arg6[%swap3A_196, %swap3A_197, %swap3A_198] : memref<16x192x196xf32, #tpu.memory_space<vmem>>, vector<1x192x196xf32>
    %swap3A_200 = vector.shape_cast %swap3A_199 : vector<1x192x196xf32> to vector<192x196xf32>
    %swap3A_201 = vector.shape_cast %add3A_195 : vector<192x196xf32> to vector<1x192x196xf32>
    tpu.vector_store %arg6[%swap3A_196, %swap3A_197, %swap3A_198], %swap3A_201 {strides = array<i32>} : memref<16x192x196xf32, #tpu.memory_space<vmem>>, vector<1x192x196xf32>,
    %get3A_202 = arith.constant 5 : index
    %get3A_203 = arith.constant 0 : index
    %get3A_204 = arith.constant 0 : index
    %get3A_205 = vector.load %arg1[%get3A_202, %get3A_203, %get3A_204] : memref<16x3x208xf32, #tpu.memory_space<vmem>>, vector<1x3x196xf32>
    %get3A_206 = vector.shape_cast %get3A_205 : vector<1x3x196xf32> to vector<3x196xf32>
    %dot_general3A_207 = arith.constant dense<0.000000e+00> : vector<192x196xf32>
    %dot_general3A_208 = tpu.matmul %get3A_1, %get3A_206, %dot_general3A_207 {dimension_numbers = #tpu.dot_dimension_numbers<[1], [0], [0], [1], [0, 0, 1, 1], [], []>, transpose_lhs_hint = false} : vector<192x3xf32>, vector<3x196xf32>, vector<192x196xf32> -> vector<192x196xf32>
    %add3A_209 = vector.broadcast %get3A_4 : vector<192x1xf32> to vector<192x196xf32>
    %add3A_210 = arith.addf %dot_general3A_208, %add3A_209 : vector<192x196xf32>
    %reduce_sum3A_211 = arith.constant dense<0.000000e+00> : vector<196xf32>
    %reduce_sum3A_212 = vector.multi_reduction <add>, %add3A_210, %reduce_sum3A_211 [0] : vector<192x196xf32> to vector<196xf32>
    %broadcast_in_dim3A_213 = vector.shape_cast %reduce_sum3A_212 : vector<196xf32> to vector<1x196xf32>
    %div3A_214 = arith.constant 1.920000e+02 : f32
    %div3A_215 = vector.broadcast %div3A_214 : f32 to vector<1x196xf32>
    %div3A_216 = arith.divf %broadcast_in_dim3A_213, %div3A_215 : vector<1x196xf32>
    %sub3A_217 = vector.broadcast %div3A_216 : vector<1x196xf32> to vector<192x196xf32>
    %sub3A_218 = arith.subf %add3A_210, %sub3A_217 : vector<192x196xf32>
    %mul3A_219 = arith.mulf %sub3A_218, %sub3A_218 : vector<192x196xf32>
    %reduce_sum3A_220 = arith.constant dense<0.000000e+00> : vector<196xf32>
    %reduce_sum3A_221 = vector.multi_reduction <add>, %mul3A_219, %reduce_sum3A_220 [0] : vector<192x196xf32> to vector<196xf32>
    %broadcast_in_dim3A_222 = vector.shape_cast %reduce_sum3A_221 : vector<196xf32> to vector<1x196xf32>
    %div3A_223 = arith.constant 1.920000e+02 : f32
    %div3A_224 = vector.broadcast %div3A_223 : f32 to vector<1x196xf32>
    %div3A_225 = arith.divf %broadcast_in_dim3A_222, %div3A_224 : vector<1x196xf32>
    %add3A_226 = arith.constant 9.99999974E-6 : f32
    %add3A_227 = vector.broadcast %add3A_226 : f32 to vector<1x196xf32>
    %add3A_228 = arith.addf %div3A_225, %add3A_227 : vector<1x196xf32>
    %rsqrt3A_229 = math.rsqrt %add3A_228 : vector<1x196xf32>
    %mul3A_230 = vector.broadcast %rsqrt3A_229 : vector<1x196xf32> to vector<192x196xf32>
    %mul3A_231 = arith.mulf %sub3A_218, %mul3A_230 : vector<192x196xf32>
    %mul3A_232 = vector.broadcast %get3A_7 : vector<192x1xf32> to vector<192x196xf32>
    %mul3A_233 = arith.mulf %mul3A_231, %mul3A_232 : vector<192x196xf32>
    %add3A_234 = vector.broadcast %get3A_10 : vector<192x1xf32> to vector<192x196xf32>
    %add3A_235 = arith.addf %mul3A_233, %add3A_234 : vector<192x196xf32>
    %swap3A_236 = arith.constant 5 : index
    %swap3A_237 = arith.constant 0 : index
    %swap3A_238 = arith.constant 0 : index
    %swap3A_239 = vector.load %arg6[%swap3A_236, %swap3A_237, %swap3A_238] : memref<16x192x196xf32, #tpu.memory_space<vmem>>, vector<1x192x196xf32>
    %swap3A_240 = vector.shape_cast %swap3A_239 : vector<1x192x196xf32> to vector<192x196xf32>
    %swap3A_241 = vector.shape_cast %add3A_235 : vector<192x196xf32> to vector<1x192x196xf32>
    tpu.vector_store %arg6[%swap3A_236, %swap3A_237, %swap3A_238], %swap3A_241 {strides = array<i32>} : memref<16x192x196xf32, #tpu.memory_space<vmem>>, vector<1x192x196xf32>,
    %get3A_242 = arith.constant 6 : index
    %get3A_243 = arith.constant 0 : index
    %get3A_244 = arith.constant 0 : index
    %get3A_245 = vector.load %arg1[%get3A_242, %get3A_243, %get3A_244] : memref<16x3x208xf32, #tpu.memory_space<vmem>>, vector<1x3x196xf32>
    %get3A_246 = vector.shape_cast %get3A_245 : vector<1x3x196xf32> to vector<3x196xf32>
    %dot_general3A_247 = arith.constant dense<0.000000e+00> : vector<192x196xf32>
    %dot_general3A_248 = tpu.matmul %get3A_1, %get3A_246, %dot_general3A_247 {dimension_numbers = #tpu.dot_dimension_numbers<[1], [0], [0], [1], [0, 0, 1, 1], [], []>, transpose_lhs_hint = false} : vector<192x3xf32>, vector<3x196xf32>, vector<192x196xf32> -> vector<192x196xf32>
    %add3A_249 = vector.broadcast %get3A_4 : vector<192x1xf32> to vector<192x196xf32>
    %add3A_250 = arith.addf %dot_general3A_248, %add3A_249 : vector<192x196xf32>
    %reduce_sum3A_251 = arith.constant dense<0.000000e+00> : vector<196xf32>
    %reduce_sum3A_252 = vector.multi_reduction <add>, %add3A_250, %reduce_sum3A_251 [0] : vector<192x196xf32> to vector<196xf32>
    %broadcast_in_dim3A_253 = vector.shape_cast %reduce_sum3A_252 : vector<196xf32> to vector<1x196xf32>
    %div3A_254 = arith.constant 1.920000e+02 : f32
    %div3A_255 = vector.broadcast %div3A_254 : f32 to vector<1x196xf32>
    %div3A_256 = arith.divf %broadcast_in_dim3A_253, %div3A_255 : vector<1x196xf32>
    %sub3A_257 = vector.broadcast %div3A_256 : vector<1x196xf32> to vector<192x196xf32>
    %sub3A_258 = arith.subf %add3A_250, %sub3A_257 : vector<192x196xf32>
    %mul3A_259 = arith.mulf %sub3A_258, %sub3A_258 : vector<192x196xf32>
    %reduce_sum3A_260 = arith.constant dense<0.000000e+00> : vector<196xf32>
    %reduce_sum3A_261 = vector.multi_reduction <add>, %mul3A_259, %reduce_sum3A_260 [0] : vector<192x196xf32> to vector<196xf32>
    %broadcast_in_dim3A_262 = vector.shape_cast %reduce_sum3A_261 : vector<196xf32> to vector<1x196xf32>
    %div3A_263 = arith.constant 1.920000e+02 : f32
    %div3A_264 = vector.broadcast %div3A_263 : f32 to vector<1x196xf32>
    %div3A_265 = arith.divf %broadcast_in_dim3A_262, %div3A_264 : vector<1x196xf32>
    %add3A_266 = arith.constant 9.99999974E-6 : f32
    %add3A_267 = vector.broadcast %add3A_266 : f32 to vector<1x196xf32>
    %add3A_268 = arith.addf %div3A_265, %add3A_267 : vector<1x196xf32>
    %rsqrt3A_269 = math.rsqrt %add3A_268 : vector<1x196xf32>
    %mul3A_270 = vector.broadcast %rsqrt3A_269 : vector<1x196xf32> to vector<192x196xf32>
    %mul3A_271 = arith.mulf %sub3A_258, %mul3A_270 : vector<192x196xf32>
    %mul3A_272 = vector.broadcast %get3A_7 : vector<192x1xf32> to vector<192x196xf32>
    %mul3A_273 = arith.mulf %mul3A_271, %mul3A_272 : vector<192x196xf32>
    %add3A_274 = vector.broadcast %get3A_10 : vector<192x1xf32> to vector<192x196xf32>
    %add3A_275 = arith.addf %mul3A_273, %add3A_274 : vector<192x196xf32>
    %swap3A_276 = arith.constant 6 : index
    %swap3A_277 = arith.constant 0 : index
    %swap3A_278 = arith.constant 0 : index
    %swap3A_279 = vector.load %arg6[%swap3A_276, %swap3A_277, %swap3A_278] : memref<16x192x196xf32, #tpu.memory_space<vmem>>, vector<1x192x196xf32>
    %swap3A_280 = vector.shape_cast %swap3A_279 : vector<1x192x196xf32> to vector<192x196xf32>
    %swap3A_281 = vector.shape_cast %add3A_275 : vector<192x196xf32> to vector<1x192x196xf32>
    tpu.vector_store %arg6[%swap3A_276, %swap3A_277, %swap3A_278], %swap3A_281 {strides = array<i32>} : memref<16x192x196xf32, #tpu.memory_space<vmem>>, vector<1x192x196xf32>,
    %get3A_282 = arith.constant 7 : index
    %get3A_283 = arith.constant 0 : index
    %get3A_284 = arith.constant 0 : index
    %get3A_285 = vector.load %arg1[%get3A_282, %get3A_283, %get3A_284] : memref<16x3x208xf32, #tpu.memory_space<vmem>>, vector<1x3x196xf32>
    %get3A_286 = vector.shape_cast %get3A_285 : vector<1x3x196xf32> to vector<3x196xf32>
    %dot_general3A_287 = arith.constant dense<0.000000e+00> : vector<192x196xf32>
    %dot_general3A_288 = tpu.matmul %get3A_1, %get3A_286, %dot_general3A_287 {dimension_numbers = #tpu.dot_dimension_numbers<[1], [0], [0], [1], [0, 0, 1, 1], [], []>, transpose_lhs_hint = false} : vector<192x3xf32>, vector<3x196xf32>, vector<192x196xf32> -> vector<192x196xf32>
    %add3A_289 = vector.broadcast %get3A_4 : vector<192x1xf32> to vector<192x196xf32>
    %add3A_290 = arith.addf %dot_general3A_288, %add3A_289 : vector<192x196xf32>
    %reduce_sum3A_291 = arith.constant dense<0.000000e+00> : vector<196xf32>
    %reduce_sum3A_292 = vector.multi_reduction <add>, %add3A_290, %reduce_sum3A_291 [0] : vector<192x196xf32> to vector<196xf32>
    %broadcast_in_dim3A_293 = vector.shape_cast %reduce_sum3A_292 : vector<196xf32> to vector<1x196xf32>
    %div3A_294 = arith.constant 1.920000e+02 : f32
    %div3A_295 = vector.broadcast %div3A_294 : f32 to vector<1x196xf32>
    %div3A_296 = arith.divf %broadcast_in_dim3A_293, %div3A_295 : vector<1x196xf32>
    %sub3A_297 = vector.broadcast %div3A_296 : vector<1x196xf32> to vector<192x196xf32>
    %sub3A_298 = arith.subf %add3A_290, %sub3A_297 : vector<192x196xf32>
    %mul3A_299 = arith.mulf %sub3A_298, %sub3A_298 : vector<192x196xf32>
    %reduce_sum3A_300 = arith.constant dense<0.000000e+00> : vector<196xf32>
    %reduce_sum3A_301 = vector.multi_reduction <add>, %mul3A_299, %reduce_sum3A_300 [0] : vector<192x196xf32> to vector<196xf32>
    %broadcast_in_dim3A_302 = vector.shape_cast %reduce_sum3A_301 : vector<196xf32> to vector<1x196xf32>
    %div3A_303 = arith.constant 1.920000e+02 : f32
    %div3A_304 = vector.broadcast %div3A_303 : f32 to vector<1x196xf32>
    %div3A_305 = arith.divf %broadcast_in_dim3A_302, %div3A_304 : vector<1x196xf32>
    %add3A_306 = arith.constant 9.99999974E-6 : f32
    %add3A_307 = vector.broadcast %add3A_306 : f32 to vector<1x196xf32>
    %add3A_308 = arith.addf %div3A_305, %add3A_307 : vector<1x196xf32>
    %rsqrt3A_309 = math.rsqrt %add3A_308 : vector<1x196xf32>
    %mul3A_310 = vector.broadcast %rsqrt3A_309 : vector<1x196xf32> to vector<192x196xf32>
    %mul3A_311 = arith.mulf %sub3A_298, %mul3A_310 : vector<192x196xf32>
    %mul3A_312 = vector.broadcast %get3A_7 : vector<192x1xf32> to vector<192x196xf32>
    %mul3A_313 = arith.mulf %mul3A_311, %mul3A_312 : vector<192x196xf32>
    %add3A_314 = vector.broadcast %get3A_10 : vector<192x1xf32> to vector<192x196xf32>
    %add3A_315 = arith.addf %mul3A_313, %add3A_314 : vector<192x196xf32>
    %swap3A_316 = arith.constant 7 : index
    %swap3A_317 = arith.constant 0 : index
    %swap3A_318 = arith.constant 0 : index
    %swap3A_319 = vector.load %arg6[%swap3A_316, %swap3A_317, %swap3A_318] : memref<16x192x196xf32, #tpu.memory_space<vmem>>, vector<1x192x196xf32>
    %swap3A_320 = vector.shape_cast %swap3A_319 : vector<1x192x196xf32> to vector<192x196xf32>
    %swap3A_321 = vector.shape_cast %add3A_315 : vector<192x196xf32> to vector<1x192x196xf32>
    tpu.vector_store %arg6[%swap3A_316, %swap3A_317, %swap3A_318], %swap3A_321 {strides = array<i32>} : memref<16x192x196xf32, #tpu.memory_space<vmem>>, vector<1x192x196xf32>,
    %get3A_322 = arith.constant 8 : index
    %get3A_323 = arith.constant 0 : index
    %get3A_324 = arith.constant 0 : index
    %get3A_325 = vector.load %arg1[%get3A_322, %get3A_323, %get3A_324] : memref<16x3x208xf32, #tpu.memory_space<vmem>>, vector<1x3x196xf32>
    %get3A_326 = vector.shape_cast %get3A_325 : vector<1x3x196xf32> to vector<3x196xf32>
    %dot_general3A_327 = arith.constant dense<0.000000e+00> : vector<192x196xf32>
    %dot_general3A_328 = tpu.matmul %get3A_1, %get3A_326, %dot_general3A_327 {dimension_numbers = #tpu.dot_dimension_numbers<[1], [0], [0], [1], [0, 0, 1, 1], [], []>, transpose_lhs_hint = false} : vector<192x3xf32>, vector<3x196xf32>, vector<192x196xf32> -> vector<192x196xf32>
    %add3A_329 = vector.broadcast %get3A_4 : vector<192x1xf32> to vector<192x196xf32>
    %add3A_330 = arith.addf %dot_general3A_328, %add3A_329 : vector<192x196xf32>
    %reduce_sum3A_331 = arith.constant dense<0.000000e+00> : vector<196xf32>
    %reduce_sum3A_332 = vector.multi_reduction <add>, %add3A_330, %reduce_sum3A_331 [0] : vector<192x196xf32> to vector<196xf32>
    %broadcast_in_dim3A_333 = vector.shape_cast %reduce_sum3A_332 : vector<196xf32> to vector<1x196xf32>
    %div3A_334 = arith.constant 1.920000e+02 : f32
    %div3A_335 = vector.broadcast %div3A_334 : f32 to vector<1x196xf32>
    %div3A_336 = arith.divf %broadcast_in_dim3A_333, %div3A_335 : vector<1x196xf32>
    %sub3A_337 = vector.broadcast %div3A_336 : vector<1x196xf32> to vector<192x196xf32>
    %sub3A_338 = arith.subf %add3A_330, %sub3A_337 : vector<192x196xf32>
    %mul3A_339 = arith.mulf %sub3A_338, %sub3A_338 : vector<192x196xf32>
    %reduce_sum3A_340 = arith.constant dense<0.000000e+00> : vector<196xf32>
    %reduce_sum3A_341 = vector.multi_reduction <add>, %mul3A_339, %reduce_sum3A_340 [0] : vector<192x196xf32> to vector<196xf32>
    %broadcast_in_dim3A_342 = vector.shape_cast %reduce_sum3A_341 : vector<196xf32> to vector<1x196xf32>
    %div3A_343 = arith.constant 1.920000e+02 : f32
    %div3A_344 = vector.broadcast %div3A_343 : f32 to vector<1x196xf32>
    %div3A_345 = arith.divf %broadcast_in_dim3A_342, %div3A_344 : vector<1x196xf32>
    %add3A_346 = arith.constant 9.99999974E-6 : f32
    %add3A_347 = vector.broadcast %add3A_346 : f32 to vector<1x196xf32>
    %add3A_348 = arith.addf %div3A_345, %add3A_347 : vector<1x196xf32>
    %rsqrt3A_349 = math.rsqrt %add3A_348 : vector<1x196xf32>
    %mul3A_350 = vector.broadcast %rsqrt3A_349 : vector<1x196xf32> to vector<192x196xf32>
    %mul3A_351 = arith.mulf %sub3A_338, %mul3A_350 : vector<192x196xf32>
    %mul3A_352 = vector.broadcast %get3A_7 : vector<192x1xf32> to vector<192x196xf32>
    %mul3A_353 = arith.mulf %mul3A_351, %mul3A_352 : vector<192x196xf32>
    %add3A_354 = vector.broadcast %get3A_10 : vector<192x1xf32> to vector<192x196xf32>
    %add3A_355 = arith.addf %mul3A_353, %add3A_354 : vector<192x196xf32>
    %swap3A_356 = arith.constant 8 : index
    %swap3A_357 = arith.constant 0 : index
    %swap3A_358 = arith.constant 0 : index
    %swap3A_359 = vector.load %arg6[%swap3A_356, %swap3A_357, %swap3A_358] : memref<16x192x196xf32, #tpu.memory_space<vmem>>, vector<1x192x196xf32>
    %swap3A_360 = vector.shape_cast %swap3A_359 : vector<1x192x196xf32> to vector<192x196xf32>
    %swap3A_361 = vector.shape_cast %add3A_355 : vector<192x196xf32> to vector<1x192x196xf32>
    tpu.vector_store %arg6[%swap3A_356, %swap3A_357, %swap3A_358], %swap3A_361 {strides = array<i32>} : memref<16x192x196xf32, #tpu.memory_space<vmem>>, vector<1x192x196xf32>,
    %get3A_362 = arith.constant 9 : index
    %get3A_363 = arith.constant 0 : index
    %get3A_364 = arith.constant 0 : index
    %get3A_365 = vector.load %arg1[%get3A_362, %get3A_363, %get3A_364] : memref<16x3x208xf32, #tpu.memory_space<vmem>>, vector<1x3x196xf32>
    %get3A_366 = vector.shape_cast %get3A_365 : vector<1x3x196xf32> to vector<3x196xf32>
    %dot_general3A_367 = arith.constant dense<0.000000e+00> : vector<192x196xf32>
    %dot_general3A_368 = tpu.matmul %get3A_1, %get3A_366, %dot_general3A_367 {dimension_numbers = #tpu.dot_dimension_numbers<[1], [0], [0], [1], [0, 0, 1, 1], [], []>, transpose_lhs_hint = false} : vector<192x3xf32>, vector<3x196xf32>, vector<192x196xf32> -> vector<192x196xf32>
    %add3A_369 = vector.broadcast %get3A_4 : vector<192x1xf32> to vector<192x196xf32>
    %add3A_370 = arith.addf %dot_general3A_368, %add3A_369 : vector<192x196xf32>
    %reduce_sum3A_371 = arith.constant dense<0.000000e+00> : vector<196xf32>
    %reduce_sum3A_372 = vector.multi_reduction <add>, %add3A_370, %reduce_sum3A_371 [0] : vector<192x196xf32> to vector<196xf32>
    %broadcast_in_dim3A_373 = vector.shape_cast %reduce_sum3A_372 : vector<196xf32> to vector<1x196xf32>
    %div3A_374 = arith.constant 1.920000e+02 : f32
    %div3A_375 = vector.broadcast %div3A_374 : f32 to vector<1x196xf32>
    %div3A_376 = arith.divf %broadcast_in_dim3A_373, %div3A_375 : vector<1x196xf32>
    %sub3A_377 = vector.broadcast %div3A_376 : vector<1x196xf32> to vector<192x196xf32>
    %sub3A_378 = arith.subf %add3A_370, %sub3A_377 : vector<192x196xf32>
    %mul3A_379 = arith.mulf %sub3A_378, %sub3A_378 : vector<192x196xf32>
    %reduce_sum3A_380 = arith.constant dense<0.000000e+00> : vector<196xf32>
    %reduce_sum3A_381 = vector.multi_reduction <add>, %mul3A_379, %reduce_sum3A_380 [0] : vector<192x196xf32> to vector<196xf32>
    %broadcast_in_dim3A_382 = vector.shape_cast %reduce_sum3A_381 : vector<196xf32> to vector<1x196xf32>
    %div3A_383 = arith.constant 1.920000e+02 : f32
    %div3A_384 = vector.broadcast %div3A_383 : f32 to vector<1x196xf32>
    %div3A_385 = arith.divf %broadcast_in_dim3A_382, %div3A_384 : vector<1x196xf32>
    %add3A_386 = arith.constant 9.99999974E-6 : f32
    %add3A_387 = vector.broadcast %add3A_386 : f32 to vector<1x196xf32>
    %add3A_388 = arith.addf %div3A_385, %add3A_387 : vector<1x196xf32>
    %rsqrt3A_389 = math.rsqrt %add3A_388 : vector<1x196xf32>
    %mul3A_390 = vector.broadcast %rsqrt3A_389 : vector<1x196xf32> to vector<192x196xf32>
    %mul3A_391 = arith.mulf %sub3A_378, %mul3A_390 : vector<192x196xf32>
    %mul3A_392 = vector.broadcast %get3A_7 : vector<192x1xf32> to vector<192x196xf32>
    %mul3A_393 = arith.mulf %mul3A_391, %mul3A_392 : vector<192x196xf32>
    %add3A_394 = vector.broadcast %get3A_10 : vector<192x1xf32> to vector<192x196xf32>
    %add3A_395 = arith.addf %mul3A_393, %add3A_394 : vector<192x196xf32>
    %swap3A_396 = arith.constant 9 : index
    %swap3A_397 = arith.constant 0 : index
    %swap3A_398 = arith.constant 0 : index
    %swap3A_399 = vector.load %arg6[%swap3A_396, %swap3A_397, %swap3A_398] : memref<16x192x196xf32, #tpu.memory_space<vmem>>, vector<1x192x196xf32>
    %swap3A_400 = vector.shape_cast %swap3A_399 : vector<1x192x196xf32> to vector<192x196xf32>
    %swap3A_401 = vector.shape_cast %add3A_395 : vector<192x196xf32> to vector<1x192x196xf32>
    tpu.vector_store %arg6[%swap3A_396, %swap3A_397, %swap3A_398], %swap3A_401 {strides = array<i32>} : memref<16x192x196xf32, #tpu.memory_space<vmem>>, vector<1x192x196xf32>,
    %get3A_402 = arith.constant 10 : index
    %get3A_403 = arith.constant 0 : index
    %get3A_404 = arith.constant 0 : index
    %get3A_405 = vector.load %arg1[%get3A_402, %get3A_403, %get3A_404] : memref<16x3x208xf32, #tpu.memory_space<vmem>>, vector<1x3x196xf32>
    %get3A_406 = vector.shape_cast %get3A_405 : vector<1x3x196xf32> to vector<3x196xf32>
    %dot_general3A_407 = arith.constant dense<0.000000e+00> : vector<192x196xf32>
    %dot_general3A_408 = tpu.matmul %get3A_1, %get3A_406, %dot_general3A_407 {dimension_numbers = #tpu.dot_dimension_numbers<[1], [0], [0], [1], [0, 0, 1, 1], [], []>, transpose_lhs_hint = false} : vector<192x3xf32>, vector<3x196xf32>, vector<192x196xf32> -> vector<192x196xf32>
    %add3A_409 = vector.broadcast %get3A_4 : vector<192x1xf32> to vector<192x196xf32>
    %add3A_410 = arith.addf %dot_general3A_408, %add3A_409 : vector<192x196xf32>
    %reduce_sum3A_411 = arith.constant dense<0.000000e+00> : vector<196xf32>
    %reduce_sum3A_412 = vector.multi_reduction <add>, %add3A_410, %reduce_sum3A_411 [0] : vector<192x196xf32> to vector<196xf32>
    %broadcast_in_dim3A_413 = vector.shape_cast %reduce_sum3A_412 : vector<196xf32> to vector<1x196xf32>
    %div3A_414 = arith.constant 1.920000e+02 : f32
    %div3A_415 = vector.broadcast %div3A_414 : f32 to vector<1x196xf32>
    %div3A_416 = arith.divf %broadcast_in_dim3A_413, %div3A_415 : vector<1x196xf32>
    %sub3A_417 = vector.broadcast %div3A_416 : vector<1x196xf32> to vector<192x196xf32>
    %sub3A_418 = arith.subf %add3A_410, %sub3A_417 : vector<192x196xf32>
    %mul3A_419 = arith.mulf %sub3A_418, %sub3A_418 : vector<192x196xf32>
    %reduce_sum3A_420 = arith.constant dense<0.000000e+00> : vector<196xf32>
    %reduce_sum3A_421 = vector.multi_reduction <add>, %mul3A_419, %reduce_sum3A_420 [0] : vector<192x196xf32> to vector<196xf32>
    %broadcast_in_dim3A_422 = vector.shape_cast %reduce_sum3A_421 : vector<196xf32> to vector<1x196xf32>
    %div3A_423 = arith.constant 1.920000e+02 : f32
    %div3A_424 = vector.broadcast %div3A_423 : f32 to vector<1x196xf32>
    %div3A_425 = arith.divf %broadcast_in_dim3A_422, %div3A_424 : vector<1x196xf32>
    %add3A_426 = arith.constant 9.99999974E-6 : f32
    %add3A_427 = vector.broadcast %add3A_426 : f32 to vector<1x196xf32>
    %add3A_428 = arith.addf %div3A_425, %add3A_427 : vector<1x196xf32>
    %rsqrt3A_429 = math.rsqrt %add3A_428 : vector<1x196xf32>
    %mul3A_430 = vector.broadcast %rsqrt3A_429 : vector<1x196xf32> to vector<192x196xf32>
    %mul3A_431 = arith.mulf %sub3A_418, %mul3A_430 : vector<192x196xf32>
    %mul3A_432 = vector.broadcast %get3A_7 : vector<192x1xf32> to vector<192x196xf32>
    %mul3A_433 = arith.mulf %mul3A_431, %mul3A_432 : vector<192x196xf32>
    %add3A_434 = vector.broadcast %get3A_10 : vector<192x1xf32> to vector<192x196xf32>
    %add3A_435 = arith.addf %mul3A_433, %add3A_434 : vector<192x196xf32>
    %swap3A_436 = arith.constant 10 : index
    %swap3A_437 = arith.constant 0 : index
    %swap3A_438 = arith.constant 0 : index
    %swap3A_439 = vector.load %arg6[%swap3A_436, %swap3A_437, %swap3A_438] : memref<16x192x196xf32, #tpu.memory_space<vmem>>, vector<1x192x196xf32>
    %swap3A_440 = vector.shape_cast %swap3A_439 : vector<1x192x196xf32> to vector<192x196xf32>
    %swap3A_441 = vector.shape_cast %add3A_435 : vector<192x196xf32> to vector<1x192x196xf32>
    tpu.vector_store %arg6[%swap3A_436, %swap3A_437, %swap3A_438], %swap3A_441 {strides = array<i32>} : memref<16x192x196xf32, #tpu.memory_space<vmem>>, vector<1x192x196xf32>,
    %get3A_442 = arith.constant 11 : index
    %get3A_443 = arith.constant 0 : index
    %get3A_444 = arith.constant 0 : index
    %get3A_445 = vector.load %arg1[%get3A_442, %get3A_443, %get3A_444] : memref<16x3x208xf32, #tpu.memory_space<vmem>>, vector<1x3x196xf32>
    %get3A_446 = vector.shape_cast %get3A_445 : vector<1x3x196xf32> to vector<3x196xf32>
    %dot_general3A_447 = arith.constant dense<0.000000e+00> : vector<192x196xf32>
    %dot_general3A_448 = tpu.matmul %get3A_1, %get3A_446, %dot_general3A_447 {dimension_numbers = #tpu.dot_dimension_numbers<[1], [0], [0], [1], [0, 0, 1, 1], [], []>, transpose_lhs_hint = false} : vector<192x3xf32>, vector<3x196xf32>, vector<192x196xf32> -> vector<192x196xf32>
    %add3A_449 = vector.broadcast %get3A_4 : vector<192x1xf32> to vector<192x196xf32>
    %add3A_450 = arith.addf %dot_general3A_448, %add3A_449 : vector<192x196xf32>
    %reduce_sum3A_451 = arith.constant dense<0.000000e+00> : vector<196xf32>
    %reduce_sum3A_452 = vector.multi_reduction <add>, %add3A_450, %reduce_sum3A_451 [0] : vector<192x196xf32> to vector<196xf32>
    %broadcast_in_dim3A_453 = vector.shape_cast %reduce_sum3A_452 : vector<196xf32> to vector<1x196xf32>
    %div3A_454 = arith.constant 1.920000e+02 : f32
    %div3A_455 = vector.broadcast %div3A_454 : f32 to vector<1x196xf32>
    %div3A_456 = arith.divf %broadcast_in_dim3A_453, %div3A_455 : vector<1x196xf32>
    %sub3A_457 = vector.broadcast %div3A_456 : vector<1x196xf32> to vector<192x196xf32>
    %sub3A_458 = arith.subf %add3A_450, %sub3A_457 : vector<192x196xf32>
    %mul3A_459 = arith.mulf %sub3A_458, %sub3A_458 : vector<192x196xf32>
    %reduce_sum3A_460 = arith.constant dense<0.000000e+00> : vector<196xf32>
    %reduce_sum3A_461 = vector.multi_reduction <add>, %mul3A_459, %reduce_sum3A_460 [0] : vector<192x196xf32> to vector<196xf32>
    %broadcast_in_dim3A_462 = vector.shape_cast %reduce_sum3A_461 : vector<196xf32> to vector<1x196xf32>
    %div3A_463 = arith.constant 1.920000e+02 : f32
    %div3A_464 = vector.broadcast %div3A_463 : f32 to vector<1x196xf32>
    %div3A_465 = arith.divf %broadcast_in_dim3A_462, %div3A_464 : vector<1x196xf32>
    %add3A_466 = arith.constant 9.99999974E-6 : f32
    %add3A_467 = vector.broadcast %add3A_466 : f32 to vector<1x196xf32>
    %add3A_468 = arith.addf %div3A_465, %add3A_467 : vector<1x196xf32>
    %rsqrt3A_469 = math.rsqrt %add3A_468 : vector<1x196xf32>
    %mul3A_470 = vector.broadcast %rsqrt3A_469 : vector<1x196xf32> to vector<192x196xf32>
    %mul3A_471 = arith.mulf %sub3A_458, %mul3A_470 : vector<192x196xf32>
    %mul3A_472 = vector.broadcast %get3A_7 : vector<192x1xf32> to vector<192x196xf32>
    %mul3A_473 = arith.mulf %mul3A_471, %mul3A_472 : vector<192x196xf32>
    %add3A_474 = vector.broadcast %get3A_10 : vector<192x1xf32> to vector<192x196xf32>
    %add3A_475 = arith.addf %mul3A_473, %add3A_474 : vector<192x196xf32>
    %swap3A_476 = arith.constant 11 : index
    %swap3A_477 = arith.constant 0 : index
    %swap3A_478 = arith.constant 0 : index
    %swap3A_479 = vector.load %arg6[%swap3A_476, %swap3A_477, %swap3A_478] : memref<16x192x196xf32, #tpu.memory_space<vmem>>, vector<1x192x196xf32>
    %swap3A_480 = vector.shape_cast %swap3A_479 : vector<1x192x196xf32> to vector<192x196xf32>
    %swap3A_481 = vector.shape_cast %add3A_475 : vector<192x196xf32> to vector<1x192x196xf32>
    tpu.vector_store %arg6[%swap3A_476, %swap3A_477, %swap3A_478], %swap3A_481 {strides = array<i32>} : memref<16x192x196xf32, #tpu.memory_space<vmem>>, vector<1x192x196xf32>,
    %get3A_482 = arith.constant 12 : index
    %get3A_483 = arith.constant 0 : index
    %get3A_484 = arith.constant 0 : index
    %get3A_485 = vector.load %arg1[%get3A_482, %get3A_483, %get3A_484] : memref<16x3x208xf32, #tpu.memory_space<vmem>>, vector<1x3x196xf32>
    %get3A_486 = vector.shape_cast %get3A_485 : vector<1x3x196xf32> to vector<3x196xf32>
    %dot_general3A_487 = arith.constant dense<0.000000e+00> : vector<192x196xf32>
    %dot_general3A_488 = tpu.matmul %get3A_1, %get3A_486, %dot_general3A_487 {dimension_numbers = #tpu.dot_dimension_numbers<[1], [0], [0], [1], [0, 0, 1, 1], [], []>, transpose_lhs_hint = false} : vector<192x3xf32>, vector<3x196xf32>, vector<192x196xf32> -> vector<192x196xf32>
    %add3A_489 = vector.broadcast %get3A_4 : vector<192x1xf32> to vector<192x196xf32>
    %add3A_490 = arith.addf %dot_general3A_488, %add3A_489 : vector<192x196xf32>
    %reduce_sum3A_491 = arith.constant dense<0.000000e+00> : vector<196xf32>
    %reduce_sum3A_492 = vector.multi_reduction <add>, %add3A_490, %reduce_sum3A_491 [0] : vector<192x196xf32> to vector<196xf32>
    %broadcast_in_dim3A_493 = vector.shape_cast %reduce_sum3A_492 : vector<196xf32> to vector<1x196xf32>
    %div3A_494 = arith.constant 1.920000e+02 : f32
    %div3A_495 = vector.broadcast %div3A_494 : f32 to vector<1x196xf32>
    %div3A_496 = arith.divf %broadcast_in_dim3A_493, %div3A_495 : vector<1x196xf32>
    %sub3A_497 = vector.broadcast %div3A_496 : vector<1x196xf32> to vector<192x196xf32>
    %sub3A_498 = arith.subf %add3A_490, %sub3A_497 : vector<192x196xf32>
    %mul3A_499 = arith.mulf %sub3A_498, %sub3A_498 : vector<192x196xf32>
    %reduce_sum3A_500 = arith.constant dense<0.000000e+00> : vector<196xf32>
    %reduce_sum3A_501 = vector.multi_reduction <add>, %mul3A_499, %reduce_sum3A_500 [0] : vector<192x196xf32> to vector<196xf32>
    %broadcast_in_dim3A_502 = vector.shape_cast %reduce_sum3A_501 : vector<196xf32> to vector<1x196xf32>
    %div3A_503 = arith.constant 1.920000e+02 : f32
    %div3A_504 = vector.broadcast %div3A_503 : f32 to vector<1x196xf32>
    %div3A_505 = arith.divf %broadcast_in_dim3A_502, %div3A_504 : vector<1x196xf32>
    %add3A_506 = arith.constant 9.99999974E-6 : f32
    %add3A_507 = vector.broadcast %add3A_506 : f32 to vector<1x196xf32>
    %add3A_508 = arith.addf %div3A_505, %add3A_507 : vector<1x196xf32>
    %rsqrt3A_509 = math.rsqrt %add3A_508 : vector<1x196xf32>
    %mul3A_510 = vector.broadcast %rsqrt3A_509 : vector<1x196xf32> to vector<192x196xf32>
    %mul3A_511 = arith.mulf %sub3A_498, %mul3A_510 : vector<192x196xf32>
    %mul3A_512 = vector.broadcast %get3A_7 : vector<192x1xf32> to vector<192x196xf32>
    %mul3A_513 = arith.mulf %mul3A_511, %mul3A_512 : vector<192x196xf32>
    %add3A_514 = vector.broadcast %get3A_10 : vector<192x1xf32> to vector<192x196xf32>
    %add3A_515 = arith.addf %mul3A_513, %add3A_514 : vector<192x196xf32>
    %swap3A_516 = arith.constant 12 : index
    %swap3A_517 = arith.constant 0 : index
    %swap3A_518 = arith.constant 0 : index
    %swap3A_519 = vector.load %arg6[%swap3A_516, %swap3A_517, %swap3A_518] : memref<16x192x196xf32, #tpu.memory_space<vmem>>, vector<1x192x196xf32>
    %swap3A_520 = vector.shape_cast %swap3A_519 : vector<1x192x196xf32> to vector<192x196xf32>
    %swap3A_521 = vector.shape_cast %add3A_515 : vector<192x196xf32> to vector<1x192x196xf32>
    tpu.vector_store %arg6[%swap3A_516, %swap3A_517, %swap3A_518], %swap3A_521 {strides = array<i32>} : memref<16x192x196xf32, #tpu.memory_space<vmem>>, vector<1x192x196xf32>,
    %get3A_522 = arith.constant 13 : index
    %get3A_523 = arith.constant 0 : index
    %get3A_524 = arith.constant 0 : index
    %get3A_525 = vector.load %arg1[%get3A_522, %get3A_523, %get3A_524] : memref<16x3x208xf32, #tpu.memory_space<vmem>>, vector<1x3x196xf32>
    %get3A_526 = vector.shape_cast %get3A_525 : vector<1x3x196xf32> to vector<3x196xf32>
    %dot_general3A_527 = arith.constant dense<0.000000e+00> : vector<192x196xf32>
    %dot_general3A_528 = tpu.matmul %get3A_1, %get3A_526, %dot_general3A_527 {dimension_numbers = #tpu.dot_dimension_numbers<[1], [0], [0], [1], [0, 0, 1, 1], [], []>, transpose_lhs_hint = false} : vector<192x3xf32>, vector<3x196xf32>, vector<192x196xf32> -> vector<192x196xf32>
    %add3A_529 = vector.broadcast %get3A_4 : vector<192x1xf32> to vector<192x196xf32>
    %add3A_530 = arith.addf %dot_general3A_528, %add3A_529 : vector<192x196xf32>
    %reduce_sum3A_531 = arith.constant dense<0.000000e+00> : vector<196xf32>
    %reduce_sum3A_532 = vector.multi_reduction <add>, %add3A_530, %reduce_sum3A_531 [0] : vector<192x196xf32> to vector<196xf32>
    %broadcast_in_dim3A_533 = vector.shape_cast %reduce_sum3A_532 : vector<196xf32> to vector<1x196xf32>
    %div3A_534 = arith.constant 1.920000e+02 : f32
    %div3A_535 = vector.broadcast %div3A_534 : f32 to vector<1x196xf32>
    %div3A_536 = arith.divf %broadcast_in_dim3A_533, %div3A_535 : vector<1x196xf32>
    %sub3A_537 = vector.broadcast %div3A_536 : vector<1x196xf32> to vector<192x196xf32>
    %sub3A_538 = arith.subf %add3A_530, %sub3A_537 : vector<192x196xf32>
    %mul3A_539 = arith.mulf %sub3A_538, %sub3A_538 : vector<192x196xf32>
    %reduce_sum3A_540 = arith.constant dense<0.000000e+00> : vector<196xf32>
    %reduce_sum3A_541 = vector.multi_reduction <add>, %mul3A_539, %reduce_sum3A_540 [0] : vector<192x196xf32> to vector<196xf32>
    %broadcast_in_dim3A_542 = vector.shape_cast %reduce_sum3A_541 : vector<196xf32> to vector<1x196xf32>
    %div3A_543 = arith.constant 1.920000e+02 : f32
    %div3A_544 = vector.broadcast %div3A_543 : f32 to vector<1x196xf32>
    %div3A_545 = arith.divf %broadcast_in_dim3A_542, %div3A_544 : vector<1x196xf32>
    %add3A_546 = arith.constant 9.99999974E-6 : f32
    %add3A_547 = vector.broadcast %add3A_546 : f32 to vector<1x196xf32>
    %add3A_548 = arith.addf %div3A_545, %add3A_547 : vector<1x196xf32>
    %rsqrt3A_549 = math.rsqrt %add3A_548 : vector<1x196xf32>
    %mul3A_550 = vector.broadcast %rsqrt3A_549 : vector<1x196xf32> to vector<192x196xf32>
    %mul3A_551 = arith.mulf %sub3A_538, %mul3A_550 : vector<192x196xf32>
    %mul3A_552 = vector.broadcast %get3A_7 : vector<192x1xf32> to vector<192x196xf32>
    %mul3A_553 = arith.mulf %mul3A_551, %mul3A_552 : vector<192x196xf32>
    %add3A_554 = vector.broadcast %get3A_10 : vector<192x1xf32> to vector<192x196xf32>
    %add3A_555 = arith.addf %mul3A_553, %add3A_554 : vector<192x196xf32>
    %swap3A_556 = arith.constant 13 : index
    %swap3A_557 = arith.constant 0 : index
    %swap3A_558 = arith.constant 0 : index
    %swap3A_559 = vector.load %arg6[%swap3A_556, %swap3A_557, %swap3A_558] : memref<16x192x196xf32, #tpu.memory_space<vmem>>, vector<1x192x196xf32>
    %swap3A_560 = vector.shape_cast %swap3A_559 : vector<1x192x196xf32> to vector<192x196xf32>
    %swap3A_561 = vector.shape_cast %add3A_555 : vector<192x196xf32> to vector<1x192x196xf32>
    tpu.vector_store %arg6[%swap3A_556, %swap3A_557, %swap3A_558], %swap3A_561 {strides = array<i32>} : memref<16x192x196xf32, #tpu.memory_space<vmem>>, vector<1x192x196xf32>,
    %get3A_562 = arith.constant 14 : index
    %get3A_563 = arith.constant 0 : index
    %get3A_564 = arith.constant 0 : index
    %get3A_565 = vector.load %arg1[%get3A_562, %get3A_563, %get3A_564] : memref<16x3x208xf32, #tpu.memory_space<vmem>>, vector<1x3x196xf32>
    %get3A_566 = vector.shape_cast %get3A_565 : vector<1x3x196xf32> to vector<3x196xf32>
    %dot_general3A_567 = arith.constant dense<0.000000e+00> : vector<192x196xf32>
    %dot_general3A_568 = tpu.matmul %get3A_1, %get3A_566, %dot_general3A_567 {dimension_numbers = #tpu.dot_dimension_numbers<[1], [0], [0], [1], [0, 0, 1, 1], [], []>, transpose_lhs_hint = false} : vector<192x3xf32>, vector<3x196xf32>, vector<192x196xf32> -> vector<192x196xf32>
    %add3A_569 = vector.broadcast %get3A_4 : vector<192x1xf32> to vector<192x196xf32>
    %add3A_570 = arith.addf %dot_general3A_568, %add3A_569 : vector<192x196xf32>
    %reduce_sum3A_571 = arith.constant dense<0.000000e+00> : vector<196xf32>
    %reduce_sum3A_572 = vector.multi_reduction <add>, %add3A_570, %reduce_sum3A_571 [0] : vector<192x196xf32> to vector<196xf32>
    %broadcast_in_dim3A_573 = vector.shape_cast %reduce_sum3A_572 : vector<196xf32> to vector<1x196xf32>
    %div3A_574 = arith.constant 1.920000e+02 : f32
    %div3A_575 = vector.broadcast %div3A_574 : f32 to vector<1x196xf32>
    %div3A_576 = arith.divf %broadcast_in_dim3A_573, %div3A_575 : vector<1x196xf32>
    %sub3A_577 = vector.broadcast %div3A_576 : vector<1x196xf32> to vector<192x196xf32>
    %sub3A_578 = arith.subf %add3A_570, %sub3A_577 : vector<192x196xf32>
    %mul3A_579 = arith.mulf %sub3A_578, %sub3A_578 : vector<192x196xf32>
    %reduce_sum3A_580 = arith.constant dense<0.000000e+00> : vector<196xf32>
    %reduce_sum3A_581 = vector.multi_reduction <add>, %mul3A_579, %reduce_sum3A_580 [0] : vector<192x196xf32> to vector<196xf32>
    %broadcast_in_dim3A_582 = vector.shape_cast %reduce_sum3A_581 : vector<196xf32> to vector<1x196xf32>
    %div3A_583 = arith.constant 1.920000e+02 : f32
    %div3A_584 = vector.broadcast %div3A_583 : f32 to vector<1x196xf32>
    %div3A_585 = arith.divf %broadcast_in_dim3A_582, %div3A_584 : vector<1x196xf32>
    %add3A_586 = arith.constant 9.99999974E-6 : f32
    %add3A_587 = vector.broadcast %add3A_586 : f32 to vector<1x196xf32>
    %add3A_588 = arith.addf %div3A_585, %add3A_587 : vector<1x196xf32>
    %rsqrt3A_589 = math.rsqrt %add3A_588 : vector<1x196xf32>
    %mul3A_590 = vector.broadcast %rsqrt3A_589 : vector<1x196xf32> to vector<192x196xf32>
    %mul3A_591 = arith.mulf %sub3A_578, %mul3A_590 : vector<192x196xf32>
    %mul3A_592 = vector.broadcast %get3A_7 : vector<192x1xf32> to vector<192x196xf32>
    %mul3A_593 = arith.mulf %mul3A_591, %mul3A_592 : vector<192x196xf32>
    %add3A_594 = vector.broadcast %get3A_10 : vector<192x1xf32> to vector<192x196xf32>
    %add3A_595 = arith.addf %mul3A_593, %add3A_594 : vector<192x196xf32>
    %swap3A_596 = arith.constant 14 : index
    %swap3A_597 = arith.constant 0 : index
    %swap3A_598 = arith.constant 0 : index
    %swap3A_599 = vector.load %arg6[%swap3A_596, %swap3A_597, %swap3A_598] : memref<16x192x196xf32, #tpu.memory_space<vmem>>, vector<1x192x196xf32>
    %swap3A_600 = vector.shape_cast %swap3A_599 : vector<1x192x196xf32> to vector<192x196xf32>
    %swap3A_601 = vector.shape_cast %add3A_595 : vector<192x196xf32> to vector<1x192x196xf32>
    tpu.vector_store %arg6[%swap3A_596, %swap3A_597, %swap3A_598], %swap3A_601 {strides = array<i32>} : memref<16x192x196xf32, #tpu.memory_space<vmem>>, vector<1x192x196xf32>,
    %get3A_602 = arith.constant 15 : index
    %get3A_603 = arith.constant 0 : index
    %get3A_604 = arith.constant 0 : index
    %get3A_605 = vector.load %arg1[%get3A_602, %get3A_603, %get3A_604] : memref<16x3x208xf32, #tpu.memory_space<vmem>>, vector<1x3x196xf32>
    %get3A_606 = vector.shape_cast %get3A_605 : vector<1x3x196xf32> to vector<3x196xf32>
    %dot_general3A_607 = arith.constant dense<0.000000e+00> : vector<192x196xf32>
    %dot_general3A_608 = tpu.matmul %get3A_1, %get3A_606, %dot_general3A_607 {dimension_numbers = #tpu.dot_dimension_numbers<[1], [0], [0], [1], [0, 0, 1, 1], [], []>, transpose_lhs_hint = false} : vector<192x3xf32>, vector<3x196xf32>, vector<192x196xf32> -> vector<192x196xf32>
    %add3A_609 = vector.broadcast %get3A_4 : vector<192x1xf32> to vector<192x196xf32>
    %add3A_610 = arith.addf %dot_general3A_608, %add3A_609 : vector<192x196xf32>
    %reduce_sum3A_611 = arith.constant dense<0.000000e+00> : vector<196xf32>
    %reduce_sum3A_612 = vector.multi_reduction <add>, %add3A_610, %reduce_sum3A_611 [0] : vector<192x196xf32> to vector<196xf32>
    %broadcast_in_dim3A_613 = vector.shape_cast %reduce_sum3A_612 : vector<196xf32> to vector<1x196xf32>
    %div3A_614 = arith.constant 1.920000e+02 : f32
    %div3A_615 = vector.broadcast %div3A_614 : f32 to vector<1x196xf32>
    %div3A_616 = arith.divf %broadcast_in_dim3A_613, %div3A_615 : vector<1x196xf32>
    %sub3A_617 = vector.broadcast %div3A_616 : vector<1x196xf32> to vector<192x196xf32>
    %sub3A_618 = arith.subf %add3A_610, %sub3A_617 : vector<192x196xf32>
    %mul3A_619 = arith.mulf %sub3A_618, %sub3A_618 : vector<192x196xf32>
    %reduce_sum3A_620 = arith.constant dense<0.000000e+00> : vector<196xf32>
    %reduce_sum3A_621 = vector.multi_reduction <add>, %mul3A_619, %reduce_sum3A_620 [0] : vector<192x196xf32> to vector<196xf32>
    %broadcast_in_dim3A_622 = vector.shape_cast %reduce_sum3A_621 : vector<196xf32> to vector<1x196xf32>
    %div3A_623 = arith.constant 1.920000e+02 : f32
    %div3A_624 = vector.broadcast %div3A_623 : f32 to vector<1x196xf32>
    %div3A_625 = arith.divf %broadcast_in_dim3A_622, %div3A_624 : vector<1x196xf32>
    %add3A_626 = arith.constant 9.99999974E-6 : f32
    %add3A_627 = vector.broadcast %add3A_626 : f32 to vector<1x196xf32>
    %add3A_628 = arith.addf %div3A_625, %add3A_627 : vector<1x196xf32>
    %rsqrt3A_629 = math.rsqrt %add3A_628 : vector<1x196xf32>
    %mul3A_630 = vector.broadcast %rsqrt3A_629 : vector<1x196xf32> to vector<192x196xf32>
    %mul3A_631 = arith.mulf %sub3A_618, %mul3A_630 : vector<192x196xf32>
    %mul3A_632 = vector.broadcast %get3A_7 : vector<192x1xf32> to vector<192x196xf32>
    %mul3A_633 = arith.mulf %mul3A_631, %mul3A_632 : vector<192x196xf32>
    %add3A_634 = vector.broadcast %get3A_10 : vector<192x1xf32> to vector<192x196xf32>
    %add3A_635 = arith.addf %mul3A_633, %add3A_634 : vector<192x196xf32>
    %swap3A_636 = arith.constant 15 : index
    %swap3A_637 = arith.constant 0 : index
    %swap3A_638 = arith.constant 0 : index
    %swap3A_639 = vector.load %arg6[%swap3A_636, %swap3A_637, %swap3A_638] : memref<16x192x196xf32, #tpu.memory_space<vmem>>, vector<1x192x196xf32>
    %swap3A_640 = vector.shape_cast %swap3A_639 : vector<1x192x196xf32> to vector<192x196xf32>
    %swap3A_641 = vector.shape_cast %add3A_635 : vector<192x196xf32> to vector<1x192x196xf32>
    tpu.vector_store %arg6[%swap3A_636, %swap3A_637, %swap3A_638], %swap3A_641 {strides = array<i32>} : memref<16x192x196xf32, #tpu.memory_space<vmem>>, vector<1x192x196xf32>,
    return
  }
  func.func @transform_0(%arg0: i32) -> (i32, i32, i32) {
    %c0_i32 = arith.constant 0 : i32
    %c0_i32_0 = arith.constant 0 : i32
    %c0_i32_1 = arith.constant 0 : i32
    return %arg0, %c0_i32, %c0_i32_0 : i32, i32, i32
  }
  func.func @transform_1(%arg0: i32) -> (i32, i32) {
    %c0_i32 = arith.constant 0 : i32
    %c0_i32_0 = arith.constant 0 : i32
    %c0_i32_1 = arith.constant 0 : i32
    return %c0_i32, %c0_i32_0 : i32, i32
  }
  func.func @transform_2(%arg0: i32) -> (i32, i32) {
    %c0_i32 = arith.constant 0 : i32
    %c0_i32_0 = arith.constant 0 : i32
    %c0_i32_1 = arith.constant 0 : i32
    return %c0_i32, %c0_i32_0 : i32, i32
  }
  func.func @transform_3(%arg0: i32) -> (i32, i32) {
    %c0_i32 = arith.constant 0 : i32
    %c0_i32_0 = arith.constant 0 : i32
    %c0_i32_1 = arith.constant 0 : i32
    return %c0_i32, %c0_i32_0 : i32, i32
  }
  func.func @transform_4(%arg0: i32) -> (i32, i32) {
    %c0_i32 = arith.constant 0 : i32
    %c0_i32_0 = arith.constant 0 : i32
    %c0_i32_1 = arith.constant 0 : i32
    return %c0_i32, %c0_i32_0 : i32, i32
  }
  func.func @transform_5(%arg0: i32) -> (i32, i32, i32) {
    %c0_i32 = arith.constant 0 : i32
    %c0_i32_0 = arith.constant 0 : i32
    %c0_i32_1 = arith.constant 0 : i32
    return %arg0, %c0_i32, %c0_i32_0 : i32, i32, i32
  }
}

module attributes {stable_mosaic.version = 14 : i64} {
  func.func @_w3_body(%arg0: memref<192x768xf32, #tpu.memory_space<vmem>>, %arg1: memref<192x3xf32, #tpu.memory_space<vmem>>) attributes {dimension_semantics = [], scalar_prefetch = 0 : i64, scratch_operands = 0 : i64, tpu.core_type = #tpu.core_type<tc>} {
    %get3A = arith.constant 0 : index
    %get3A_0 = arith.constant 0 : index
    %get3A_1 = vector.load %arg0[%get3A, %get3A_0] : memref<192x768xf32, #tpu.memory_space<vmem>>, vector<192x768xf32>
    %iota3A = tpu.iota {dimensions = array<i32: 0>} : vector<768x3xi32>
    %jit3A = arith.constant 3 : i32
    %eq3A = arith.constant 0 : i32
    %eq3A_2 = arith.cmpi eq, %jit3A, %eq3A : i32
    %jit3A_3 = arith.constant 1 : i32
    %select_n3A = arith.select %eq3A_2, %jit3A_3, %jit3A : i32
    %rem3A = vector.broadcast %select_n3A : i32 to vector<768x3xi32>
    %rem3A_4 = arith.remsi %iota3A, %rem3A : vector<768x3xi32>
    %ne3A = arith.constant 0 : i32
    %ne3A_5 = vector.broadcast %ne3A : i32 to vector<768x3xi32>
    %ne3A_6 = arith.cmpi ne, %rem3A_4, %ne3A_5 : vector<768x3xi32>
    %lt3A = arith.constant 0 : i32
    %lt3A_7 = vector.broadcast %lt3A : i32 to vector<768x3xi32>
    %lt3A_8 = arith.cmpi slt, %rem3A_4, %lt3A_7 : vector<768x3xi32>
    %lt3A_9 = arith.constant 0 : i32
    %lt3A_10 = arith.cmpi slt, %select_n3A, %lt3A_9 : i32
    %ne3A_11 = vector.broadcast %lt3A_10 : i1 to vector<768x3xi1>
    %ne3A_12 = vector.broadcast %ne3A_11 : vector<768x3xi1> to vector<768x3xi1>
    %ne3A_13 = arith.xori %lt3A_8, %ne3A_12 : vector<768x3xi1>
    %and3A = arith.andi %ne3A_13, %ne3A_6 : vector<768x3xi1>
    %add3A = vector.broadcast %select_n3A : i32 to vector<768x3xi32>
    %add3A_14 = arith.addi %rem3A_4, %add3A : vector<768x3xi32>
    %select_n3A_15 = arith.select %and3A, %add3A_14, %rem3A_4 : vector<768x3xi1>, vector<768x3xi32>
    %iota3A_16 = tpu.iota {dimensions = array<i32: 1>} : vector<768x3xi32>
    %eq3A_17 = arith.cmpi eq, %select_n3A_15, %iota3A_16 : vector<768x3xi32>
    %convert_element_type3A = arith.extui %eq3A_17 : vector<768x3xi1> to vector<768x3xi32>
    %convert_element_type3A_18 = arith.sitofp %convert_element_type3A : vector<768x3xi32> to vector<768x3xf32>
    %dot_general3A = arith.constant dense<0.000000e+00> : vector<192x3xf32>
    %dot_general3A_19 = tpu.matmul %get3A_1, %convert_element_type3A_18, %dot_general3A {dimension_numbers = #tpu.dot_dimension_numbers<[1], [0], [0], [1], [0, 0, 1, 1], [], []>, transpose_lhs_hint = false} : vector<192x768xf32>, vector<768x3xf32>, vector<192x3xf32> -> vector<192x3xf32>
    %swap3A = arith.constant 0 : index
    %swap3A_20 = arith.constant 0 : index
    %swap3A_21 = vector.load %arg1[%swap3A, %swap3A_20] : memref<192x3xf32, #tpu.memory_space<vmem>>, vector<192x3xf32>
    tpu.vector_store %arg1[%swap3A, %swap3A_20], %dot_general3A_19 {strides = array<i32>} : memref<192x3xf32, #tpu.memory_space<vmem>>, vector<192x3xf32>,
    return
  }
}

</mosaic_0001>

<sc_bundles>
// kernel: kernel.6.cloned.1.call-start
scs
__scs_entry_jumppad:
0x0: {  	(pc) =	sbr.rel $0x88, $3  }
0x1: {  	(tag) =	ssettag $0x0;
	lr =	simm.s32 $0x1  }
0x2: {  	[smem:$0x3F97] =	sst lr;
	_ =	strace $0xD0000000  }
0x3: {  	_ = 	snop  }
0x4: {  	_ = 	snop  }
0x5: {  	_ = 	snop  }
0x6: {  	_ = 	snop  }
0x7: {  	_ = 	snop  }
__scs_overlays_trampoline_lowered:
0x8: {  	[smem:$0x3FA6] =	sst s0  }
0x9: {  	[smem:$0x3FA7] =	sst s1  }
0xa: {  	[smem:$0x3FA8] =	sst s2  }
0xb: {  	[smem:$0x3FA9] =	sst s3  }
0xc: {  	[smem:$0x3FAA] =	sst s4  }
0xd: {  	[smem:$0x3FAB] =	sst s5  }
0xe: {  	[smem:$0x3FAC] =	sst s6  }
0xf: {  	[smem:$0x3FAD] =	sst s7  }
0x10: {  	[smem:$0x3FAE] =	sst s8  }
0x11: {  	[smem:$0x3FAF] =	sst s9;
	s0 =	simm.s32 @!p0 $0x0  }
0x12: {  	s1 =	sld [smem:$0x3F95];
	s0 =	simm.s32 @p0 $0x1  }
0x13: {  	[smem:$0x3FB0] =	sst s0;
	s0 =	simm.s32 @!p1 $0x0  }
0x14: {  	s2 =	sld [smem:$0x3F94];
	s0 =	simm.s32 @p1 $0x1  }
0x15: {  	[smem:$0x3FB1] =	sst s0;
	s0 =	simm.s32 @!p2 $0x0  }
0x16: {  	s3 =	sld [smem:$0x3FDB];
	s0 =	simm.s32 @p2 $0x1  }
0x17: {  	s4 =	simm.s32 $0x1BF5;
	[smem:$0x3FB3] =	sst s0  }
0x18: {  	s0 =	sld [smem:$0x3F96];
	_ =	swait.ge [sflag:s4], $0x0  }
0x19: {  	s7 =	sld [smem:$0x3F97]  }
0x1a: {  	s8 =	sadd.s32 $0xFFFFE003, lr  }
0x1b: {  	s9 =	sadd.s32 $0xFFFFFEF7, lr;
	s5 =	simm.s32 $0xFFFFFFFF;
	p2 =	slt.u32 s8, $0xFFFFF086  }
0x1c: {  	p1 =	slt.u32 s9, $0xF7A;
	s5 =	simm.s32 @!p2 $0x0  }
0x1d: {  	s5 =	simm.s32 @p1 $0x1;
	p0 =	seq.s32 s7, s2  }
0x1e: {  	s7 =	smul.u32 @!p0 $0xF7A, s2;
	p2 =	seq.s32 @!p0 s5, $0x0  }
0x1f: {  	s9 =	smul.u32 $0xF7A, s1;
	s8 =	simm.s32 @!p0 $0x1BF5;
	p2 =	por !p2, p0  }
0x20: {  	[sflag:s8] =	ssyncset.s32 @!p0 $0xFFFFF086;
	s6 =	sadd.s32 @!p0 s3, s7;
	s7 =	simm.s32 @!p0 $0x108  }
0x21: {  	s3 =	sadd.s32 s3, s9;
	s6 =	sadd.s32 @!p0 $0x88, s6;
	s7 =	simm.s32 @p2 $0x1082  }
0x22: {  	[simem:s7], [sflag:s8] =	dma.local @!p0 [hbm:s6], $0xF7A  }
0x23: {  	s9 =	sor.u32 $0xD0000000, s2;
	s6 =	simm.s32 $0x108;
	_ =	swait.ge @!p0 [sflag:s8], $0x0  }
0x24: {  	s3 =	sadd.s32 $0x88, s3;
	s6 =	simm.s32 @!p1 $0x1082;
	[sflag:s4] =	ssyncset.s32 $0xFFFFF086  }
0x25: {  	[simem:s6], [sflag:s4] =	dma.local [hbm:s3], $0xF7A  }
0x26: {  	[smem:$0x3F97] =	sst s1;
	(tag) =	ssettag s2;
	_ =	strace s9  }
0x27: {  	s1 =	sld [smem:$0x3FA7]  }
0x28: {  	s2 =	sld [smem:$0x3FA8]  }
0x29: {  	s4 =	sld [smem:$0x3FAA]  }
0x2a: {  	p0 =	seq.s32 s5, $0x0;
	s5 =	sld [smem:$0x3FAB]  }
0x2b: {  	s6 =	sld [smem:$0x3FAC]  }
0x2c: {  	s7 =	sld [smem:$0x3FAD]  }
0x2d: {  	s3 =	simm.s32 $0x108;
	s8 =	sld [smem:$0x3FAE]  }
0x2e: {  	s3 =	simm.s32 @!p0 $0x1082;
	s9 =	sld [smem:$0x3FAF]  }
0x2f: {  	lr =	sadd.s32 s0, s3;
	s0 =	sld [smem:$0x3FA6]  }
0x30: {  	s3 =	sld [smem:$0x3FA9]  }
0x31: {  	[smem:$0x3FB2] =	sst s10  }
0x32: {  	s10 =	sld [smem:$0x3FB0];
	_ =	sdelay $0x3  }
0x33: {  	p0 =	seq.s32 s10, $0x1;
	s10 =	sld [smem:$0x3FB2];
	_ =	sdelay $0x3  }
0x34: {  	[smem:$0x3FB2] =	sst s10  }
0x35: {  	s10 =	sld [smem:$0x3FB1];
	_ =	sdelay $0x3  }
0x36: {  	p1 =	seq.s32 s10, $0x1;
	s10 =	sld [smem:$0x3FB2];
	_ =	sdelay $0x3  }
0x37: {  	[smem:$0x3FB2] =	sst s10  }
0x38: {  	s10 =	sld [smem:$0x3FB3]  }
0x39: {  	_ = 	snop;
	(pc) =	sbr.ind lr, $3  }
0x3a: {  	_ = 	snop  }
0x3b: {  	_ = 	snop  }
0x3c: {  	p2 =	seq.s32 s10, $0x1;
	s10 =	sld [smem:$0x3FB2]  }
0x3d: {  	_ =	shalt  }
0x3e: {  	_ =	shalt  }
0x3f: {  	_ =	shalt  }
0x40: {  	_ =	shalt  }
0x41: {  	_ =	shalt  }
0x42: {  	_ =	shalt  }
0x43: {  	_ =	shalt  }
0x44: {  	_ =	shalt  }
0x45: {  	_ =	shalt  }
0x46: {  	_ =	shalt  }
0x47: {  	_ =	shalt  }
0x48: {  	_ =	shalt  }
0x49: {  	_ =	shalt  }
0x4a: {  	_ =	shalt  }
0x4b: {  	_ =	shalt  }
0x4c: {  	_ =	shalt  }
0x4d: {  	_ =	shalt  }
0x4e: {  	_ =	shalt  }
0x4f: {  	_ =	shalt  }
0x50: {  	_ =	shalt  }
0x51: {  	_ =	shalt  }
0x52: {  	_ =	shalt  }
0x53: {  	_ =	shalt  }
0x54: {  	_ =	shalt  }
0x55: {  	_ =	shalt  }
0x56: {  	_ =	shalt  }
0x57: {  	_ =	shalt  }
0x58: {  	_ =	shalt  }
0x59: {  	_ =	shalt  }
0x5a: {  	_ =	shalt  }
0x5b: {  	_ =	shalt  }
0x5c: {  	_ =	shalt  }
0x5d: {  	_ =	shalt  }
0x5e: {  	_ =	shalt  }
0x5f: {  	_ =	shalt  }
0x60: {  	_ =	shalt  }
0x61: {  	_ =	shalt  }
0x62: {  	_ =	shalt  }
0x63: {  	_ =	shalt  }
0x64: {  	_ =	shalt  }
0x65: {  	_ =	shalt  }
0x66: {  	_ =	shalt  }
0x67: {  	_ =	shalt  }
0x68: {  	_ =	shalt  }
0x69: {  	_ =	shalt  }
0x6a: {  	_ =	shalt  }
0x6b: {  	_ =	shalt  }
0x6c: {  	_ =	shalt  }
0x6d: {  	_ =	shalt  }
0x6e: {  	_ =	shalt  }
0x6f: {  	_ =	shalt  }
0x70: {  	_ =	shalt  }
0x71: {  	_ =	shalt  }
0x72: {  	_ =	shalt  }
0x73: {  	_ =	shalt  }
0x74: {  	_ =	shalt  }
0x75: {  	_ =	shalt  }
0x76: {  	_ =	shalt  }
0x77: {  	_ =	shalt  }
0x78: {  	_ =	shalt  }
0x79: {  	_ =	shalt  }
0x7a: {  	_ =	shalt  }
0x7b: {  	_ =	shalt  }
0x7c: {  	_ =	shalt  }
0x7d: {  	_ =	shalt  }
0x7e: {  	_ =	shalt  }
0x7f: {  	_ =	shalt  }
0x80: {  	_ =	shalt  }
0x81: {  	_ =	shalt  }
0x82: {  	_ =	shalt  }
0x83: {  	_ =	shalt  }
0x84: {  	_ =	shalt  }
0x85: {  	_ =	shalt  }
0x86: {  	_ =	shalt  }
0x87: {  	_ =	shalt  }
.Lfunc_end0:
.L_simem_size_0:
called_computation_lowered:
.L_overlay_start_0:
0x88: {  	s2 =	sld [smem:$0x3FD9]  }
0x89: {  	s3 =	sld [smem:$0x3FFE];
	_ =	sdelay $0x1  }
0x8a: {  	s1 =	srdreg.scid  }
0x8b: {  	s0 =	sand.u32 $0x1, s1  }
0x8c: {  	s17 =	sshll.u32 s0, $0xA;
	s2 =	sadd.s32 s3, s2  }
0x8d: {  	s2 =	sadd.s32 s2, s17  }
0x8e: {  	[smem:$0x3FBE] =	sst s2  }
0x8f: {  	_ = 	snop  }
0x90: {  	s2 =	sld [smem:$0x3FD0];
	(tm) =	ssettm $0x1  }
0x91: {  	s18 =	sld [smem:$0x3FFB];
	_ =	sdelay $0x3  }
0x92: {  	_ =	strace s18  }
0x93: {  	s3 =	sld [smem:$0x3FFC];
	_ =	sdelay $0x3  }
0x94: {  	_ =	strace s3  }
0x95: {  	s3 =	sld [smem:$0x3FFD];
	_ =	sdelay $0x3  }
0x96: {  	_ =	strace s3  }
0x97: {  	_ =	strace $0x8FFFFFFF  }
0x98: {  	s19 =	sld [smem:$0x3FDB];
	_ =	sdelay $0x1  }
0x99: {  	s4 =	simm.s32 $_scs_section_size  }
0x9a: {  	s5 =	simm.s32 $_size__tile_overlayer_lowered;
	s6 =	simm.s32 $_tile_overlayer_lowered  }
0x9b: {  	s22 =	simm.s32 $0x1BFF;
	s21 =	sshll.u32 s6, $0x1;
	s3 =	sadd.s32 s4, s19  }
0x9c: {  	s7 =	simm.s32 $0x0;
	s20 =	sshll.u32 s5, $0x1;
	s5 =	sadd.s32 s21, s3  }
0x9d: {  	[timem:s7], [sflag:s22] =	dma.local [hbm:s5], s20  }
0x9e: {  	_ =	swait.ge [sflag:s22], s20  }
0x9f: {  	s4 =	ssub.s32 $0x0, s20;
	[sflag:s22] =	ssyncset.done $0x0  }
0xa0: {  	[sflag:s22] =	ssyncadd.s32 s4;
	_ =	sdelay $0x1  }
0xa1: {  	s23 =	simm.s32 $0x1B8B  }
0xa2: {  	_ =	swait.ge [sflag:s23], $0x1  }
0xa3: {  	[sflag:s23] =	ssyncset.done $0x0  }
0xa4: {  	s25 =	simm.s32 $0x1B8E;
	s24 =	sld [smem:$0x3FFE];
	[sflag:s23] =	ssyncadd.s32 $0xFFFFFFFF  }
0xa5: {  	s26 =	simm.s32 $execute0_lowered;
	[smem:$0x3FD2] =	sst s25  }
0xa6: {  	s5 =	sshll.u32 s26, $0x1;
	_ =	strace $0x80000046;
	[dreg:$0x1] =	wrdreg $0xFFFFFFFF  }
0xa7: {  	s28 =	simm.s32 $_size_execute0_lowered;
	s3 =	sadd.s32 s3, s5;
	[dreg:$0x0] =	wrdreg $0x0  }
0xa8: {  	s5 =	sshll.u32 s28, $0x1;
	[dreg:$0x2] =	wrdreg s3  }
0xa9: {  	[dreg:$0x3] =	wrdreg s5  }
0xaa: {  	[dreg:$0x4] =	wrdreg $0xC0  }
0xab: {  	_ =	task [dreg:s7], $0x5FFFF  }
0xac: {  	[dreg:$0x1] =	wrdreg $0xFFFFFFFF  }
0xad: {  	[dreg:$0x0] =	wrdreg $0x60  }
0xae: {  	[dreg:$0x2] =	wrdreg s24  }
0xaf: {  	[dreg:$0x3] =	wrdreg s2  }
0xb0: {  	[dreg:$0x4] =	wrdreg $0x9  }
0xb1: {  	_ =	task.clear_ibuf [dreg:s7], $0x5FFFF;
	_ =	strace $0x90000046  }
0xb2: {  	s29 =	simm.s32 $0x9;
	_ =	strace $0x80000048  }
0xb3: {  	_ =	swait.ge [sflag:s29], $0x1  }
0xb4: {  	[sflag:s29] =	ssyncadd.s32 $0xFFFFFFFF  }
0xb5: {  	_ =	strace $0x90000048  }
0xb6: {  	_ =	sfence  }
0xb7: {  	s30 =	sld [smem:$0x0];
	_ =	sdelay $0x2  }
0xb8: {  	s31 =	sshll.u32 s1, $0xD;
	s1 =	sshrl.u32 s1, $0x2  }
0xb9: {  	s3 =	sand.u32 $0x4000, s31;
	s1 =	sadd.s32 s1, s30  }
0xba: {  	s0 =	sor.u32 s3, s0;
	s1 =	sshll.u32 s1, $0x11  }
0xbb: {  	s0 =	sor.u32 s1, s0  }
0xbc: {  	s0 =	sadd.s32 $0x8F2B, s0  }
0xbd: {  	[sflag:s0] =	ssyncadd.remote.s32 $0x1  }
0xbe: {  	_ =	sfence.sel $0xFFFF  }
0xbf: {  	[dreg:$0x0] =	wrdreg $0xFFFFFFFF;
	(pc) =	sbr.abs _section_cstart, $3  }
0xc0: {  	[dreg:$0x1] =	wrdreg $0xFFFFFFFF  }
0xc1: {  	_ =	task.clear_ibuf [dreg:s7], $0x2FFFF;
	_ =	strace $0x9FFFFFFF  }
0xc2: {  	(tm) =	ssettm $0x7FFFFFFF  }
0xc3: {  	_ =	shalt  }
tec
execute0_lowered:
.L_overlay_start_1:
0x0: {  	(tag) =	ssettag $0x1  }
0x1: {  	s3 =	rddreg [dreg:$0x0]  }
0x2: {  	s4 =	rddreg [dreg:$0x1]  }
0x3: {  	s0 =	rddreg [dreg:$0x2]  }
0x4: {  	s2 =	simm.s32 $0x0;
	s5 =	srdreg.scid;
	s1 =	stileid.u32  }
0x5: {  	s14 =	simm.s32 $0x400;
	s15 =	simm.s32 $0xCC00;
	[smem:$0x7FF] =	sst s2  }
0x6: {  	s5 =	sand.u32 $0x1, s5;
	s6 =	sshll.u32 s1, $0x1;
	s10 =	sadd.s32 $0x127C00, s3  }
0x7: {  	_ =	strace $0x80000047;
	s6 =	sor.u32 s5, s6;
	s5 =	ssub.s32 $0x2, s5  }
0x8: {  	s7 =	sshll.u32 s6, $0x7;
	s8 =	sshrl.u32 s5, $0x1;
	s9 =	smul.u32 $0x3, s6  }
0x9: {  	s6 =	smul.u32 $0x180, s6;
	s11 =	sadd.s32 s7, s3;
	s12 =	ssub.s32 s5, s8  }
0xa: {  	s3 =	sadd.s32 s4, s7;
	s26 =	sshrl.u32 s9, $0x3;
	s4 =	sadd.s32 $0x1C00, s11  }
0xb: {  	s28 =	sadd.s32 $0x1, s9;
	s6 =	sand.u32 $0x380, s6;
	s9 =	sadd.s32 $0x2, s9  }
0xc: {  	s5 =	smul.u32 $0x62000, s26;
	s29 =	sshrl.u32 s28, $0x3;
	s7 =	sshll.u32 s28, $0x7  }
0xd: {  	s13 =	sshrl.u32 s9, $0x3;
	s9 =	sshll.u32 s9, $0x7;
	s8 =	smul.u32 $0x62000, s29  }
0xe: {  	s7 =	sand.u32 $0x380, s7;
	s13 =	smul.u32 $0x62000, s13;
	s31 =	sand.u32 $0x380, s9  }
0xf: {  	s9 =	smax.u32 s12, $0x1;
	s12 =	simm.s32 $0xC800;
	s5 =	sor.u32 s6, s5  }
0x10: {  	s30 =	sor.u32 s7, s8;
	s5 =	sshrl.u32 s5, $0x3;
	s7 =	sor.u32 s31, s13  }
0x11: {  	s8 =	sadd.s32 $0x2C00, s11;
	s11 =	simm.s32 $0x1;
	s13 =	simm.s32 $0x80  }
0x12: {  	s6 =	sshrl.u32 s30, $0x3;
	s5 =	sadd.s32 s10, s5;
	s7 =	sshrl.u32 s7, $0x3  }
0x13: {  	s6 =	sadd.s32 s10, s6;
	s7 =	sadd.s32 s10, s7;
	s10 =	simm.s32 $0xC400  }
.LBB2_1:
0x14: {  	[tilespmem:s10], [sflag:$0x1] =	stream.linear.gather [hbm4b:s3+s2], $0x400, $0x38;
	[tilespmem:$0xD000] =	vst v63  }
0x15: {  	_ =	swait.ge [sflag:s11], $0x400  }
0x16: {  	[sflag:s11] =	ssyncset.done $0x0  }
0x17: {  	[sflag:s11] =	ssyncadd.s32 $0xFFFFFC00  }
0x18: {  	[tilespmem:s12], [sflag:$0x1] =	stream.linear.gather [hbm4b:s4+s2], $0x400, $0x38;
	[tilespmem:$0xD000] =	vst v63  }
0x19: {  	_ =	swait.ge [sflag:s11], $0x400  }
0x1a: {  	[sflag:s11] =	ssyncset.done $0x0  }
0x1b: {  	[sflag:s11] =	ssyncadd.s32 $0xFFFFFC00  }
0x1c: {  	[tilespmem:s2], [sflag:$0x1] =	stream.strided.gather [hbm4b:s5+s13], $0xC400, s14, s13, $0x38;
	[tilespmem:$0xD000] =	vst v63  }
0x1d: {  	_ =	swait.ge [sflag:s11], $0xC400  }
0x1e: {  	[sflag:s11] =	ssyncset.done $0x0  }
0x1f: {  	[sflag:s11] =	ssyncadd.s32 $0xFFFF3C00  }
0x20: {  	v0 =	vld [tilespmem:$0xC400]  }
0x21: {  	v1 =	vld [tilespmem:$0xC480];
	_ =	sdelay $0x1  }
0x22: {  	v2 =	vld [tilespmem:$0xC500];
	_ =	sdelay $0x1  }
0x23: {  	v3 =	vld [tilespmem:$0xC580]  }
0x24: {  	v4 =	vld [tilespmem:$0xC800]  }
0x25: {  	v5 =	vld [tilespmem:$0xC880]  }
0x26: {  	v0 =	vld.idx.msk [tilespmem:v0+s2+$0x0], $0xffff  }
0x27: {  	v1 =	vld.idx.msk [tilespmem:v1+s2+$0x0], $0xffff  }
0x28: {  	v6 =	vld [tilespmem:$0xC900]  }
0x29: {  	v2 =	vld.idx.msk [tilespmem:v2+s2+$0x0], $0xffff  }
0x2a: {  	v7 =	vld [tilespmem:$0xC980]  }
0x2b: {  	v3 =	vld.idx.msk [tilespmem:v3+s2+$0x0], $0xffff  }
0x2c: {  	v0 =	vmul.f32 v4, v0;
	v1 =	vmul.f32 v5, v1  }
0x2d: {  	v24 =	vld [tilespmem:$0xC410]  }
0x2e: {  	v25 =	vmul.f32 v6, v2;
	v0 =	vadd.f32 v1, v0;
	_ =	sdelay $0x1  }
0x2f: {  	v26 =	vmul.f32 v7, v3;
	v0 =	vadd.f32 v25, v0;
	_ =	sdelay $0x1  }
0x30: {  	v0 =	vadd.f32 v26, v0;
	_ =	sdelay $0x1  }
0x31: {  	v27 =	vld [tilespmem:$0xC810];
	[tilespmem:$0xCC00] =	vst v0  }
0x32: {  	v0 =	vld.idx.msk [tilespmem:v24+s2+$0x0], $0xffff  }
0x33: {  	v28 =	vld [tilespmem:$0xC490];
	_ =	sdelay $0x1  }
0x34: {  	v29 =	vld [tilespmem:$0xC510];
	_ =	sdelay $0x1  }
0x35: {  	v30 =	vld [tilespmem:$0xC590];
	_ =	sdelay $0x2  }
0x36: {  	v31 =	vld [tilespmem:$0xC890]  }
0x37: {  	v2 =	vld.idx.msk [tilespmem:v28+s2+$0x0], $0xffff  }
0x38: {  	v32 =	vld [tilespmem:$0xC910]  }
0x39: {  	v3 =	vld.idx.msk [tilespmem:v29+s2+$0x0], $0xffff  }
0x3a: {  	v33 =	vld [tilespmem:$0xC990]  }
0x3b: {  	v4 =	vld.idx.msk [tilespmem:v30+s2+$0x0], $0xffff  }
0x3c: {  	v0 =	vmul.f32 v27, v0;
	v34 =	vmul.f32 v31, v2  }
0x3d: {  	v35 =	vld [tilespmem:$0xC420]  }
0x3e: {  	v37 =	vld [tilespmem:$0xC4A0];
	v36 =	vmul.f32 v32, v3;
	v0 =	vadd.f32 v34, v0;
	_ =	sdelay $0x1  }
0x3f: {  	v39 =	vld [tilespmem:$0xC520];
	v38 =	vmul.f32 v33, v4;
	v0 =	vadd.f32 v36, v0;
	_ =	sdelay $0x1  }
0x40: {  	v40 =	vld [tilespmem:$0xC5A0];
	v0 =	vadd.f32 v38, v0  }
0x41: {  	v41 =	vld [tilespmem:$0xC820]  }
0x42: {  	v42 =	vld [tilespmem:$0xC8A0];
	[tilespmem:$0xCC10] =	vst v0  }
0x43: {  	v0 =	vld.idx.msk [tilespmem:v35+s2+$0x0], $0xffff  }
0x44: {  	v3 =	vld.idx.msk [tilespmem:v37+s2+$0x0], $0xffff  }
0x45: {  	v43 =	vld [tilespmem:$0xC920]  }
0x46: {  	v4 =	vld.idx.msk [tilespmem:v39+s2+$0x0], $0xffff  }
0x47: {  	v44 =	vld [tilespmem:$0xC9A0]  }
0x48: {  	v1 =	vld.idx.msk [tilespmem:v40+s2+$0x0], $0xffff  }
0x49: {  	v0 =	vmul.f32 v41, v0;
	v45 =	vmul.f32 v42, v3  }
0x4a: {  	v46 =	vld [tilespmem:$0xC430]  }
0x4b: {  	v48 =	vld [tilespmem:$0xC4B0];
	v47 =	vmul.f32 v43, v4;
	v0 =	vadd.f32 v45, v0;
	_ =	sdelay $0x1  }
0x4c: {  	v49 =	vld [tilespmem:$0xC530];
	v1 =	vmul.f32 v44, v1;
	v0 =	vadd.f32 v47, v0;
	_ =	sdelay $0x1  }
0x4d: {  	v50 =	vld [tilespmem:$0xC5B0];
	v0 =	vadd.f32 v1, v0  }
0x4e: {  	v51 =	vld [tilespmem:$0xC830]  }
0x4f: {  	v52 =	vld [tilespmem:$0xC8B0];
	[tilespmem:$0xCC20] =	vst v0  }
0x50: {  	v0 =	vld.idx.msk [tilespmem:v46+s2+$0x0], $0xffff  }
0x51: {  	v4 =	vld.idx.msk [tilespmem:v48+s2+$0x0], $0xffff  }
0x52: {  	v53 =	vld [tilespmem:$0xC930]  }
0x53: {  	v2 =	vld.idx.msk [tilespmem:v49+s2+$0x0], $0xffff  }
0x54: {  	v54 =	vld [tilespmem:$0xC9B0]  }
0x55: {  	v1 =	vld.idx.msk [tilespmem:v50+s2+$0x0], $0xffff  }
0x56: {  	v0 =	vmul.f32 v51, v0;
	v55 =	vmul.f32 v52, v4  }
0x57: {  	v56 =	vld [tilespmem:$0xC440]  }
0x58: {  	v57 =	vld [tilespmem:$0xC4C0];
	v2 =	vmul.f32 v53, v2;
	v0 =	vadd.f32 v55, v0;
	_ =	sdelay $0x1  }
0x59: {  	v58 =	vld [tilespmem:$0xC540];
	v1 =	vmul.f32 v54, v1;
	v0 =	vadd.f32 v2, v0;
	_ =	sdelay $0x1  }
0x5a: {  	v59 =	vld [tilespmem:$0xC5C0];
	v0 =	vadd.f32 v1, v0  }
0x5b: {  	v60 =	vld [tilespmem:$0xC840]  }
0x5c: {  	v61 =	vld [tilespmem:$0xC8C0];
	[tilespmem:$0xCC30] =	vst v0  }
0x5d: {  	v0 =	vld.idx.msk [tilespmem:v56+s2+$0x0], $0xffff  }
0x5e: {  	v3 =	vld.idx.msk [tilespmem:v57+s2+$0x0], $0xffff  }
0x5f: {  	v62 =	vld [tilespmem:$0xC940]  }
0x60: {  	v2 =	vld.idx.msk [tilespmem:v58+s2+$0x0], $0xffff  }
0x61: {  	v63 =	vld [tilespmem:$0xC9C0]  }
0x62: {  	v1 =	vld.idx.msk [tilespmem:v59+s2+$0x0], $0xffff  }
0x63: {  	v0 =	vmul.f32 v60, v0;
	v3 =	vmul.f32 v61, v3  }
0x64: {  	v8 =	vld [tilespmem:$0xC450]  }
0x65: {  	v9 =	vld [tilespmem:$0xC4D0];
	v2 =	vmul.f32 v62, v2;
	v0 =	vadd.f32 v3, v0;
	_ =	sdelay $0x1  }
0x66: {  	v10 =	vld [tilespmem:$0xC550];
	v1 =	vmul.f32 v63, v1;
	v0 =	vadd.f32 v2, v0;
	_ =	sdelay $0x1  }
0x67: {  	v11 =	vld [tilespmem:$0xC5D0];
	v0 =	vadd.f32 v1, v0  }
0x68: {  	v12 =	vld [tilespmem:$0xC850]  }
0x69: {  	v13 =	vld [tilespmem:$0xC8D0];
	[tilespmem:$0xCC40] =	vst v0  }
0x6a: {  	v0 =	vld.idx.msk [tilespmem:v8+s2+$0x0], $0xffff  }
0x6b: {  	v3 =	vld.idx.msk [tilespmem:v9+s2+$0x0], $0xffff  }
0x6c: {  	v14 =	vld [tilespmem:$0xC950]  }
0x6d: {  	v2 =	vld.idx.msk [tilespmem:v10+s2+$0x0], $0xffff  }
0x6e: {  	v15 =	vld [tilespmem:$0xC9D0]  }
0x6f: {  	v1 =	vld.idx.msk [tilespmem:v11+s2+$0x0], $0xffff  }
0x70: {  	v0 =	vmul.f32 v12, v0;
	v3 =	vmul.f32 v13, v3  }
0x71: {  	v16 =	vld [tilespmem:$0xC460]  }
0x72: {  	v17 =	vld [tilespmem:$0xC4E0];
	v2 =	vmul.f32 v14, v2;
	v0 =	vadd.f32 v3, v0;
	_ =	sdelay $0x1  }
0x73: {  	v18 =	vld [tilespmem:$0xC560];
	v1 =	vmul.f32 v15, v1;
	v0 =	vadd.f32 v2, v0;
	_ =	sdelay $0x1  }
0x74: {  	v19 =	vld [tilespmem:$0xC5E0];
	v0 =	vadd.f32 v1, v0  }
0x75: {  	v20 =	vld [tilespmem:$0xC860]  }
0x76: {  	v21 =	vld [tilespmem:$0xC8E0];
	[tilespmem:$0xCC50] =	vst v0  }
0x77: {  	v0 =	vld.idx.msk [tilespmem:v16+s2+$0x0], $0xffff  }
0x78: {  	v3 =	vld.idx.msk [tilespmem:v17+s2+$0x0], $0xffff  }
0x79: {  	v22 =	vld [tilespmem:$0xC960]  }
0x7a: {  	v2 =	vld.idx.msk [tilespmem:v18+s2+$0x0], $0xffff  }
0x7b: {  	v23 =	vld [tilespmem:$0xC9E0]  }
0x7c: {  	v1 =	vld.idx.msk [tilespmem:v19+s2+$0x0], $0xffff  }
0x7d: {  	v0 =	vmul.f32 v20, v0;
	v3 =	vmul.f32 v21, v3  }
0x7e: {  	v24 =	vld [tilespmem:$0xC470]  }
0x7f: {  	v25 =	vld [tilespmem:$0xC4F0];
	v2 =	vmul.f32 v22, v2;
	v0 =	vadd.f32 v3, v0;
	_ =	sdelay $0x1  }
0x80: {  	v26 =	vld [tilespmem:$0xC570];
	v1 =	vmul.f32 v23, v1;
	v0 =	vadd.f32 v2, v0;
	_ =	sdelay $0x1  }
0x81: {  	v27 =	vld [tilespmem:$0xC5F0];
	v0 =	vadd.f32 v1, v0  }
0x82: {  	v28 =	vld [tilespmem:$0xC870]  }
0x83: {  	v29 =	vld [tilespmem:$0xC8F0];
	[tilespmem:$0xCC60] =	vst v0  }
0x84: {  	v0 =	vld.idx.msk [tilespmem:v24+s2+$0x0], $0xffff  }
0x85: {  	v3 =	vld.idx.msk [tilespmem:v25+s2+$0x0], $0xffff  }
0x86: {  	v30 =	vld [tilespmem:$0xC970]  }
0x87: {  	v2 =	vld.idx.msk [tilespmem:v26+s2+$0x0], $0xffff  }
0x88: {  	v31 =	vld [tilespmem:$0xC9F0]  }
0x89: {  	v1 =	vld.idx.msk [tilespmem:v27+s2+$0x0], $0xffff  }
0x8a: {  	v0 =	vmul.f32 v28, v0;
	v3 =	vmul.f32 v29, v3  }
0x8b: {  	v32 =	vld [tilespmem:$0xC600]  }
0x8c: {  	v33 =	vld [tilespmem:$0xC680];
	v2 =	vmul.f32 v30, v2;
	v0 =	vadd.f32 v3, v0;
	_ =	sdelay $0x1  }
0x8d: {  	v34 =	vld [tilespmem:$0xC700];
	v1 =	vmul.f32 v31, v1;
	v0 =	vadd.f32 v2, v0;
	_ =	sdelay $0x1  }
0x8e: {  	v35 =	vld [tilespmem:$0xC780];
	v0 =	vadd.f32 v1, v0  }
0x8f: {  	v36 =	vld [tilespmem:$0xCA00]  }
0x90: {  	v37 =	vld [tilespmem:$0xCA80];
	[tilespmem:$0xCC70] =	vst v0  }
0x91: {  	v0 =	vld.idx.msk [tilespmem:v32+s2+$0x0], $0xffff  }
0x92: {  	v3 =	vld.idx.msk [tilespmem:v33+s2+$0x0], $0xffff  }
0x93: {  	v38 =	vld [tilespmem:$0xCB00]  }
0x94: {  	v2 =	vld.idx.msk [tilespmem:v34+s2+$0x0], $0xffff  }
0x95: {  	v39 =	vld [tilespmem:$0xCB80]  }
0x96: {  	v1 =	vld.idx.msk [tilespmem:v35+s2+$0x0], $0xffff  }
0x97: {  	v0 =	vmul.f32 v36, v0;
	v3 =	vmul.f32 v37, v3  }
0x98: {  	v40 =	vld [tilespmem:$0xC610]  }
0x99: {  	v41 =	vld [tilespmem:$0xC690];
	v2 =	vmul.f32 v38, v2;
	v0 =	vadd.f32 v3, v0;
	_ =	sdelay $0x1  }
0x9a: {  	v42 =	vld [tilespmem:$0xC710];
	v1 =	vmul.f32 v39, v1;
	v0 =	vadd.f32 v2, v0;
	_ =	sdelay $0x1  }
0x9b: {  	v43 =	vld [tilespmem:$0xC790];
	v0 =	vadd.f32 v1, v0  }
0x9c: {  	v44 =	vld [tilespmem:$0xCA10]  }
0x9d: {  	v45 =	vld [tilespmem:$0xCA90];
	[tilespmem:$0xCE00] =	vst v0  }
0x9e: {  	v0 =	vld.idx.msk [tilespmem:v40+s2+$0x0], $0xffff  }
0x9f: {  	v3 =	vld.idx.msk [tilespmem:v41+s2+$0x0], $0xffff  }
0xa0: {  	v46 =	vld [tilespmem:$0xCB10]  }
0xa1: {  	v2 =	vld.idx.msk [tilespmem:v42+s2+$0x0], $0xffff  }
0xa2: {  	v47 =	vld [tilespmem:$0xCB90]  }
0xa3: {  	v1 =	vld.idx.msk [tilespmem:v43+s2+$0x0], $0xffff  }
0xa4: {  	v0 =	vmul.f32 v44, v0;
	v3 =	vmul.f32 v45, v3  }
0xa5: {  	v48 =	vld [tilespmem:$0xC620]  }
0xa6: {  	v49 =	vld [tilespmem:$0xC6A0];
	v2 =	vmul.f32 v46, v2;
	v0 =	vadd.f32 v3, v0;
	_ =	sdelay $0x1  }
0xa7: {  	v50 =	vld [tilespmem:$0xC720];
	v1 =	vmul.f32 v47, v1;
	v0 =	vadd.f32 v2, v0;
	_ =	sdelay $0x1  }
0xa8: {  	v51 =	vld [tilespmem:$0xC7A0];
	v0 =	vadd.f32 v1, v0  }
0xa9: {  	v52 =	vld [tilespmem:$0xCA20]  }
0xaa: {  	v53 =	vld [tilespmem:$0xCAA0];
	[tilespmem:$0xCE10] =	vst v0  }
0xab: {  	v0 =	vld.idx.msk [tilespmem:v48+s2+$0x0], $0xffff  }
0xac: {  	v3 =	vld.idx.msk [tilespmem:v49+s2+$0x0], $0xffff  }
0xad: {  	v54 =	vld [tilespmem:$0xCB20]  }
0xae: {  	v2 =	vld.idx.msk [tilespmem:v50+s2+$0x0], $0xffff  }
0xaf: {  	v55 =	vld [tilespmem:$0xCBA0]  }
0xb0: {  	v1 =	vld.idx.msk [tilespmem:v51+s2+$0x0], $0xffff  }
0xb1: {  	v0 =	vmul.f32 v52, v0;
	v3 =	vmul.f32 v53, v3  }
0xb2: {  	v56 =	vld [tilespmem:$0xC630]  }
0xb3: {  	v57 =	vld [tilespmem:$0xC6B0];
	v2 =	vmul.f32 v54, v2;
	v0 =	vadd.f32 v3, v0;
	_ =	sdelay $0x1  }
0xb4: {  	v58 =	vld [tilespmem:$0xC730];
	v1 =	vmul.f32 v55, v1;
	v0 =	vadd.f32 v2, v0;
	_ =	sdelay $0x1  }
0xb5: {  	v59 =	vld [tilespmem:$0xC7B0];
	v0 =	vadd.f32 v1, v0  }
0xb6: {  	v60 =	vld [tilespmem:$0xCA30]  }
0xb7: {  	v61 =	vld [tilespmem:$0xCAB0];
	[tilespmem:$0xCE20] =	vst v0  }
0xb8: {  	v0 =	vld.idx.msk [tilespmem:v56+s2+$0x0], $0xffff  }
0xb9: {  	v3 =	vld.idx.msk [tilespmem:v57+s2+$0x0], $0xffff  }
0xba: {  	v62 =	vld [tilespmem:$0xCB30]  }
0xbb: {  	v2 =	vld.idx.msk [tilespmem:v58+s2+$0x0], $0xffff  }
0xbc: {  	v63 =	vld [tilespmem:$0xCBB0]  }
0xbd: {  	v1 =	vld.idx.msk [tilespmem:v59+s2+$0x0], $0xffff  }
0xbe: {  	v0 =	vmul.f32 v60, v0;
	v3 =	vmul.f32 v61, v3  }
0xbf: {  	v8 =	vld [tilespmem:$0xC640]  }
0xc0: {  	v9 =	vld [tilespmem:$0xC6C0];
	v2 =	vmul.f32 v62, v2;
	v0 =	vadd.f32 v3, v0;
	_ =	sdelay $0x1  }
0xc1: {  	v10 =	vld [tilespmem:$0xC740];
	v1 =	vmul.f32 v63, v1;
	v0 =	vadd.f32 v2, v0;
	_ =	sdelay $0x1  }
0xc2: {  	v11 =	vld [tilespmem:$0xC7C0];
	v0 =	vadd.f32 v1, v0  }
0xc3: {  	v12 =	vld [tilespmem:$0xCA40]  }
0xc4: {  	v13 =	vld [tilespmem:$0xCAC0];
	[tilespmem:$0xCE30] =	vst v0  }
0xc5: {  	v0 =	vld.idx.msk [tilespmem:v8+s2+$0x0], $0xffff  }
0xc6: {  	v3 =	vld.idx.msk [tilespmem:v9+s2+$0x0], $0xffff  }
0xc7: {  	v14 =	vld [tilespmem:$0xCB40]  }
0xc8: {  	v2 =	vld.idx.msk [tilespmem:v10+s2+$0x0], $0xffff  }
0xc9: {  	v15 =	vld [tilespmem:$0xCBC0]  }
0xca: {  	v1 =	vld.idx.msk [tilespmem:v11+s2+$0x0], $0xffff  }
0xcb: {  	v0 =	vmul.f32 v12, v0;
	v3 =	vmul.f32 v13, v3;
	_ =	sdelay $0x1  }
0xcc: {  	v2 =	vmul.f32 v14, v2;
	v0 =	vadd.f32 v3, v0;
	_ =	sdelay $0x1  }
0xcd: {  	v1 =	vmul.f32 v15, v1;
	v0 =	vadd.f32 v2, v0;
	_ =	sdelay $0x1  }
0xce: {  	v0 =	vadd.f32 v1, v0;
	_ =	sdelay $0x1  }
0xcf: {  	[tilespmem:$0xCE40] =	vst v0  }
0xd0: {  	[tilespmem:s2], [sflag:$0x1] =	stream.strided.gather [hbm4b:s6+s13], $0xC400, s14, s13, $0x38;
	[tilespmem:$0xD000] =	vst v63  }
0xd1: {  	_ =	swait.ge [sflag:s11], $0xC400  }
0xd2: {  	[sflag:s11] =	ssyncset.done $0x0  }
0xd3: {  	[sflag:s11] =	ssyncadd.s32 $0xFFFF3C00  }
0xd4: {  	v16 =	vld [tilespmem:$0xC400]  }
0xd5: {  	v17 =	vld [tilespmem:$0xC480];
	_ =	sdelay $0x1  }
0xd6: {  	v18 =	vld [tilespmem:$0xC500];
	_ =	sdelay $0x1  }
0xd7: {  	v19 =	vld [tilespmem:$0xC580]  }
0xd8: {  	v20 =	vld [tilespmem:$0xC800]  }
0xd9: {  	v21 =	vld [tilespmem:$0xC880]  }
0xda: {  	v0 =	vld.idx.msk [tilespmem:v16+s2+$0x0], $0xffff  }
0xdb: {  	v1 =	vld.idx.msk [tilespmem:v17+s2+$0x0], $0xffff  }
0xdc: {  	v22 =	vld [tilespmem:$0xC900]  }
0xdd: {  	v2 =	vld.idx.msk [tilespmem:v18+s2+$0x0], $0xffff  }
0xde: {  	v23 =	vld [tilespmem:$0xC980]  }
0xdf: {  	v3 =	vld.idx.msk [tilespmem:v19+s2+$0x0], $0xffff  }
0xe0: {  	v0 =	vmul.f32 v20, v0;
	v1 =	vmul.f32 v21, v1  }
0xe1: {  	v24 =	vld [tilespmem:$0xC410]  }
0xe2: {  	v26 =	vld [tilespmem:$0xC490];
	v25 =	vmul.f32 v22, v2;
	v0 =	vadd.f32 v1, v0;
	_ =	sdelay $0x1  }
0xe3: {  	v28 =	vld [tilespmem:$0xC510];
	v27 =	vmul.f32 v23, v3;
	v0 =	vadd.f32 v25, v0;
	_ =	sdelay $0x1  }
0xe4: {  	v29 =	vld [tilespmem:$0xC590];
	v0 =	vadd.f32 v27, v0  }
0xe5: {  	v30 =	vld [tilespmem:$0xC810]  }
0xe6: {  	v31 =	vld [tilespmem:$0xC890];
	[tilespmem:$0xCC80] =	vst v0  }
0xe7: {  	v0 =	vld.idx.msk [tilespmem:v24+s2+$0x0], $0xffff  }
0xe8: {  	v2 =	vld.idx.msk [tilespmem:v26+s2+$0x0], $0xffff  }
0xe9: {  	v32 =	vld [tilespmem:$0xC910]  }
0xea: {  	v3 =	vld.idx.msk [tilespmem:v28+s2+$0x0], $0xffff  }
0xeb: {  	v33 =	vld [tilespmem:$0xC990]  }
0xec: {  	v1 =	vld.idx.msk [tilespmem:v29+s2+$0x0], $0xffff  }
0xed: {  	v0 =	vmul.f32 v30, v0;
	v2 =	vmul.f32 v31, v2  }
0xee: {  	v34 =	vld [tilespmem:$0xC420]  }
0xef: {  	v36 =	vld [tilespmem:$0xC4A0];
	v35 =	vmul.f32 v32, v3;
	v0 =	vadd.f32 v2, v0;
	_ =	sdelay $0x1  }
0xf0: {  	v37 =	vld [tilespmem:$0xC520];
	v1 =	vmul.f32 v33, v1;
	v0 =	vadd.f32 v35, v0;
	_ =	sdelay $0x1  }
0xf1: {  	v38 =	vld [tilespmem:$0xC5A0];
	v0 =	vadd.f32 v1, v0  }
0xf2: {  	v39 =	vld [tilespmem:$0xC820]  }
0xf3: {  	v40 =	vld [tilespmem:$0xC8A0];
	[tilespmem:$0xCC90] =	vst v0  }
0xf4: {  	v0 =	vld.idx.msk [tilespmem:v34+s2+$0x0], $0xffff  }
0xf5: {  	v3 =	vld.idx.msk [tilespmem:v36+s2+$0x0], $0xffff  }
0xf6: {  	v41 =	vld [tilespmem:$0xC920]  }
0xf7: {  	v2 =	vld.idx.msk [tilespmem:v37+s2+$0x0], $0xffff  }
0xf8: {  	v42 =	vld [tilespmem:$0xC9A0]  }
0xf9: {  	v1 =	vld.idx.msk [tilespmem:v38+s2+$0x0], $0xffff  }
0xfa: {  	v0 =	vmul.f32 v39, v0;
	v3 =	vmul.f32 v40, v3  }
0xfb: {  	v43 =	vld [tilespmem:$0xC430]  }
0xfc: {  	v44 =	vld [tilespmem:$0xC4B0];
	v2 =	vmul.f32 v41, v2;
	v0 =	vadd.f32 v3, v0;
	_ =	sdelay $0x1  }
0xfd: {  	v45 =	vld [tilespmem:$0xC530];
	v1 =	vmul.f32 v42, v1;
	v0 =	vadd.f32 v2, v0;
	_ =	sdelay $0x1  }
0xfe: {  	v46 =	vld [tilespmem:$0xC5B0];
	v0 =	vadd.f32 v1, v0  }
0xff: {  	v47 =	vld [tilespmem:$0xC830]  }
0x100: {  	v48 =	vld [tilespmem:$0xC8B0];
	[tilespmem:$0xCCA0] =	vst v0  }
0x101: {  	v0 =	vld.idx.msk [tilespmem:v43+s2+$0x0], $0xffff  }
0x102: {  	v3 =	vld.idx.msk [tilespmem:v44+s2+$0x0], $0xffff  }
0x103: {  	v49 =	vld [tilespmem:$0xC930]  }
0x104: {  	v2 =	vld.idx.msk [tilespmem:v45+s2+$0x0], $0xffff  }
0x105: {  	v50 =	vld [tilespmem:$0xC9B0]  }
0x106: {  	v1 =	vld.idx.msk [tilespmem:v46+s2+$0x0], $0xffff  }
0x107: {  	v0 =	vmul.f32 v47, v0;
	v3 =	vmul.f32 v48, v3  }
0x108: {  	v51 =	vld [tilespmem:$0xC440]  }
0x109: {  	v52 =	vld [tilespmem:$0xC4C0];
	v2 =	vmul.f32 v49, v2;
	v0 =	vadd.f32 v3, v0;
	_ =	sdelay $0x1  }
0x10a: {  	v53 =	vld [tilespmem:$0xC540];
	v1 =	vmul.f32 v50, v1;
	v0 =	vadd.f32 v2, v0;
	_ =	sdelay $0x1  }
0x10b: {  	v54 =	vld [tilespmem:$0xC5C0];
	v0 =	vadd.f32 v1, v0  }
0x10c: {  	v55 =	vld [tilespmem:$0xC840]  }
0x10d: {  	v56 =	vld [tilespmem:$0xC8C0];
	[tilespmem:$0xCCB0] =	vst v0  }
0x10e: {  	v0 =	vld.idx.msk [tilespmem:v51+s2+$0x0], $0xffff  }
0x10f: {  	v3 =	vld.idx.msk [tilespmem:v52+s2+$0x0], $0xffff  }
0x110: {  	v57 =	vld [tilespmem:$0xC940]  }
0x111: {  	v2 =	vld.idx.msk [tilespmem:v53+s2+$0x0], $0xffff  }
0x112: {  	v58 =	vld [tilespmem:$0xC9C0]  }
0x113: {  	v1 =	vld.idx.msk [tilespmem:v54+s2+$0x0], $0xffff  }
0x114: {  	v0 =	vmul.f32 v55, v0;
	v3 =	vmul.f32 v56, v3  }
0x115: {  	v59 =	vld [tilespmem:$0xC450]  }
0x116: {  	v60 =	vld [tilespmem:$0xC4D0];
	v2 =	vmul.f32 v57, v2;
	v0 =	vadd.f32 v3, v0;
	_ =	sdelay $0x1  }
0x117: {  	v61 =	vld [tilespmem:$0xC550];
	v1 =	vmul.f32 v58, v1;
	v0 =	vadd.f32 v2, v0;
	_ =	sdelay $0x1  }
0x118: {  	v62 =	vld [tilespmem:$0xC5D0];
	v0 =	vadd.f32 v1, v0  }
0x119: {  	v63 =	vld [tilespmem:$0xC850]  }
0x11a: {  	v9 =	vld [tilespmem:$0xC8D0];
	[tilespmem:$0xCCC0] =	vst v0  }
0x11b: {  	v0 =	vld.idx.msk [tilespmem:v59+s2+$0x0], $0xffff  }
0x11c: {  	v3 =	vld.idx.msk [tilespmem:v60+s2+$0x0], $0xffff  }
0x11d: {  	v10 =	vld [tilespmem:$0xC950]  }
0x11e: {  	v2 =	vld.idx.msk [tilespmem:v61+s2+$0x0], $0xffff  }
0x11f: {  	v11 =	vld [tilespmem:$0xC9D0]  }
0x120: {  	v1 =	vld.idx.msk [tilespmem:v62+s2+$0x0], $0xffff  }
0x121: {  	v0 =	vmul.f32 v63, v0;
	v3 =	vmul.f32 v9, v3  }
0x122: {  	v12 =	vld [tilespmem:$0xC460]  }
0x123: {  	v13 =	vld [tilespmem:$0xC4E0];
	v2 =	vmul.f32 v10, v2;
	v0 =	vadd.f32 v3, v0;
	_ =	sdelay $0x1  }
0x124: {  	v14 =	vld [tilespmem:$0xC560];
	v1 =	vmul.f32 v11, v1;
	v0 =	vadd.f32 v2, v0;
	_ =	sdelay $0x1  }
0x125: {  	v15 =	vld [tilespmem:$0xC5E0];
	v0 =	vadd.f32 v1, v0  }
0x126: {  	v16 =	vld [tilespmem:$0xC860]  }
0x127: {  	v17 =	vld [tilespmem:$0xC8E0];
	[tilespmem:$0xCCD0] =	vst v0  }
0x128: {  	v0 =	vld.idx.msk [tilespmem:v12+s2+$0x0], $0xffff  }
0x129: {  	v3 =	vld.idx.msk [tilespmem:v13+s2+$0x0], $0xffff  }
0x12a: {  	v18 =	vld [tilespmem:$0xC960]  }
0x12b: {  	v2 =	vld.idx.msk [tilespmem:v14+s2+$0x0], $0xffff  }
0x12c: {  	v19 =	vld [tilespmem:$0xC9E0]  }
0x12d: {  	v1 =	vld.idx.msk [tilespmem:v15+s2+$0x0], $0xffff  }
0x12e: {  	v0 =	vmul.f32 v16, v0;
	v3 =	vmul.f32 v17, v3  }
0x12f: {  	v20 =	vld [tilespmem:$0xC470]  }
0x130: {  	v21 =	vld [tilespmem:$0xC4F0];
	v2 =	vmul.f32 v18, v2;
	v0 =	vadd.f32 v3, v0;
	_ =	sdelay $0x1  }
0x131: {  	v22 =	vld [tilespmem:$0xC570];
	v1 =	vmul.f32 v19, v1;
	v0 =	vadd.f32 v2, v0;
	_ =	sdelay $0x1  }
0x132: {  	v23 =	vld [tilespmem:$0xC5F0];
	v0 =	vadd.f32 v1, v0  }
0x133: {  	v25 =	vld [tilespmem:$0xC8F0]  }
0x134: {  	v24 =	vld [tilespmem:$0xC870];
	[tilespmem:$0xCCE0] =	vst v0  }
0x135: {  	v0 =	vld.idx.msk [tilespmem:v20+s2+$0x0], $0xffff  }
0x136: {  	v3 =	vld.idx.msk [tilespmem:v21+s2+$0x0], $0xffff  }
0x137: {  	v26 =	vld [tilespmem:$0xC970]  }
0x138: {  	v2 =	vld.idx.msk [tilespmem:v22+s2+$0x0], $0xffff  }
0x139: {  	v27 =	vld [tilespmem:$0xC9F0]  }
0x13a: {  	v1 =	vld.idx.msk [tilespmem:v23+s2+$0x0], $0xffff  }
0x13b: {  	v0 =	vmul.f32 v24, v0;
	v3 =	vmul.f32 v25, v3  }
0x13c: {  	v28 =	vld [tilespmem:$0xC600]  }
0x13d: {  	v29 =	vld [tilespmem:$0xC680];
	v2 =	vmul.f32 v26, v2;
	v0 =	vadd.f32 v3, v0;
	_ =	sdelay $0x1  }
0x13e: {  	v30 =	vld [tilespmem:$0xC700];
	v1 =	vmul.f32 v27, v1;
	v0 =	vadd.f32 v2, v0;
	_ =	sdelay $0x1  }
0x13f: {  	v31 =	vld [tilespmem:$0xC780];
	v0 =	vadd.f32 v1, v0  }
0x140: {  	v32 =	vld [tilespmem:$0xCA00]  }
0x141: {  	v33 =	vld [tilespmem:$0xCA80];
	[tilespmem:$0xCCF0] =	vst v0  }
0x142: {  	v0 =	vld.idx.msk [tilespmem:v28+s2+$0x0], $0xffff  }
0x143: {  	v3 =	vld.idx.msk [tilespmem:v29+s2+$0x0], $0xffff  }
0x144: {  	v34 =	vld [tilespmem:$0xCB00]  }
0x145: {  	v2 =	vld.idx.msk [tilespmem:v30+s2+$0x0], $0xffff  }
0x146: {  	v35 =	vld [tilespmem:$0xCB80]  }
0x147: {  	v1 =	vld.idx.msk [tilespmem:v31+s2+$0x0], $0xffff  }
0x148: {  	v0 =	vmul.f32 v32, v0;
	v3 =	vmul.f32 v33, v3  }
0x149: {  	v36 =	vld [tilespmem:$0xC610]  }
0x14a: {  	v37 =	vld [tilespmem:$0xC690];
	v2 =	vmul.f32 v34, v2;
	v0 =	vadd.f32 v3, v0;
	_ =	sdelay $0x1  }
0x14b: {  	v38 =	vld [tilespmem:$0xC710];
	v1 =	vmul.f32 v35, v1;
	v0 =	vadd.f32 v2, v0;
	_ =	sdelay $0x1  }
0x14c: {  	v39 =	vld [tilespmem:$0xC790];
	v0 =	vadd.f32 v1, v0  }
0x14d: {  	v40 =	vld [tilespmem:$0xCA10]  }
0x14e: {  	v41 =	vld [tilespmem:$0xCA90];
	[tilespmem:$0xCE80] =	vst v0  }
0x14f: {  	v0 =	vld.idx.msk [tilespmem:v36+s2+$0x0], $0xffff  }
0x150: {  	v3 =	vld.idx.msk [tilespmem:v37+s2+$0x0], $0xffff  }
0x151: {  	v42 =	vld [tilespmem:$0xCB10]  }
0x152: {  	v2 =	vld.idx.msk [tilespmem:v38+s2+$0x0], $0xffff  }
0x153: {  	v43 =	vld [tilespmem:$0xCB90]  }
0x154: {  	v1 =	vld.idx.msk [tilespmem:v39+s2+$0x0], $0xffff  }
0x155: {  	v0 =	vmul.f32 v40, v0;
	v3 =	vmul.f32 v41, v3  }
0x156: {  	v44 =	vld [tilespmem:$0xC620]  }
0x157: {  	v45 =	vld [tilespmem:$0xC6A0];
	v2 =	vmul.f32 v42, v2;
	v0 =	vadd.f32 v3, v0;
	_ =	sdelay $0x1  }
0x158: {  	v46 =	vld [tilespmem:$0xC720];
	v1 =	vmul.f32 v43, v1;
	v0 =	vadd.f32 v2, v0;
	_ =	sdelay $0x1  }
0x159: {  	v47 =	vld [tilespmem:$0xC7A0];
	v0 =	vadd.f32 v1, v0  }
0x15a: {  	v48 =	vld [tilespmem:$0xCA20]  }
0x15b: {  	v49 =	vld [tilespmem:$0xCAA0];
	[tilespmem:$0xCE90] =	vst v0  }
0x15c: {  	v0 =	vld.idx.msk [tilespmem:v44+s2+$0x0], $0xffff  }
0x15d: {  	v3 =	vld.idx.msk [tilespmem:v45+s2+$0x0], $0xffff  }
0x15e: {  	v50 =	vld [tilespmem:$0xCB20]  }
0x15f: {  	v2 =	vld.idx.msk [tilespmem:v46+s2+$0x0], $0xffff  }
0x160: {  	v51 =	vld [tilespmem:$0xCBA0]  }
0x161: {  	v1 =	vld.idx.msk [tilespmem:v47+s2+$0x0], $0xffff  }
0x162: {  	v0 =	vmul.f32 v48, v0;
	v3 =	vmul.f32 v49, v3  }
0x163: {  	v52 =	vld [tilespmem:$0xC630]  }
0x164: {  	v53 =	vld [tilespmem:$0xC6B0];
	v2 =	vmul.f32 v50, v2;
	v0 =	vadd.f32 v3, v0;
	_ =	sdelay $0x1  }
0x165: {  	v54 =	vld [tilespmem:$0xC730];
	v1 =	vmul.f32 v51, v1;
	v0 =	vadd.f32 v2, v0;
	_ =	sdelay $0x1  }
0x166: {  	v55 =	vld [tilespmem:$0xC7B0];
	v0 =	vadd.f32 v1, v0  }
0x167: {  	v56 =	vld [tilespmem:$0xCA30]  }
0x168: {  	v57 =	vld [tilespmem:$0xCAB0];
	[tilespmem:$0xCEA0] =	vst v0  }
0x169: {  	v0 =	vld.idx.msk [tilespmem:v52+s2+$0x0], $0xffff  }
0x16a: {  	v3 =	vld.idx.msk [tilespmem:v53+s2+$0x0], $0xffff  }
0x16b: {  	v58 =	vld [tilespmem:$0xCB30]  }
0x16c: {  	v2 =	vld.idx.msk [tilespmem:v54+s2+$0x0], $0xffff  }
0x16d: {  	v59 =	vld [tilespmem:$0xCBB0]  }
0x16e: {  	v1 =	vld.idx.msk [tilespmem:v55+s2+$0x0], $0xffff  }
0x16f: {  	v0 =	vmul.f32 v56, v0;
	v3 =	vmul.f32 v57, v3  }
0x170: {  	v60 =	vld [tilespmem:$0xC640]  }
0x171: {  	v61 =	vld [tilespmem:$0xC6C0];
	v2 =	vmul.f32 v58, v2;
	v0 =	vadd.f32 v3, v0;
	_ =	sdelay $0x1  }
0x172: {  	v62 =	vld [tilespmem:$0xC740];
	v1 =	vmul.f32 v59, v1;
	v0 =	vadd.f32 v2, v0;
	_ =	sdelay $0x1  }
0x173: {  	v63 =	vld [tilespmem:$0xC7C0];
	v0 =	vadd.f32 v1, v0  }
0x174: {  	v9 =	vld [tilespmem:$0xCA40]  }
0x175: {  	v10 =	vld [tilespmem:$0xCAC0];
	[tilespmem:$0xCEB0] =	vst v0  }
0x176: {  	v0 =	vld.idx.msk [tilespmem:v60+s2+$0x0], $0xffff  }
0x177: {  	v3 =	vld.idx.msk [tilespmem:v61+s2+$0x0], $0xffff  }
0x178: {  	v11 =	vld [tilespmem:$0xCB40]  }
0x179: {  	v2 =	vld.idx.msk [tilespmem:v62+s2+$0x0], $0xffff  }
0x17a: {  	v12 =	vld [tilespmem:$0xCBC0]  }
0x17b: {  	v1 =	vld.idx.msk [tilespmem:v63+s2+$0x0], $0xffff  }
0x17c: {  	v0 =	vmul.f32 v9, v0;
	v3 =	vmul.f32 v10, v3;
	_ =	sdelay $0x1  }
0x17d: {  	v2 =	vmul.f32 v11, v2;
	v0 =	vadd.f32 v3, v0;
	_ =	sdelay $0x1  }
0x17e: {  	v1 =	vmul.f32 v12, v1;
	v0 =	vadd.f32 v2, v0;
	_ =	sdelay $0x1  }
0x17f: {  	v0 =	vadd.f32 v1, v0;
	_ =	sdelay $0x1  }
0x180: {  	[tilespmem:$0xCEC0] =	vst v0  }
0x181: {  	[tilespmem:s2], [sflag:$0x1] =	stream.strided.gather [hbm4b:s7+s13], $0xC400, s14, s13, $0x38;
	[tilespmem:$0xD000] =	vst v63  }
0x182: {  	_ =	swait.ge [sflag:s11], $0xC400  }
0x183: {  	[sflag:s11] =	ssyncset.done $0x0  }
0x184: {  	[sflag:s11] =	ssyncadd.s32 $0xFFFF3C00  }
0x185: {  	v13 =	vld [tilespmem:$0xC400]  }
0x186: {  	v14 =	vld [tilespmem:$0xC480];
	_ =	sdelay $0x1  }
0x187: {  	v15 =	vld [tilespmem:$0xC500];
	_ =	sdelay $0x1  }
0x188: {  	v16 =	vld [tilespmem:$0xC580]  }
0x189: {  	v17 =	vld [tilespmem:$0xC800]  }
0x18a: {  	v18 =	vld [tilespmem:$0xC880]  }
0x18b: {  	v0 =	vld.idx.msk [tilespmem:v13+s2+$0x0], $0xffff  }
0x18c: {  	v1 =	vld.idx.msk [tilespmem:v14+s2+$0x0], $0xffff  }
0x18d: {  	v19 =	vld [tilespmem:$0xC900]  }
0x18e: {  	v2 =	vld.idx.msk [tilespmem:v15+s2+$0x0], $0xffff  }
0x18f: {  	v20 =	vld [tilespmem:$0xC980]  }
0x190: {  	v3 =	vld.idx.msk [tilespmem:v16+s2+$0x0], $0xffff  }
0x191: {  	v0 =	vmul.f32 v17, v0;
	v1 =	vmul.f32 v18, v1  }
0x192: {  	v21 =	vld [tilespmem:$0xC410]  }
0x193: {  	v23 =	vld [tilespmem:$0xC490];
	v22 =	vmul.f32 v19, v2;
	v0 =	vadd.f32 v1, v0;
	_ =	sdelay $0x1  }
0x194: {  	v25 =	vld [tilespmem:$0xC510];
	v24 =	vmul.f32 v20, v3;
	v0 =	vadd.f32 v22, v0;
	_ =	sdelay $0x1  }
0x195: {  	v26 =	vld [tilespmem:$0xC590];
	v0 =	vadd.f32 v24, v0  }
0x196: {  	v27 =	vld [tilespmem:$0xC810]  }
0x197: {  	v28 =	vld [tilespmem:$0xC890];
	[tilespmem:$0xCD00] =	vst v0  }
0x198: {  	v0 =	vld.idx.msk [tilespmem:v21+s2+$0x0], $0xffff  }
0x199: {  	v2 =	vld.idx.msk [tilespmem:v23+s2+$0x0], $0xffff  }
0x19a: {  	v29 =	vld [tilespmem:$0xC910]  }
0x19b: {  	v3 =	vld.idx.msk [tilespmem:v25+s2+$0x0], $0xffff  }
0x19c: {  	v30 =	vld [tilespmem:$0xC990]  }
0x19d: {  	v1 =	vld.idx.msk [tilespmem:v26+s2+$0x0], $0xffff  }
0x19e: {  	v0 =	vmul.f32 v27, v0;
	v2 =	vmul.f32 v28, v2  }
0x19f: {  	v31 =	vld [tilespmem:$0xC420]  }
0x1a0: {  	v33 =	vld [tilespmem:$0xC4A0];
	v32 =	vmul.f32 v29, v3;
	v0 =	vadd.f32 v2, v0;
	_ =	sdelay $0x1  }
0x1a1: {  	v34 =	vld [tilespmem:$0xC520];
	v1 =	vmul.f32 v30, v1;
	v0 =	vadd.f32 v32, v0;
	_ =	sdelay $0x1  }
0x1a2: {  	v35 =	vld [tilespmem:$0xC5A0];
	v0 =	vadd.f32 v1, v0  }
0x1a3: {  	v36 =	vld [tilespmem:$0xC820]  }
0x1a4: {  	v37 =	vld [tilespmem:$0xC8A0];
	[tilespmem:$0xCD10] =	vst v0  }
0x1a5: {  	v0 =	vld.idx.msk [tilespmem:v31+s2+$0x0], $0xffff  }
0x1a6: {  	v3 =	vld.idx.msk [tilespmem:v33+s2+$0x0], $0xffff  }
0x1a7: {  	v38 =	vld [tilespmem:$0xC920]  }
0x1a8: {  	v2 =	vld.idx.msk [tilespmem:v34+s2+$0x0], $0xffff  }
0x1a9: {  	v39 =	vld [tilespmem:$0xC9A0]  }
0x1aa: {  	v1 =	vld.idx.msk [tilespmem:v35+s2+$0x0], $0xffff  }
0x1ab: {  	v0 =	vmul.f32 v36, v0;
	v3 =	vmul.f32 v37, v3  }
0x1ac: {  	v40 =	vld [tilespmem:$0xC430]  }
0x1ad: {  	v41 =	vld [tilespmem:$0xC4B0];
	v2 =	vmul.f32 v38, v2;
	v0 =	vadd.f32 v3, v0;
	_ =	sdelay $0x1  }
0x1ae: {  	v42 =	vld [tilespmem:$0xC530];
	v1 =	vmul.f32 v39, v1;
	v0 =	vadd.f32 v2, v0;
	_ =	sdelay $0x1  }
0x1af: {  	v43 =	vld [tilespmem:$0xC5B0];
	v0 =	vadd.f32 v1, v0  }
0x1b0: {  	v44 =	vld [tilespmem:$0xC830]  }
0x1b1: {  	v45 =	vld [tilespmem:$0xC8B0];
	[tilespmem:$0xCD20] =	vst v0  }
0x1b2: {  	v0 =	vld.idx.msk [tilespmem:v40+s2+$0x0], $0xffff  }
0x1b3: {  	v3 =	vld.idx.msk [tilespmem:v41+s2+$0x0], $0xffff  }
0x1b4: {  	v46 =	vld [tilespmem:$0xC930]  }
0x1b5: {  	v2 =	vld.idx.msk [tilespmem:v42+s2+$0x0], $0xffff  }
0x1b6: {  	v47 =	vld [tilespmem:$0xC9B0]  }
0x1b7: {  	v1 =	vld.idx.msk [tilespmem:v43+s2+$0x0], $0xffff  }
0x1b8: {  	v0 =	vmul.f32 v44, v0;
	v3 =	vmul.f32 v45, v3  }
0x1b9: {  	v48 =	vld [tilespmem:$0xC440]  }
0x1ba: {  	v49 =	vld [tilespmem:$0xC4C0];
	v2 =	vmul.f32 v46, v2;
	v0 =	vadd.f32 v3, v0;
	_ =	sdelay $0x1  }
0x1bb: {  	v50 =	vld [tilespmem:$0xC540];
	v1 =	vmul.f32 v47, v1;
	v0 =	vadd.f32 v2, v0;
	_ =	sdelay $0x1  }
0x1bc: {  	v51 =	vld [tilespmem:$0xC5C0];
	v0 =	vadd.f32 v1, v0  }
0x1bd: {  	v52 =	vld [tilespmem:$0xC840]  }
0x1be: {  	v53 =	vld [tilespmem:$0xC8C0];
	[tilespmem:$0xCD30] =	vst v0  }
0x1bf: {  	v0 =	vld.idx.msk [tilespmem:v48+s2+$0x0], $0xffff  }
0x1c0: {  	v3 =	vld.idx.msk [tilespmem:v49+s2+$0x0], $0xffff  }
0x1c1: {  	v54 =	vld [tilespmem:$0xC940]  }
0x1c2: {  	v2 =	vld.idx.msk [tilespmem:v50+s2+$0x0], $0xffff  }
0x1c3: {  	v55 =	vld [tilespmem:$0xC9C0]  }
0x1c4: {  	v1 =	vld.idx.msk [tilespmem:v51+s2+$0x0], $0xffff  }
0x1c5: {  	v0 =	vmul.f32 v52, v0;
	v3 =	vmul.f32 v53, v3  }
0x1c6: {  	v56 =	vld [tilespmem:$0xC450]  }
0x1c7: {  	v57 =	vld [tilespmem:$0xC4D0];
	v2 =	vmul.f32 v54, v2;
	v0 =	vadd.f32 v3, v0;
	_ =	sdelay $0x1  }
0x1c8: {  	v58 =	vld [tilespmem:$0xC550];
	v1 =	vmul.f32 v55, v1;
	v0 =	vadd.f32 v2, v0;
	_ =	sdelay $0x1  }
0x1c9: {  	v59 =	vld [tilespmem:$0xC5D0];
	v0 =	vadd.f32 v1, v0  }
0x1ca: {  	v60 =	vld [tilespmem:$0xC850]  }
0x1cb: {  	v61 =	vld [tilespmem:$0xC8D0];
	[tilespmem:$0xCD40] =	vst v0  }
0x1cc: {  	v0 =	vld.idx.msk [tilespmem:v56+s2+$0x0], $0xffff  }
0x1cd: {  	v3 =	vld.idx.msk [tilespmem:v57+s2+$0x0], $0xffff  }
0x1ce: {  	v62 =	vld [tilespmem:$0xC950]  }
0x1cf: {  	v2 =	vld.idx.msk [tilespmem:v58+s2+$0x0], $0xffff  }
0x1d0: {  	v63 =	vld [tilespmem:$0xC9D0]  }
0x1d1: {  	v1 =	vld.idx.msk [tilespmem:v59+s2+$0x0], $0xffff  }
0x1d2: {  	v0 =	vmul.f32 v60, v0;
	v3 =	vmul.f32 v61, v3  }
0x1d3: {  	v8 =	vld [tilespmem:$0xC460]  }
0x1d4: {  	v9 =	vld [tilespmem:$0xC4E0];
	v2 =	vmul.f32 v62, v2;
	v0 =	vadd.f32 v3, v0;
	_ =	sdelay $0x1  }
0x1d5: {  	v10 =	vld [tilespmem:$0xC560];
	v1 =	vmul.f32 v63, v1;
	v0 =	vadd.f32 v2, v0;
	_ =	sdelay $0x1  }
0x1d6: {  	v11 =	vld [tilespmem:$0xC5E0];
	v0 =	vadd.f32 v1, v0  }
0x1d7: {  	v12 =	vld [tilespmem:$0xC860]  }
0x1d8: {  	v13 =	vld [tilespmem:$0xC8E0];
	[tilespmem:$0xCD50] =	vst v0  }
0x1d9: {  	v0 =	vld.idx.msk [tilespmem:v8+s2+$0x0], $0xffff  }
0x1da: {  	v3 =	vld.idx.msk [tilespmem:v9+s2+$0x0], $0xffff  }
0x1db: {  	v14 =	vld [tilespmem:$0xC960]  }
0x1dc: {  	v2 =	vld.idx.msk [tilespmem:v10+s2+$0x0], $0xffff  }
0x1dd: {  	v15 =	vld [tilespmem:$0xC9E0]  }
0x1de: {  	v1 =	vld.idx.msk [tilespmem:v11+s2+$0x0], $0xffff  }
0x1df: {  	v0 =	vmul.f32 v12, v0;
	v3 =	vmul.f32 v13, v3  }
0x1e0: {  	v16 =	vld [tilespmem:$0xC470]  }
0x1e1: {  	v17 =	vld [tilespmem:$0xC4F0];
	v2 =	vmul.f32 v14, v2;
	v0 =	vadd.f32 v3, v0;
	_ =	sdelay $0x1  }
0x1e2: {  	v18 =	vld [tilespmem:$0xC570];
	v1 =	vmul.f32 v15, v1;
	v0 =	vadd.f32 v2, v0;
	_ =	sdelay $0x1  }
0x1e3: {  	v19 =	vld [tilespmem:$0xC5F0];
	v0 =	vadd.f32 v1, v0  }
0x1e4: {  	v20 =	vld [tilespmem:$0xC870]  }
0x1e5: {  	v21 =	vld [tilespmem:$0xC8F0];
	[tilespmem:$0xCD60] =	vst v0  }
0x1e6: {  	v0 =	vld.idx.msk [tilespmem:v16+s2+$0x0], $0xffff  }
0x1e7: {  	v3 =	vld.idx.msk [tilespmem:v17+s2+$0x0], $0xffff  }
0x1e8: {  	v22 =	vld [tilespmem:$0xC970]  }
0x1e9: {  	v2 =	vld.idx.msk [tilespmem:v18+s2+$0x0], $0xffff  }
0x1ea: {  	v23 =	vld [tilespmem:$0xC9F0]  }
0x1eb: {  	v1 =	vld.idx.msk [tilespmem:v19+s2+$0x0], $0xffff  }
0x1ec: {  	v0 =	vmul.f32 v20, v0;
	v3 =	vmul.f32 v21, v3  }
0x1ed: {  	v24 =	vld [tilespmem:$0xC600]  }
0x1ee: {  	v25 =	vld [tilespmem:$0xC680];
	v2 =	vmul.f32 v22, v2;
	v0 =	vadd.f32 v3, v0;
	_ =	sdelay $0x1  }
0x1ef: {  	v26 =	vld [tilespmem:$0xC700];
	v1 =	vmul.f32 v23, v1;
	v0 =	vadd.f32 v2, v0;
	_ =	sdelay $0x1  }
0x1f0: {  	v27 =	vld [tilespmem:$0xC780];
	v0 =	vadd.f32 v1, v0  }
0x1f1: {  	v28 =	vld [tilespmem:$0xCA00]  }
0x1f2: {  	v29 =	vld [tilespmem:$0xCA80];
	[tilespmem:$0xCD70] =	vst v0  }
0x1f3: {  	v0 =	vld.idx.msk [tilespmem:v24+s2+$0x0], $0xffff  }
0x1f4: {  	v3 =	vld.idx.msk [tilespmem:v25+s2+$0x0], $0xffff  }
0x1f5: {  	v30 =	vld [tilespmem:$0xCB00]  }
0x1f6: {  	v2 =	vld.idx.msk [tilespmem:v26+s2+$0x0], $0xffff  }
0x1f7: {  	v31 =	vld [tilespmem:$0xCB80]  }
0x1f8: {  	v1 =	vld.idx.msk [tilespmem:v27+s2+$0x0], $0xffff  }
0x1f9: {  	v0 =	vmul.f32 v28, v0;
	v3 =	vmul.f32 v29, v3  }
0x1fa: {  	v32 =	vld [tilespmem:$0xC610]  }
0x1fb: {  	v33 =	vld [tilespmem:$0xC690];
	v2 =	vmul.f32 v30, v2;
	v0 =	vadd.f32 v3, v0;
	_ =	sdelay $0x1  }
0x1fc: {  	v34 =	vld [tilespmem:$0xC710];
	v1 =	vmul.f32 v31, v1;
	v0 =	vadd.f32 v2, v0;
	_ =	sdelay $0x1  }
0x1fd: {  	v35 =	vld [tilespmem:$0xC790];
	v0 =	vadd.f32 v1, v0  }
0x1fe: {  	v36 =	vld [tilespmem:$0xCA10]  }
0x1ff: {  	v37 =	vld [tilespmem:$0xCA90];
	[tilespmem:$0xCF00] =	vst v0  }
0x200: {  	v0 =	vld.idx.msk [tilespmem:v32+s2+$0x0], $0xffff  }
0x201: {  	v3 =	vld.idx.msk [tilespmem:v33+s2+$0x0], $0xffff  }
0x202: {  	v38 =	vld [tilespmem:$0xCB10]  }
0x203: {  	v2 =	vld.idx.msk [tilespmem:v34+s2+$0x0], $0xffff  }
0x204: {  	v39 =	vld [tilespmem:$0xCB90]  }
0x205: {  	v1 =	vld.idx.msk [tilespmem:v35+s2+$0x0], $0xffff  }
0x206: {  	v0 =	vmul.f32 v36, v0;
	v3 =	vmul.f32 v37, v3  }
0x207: {  	v40 =	vld [tilespmem:$0xC620]  }
0x208: {  	v41 =	vld [tilespmem:$0xC6A0];
	v2 =	vmul.f32 v38, v2;
	v0 =	vadd.f32 v3, v0;
	_ =	sdelay $0x1  }
0x209: {  	v42 =	vld [tilespmem:$0xC720];
	v1 =	vmul.f32 v39, v1;
	v0 =	vadd.f32 v2, v0;
	_ =	sdelay $0x1  }
0x20a: {  	v43 =	vld [tilespmem:$0xC7A0];
	v0 =	vadd.f32 v1, v0  }
0x20b: {  	v44 =	vld [tilespmem:$0xCA20]  }
0x20c: {  	v45 =	vld [tilespmem:$0xCAA0];
	[tilespmem:$0xCF10] =	vst v0  }
0x20d: {  	v0 =	vld.idx.msk [tilespmem:v40+s2+$0x0], $0xffff  }
0x20e: {  	v3 =	vld.idx.msk [tilespmem:v41+s2+$0x0], $0xffff  }
0x20f: {  	v46 =	vld [tilespmem:$0xCB20]  }
0x210: {  	v2 =	vld.idx.msk [tilespmem:v42+s2+$0x0], $0xffff  }
0x211: {  	v47 =	vld [tilespmem:$0xCBA0]  }
0x212: {  	v1 =	vld.idx.msk [tilespmem:v43+s2+$0x0], $0xffff  }
0x213: {  	v0 =	vmul.f32 v44, v0;
	v3 =	vmul.f32 v45, v3  }
0x214: {  	v48 =	vld [tilespmem:$0xC630]  }
0x215: {  	v49 =	vld [tilespmem:$0xC6B0];
	v2 =	vmul.f32 v46, v2;
	v0 =	vadd.f32 v3, v0;
	_ =	sdelay $0x1  }
0x216: {  	v50 =	vld [tilespmem:$0xC730];
	v1 =	vmul.f32 v47, v1;
	v0 =	vadd.f32 v2, v0;
	_ =	sdelay $0x1  }
0x217: {  	v51 =	vld [tilespmem:$0xC7B0];
	v0 =	vadd.f32 v1, v0  }
0x218: {  	v52 =	vld [tilespmem:$0xCA30]  }
0x219: {  	v53 =	vld [tilespmem:$0xCAB0];
	[tilespmem:$0xCF20] =	vst v0  }
0x21a: {  	v0 =	vld.idx.msk [tilespmem:v48+s2+$0x0], $0xffff  }
0x21b: {  	v3 =	vld.idx.msk [tilespmem:v49+s2+$0x0], $0xffff  }
0x21c: {  	v54 =	vld [tilespmem:$0xCB30]  }
0x21d: {  	v2 =	vld.idx.msk [tilespmem:v50+s2+$0x0], $0xffff  }
0x21e: {  	v55 =	vld [tilespmem:$0xCBB0]  }
0x21f: {  	v1 =	vld.idx.msk [tilespmem:v51+s2+$0x0], $0xffff  }
0x220: {  	v0 =	vmul.f32 v52, v0;
	v3 =	vmul.f32 v53, v3  }
0x221: {  	v56 =	vld [tilespmem:$0xC640]  }
0x222: {  	v57 =	vld [tilespmem:$0xC6C0];
	v2 =	vmul.f32 v54, v2;
	v0 =	vadd.f32 v3, v0;
	_ =	sdelay $0x1  }
0x223: {  	v58 =	vld [tilespmem:$0xC740];
	v1 =	vmul.f32 v55, v1;
	v0 =	vadd.f32 v2, v0;
	_ =	sdelay $0x1  }
0x224: {  	v59 =	vld [tilespmem:$0xC7C0];
	v0 =	vadd.f32 v1, v0  }
0x225: {  	v60 =	vld [tilespmem:$0xCA40]  }
0x226: {  	v61 =	vld [tilespmem:$0xCAC0];
	[tilespmem:$0xCF30] =	vst v0  }
0x227: {  	v0 =	vld.idx.msk [tilespmem:v56+s2+$0x0], $0xffff  }
0x228: {  	v3 =	vld.idx.msk [tilespmem:v57+s2+$0x0], $0xffff  }
0x229: {  	v62 =	vld [tilespmem:$0xCB40]  }
0x22a: {  	v2 =	vld.idx.msk [tilespmem:v58+s2+$0x0], $0xffff  }
0x22b: {  	v63 =	vld [tilespmem:$0xCBC0]  }
0x22c: {  	v1 =	vld.idx.msk [tilespmem:v59+s2+$0x0], $0xffff  }
0x22d: {  	v0 =	vmul.f32 v60, v0;
	v3 =	vmul.f32 v61, v3;
	_ =	sdelay $0x1  }
0x22e: {  	v2 =	vmul.f32 v62, v2;
	v0 =	vadd.f32 v3, v0;
	_ =	sdelay $0x1  }
0x22f: {  	v1 =	vmul.f32 v63, v1;
	v0 =	vadd.f32 v2, v0;
	_ =	sdelay $0x1  }
0x230: {  	v0 =	vadd.f32 v1, v0  }
0x231: {  	p0 =	sne.s32 s9, $0x1  }
.Ltmp0:
0x232: {  	[tilespmem:$0xCF40] =	vst v0;
	(pc) =	sbr.rel @p0 .LBB2_1-.Ltmp0, $4  }
0x233: {  	[hbm4b:s8+s2] =	stream.linear.scatter [tilespmem:s15], [sflag:$0x1], $0x400, $0x38;
	[tilespmem:$0xD000] =	vst v63  }
0x234: {  	_ =	swait.ge [sflag:s11], $0x400  }
0x235: {  	[sflag:s11] =	ssyncset.done $0x0  }
0x236: {  	s9 =	sadd.s32 $0xFFFFFFFF, s9;
	[sflag:s11] =	ssyncadd.s32 $0xFFFFFC00  }
0x237: {  	_ =	sfence.sel $0x180000  }
0x238: {  	[bflag:$0x0] =	sbarrier.arrive $0xFFFF  }
0x239: {  	p0 =	sne.s32 s1, $0x0;
	_ =	strace $0x90000047  }
0x23a: {  	s0 =	sadd.s32 @!p0 $0x100000, s0;
	[bflag:$0x2] =	sbarrier.arrive $0xFFFF  }
0x23b: {  	[sflag:s0] =	ssyncadd.tile.s32 @!p0 $0x1;
	_ =	shalt  }
.Lfunc_end2:
_tile_overlayer_lowered:
.L_overlay_start_2:
0x23c: {  	(tag) =	ssettag $0x2  }
0x23d: {  	s0 =	rddreg [dreg:$0x0];
	s2 =	stileid.u32  }
0x23e: {  	s1 =	rddreg [dreg:$0x1];
	p0 =	sne.s32 s2, $0x0  }
0x23f: {  	s3 =	rddreg [dreg:$0x2];
	[bflag:$0x3] =	sbarrier.arrive $0xFFFF;
	s2 =	simm.s32 @!p0 $0x1C01  }
0x240: {  	[timem:s3], [sflag:s2] =	dma.local @!p0 [hbm:s0], s1  }
0x241: {  	s0 =	simm.s32 @!p0 $0x1  }
0x242: {  	_ =	swait.ge @!p0 [sflag:s0], s1  }
0x243: {  	s1 =	ssub.s32 @!p0 $0x0, s1;
	[sflag:s0] =	ssyncset.done @!p0 $0x0  }
0x244: {  	[sflag:s0] =	ssyncadd.s32 @!p0 s1  }
0x245: {  	[bflag:$0x3] =	sbarrier.arrive $0xFFFF  }
0x246: {  	_ =	shalt  }

</sc_bundles>
